<compile_context>
chip_gen: v7x
topology: tpu7x:2x2x1
jax: 0.10.2.dev20260603
libtpu: 0.0.44.dev20260713+nightly
codegen_flags: <defaults>
</compile_context>

<pallas_src>
import functools

import jax
import jax.numpy as jnp
from jax import lax
from jax.experimental import pallas as pl
from jax.experimental.pallas import tpu as pltpu
from jax.experimental.pallas import tpu_sc as plsc

_B, _H, _W, _D = 64, 32, 32, 768
_NBUF = 4
_LANES = 16
_CHUNKS = _D // _LANES


def _sc_body(x_hbm, ph_hbm, pw_hbm, out_hbm,
             ph_v, pe_v, xb0, xb1, xb2, xb3,
             g0, g1, g2, g3, s0, s1, s2, s3):
    c = lax.axis_index("c")
    s = lax.axis_index("s")
    h = s * 2 + c
    xbs = (xb0, xb1, xb2, xb3)
    gsems = (g0, g1, g2, g3)
    ssems = (s0, s1, s2, s3)

    for k in range(_NBUF):
        pltpu.make_async_copy(x_hbm.at[k, h], xbs[k], gsems[k]).start()

    pltpu.sync_copy(pw_hbm.at[pl.ds(0, _W)], pe_v)
    pltpu.sync_copy(ph_hbm.at[h], ph_v)

    def mk_pe(w, carry):
        for j in range(_CHUNKS):
            sl = pl.ds(j * _LANES, _LANES)
            pe_v[w, sl] = pe_v[w, sl] + ph_v[sl]
        return carry

    lax.fori_loop(0, _W, mk_pe, 0)

    def add_pe(xb):
        def row(w, carry):
            for j in range(_CHUNKS):
                sl = pl.ds(j * _LANES, _LANES)
                xb[w, sl] = xb[w, sl] + pe_v[w, sl]
            return carry

        lax.fori_loop(0, _W, row, 0)

    def outer(i, carry):
        for k in range(_NBUF):
            b = i * _NBUF + k
            kp = (k - 1) % _NBUF
            pltpu.make_async_copy(x_hbm.at[b, h], xbs[k], gsems[k]).wait()
            add_pe(xbs[k])
            pltpu.make_async_copy(xbs[k], out_hbm.at[b, h], ssems[k]).start()

            @pl.when(b > 0)
            def _():
                pltpu.make_async_copy(
                    xbs[kp], out_hbm.at[b - 1, h], ssems[kp]).wait()

            @pl.when((b > 0) & (b + _NBUF - 1 < _B))
            def _():
                pltpu.make_async_copy(
                    x_hbm.at[b + _NBUF - 1, h], xbs[kp], gsems[kp]).start()

        return carry

    lax.fori_loop(0, _B // _NBUF, outer, 0)

    pltpu.make_async_copy(
        xbs[_NBUF - 1], out_hbm.at[_B - 1, h], ssems[_NBUF - 1]).wait()


@functools.partial(
    pl.kernel,
    out_type=jax.ShapeDtypeStruct((_B, _H, _W, _D), jnp.float32),
    mesh=plsc.VectorSubcoreMesh(core_axis_name="c", subcore_axis_name="s"),
    scratch_types=[
        pltpu.VMEM((_D,), jnp.float32),
        pltpu.VMEM((_W, _D), jnp.float32),
        pltpu.VMEM((_W, _D), jnp.float32),
        pltpu.VMEM((_W, _D), jnp.float32),
        pltpu.VMEM((_W, _D), jnp.float32),
        pltpu.VMEM((_W, _D), jnp.float32),
        pltpu.SemaphoreType.DMA,
        pltpu.SemaphoreType.DMA,
        pltpu.SemaphoreType.DMA,
        pltpu.SemaphoreType.DMA,
        pltpu.SemaphoreType.DMA,
        pltpu.SemaphoreType.DMA,
        pltpu.SemaphoreType.DMA,
        pltpu.SemaphoreType.DMA,
    ],
)
def _sc_kernel(x, pos_height, pos_width, out,
               ph_v, pe_v, xb0, xb1, xb2, xb3,
               g0, g1, g2, g3, s0, s1, s2, s3):
    _sc_body(x, pos_height, pos_width, out,
             ph_v, pe_v, xb0, xb1, xb2, xb3,
             g0, g1, g2, g3, s0, s1, s2, s3)


def kernel(x, pos_height, pos_width):
    return _sc_kernel(x, pos_height, pos_width)

# --- scband reference (transcript-rebuilt; emitter-appended) ---
"""Pipeline reference for scband-positional-encoding2-d-17867063952088 (READ-ONLY COPY).

The authoritative reference and input builder live on the scoring server;
editing this copy changes nothing except your own understanding.
"""

import jax, jax.numpy as jnp
import numpy as np

D_MODEL = 768
HEIGHT = 128
WIDTH = 128

def setup_inputs(seed: int = 0) -> dict:
    key = jax.random.key(seed)
    k1, k2, k3 = jax.random.split(key, 3)
    x = jax.random.normal(k1, (64, 32, 32, D_MODEL), dtype=jnp.float32)
    pos_height = jax.random.normal(k2, (HEIGHT, D_MODEL), dtype=jnp.float32)
    pos_width = jax.random.normal(k3, (WIDTH, D_MODEL), dtype=jnp.float32)
    return {"x": x, "pos_height": pos_height, "pos_width": pos_width}

def reference(x, pos_height, pos_width):
    B, H, W, D = x.shape
    h_pos = jnp.tile(jnp.arange(H)[:, None], (1, W))  # [H, W]
    w_pos = jnp.tile(jnp.arange(W)[None, :], (H, 1))  # [H, W]
    pos_enc = jnp.take(pos_height, h_pos, axis=0) + jnp.take(pos_width, w_pos, axis=0)  # [H, W, D]
    return x + jnp.tile(pos_enc[None, :, :, :], (B, 1, 1, 1))

if __name__ == "__main__":
    import jax
    _d = setup_inputs()
    print(jax.jit(kernel)(*tuple(_d.values())))

</pallas_src>

<mosaic_0001>
#map = affine_map<(d0, d1) -> (0, 0, 0, 0)>
#map1 = affine_map<(d0, d1) -> (0, 0)>
module attributes {stable_mosaic.version = 14 : i64} {
  func.func @_sc_kernel(%arg0: i32, %arg1: i32, %arg2: memref<64x32x32x768xf32, #tpu.memory_space<hbm>>, %arg3: memref<128x768xf32, #tpu.memory_space<hbm>>, %arg4: memref<128x768xf32, #tpu.memory_space<hbm>>, %arg5: memref<64x32x32x768xf32, #tpu.memory_space<hbm>>, %arg6: memref<768xf32, #tpu.memory_space<vmem>>, %arg7: memref<32x768xf32, #tpu.memory_space<vmem>>, %arg8: memref<32x768xf32, #tpu.memory_space<vmem>>, %arg9: memref<32x768xf32, #tpu.memory_space<vmem>>, %arg10: memref<32x768xf32, #tpu.memory_space<vmem>>, %arg11: memref<32x768xf32, #tpu.memory_space<vmem>>, %arg12: memref<!tpu.dma_semaphore, #tpu.memory_space<semaphore_mem>>, %arg13: memref<!tpu.dma_semaphore, #tpu.memory_space<semaphore_mem>>, %arg14: memref<!tpu.dma_semaphore, #tpu.memory_space<semaphore_mem>>, %arg15: memref<!tpu.dma_semaphore, #tpu.memory_space<semaphore_mem>>, %arg16: memref<!tpu.dma_semaphore, #tpu.memory_space<semaphore_mem>>, %arg17: memref<!tpu.dma_semaphore, #tpu.memory_space<semaphore_mem>>, %arg18: memref<!tpu.dma_semaphore, #tpu.memory_space<semaphore_mem>>, %arg19: memref<!tpu.dma_semaphore, #tpu.memory_space<semaphore_mem>>) attributes {dimension_semantics = [#tpu.dimension_semantics<core_parallel>, #tpu.dimension_semantics<subcore_parallel>], iteration_bounds = array<i64: 2, 16>, scalar_prefetch = 0 : i64, scratch_operands = 14 : i64, tpu.core_type = #tpu.core_type<sc_vector_subcore>, window_params = [{transform_indices = #map}, {transform_indices = #map1}, {transform_indices = #map1}, {transform_indices = #map}]} {
    %mul3A = arith.constant 2 : i32
    %mul3A_0 = arith.muli %arg1, %mul3A : i32
    %add3A = arith.addi %mul3A_0, %arg0 : i32
    %dma_start3A = arith.constant 0 : i32
    %dma_start3A_1 = arith.constant 0 : i32
    %dma_start3A_2 = arith.constant 0 : i32
    %dma_start3A_3 = tpu.memref_slice %arg2[%dma_start3A, %add3A, %dma_start3A_1, %dma_start3A_2] : memref<64x32x32x768xf32, #tpu.memory_space<hbm>> -> memref<1x1x32x768xf32, #tpu.memory_space<hbm>>
    %dma_start3A_4 = tpu.memref_squeeze %dma_start3A_3 : memref<1x1x32x768xf32, #tpu.memory_space<hbm>> -> memref<32x768xf32, #tpu.memory_space<hbm>>
    %dma_start3A_5 = arith.constant 0 : i32
    %dma_start3A_6 = arith.constant 0 : i32
    %dma_start3A_7 = tpu.memref_slice %arg2[%dma_start3A, %add3A, %dma_start3A_5, %dma_start3A_6] : memref<64x32x32x768xf32, #tpu.memory_space<hbm>> -> memref<1x1x32x768xf32, #tpu.memory_space<hbm>>
    %dma_start3A_8 = tpu.memref_squeeze %dma_start3A_7 : memref<1x1x32x768xf32, #tpu.memory_space<hbm>> -> memref<32x768xf32, #tpu.memory_space<hbm>>
    tpu.enqueue_dma source(%dma_start3A_8 : memref<32x768xf32, #tpu.memory_space<hbm>>) target(%arg8 : memref<32x768xf32, #tpu.memory_space<vmem>>) target_semaphore(%arg12 : memref<!tpu.dma_semaphore, #tpu.memory_space<semaphore_mem>>)
    %dma_start3A_9 = arith.constant 1 : i32
    %dma_start3A_10 = arith.constant 0 : i32
    %dma_start3A_11 = arith.constant 0 : i32
    %dma_start3A_12 = tpu.memref_slice %arg2[%dma_start3A_9, %add3A, %dma_start3A_10, %dma_start3A_11] : memref<64x32x32x768xf32, #tpu.memory_space<hbm>> -> memref<1x1x32x768xf32, #tpu.memory_space<hbm>>
    %dma_start3A_13 = tpu.memref_squeeze %dma_start3A_12 : memref<1x1x32x768xf32, #tpu.memory_space<hbm>> -> memref<32x768xf32, #tpu.memory_space<hbm>>
    %dma_start3A_14 = arith.constant 0 : i32
    %dma_start3A_15 = arith.constant 0 : i32
    %dma_start3A_16 = tpu.memref_slice %arg2[%dma_start3A_9, %add3A, %dma_start3A_14, %dma_start3A_15] : memref<64x32x32x768xf32, #tpu.memory_space<hbm>> -> memref<1x1x32x768xf32, #tpu.memory_space<hbm>>
    %dma_start3A_17 = tpu.memref_squeeze %dma_start3A_16 : memref<1x1x32x768xf32, #tpu.memory_space<hbm>> -> memref<32x768xf32, #tpu.memory_space<hbm>>
    tpu.enqueue_dma source(%dma_start3A_17 : memref<32x768xf32, #tpu.memory_space<hbm>>) target(%arg9 : memref<32x768xf32, #tpu.memory_space<vmem>>) target_semaphore(%arg13 : memref<!tpu.dma_semaphore, #tpu.memory_space<semaphore_mem>>)
    %dma_start3A_18 = arith.constant 2 : i32
    %dma_start3A_19 = arith.constant 0 : i32
    %dma_start3A_20 = arith.constant 0 : i32
    %dma_start3A_21 = tpu.memref_slice %arg2[%dma_start3A_18, %add3A, %dma_start3A_19, %dma_start3A_20] : memref<64x32x32x768xf32, #tpu.memory_space<hbm>> -> memref<1x1x32x768xf32, #tpu.memory_space<hbm>>
    %dma_start3A_22 = tpu.memref_squeeze %dma_start3A_21 : memref<1x1x32x768xf32, #tpu.memory_space<hbm>> -> memref<32x768xf32, #tpu.memory_space<hbm>>
    %dma_start3A_23 = arith.constant 0 : i32
    %dma_start3A_24 = arith.constant 0 : i32
    %dma_start3A_25 = tpu.memref_slice %arg2[%dma_start3A_18, %add3A, %dma_start3A_23, %dma_start3A_24] : memref<64x32x32x768xf32, #tpu.memory_space<hbm>> -> memref<1x1x32x768xf32, #tpu.memory_space<hbm>>
    %dma_start3A_26 = tpu.memref_squeeze %dma_start3A_25 : memref<1x1x32x768xf32, #tpu.memory_space<hbm>> -> memref<32x768xf32, #tpu.memory_space<hbm>>
    tpu.enqueue_dma source(%dma_start3A_26 : memref<32x768xf32, #tpu.memory_space<hbm>>) target(%arg10 : memref<32x768xf32, #tpu.memory_space<vmem>>) target_semaphore(%arg14 : memref<!tpu.dma_semaphore, #tpu.memory_space<semaphore_mem>>)
    %dma_start3A_27 = arith.constant 3 : i32
    %dma_start3A_28 = arith.constant 0 : i32
    %dma_start3A_29 = arith.constant 0 : i32
    %dma_start3A_30 = tpu.memref_slice %arg2[%dma_start3A_27, %add3A, %dma_start3A_28, %dma_start3A_29] : memref<64x32x32x768xf32, #tpu.memory_space<hbm>> -> memref<1x1x32x768xf32, #tpu.memory_space<hbm>>
    %dma_start3A_31 = tpu.memref_squeeze %dma_start3A_30 : memref<1x1x32x768xf32, #tpu.memory_space<hbm>> -> memref<32x768xf32, #tpu.memory_space<hbm>>
    %dma_start3A_32 = arith.constant 0 : i32
    %dma_start3A_33 = arith.constant 0 : i32
    %dma_start3A_34 = tpu.memref_slice %arg2[%dma_start3A_27, %add3A, %dma_start3A_32, %dma_start3A_33] : memref<64x32x32x768xf32, #tpu.memory_space<hbm>> -> memref<1x1x32x768xf32, #tpu.memory_space<hbm>>
    %dma_start3A_35 = tpu.memref_squeeze %dma_start3A_34 : memref<1x1x32x768xf32, #tpu.memory_space<hbm>> -> memref<32x768xf32, #tpu.memory_space<hbm>>
    tpu.enqueue_dma source(%dma_start3A_35 : memref<32x768xf32, #tpu.memory_space<hbm>>) target(%arg11 : memref<32x768xf32, #tpu.memory_space<vmem>>) target_semaphore(%arg15 : memref<!tpu.dma_semaphore, #tpu.memory_space<semaphore_mem>>)
    "tpu.region"() ({
      %run_scoped3A = tpu.sem_alloc : memref<!tpu.dma_semaphore, #tpu.memory_space<semaphore_mem>>
      %dma_start3A_55 = arith.constant 0 : i32
      %dma_start3A_56 = arith.constant 0 : i32
      %dma_start3A_57 = tpu.memref_slice %arg4[%dma_start3A_55, %dma_start3A_56] : memref<128x768xf32, #tpu.memory_space<hbm>> -> memref<32x768xf32, #tpu.memory_space<hbm>>
      %dma_start3A_58 = arith.constant 0 : i32
      %dma_start3A_59 = arith.constant 0 : i32
      %dma_start3A_60 = tpu.memref_slice %arg4[%dma_start3A_58, %dma_start3A_59] : memref<128x768xf32, #tpu.memory_space<hbm>> -> memref<32x768xf32, #tpu.memory_space<hbm>>
      tpu.enqueue_dma source(%dma_start3A_60 : memref<32x768xf32, #tpu.memory_space<hbm>>) target(%arg7 : memref<32x768xf32, #tpu.memory_space<vmem>>) target_semaphore(%run_scoped3A : memref<!tpu.dma_semaphore, #tpu.memory_space<semaphore_mem>>)
      %dma_wait3A_61 = arith.constant 0 : i32
      %dma_wait3A_62 = arith.constant 0 : i32
      %dma_wait3A_63 = tpu.memref_slice %arg4[%dma_wait3A_61, %dma_wait3A_62] : memref<128x768xf32, #tpu.memory_space<hbm>> -> memref<32x768xf32, #tpu.memory_space<hbm>>
      %dma_wait3A_64 = arith.constant 0 : i32
      %dma_wait3A_65 = arith.constant 0 : i32
      %dma_wait3A_66 = tpu.memref_slice %arg4[%dma_wait3A_64, %dma_wait3A_65] : memref<128x768xf32, #tpu.memory_space<hbm>> -> memref<32x768xf32, #tpu.memory_space<hbm>>
      tpu.wait_dma2 semaphore(%run_scoped3A : memref<!tpu.dma_semaphore, #tpu.memory_space<semaphore_mem>>) src(%dma_wait3A_66 : memref<32x768xf32, #tpu.memory_space<hbm>>) dst(%arg7 : memref<32x768xf32, #tpu.memory_space<vmem>>)
      tpu.yield
    }) : () -> ()
    "tpu.region"() ({
      %run_scoped3A = tpu.sem_alloc : memref<!tpu.dma_semaphore, #tpu.memory_space<semaphore_mem>>
      %dma_start3A_55 = arith.constant 0 : i32
      %dma_start3A_56 = tpu.memref_slice %arg3[%add3A, %dma_start3A_55] : memref<128x768xf32, #tpu.memory_space<hbm>> -> memref<1x768xf32, #tpu.memory_space<hbm>>
      %dma_start3A_57 = tpu.memref_squeeze %dma_start3A_56 : memref<1x768xf32, #tpu.memory_space<hbm>> -> memref<768xf32, #tpu.memory_space<hbm>>
      %dma_start3A_58 = arith.constant 0 : i32
      %dma_start3A_59 = tpu.memref_slice %arg3[%add3A, %dma_start3A_58] : memref<128x768xf32, #tpu.memory_space<hbm>> -> memref<1x768xf32, #tpu.memory_space<hbm>>
      %dma_start3A_60 = tpu.memref_squeeze %dma_start3A_59 : memref<1x768xf32, #tpu.memory_space<hbm>> -> memref<768xf32, #tpu.memory_space<hbm>>
      tpu.enqueue_dma source(%dma_start3A_60 : memref<768xf32, #tpu.memory_space<hbm>>) target(%arg6 : memref<768xf32, #tpu.memory_space<vmem>>) target_semaphore(%run_scoped3A : memref<!tpu.dma_semaphore, #tpu.memory_space<semaphore_mem>>)
      %dma_wait3A_61 = arith.constant 0 : i32
      %dma_wait3A_62 = tpu.memref_slice %arg3[%add3A, %dma_wait3A_61] : memref<128x768xf32, #tpu.memory_space<hbm>> -> memref<1x768xf32, #tpu.memory_space<hbm>>
      %dma_wait3A_63 = tpu.memref_squeeze %dma_wait3A_62 : memref<1x768xf32, #tpu.memory_space<hbm>> -> memref<768xf32, #tpu.memory_space<hbm>>
      %dma_wait3A_64 = arith.constant 0 : i32
      %dma_wait3A_65 = tpu.memref_slice %arg3[%add3A, %dma_wait3A_64] : memref<128x768xf32, #tpu.memory_space<hbm>> -> memref<1x768xf32, #tpu.memory_space<hbm>>
      %dma_wait3A_66 = tpu.memref_squeeze %dma_wait3A_65 : memref<1x768xf32, #tpu.memory_space<hbm>> -> memref<768xf32, #tpu.memory_space<hbm>>
      tpu.wait_dma2 semaphore(%run_scoped3A : memref<!tpu.dma_semaphore, #tpu.memory_space<semaphore_mem>>) src(%dma_wait3A_66 : memref<768xf32, #tpu.memory_space<hbm>>) dst(%arg6 : memref<768xf32, #tpu.memory_space<vmem>>)
      tpu.yield
    }) : () -> ()
    %scan3A = arith.constant 0 : i32
    %scan3A_36 = arith.constant 0 : i32
    %scan3A_37 = arith.constant 32 : i32
    %scan3A_38 = arith.addi %scan3A_36, %scan3A_37 : i32
    %scan3A_39 = arith.constant 1 : i32
    scf.for %scan3A_55 = %scan3A_36 to %scan3A_38 step %scan3A_39  : i32 {
      %get3A = arith.index_cast %scan3A_55 : i32 to index
      %get3A_56 = arith.constant 0 : index
      %get3A_57 = tpu.vector_load %arg7[%get3A, %get3A_56] {strides = array<i32>} : memref<32x768xf32, #tpu.memory_space<vmem>>, vector<1x16xf32>,
      %get3A_58 = vector.shape_cast %get3A_57 : vector<1x16xf32> to vector<16xf32>
      %get3A_59 = arith.constant 0 : index
      %get3A_60 = tpu.vector_load %arg6[%get3A_59] {strides = array<i32>} : memref<768xf32, #tpu.memory_space<vmem>>, vector<16xf32>,
      %get3A_61 = vector.shape_cast %get3A_60 : vector<16xf32> to vector<16xf32>
      %add3A_62 = arith.addf %get3A_58, %get3A_61 : vector<16xf32>
      %swap3A = arith.index_cast %scan3A_55 : i32 to index
      %swap3A_63 = arith.constant 0 : index
      %swap3A_64 = tpu.vector_load %arg7[%swap3A, %swap3A_63] {strides = array<i32>} : memref<32x768xf32, #tpu.memory_space<vmem>>, vector<1x16xf32>,
      %swap3A_65 = vector.shape_cast %swap3A_64 : vector<1x16xf32> to vector<16xf32>
      %swap3A_66 = vector.shape_cast %add3A_62 : vector<16xf32> to vector<1x16xf32>
      tpu.vector_store %arg7[%swap3A, %swap3A_63], %swap3A_66 {strides = array<i32>} : memref<32x768xf32, #tpu.memory_space<vmem>>, vector<1x16xf32>,
      %get3A_67 = arith.index_cast %scan3A_55 : i32 to index
      %get3A_68 = arith.constant 16 : index
      %get3A_69 = tpu.vector_load %arg7[%get3A_67, %get3A_68] {strides = array<i32>} : memref<32x768xf32, #tpu.memory_space<vmem>>, vector<1x16xf32>,
      %get3A_70 = vector.shape_cast %get3A_69 : vector<1x16xf32> to vector<16xf32>
      %get3A_71 = arith.constant 16 : index
      %get3A_72 = tpu.vector_load %arg6[%get3A_71] {strides = array<i32>} : memref<768xf32, #tpu.memory_space<vmem>>, vector<16xf32>,
      %get3A_73 = vector.shape_cast %get3A_72 : vector<16xf32> to vector<16xf32>
      %add3A_74 = arith.addf %get3A_70, %get3A_73 : vector<16xf32>
      %swap3A_75 = arith.index_cast %scan3A_55 : i32 to index
      %swap3A_76 = arith.constant 16 : index
      %swap3A_77 = tpu.vector_load %arg7[%swap3A_75, %swap3A_76] {strides = array<i32>} : memref<32x768xf32, #tpu.memory_space<vmem>>, vector<1x16xf32>,
      %swap3A_78 = vector.shape_cast %swap3A_77 : vector<1x16xf32> to vector<16xf32>
      %swap3A_79 = vector.shape_cast %add3A_74 : vector<16xf32> to vector<1x16xf32>
      tpu.vector_store %arg7[%swap3A_75, %swap3A_76], %swap3A_79 {strides = array<i32>} : memref<32x768xf32, #tpu.memory_space<vmem>>, vector<1x16xf32>,
      %get3A_80 = arith.index_cast %scan3A_55 : i32 to index
      %get3A_81 = arith.constant 32 : index
      %get3A_82 = tpu.vector_load %arg7[%get3A_80, %get3A_81] {strides = array<i32>} : memref<32x768xf32, #tpu.memory_space<vmem>>, vector<1x16xf32>,
      %get3A_83 = vector.shape_cast %get3A_82 : vector<1x16xf32> to vector<16xf32>
      %get3A_84 = arith.constant 32 : index
      %get3A_85 = tpu.vector_load %arg6[%get3A_84] {strides = array<i32>} : memref<768xf32, #tpu.memory_space<vmem>>, vector<16xf32>,
      %get3A_86 = vector.shape_cast %get3A_85 : vector<16xf32> to vector<16xf32>
      %add3A_87 = arith.addf %get3A_83, %get3A_86 : vector<16xf32>
      %swap3A_88 = arith.index_cast %scan3A_55 : i32 to index
      %swap3A_89 = arith.constant 32 : index
      %swap3A_90 = tpu.vector_load %arg7[%swap3A_88, %swap3A_89] {strides = array<i32>} : memref<32x768xf32, #tpu.memory_space<vmem>>, vector<1x16xf32>,
      %swap3A_91 = vector.shape_cast %swap3A_90 : vector<1x16xf32> to vector<16xf32>
      %swap3A_92 = vector.shape_cast %add3A_87 : vector<16xf32> to vector<1x16xf32>
      tpu.vector_store %arg7[%swap3A_88, %swap3A_89], %swap3A_92 {strides = array<i32>} : memref<32x768xf32, #tpu.memory_space<vmem>>, vector<1x16xf32>,
      %get3A_93 = arith.index_cast %scan3A_55 : i32 to index
      %get3A_94 = arith.constant 48 : index
      %get3A_95 = tpu.vector_load %arg7[%get3A_93, %get3A_94] {strides = array<i32>} : memref<32x768xf32, #tpu.memory_space<vmem>>, vector<1x16xf32>,
      %get3A_96 = vector.shape_cast %get3A_95 : vector<1x16xf32> to vector<16xf32>
      %get3A_97 = arith.constant 48 : index
      %get3A_98 = tpu.vector_load %arg6[%get3A_97] {strides = array<i32>} : memref<768xf32, #tpu.memory_space<vmem>>, vector<16xf32>,
      %get3A_99 = vector.shape_cast %get3A_98 : vector<16xf32> to vector<16xf32>
      %add3A_100 = arith.addf %get3A_96, %get3A_99 : vector<16xf32>
      %swap3A_101 = arith.index_cast %scan3A_55 : i32 to index
      %swap3A_102 = arith.constant 48 : index
      %swap3A_103 = tpu.vector_load %arg7[%swap3A_101, %swap3A_102] {strides = array<i32>} : memref<32x768xf32, #tpu.memory_space<vmem>>, vector<1x16xf32>,
      %swap3A_104 = vector.shape_cast %swap3A_103 : vector<1x16xf32> to vector<16xf32>
      %swap3A_105 = vector.shape_cast %add3A_100 : vector<16xf32> to vector<1x16xf32>
      tpu.vector_store %arg7[%swap3A_101, %swap3A_102], %swap3A_105 {strides = array<i32>} : memref<32x768xf32, #tpu.memory_space<vmem>>, vector<1x16xf32>,
      %get3A_106 = arith.index_cast %scan3A_55 : i32 to index
      %get3A_107 = arith.constant 64 : index
      %get3A_108 = tpu.vector_load %arg7[%get3A_106, %get3A_107] {strides = array<i32>} : memref<32x768xf32, #tpu.memory_space<vmem>>, vector<1x16xf32>,
      %get3A_109 = vector.shape_cast %get3A_108 : vector<1x16xf32> to vector<16xf32>
      %get3A_110 = arith.constant 64 : index
      %get3A_111 = tpu.vector_load %arg6[%get3A_110] {strides = array<i32>} : memref<768xf32, #tpu.memory_space<vmem>>, vector<16xf32>,
      %get3A_112 = vector.shape_cast %get3A_111 : vector<16xf32> to vector<16xf32>
      %add3A_113 = arith.addf %get3A_109, %get3A_112 : vector<16xf32>
      %swap3A_114 = arith.index_cast %scan3A_55 : i32 to index
      %swap3A_115 = arith.constant 64 : index
      %swap3A_116 = tpu.vector_load %arg7[%swap3A_114, %swap3A_115] {strides = array<i32>} : memref<32x768xf32, #tpu.memory_space<vmem>>, vector<1x16xf32>,
      %swap3A_117 = vector.shape_cast %swap3A_116 : vector<1x16xf32> to vector<16xf32>
      %swap3A_118 = vector.shape_cast %add3A_113 : vector<16xf32> to vector<1x16xf32>
      tpu.vector_store %arg7[%swap3A_114, %swap3A_115], %swap3A_118 {strides = array<i32>} : memref<32x768xf32, #tpu.memory_space<vmem>>, vector<1x16xf32>,
      %get3A_119 = arith.index_cast %scan3A_55 : i32 to index
      %get3A_120 = arith.constant 80 : index
      %get3A_121 = tpu.vector_load %arg7[%get3A_119, %get3A_120] {strides = array<i32>} : memref<32x768xf32, #tpu.memory_space<vmem>>, vector<1x16xf32>,
      %get3A_122 = vector.shape_cast %get3A_121 : vector<1x16xf32> to vector<16xf32>
      %get3A_123 = arith.constant 80 : index
      %get3A_124 = tpu.vector_load %arg6[%get3A_123] {strides = array<i32>} : memref<768xf32, #tpu.memory_space<vmem>>, vector<16xf32>,
      %get3A_125 = vector.shape_cast %get3A_124 : vector<16xf32> to vector<16xf32>
      %add3A_126 = arith.addf %get3A_122, %get3A_125 : vector<16xf32>
      %swap3A_127 = arith.index_cast %scan3A_55 : i32 to index
      %swap3A_128 = arith.constant 80 : index
      %swap3A_129 = tpu.vector_load %arg7[%swap3A_127, %swap3A_128] {strides = array<i32>} : memref<32x768xf32, #tpu.memory_space<vmem>>, vector<1x16xf32>,
      %swap3A_130 = vector.shape_cast %swap3A_129 : vector<1x16xf32> to vector<16xf32>
      %swap3A_131 = vector.shape_cast %add3A_126 : vector<16xf32> to vector<1x16xf32>
      tpu.vector_store %arg7[%swap3A_127, %swap3A_128], %swap3A_131 {strides = array<i32>} : memref<32x768xf32, #tpu.memory_space<vmem>>, vector<1x16xf32>,
      %get3A_132 = arith.index_cast %scan3A_55 : i32 to index
      %get3A_133 = arith.constant 96 : index
      %get3A_134 = tpu.vector_load %arg7[%get3A_132, %get3A_133] {strides = array<i32>} : memref<32x768xf32, #tpu.memory_space<vmem>>, vector<1x16xf32>,
      %get3A_135 = vector.shape_cast %get3A_134 : vector<1x16xf32> to vector<16xf32>
      %get3A_136 = arith.constant 96 : index
      %get3A_137 = tpu.vector_load %arg6[%get3A_136] {strides = array<i32>} : memref<768xf32, #tpu.memory_space<vmem>>, vector<16xf32>,
      %get3A_138 = vector.shape_cast %get3A_137 : vector<16xf32> to vector<16xf32>
      %add3A_139 = arith.addf %get3A_135, %get3A_138 : vector<16xf32>
      %swap3A_140 = arith.index_cast %scan3A_55 : i32 to index
      %swap3A_141 = arith.constant 96 : index
      %swap3A_142 = tpu.vector_load %arg7[%swap3A_140, %swap3A_141] {strides = array<i32>} : memref<32x768xf32, #tpu.memory_space<vmem>>, vector<1x16xf32>,
      %swap3A_143 = vector.shape_cast %swap3A_142 : vector<1x16xf32> to vector<16xf32>
      %swap3A_144 = vector.shape_cast %add3A_139 : vector<16xf32> to vector<1x16xf32>
      tpu.vector_store %arg7[%swap3A_140, %swap3A_141], %swap3A_144 {strides = array<i32>} : memref<32x768xf32, #tpu.memory_space<vmem>>, vector<1x16xf32>,
      %get3A_145 = arith.index_cast %scan3A_55 : i32 to index
      %get3A_146 = arith.constant 112 : index
      %get3A_147 = tpu.vector_load %arg7[%get3A_145, %get3A_146] {strides = array<i32>} : memref<32x768xf32, #tpu.memory_space<vmem>>, vector<1x16xf32>,
      %get3A_148 = vector.shape_cast %get3A_147 : vector<1x16xf32> to vector<16xf32>
      %get3A_149 = arith.constant 112 : index
      %get3A_150 = tpu.vector_load %arg6[%get3A_149] {strides = array<i32>} : memref<768xf32, #tpu.memory_space<vmem>>, vector<16xf32>,
      %get3A_151 = vector.shape_cast %get3A_150 : vector<16xf32> to vector<16xf32>
      %add3A_152 = arith.addf %get3A_148, %get3A_151 : vector<16xf32>
      %swap3A_153 = arith.index_cast %scan3A_55 : i32 to index
      %swap3A_154 = arith.constant 112 : index
      %swap3A_155 = tpu.vector_load %arg7[%swap3A_153, %swap3A_154] {strides = array<i32>} : memref<32x768xf32, #tpu.memory_space<vmem>>, vector<1x16xf32>,
      %swap3A_156 = vector.shape_cast %swap3A_155 : vector<1x16xf32> to vector<16xf32>
      %swap3A_157 = vector.shape_cast %add3A_152 : vector<16xf32> to vector<1x16xf32>
      tpu.vector_store %arg7[%swap3A_153, %swap3A_154], %swap3A_157 {strides = array<i32>} : memref<32x768xf32, #tpu.memory_space<vmem>>, vector<1x16xf32>,
      %get3A_158 = arith.index_cast %scan3A_55 : i32 to index
      %get3A_159 = arith.constant 128 : index
      %get3A_160 = tpu.vector_load %arg7[%get3A_158, %get3A_159] {strides = array<i32>} : memref<32x768xf32, #tpu.memory_space<vmem>>, vector<1x16xf32>,
      %get3A_161 = vector.shape_cast %get3A_160 : vector<1x16xf32> to vector<16xf32>
      %get3A_162 = arith.constant 128 : index
      %get3A_163 = tpu.vector_load %arg6[%get3A_162] {strides = array<i32>} : memref<768xf32, #tpu.memory_space<vmem>>, vector<16xf32>,
      %get3A_164 = vector.shape_cast %get3A_163 : vector<16xf32> to vector<16xf32>
      %add3A_165 = arith.addf %get3A_161, %get3A_164 : vector<16xf32>
      %swap3A_166 = arith.index_cast %scan3A_55 : i32 to index
      %swap3A_167 = arith.constant 128 : index
      %swap3A_168 = tpu.vector_load %arg7[%swap3A_166, %swap3A_167] {strides = array<i32>} : memref<32x768xf32, #tpu.memory_space<vmem>>, vector<1x16xf32>,
      %swap3A_169 = vector.shape_cast %swap3A_168 : vector<1x16xf32> to vector<16xf32>
      %swap3A_170 = vector.shape_cast %add3A_165 : vector<16xf32> to vector<1x16xf32>
      tpu.vector_store %arg7[%swap3A_166, %swap3A_167], %swap3A_170 {strides = array<i32>} : memref<32x768xf32, #tpu.memory_space<vmem>>, vector<1x16xf32>,
      %get3A_171 = arith.index_cast %scan3A_55 : i32 to index
      %get3A_172 = arith.constant 144 : index
      %get3A_173 = tpu.vector_load %arg7[%get3A_171, %get3A_172] {strides = array<i32>} : memref<32x768xf32, #tpu.memory_space<vmem>>, vector<1x16xf32>,
      %get3A_174 = vector.shape_cast %get3A_173 : vector<1x16xf32> to vector<16xf32>
      %get3A_175 = arith.constant 144 : index
      %get3A_176 = tpu.vector_load %arg6[%get3A_175] {strides = array<i32>} : memref<768xf32, #tpu.memory_space<vmem>>, vector<16xf32>,
      %get3A_177 = vector.shape_cast %get3A_176 : vector<16xf32> to vector<16xf32>
      %add3A_178 = arith.addf %get3A_174, %get3A_177 : vector<16xf32>
      %swap3A_179 = arith.index_cast %scan3A_55 : i32 to index
      %swap3A_180 = arith.constant 144 : index
      %swap3A_181 = tpu.vector_load %arg7[%swap3A_179, %swap3A_180] {strides = array<i32>} : memref<32x768xf32, #tpu.memory_space<vmem>>, vector<1x16xf32>,
      %swap3A_182 = vector.shape_cast %swap3A_181 : vector<1x16xf32> to vector<16xf32>
      %swap3A_183 = vector.shape_cast %add3A_178 : vector<16xf32> to vector<1x16xf32>
      tpu.vector_store %arg7[%swap3A_179, %swap3A_180], %swap3A_183 {strides = array<i32>} : memref<32x768xf32, #tpu.memory_space<vmem>>, vector<1x16xf32>,
      %get3A_184 = arith.index_cast %scan3A_55 : i32 to index
      %get3A_185 = arith.constant 160 : index
      %get3A_186 = tpu.vector_load %arg7[%get3A_184, %get3A_185] {strides = array<i32>} : memref<32x768xf32, #tpu.memory_space<vmem>>, vector<1x16xf32>,
      %get3A_187 = vector.shape_cast %get3A_186 : vector<1x16xf32> to vector<16xf32>
      %get3A_188 = arith.constant 160 : index
      %get3A_189 = tpu.vector_load %arg6[%get3A_188] {strides = array<i32>} : memref<768xf32, #tpu.memory_space<vmem>>, vector<16xf32>,
      %get3A_190 = vector.shape_cast %get3A_189 : vector<16xf32> to vector<16xf32>
      %add3A_191 = arith.addf %get3A_187, %get3A_190 : vector<16xf32>
      %swap3A_192 = arith.index_cast %scan3A_55 : i32 to index
      %swap3A_193 = arith.constant 160 : index
      %swap3A_194 = tpu.vector_load %arg7[%swap3A_192, %swap3A_193] {strides = array<i32>} : memref<32x768xf32, #tpu.memory_space<vmem>>, vector<1x16xf32>,
      %swap3A_195 = vector.shape_cast %swap3A_194 : vector<1x16xf32> to vector<16xf32>
      %swap3A_196 = vector.shape_cast %add3A_191 : vector<16xf32> to vector<1x16xf32>
      tpu.vector_store %arg7[%swap3A_192, %swap3A_193], %swap3A_196 {strides = array<i32>} : memref<32x768xf32, #tpu.memory_space<vmem>>, vector<1x16xf32>,
      %get3A_197 = arith.index_cast %scan3A_55 : i32 to index
      %get3A_198 = arith.constant 176 : index
      %get3A_199 = tpu.vector_load %arg7[%get3A_197, %get3A_198] {strides = array<i32>} : memref<32x768xf32, #tpu.memory_space<vmem>>, vector<1x16xf32>,
      %get3A_200 = vector.shape_cast %get3A_199 : vector<1x16xf32> to vector<16xf32>
      %get3A_201 = arith.constant 176 : index
      %get3A_202 = tpu.vector_load %arg6[%get3A_201] {strides = array<i32>} : memref<768xf32, #tpu.memory_space<vmem>>, vector<16xf32>,
      %get3A_203 = vector.shape_cast %get3A_202 : vector<16xf32> to vector<16xf32>
      %add3A_204 = arith.addf %get3A_200, %get3A_203 : vector<16xf32>
      %swap3A_205 = arith.index_cast %scan3A_55 : i32 to index
      %swap3A_206 = arith.constant 176 : index
      %swap3A_207 = tpu.vector_load %arg7[%swap3A_205, %swap3A_206] {strides = array<i32>} : memref<32x768xf32, #tpu.memory_space<vmem>>, vector<1x16xf32>,
      %swap3A_208 = vector.shape_cast %swap3A_207 : vector<1x16xf32> to vector<16xf32>
      %swap3A_209 = vector.shape_cast %add3A_204 : vector<16xf32> to vector<1x16xf32>
      tpu.vector_store %arg7[%swap3A_205, %swap3A_206], %swap3A_209 {strides = array<i32>} : memref<32x768xf32, #tpu.memory_space<vmem>>, vector<1x16xf32>,
      %get3A_210 = arith.index_cast %scan3A_55 : i32 to index
      %get3A_211 = arith.constant 192 : index
      %get3A_212 = tpu.vector_load %arg7[%get3A_210, %get3A_211] {strides = array<i32>} : memref<32x768xf32, #tpu.memory_space<vmem>>, vector<1x16xf32>,
      %get3A_213 = vector.shape_cast %get3A_212 : vector<1x16xf32> to vector<16xf32>
      %get3A_214 = arith.constant 192 : index
      %get3A_215 = tpu.vector_load %arg6[%get3A_214] {strides = array<i32>} : memref<768xf32, #tpu.memory_space<vmem>>, vector<16xf32>,
      %get3A_216 = vector.shape_cast %get3A_215 : vector<16xf32> to vector<16xf32>
      %add3A_217 = arith.addf %get3A_213, %get3A_216 : vector<16xf32>
      %swap3A_218 = arith.index_cast %scan3A_55 : i32 to index
      %swap3A_219 = arith.constant 192 : index
      %swap3A_220 = tpu.vector_load %arg7[%swap3A_218, %swap3A_219] {strides = array<i32>} : memref<32x768xf32, #tpu.memory_space<vmem>>, vector<1x16xf32>,
      %swap3A_221 = vector.shape_cast %swap3A_220 : vector<1x16xf32> to vector<16xf32>
      %swap3A_222 = vector.shape_cast %add3A_217 : vector<16xf32> to vector<1x16xf32>
      tpu.vector_store %arg7[%swap3A_218, %swap3A_219], %swap3A_222 {strides = array<i32>} : memref<32x768xf32, #tpu.memory_space<vmem>>, vector<1x16xf32>,
      %get3A_223 = arith.index_cast %scan3A_55 : i32 to index
      %get3A_224 = arith.constant 208 : index
      %get3A_225 = tpu.vector_load %arg7[%get3A_223, %get3A_224] {strides = array<i32>} : memref<32x768xf32, #tpu.memory_space<vmem>>, vector<1x16xf32>,
      %get3A_226 = vector.shape_cast %get3A_225 : vector<1x16xf32> to vector<16xf32>
      %get3A_227 = arith.constant 208 : index
      %get3A_228 = tpu.vector_load %arg6[%get3A_227] {strides = array<i32>} : memref<768xf32, #tpu.memory_space<vmem>>, vector<16xf32>,
      %get3A_229 = vector.shape_cast %get3A_228 : vector<16xf32> to vector<16xf32>
      %add3A_230 = arith.addf %get3A_226, %get3A_229 : vector<16xf32>
      %swap3A_231 = arith.index_cast %scan3A_55 : i32 to index
      %swap3A_232 = arith.constant 208 : index
      %swap3A_233 = tpu.vector_load %arg7[%swap3A_231, %swap3A_232] {strides = array<i32>} : memref<32x768xf32, #tpu.memory_space<vmem>>, vector<1x16xf32>,
      %swap3A_234 = vector.shape_cast %swap3A_233 : vector<1x16xf32> to vector<16xf32>
      %swap3A_235 = vector.shape_cast %add3A_230 : vector<16xf32> to vector<1x16xf32>
      tpu.vector_store %arg7[%swap3A_231, %swap3A_232], %swap3A_235 {strides = array<i32>} : memref<32x768xf32, #tpu.memory_space<vmem>>, vector<1x16xf32>,
      %get3A_236 = arith.index_cast %scan3A_55 : i32 to index
      %get3A_237 = arith.constant 224 : index
      %get3A_238 = tpu.vector_load %arg7[%get3A_236, %get3A_237] {strides = array<i32>} : memref<32x768xf32, #tpu.memory_space<vmem>>, vector<1x16xf32>,
      %get3A_239 = vector.shape_cast %get3A_238 : vector<1x16xf32> to vector<16xf32>
      %get3A_240 = arith.constant 224 : index
      %get3A_241 = tpu.vector_load %arg6[%get3A_240] {strides = array<i32>} : memref<768xf32, #tpu.memory_space<vmem>>, vector<16xf32>,
      %get3A_242 = vector.shape_cast %get3A_241 : vector<16xf32> to vector<16xf32>
      %add3A_243 = arith.addf %get3A_239, %get3A_242 : vector<16xf32>
      %swap3A_244 = arith.index_cast %scan3A_55 : i32 to index
      %swap3A_245 = arith.constant 224 : index
      %swap3A_246 = tpu.vector_load %arg7[%swap3A_244, %swap3A_245] {strides = array<i32>} : memref<32x768xf32, #tpu.memory_space<vmem>>, vector<1x16xf32>,
      %swap3A_247 = vector.shape_cast %swap3A_246 : vector<1x16xf32> to vector<16xf32>
      %swap3A_248 = vector.shape_cast %add3A_243 : vector<16xf32> to vector<1x16xf32>
      tpu.vector_store %arg7[%swap3A_244, %swap3A_245], %swap3A_248 {strides = array<i32>} : memref<32x768xf32, #tpu.memory_space<vmem>>, vector<1x16xf32>,
      %get3A_249 = arith.index_cast %scan3A_55 : i32 to index
      %get3A_250 = arith.constant 240 : index
      %get3A_251 = tpu.vector_load %arg7[%get3A_249, %get3A_250] {strides = array<i32>} : memref<32x768xf32, #tpu.memory_space<vmem>>, vector<1x16xf32>,
      %get3A_252 = vector.shape_cast %get3A_251 : vector<1x16xf32> to vector<16xf32>
      %get3A_253 = arith.constant 240 : index
      %get3A_254 = tpu.vector_load %arg6[%get3A_253] {strides = array<i32>} : memref<768xf32, #tpu.memory_space<vmem>>, vector<16xf32>,
      %get3A_255 = vector.shape_cast %get3A_254 : vector<16xf32> to vector<16xf32>
      %add3A_256 = arith.addf %get3A_252, %get3A_255 : vector<16xf32>
      %swap3A_257 = arith.index_cast %scan3A_55 : i32 to index
      %swap3A_258 = arith.constant 240 : index
      %swap3A_259 = tpu.vector_load %arg7[%swap3A_257, %swap3A_258] {strides = array<i32>} : memref<32x768xf32, #tpu.memory_space<vmem>>, vector<1x16xf32>,
      %swap3A_260 = vector.shape_cast %swap3A_259 : vector<1x16xf32> to vector<16xf32>
      %swap3A_261 = vector.shape_cast %add3A_256 : vector<16xf32> to vector<1x16xf32>
      tpu.vector_store %arg7[%swap3A_257, %swap3A_258], %swap3A_261 {strides = array<i32>} : memref<32x768xf32, #tpu.memory_space<vmem>>, vector<1x16xf32>,
      %get3A_262 = arith.index_cast %scan3A_55 : i32 to index
      %get3A_263 = arith.constant 256 : index
      %get3A_264 = tpu.vector_load %arg7[%get3A_262, %get3A_263] {strides = array<i32>} : memref<32x768xf32, #tpu.memory_space<vmem>>, vector<1x16xf32>,
      %get3A_265 = vector.shape_cast %get3A_264 : vector<1x16xf32> to vector<16xf32>
      %get3A_266 = arith.constant 256 : index
      %get3A_267 = tpu.vector_load %arg6[%get3A_266] {strides = array<i32>} : memref<768xf32, #tpu.memory_space<vmem>>, vector<16xf32>,
      %get3A_268 = vector.shape_cast %get3A_267 : vector<16xf32> to vector<16xf32>
      %add3A_269 = arith.addf %get3A_265, %get3A_268 : vector<16xf32>
      %swap3A_270 = arith.index_cast %scan3A_55 : i32 to index
      %swap3A_271 = arith.constant 256 : index
      %swap3A_272 = tpu.vector_load %arg7[%swap3A_270, %swap3A_271] {strides = array<i32>} : memref<32x768xf32, #tpu.memory_space<vmem>>, vector<1x16xf32>,
      %swap3A_273 = vector.shape_cast %swap3A_272 : vector<1x16xf32> to vector<16xf32>
      %swap3A_274 = vector.shape_cast %add3A_269 : vector<16xf32> to vector<1x16xf32>
      tpu.vector_store %arg7[%swap3A_270, %swap3A_271], %swap3A_274 {strides = array<i32>} : memref<32x768xf32, #tpu.memory_space<vmem>>, vector<1x16xf32>,
      %get3A_275 = arith.index_cast %scan3A_55 : i32 to index
      %get3A_276 = arith.constant 272 : index
      %get3A_277 = tpu.vector_load %arg7[%get3A_275, %get3A_276] {strides = array<i32>} : memref<32x768xf32, #tpu.memory_space<vmem>>, vector<1x16xf32>,
      %get3A_278 = vector.shape_cast %get3A_277 : vector<1x16xf32> to vector<16xf32>
      %get3A_279 = arith.constant 272 : index
      %get3A_280 = tpu.vector_load %arg6[%get3A_279] {strides = array<i32>} : memref<768xf32, #tpu.memory_space<vmem>>, vector<16xf32>,
      %get3A_281 = vector.shape_cast %get3A_280 : vector<16xf32> to vector<16xf32>
      %add3A_282 = arith.addf %get3A_278, %get3A_281 : vector<16xf32>
      %swap3A_283 = arith.index_cast %scan3A_55 : i32 to index
      %swap3A_284 = arith.constant 272 : index
      %swap3A_285 = tpu.vector_load %arg7[%swap3A_283, %swap3A_284] {strides = array<i32>} : memref<32x768xf32, #tpu.memory_space<vmem>>, vector<1x16xf32>,
      %swap3A_286 = vector.shape_cast %swap3A_285 : vector<1x16xf32> to vector<16xf32>
      %swap3A_287 = vector.shape_cast %add3A_282 : vector<16xf32> to vector<1x16xf32>
      tpu.vector_store %arg7[%swap3A_283, %swap3A_284], %swap3A_287 {strides = array<i32>} : memref<32x768xf32, #tpu.memory_space<vmem>>, vector<1x16xf32>,
      %get3A_288 = arith.index_cast %scan3A_55 : i32 to index
      %get3A_289 = arith.constant 288 : index
      %get3A_290 = tpu.vector_load %arg7[%get3A_288, %get3A_289] {strides = array<i32>} : memref<32x768xf32, #tpu.memory_space<vmem>>, vector<1x16xf32>,
      %get3A_291 = vector.shape_cast %get3A_290 : vector<1x16xf32> to vector<16xf32>
      %get3A_292 = arith.constant 288 : index
      %get3A_293 = tpu.vector_load %arg6[%get3A_292] {strides = array<i32>} : memref<768xf32, #tpu.memory_space<vmem>>, vector<16xf32>,
      %get3A_294 = vector.shape_cast %get3A_293 : vector<16xf32> to vector<16xf32>
      %add3A_295 = arith.addf %get3A_291, %get3A_294 : vector<16xf32>
      %swap3A_296 = arith.index_cast %scan3A_55 : i32 to index
      %swap3A_297 = arith.constant 288 : index
      %swap3A_298 = tpu.vector_load %arg7[%swap3A_296, %swap3A_297] {strides = array<i32>} : memref<32x768xf32, #tpu.memory_space<vmem>>, vector<1x16xf32>,
      %swap3A_299 = vector.shape_cast %swap3A_298 : vector<1x16xf32> to vector<16xf32>
      %swap3A_300 = vector.shape_cast %add3A_295 : vector<16xf32> to vector<1x16xf32>
      tpu.vector_store %arg7[%swap3A_296, %swap3A_297], %swap3A_300 {strides = array<i32>} : memref<32x768xf32, #tpu.memory_space<vmem>>, vector<1x16xf32>,
      %get3A_301 = arith.index_cast %scan3A_55 : i32 to index
      %get3A_302 = arith.constant 304 : index
      %get3A_303 = tpu.vector_load %arg7[%get3A_301, %get3A_302] {strides = array<i32>} : memref<32x768xf32, #tpu.memory_space<vmem>>, vector<1x16xf32>,
      %get3A_304 = vector.shape_cast %get3A_303 : vector<1x16xf32> to vector<16xf32>
      %get3A_305 = arith.constant 304 : index
      %get3A_306 = tpu.vector_load %arg6[%get3A_305] {strides = array<i32>} : memref<768xf32, #tpu.memory_space<vmem>>, vector<16xf32>,
      %get3A_307 = vector.shape_cast %get3A_306 : vector<16xf32> to vector<16xf32>
      %add3A_308 = arith.addf %get3A_304, %get3A_307 : vector<16xf32>
      %swap3A_309 = arith.index_cast %scan3A_55 : i32 to index
      %swap3A_310 = arith.constant 304 : index
      %swap3A_311 = tpu.vector_load %arg7[%swap3A_309, %swap3A_310] {strides = array<i32>} : memref<32x768xf32, #tpu.memory_space<vmem>>, vector<1x16xf32>,
      %swap3A_312 = vector.shape_cast %swap3A_311 : vector<1x16xf32> to vector<16xf32>
      %swap3A_313 = vector.shape_cast %add3A_308 : vector<16xf32> to vector<1x16xf32>
      tpu.vector_store %arg7[%swap3A_309, %swap3A_310], %swap3A_313 {strides = array<i32>} : memref<32x768xf32, #tpu.memory_space<vmem>>, vector<1x16xf32>,
      %get3A_314 = arith.index_cast %scan3A_55 : i32 to index
      %get3A_315 = arith.constant 320 : index
      %get3A_316 = tpu.vector_load %arg7[%get3A_314, %get3A_315] {strides = array<i32>} : memref<32x768xf32, #tpu.memory_space<vmem>>, vector<1x16xf32>,
      %get3A_317 = vector.shape_cast %get3A_316 : vector<1x16xf32> to vector<16xf32>
      %get3A_318 = arith.constant 320 : index
      %get3A_319 = tpu.vector_load %arg6[%get3A_318] {strides = array<i32>} : memref<768xf32, #tpu.memory_space<vmem>>, vector<16xf32>,
      %get3A_320 = vector.shape_cast %get3A_319 : vector<16xf32> to vector<16xf32>
      %add3A_321 = arith.addf %get3A_317, %get3A_320 : vector<16xf32>
      %swap3A_322 = arith.index_cast %scan3A_55 : i32 to index
      %swap3A_323 = arith.constant 320 : index
      %swap3A_324 = tpu.vector_load %arg7[%swap3A_322, %swap3A_323] {strides = array<i32>} : memref<32x768xf32, #tpu.memory_space<vmem>>, vector<1x16xf32>,
      %swap3A_325 = vector.shape_cast %swap3A_324 : vector<1x16xf32> to vector<16xf32>
      %swap3A_326 = vector.shape_cast %add3A_321 : vector<16xf32> to vector<1x16xf32>
      tpu.vector_store %arg7[%swap3A_322, %swap3A_323], %swap3A_326 {strides = array<i32>} : memref<32x768xf32, #tpu.memory_space<vmem>>, vector<1x16xf32>,
      %get3A_327 = arith.index_cast %scan3A_55 : i32 to index
      %get3A_328 = arith.constant 336 : index
      %get3A_329 = tpu.vector_load %arg7[%get3A_327, %get3A_328] {strides = array<i32>} : memref<32x768xf32, #tpu.memory_space<vmem>>, vector<1x16xf32>,
      %get3A_330 = vector.shape_cast %get3A_329 : vector<1x16xf32> to vector<16xf32>
      %get3A_331 = arith.constant 336 : index
      %get3A_332 = tpu.vector_load %arg6[%get3A_331] {strides = array<i32>} : memref<768xf32, #tpu.memory_space<vmem>>, vector<16xf32>,
      %get3A_333 = vector.shape_cast %get3A_332 : vector<16xf32> to vector<16xf32>
      %add3A_334 = arith.addf %get3A_330, %get3A_333 : vector<16xf32>
      %swap3A_335 = arith.index_cast %scan3A_55 : i32 to index
      %swap3A_336 = arith.constant 336 : index
      %swap3A_337 = tpu.vector_load %arg7[%swap3A_335, %swap3A_336] {strides = array<i32>} : memref<32x768xf32, #tpu.memory_space<vmem>>, vector<1x16xf32>,
      %swap3A_338 = vector.shape_cast %swap3A_337 : vector<1x16xf32> to vector<16xf32>
      %swap3A_339 = vector.shape_cast %add3A_334 : vector<16xf32> to vector<1x16xf32>
      tpu.vector_store %arg7[%swap3A_335, %swap3A_336], %swap3A_339 {strides = array<i32>} : memref<32x768xf32, #tpu.memory_space<vmem>>, vector<1x16xf32>,
      %get3A_340 = arith.index_cast %scan3A_55 : i32 to index
      %get3A_341 = arith.constant 352 : index
      %get3A_342 = tpu.vector_load %arg7[%get3A_340, %get3A_341] {strides = array<i32>} : memref<32x768xf32, #tpu.memory_space<vmem>>, vector<1x16xf32>,
      %get3A_343 = vector.shape_cast %get3A_342 : vector<1x16xf32> to vector<16xf32>
      %get3A_344 = arith.constant 352 : index
      %get3A_345 = tpu.vector_load %arg6[%get3A_344] {strides = array<i32>} : memref<768xf32, #tpu.memory_space<vmem>>, vector<16xf32>,
      %get3A_346 = vector.shape_cast %get3A_345 : vector<16xf32> to vector<16xf32>
      %add3A_347 = arith.addf %get3A_343, %get3A_346 : vector<16xf32>
      %swap3A_348 = arith.index_cast %scan3A_55 : i32 to index
      %swap3A_349 = arith.constant 352 : index
      %swap3A_350 = tpu.vector_load %arg7[%swap3A_348, %swap3A_349] {strides = array<i32>} : memref<32x768xf32, #tpu.memory_space<vmem>>, vector<1x16xf32>,
      %swap3A_351 = vector.shape_cast %swap3A_350 : vector<1x16xf32> to vector<16xf32>
      %swap3A_352 = vector.shape_cast %add3A_347 : vector<16xf32> to vector<1x16xf32>
      tpu.vector_store %arg7[%swap3A_348, %swap3A_349], %swap3A_352 {strides = array<i32>} : memref<32x768xf32, #tpu.memory_space<vmem>>, vector<1x16xf32>,
      %get3A_353 = arith.index_cast %scan3A_55 : i32 to index
      %get3A_354 = arith.constant 368 : index
      %get3A_355 = tpu.vector_load %arg7[%get3A_353, %get3A_354] {strides = array<i32>} : memref<32x768xf32, #tpu.memory_space<vmem>>, vector<1x16xf32>,
      %get3A_356 = vector.shape_cast %get3A_355 : vector<1x16xf32> to vector<16xf32>
      %get3A_357 = arith.constant 368 : index
      %get3A_358 = tpu.vector_load %arg6[%get3A_357] {strides = array<i32>} : memref<768xf32, #tpu.memory_space<vmem>>, vector<16xf32>,
      %get3A_359 = vector.shape_cast %get3A_358 : vector<16xf32> to vector<16xf32>
      %add3A_360 = arith.addf %get3A_356, %get3A_359 : vector<16xf32>
      %swap3A_361 = arith.index_cast %scan3A_55 : i32 to index
      %swap3A_362 = arith.constant 368 : index
      %swap3A_363 = tpu.vector_load %arg7[%swap3A_361, %swap3A_362] {strides = array<i32>} : memref<32x768xf32, #tpu.memory_space<vmem>>, vector<1x16xf32>,
      %swap3A_364 = vector.shape_cast %swap3A_363 : vector<1x16xf32> to vector<16xf32>
      %swap3A_365 = vector.shape_cast %add3A_360 : vector<16xf32> to vector<1x16xf32>
      tpu.vector_store %arg7[%swap3A_361, %swap3A_362], %swap3A_365 {strides = array<i32>} : memref<32x768xf32, #tpu.memory_space<vmem>>, vector<1x16xf32>,
      %get3A_366 = arith.index_cast %scan3A_55 : i32 to index
      %get3A_367 = arith.constant 384 : index
      %get3A_368 = tpu.vector_load %arg7[%get3A_366, %get3A_367] {strides = array<i32>} : memref<32x768xf32, #tpu.memory_space<vmem>>, vector<1x16xf32>,
      %get3A_369 = vector.shape_cast %get3A_368 : vector<1x16xf32> to vector<16xf32>
      %get3A_370 = arith.constant 384 : index
      %get3A_371 = tpu.vector_load %arg6[%get3A_370] {strides = array<i32>} : memref<768xf32, #tpu.memory_space<vmem>>, vector<16xf32>,
      %get3A_372 = vector.shape_cast %get3A_371 : vector<16xf32> to vector<16xf32>
      %add3A_373 = arith.addf %get3A_369, %get3A_372 : vector<16xf32>
      %swap3A_374 = arith.index_cast %scan3A_55 : i32 to index
      %swap3A_375 = arith.constant 384 : index
      %swap3A_376 = tpu.vector_load %arg7[%swap3A_374, %swap3A_375] {strides = array<i32>} : memref<32x768xf32, #tpu.memory_space<vmem>>, vector<1x16xf32>,
      %swap3A_377 = vector.shape_cast %swap3A_376 : vector<1x16xf32> to vector<16xf32>
      %swap3A_378 = vector.shape_cast %add3A_373 : vector<16xf32> to vector<1x16xf32>
      tpu.vector_store %arg7[%swap3A_374, %swap3A_375], %swap3A_378 {strides = array<i32>} : memref<32x768xf32, #tpu.memory_space<vmem>>, vector<1x16xf32>,
      %get3A_379 = arith.index_cast %scan3A_55 : i32 to index
      %get3A_380 = arith.constant 400 : index
      %get3A_381 = tpu.vector_load %arg7[%get3A_379, %get3A_380] {strides = array<i32>} : memref<32x768xf32, #tpu.memory_space<vmem>>, vector<1x16xf32>,
      %get3A_382 = vector.shape_cast %get3A_381 : vector<1x16xf32> to vector<16xf32>
      %get3A_383 = arith.constant 400 : index
      %get3A_384 = tpu.vector_load %arg6[%get3A_383] {strides = array<i32>} : memref<768xf32, #tpu.memory_space<vmem>>, vector<16xf32>,
      %get3A_385 = vector.shape_cast %get3A_384 : vector<16xf32> to vector<16xf32>
      %add3A_386 = arith.addf %get3A_382, %get3A_385 : vector<16xf32>
      %swap3A_387 = arith.index_cast %scan3A_55 : i32 to index
      %swap3A_388 = arith.constant 400 : index
      %swap3A_389 = tpu.vector_load %arg7[%swap3A_387, %swap3A_388] {strides = array<i32>} : memref<32x768xf32, #tpu.memory_space<vmem>>, vector<1x16xf32>,
      %swap3A_390 = vector.shape_cast %swap3A_389 : vector<1x16xf32> to vector<16xf32>
      %swap3A_391 = vector.shape_cast %add3A_386 : vector<16xf32> to vector<1x16xf32>
      tpu.vector_store %arg7[%swap3A_387, %swap3A_388], %swap3A_391 {strides = array<i32>} : memref<32x768xf32, #tpu.memory_space<vmem>>, vector<1x16xf32>,
      %get3A_392 = arith.index_cast %scan3A_55 : i32 to index
      %get3A_393 = arith.constant 416 : index
      %get3A_394 = tpu.vector_load %arg7[%get3A_392, %get3A_393] {strides = array<i32>} : memref<32x768xf32, #tpu.memory_space<vmem>>, vector<1x16xf32>,
      %get3A_395 = vector.shape_cast %get3A_394 : vector<1x16xf32> to vector<16xf32>
      %get3A_396 = arith.constant 416 : index
      %get3A_397 = tpu.vector_load %arg6[%get3A_396] {strides = array<i32>} : memref<768xf32, #tpu.memory_space<vmem>>, vector<16xf32>,
      %get3A_398 = vector.shape_cast %get3A_397 : vector<16xf32> to vector<16xf32>
      %add3A_399 = arith.addf %get3A_395, %get3A_398 : vector<16xf32>
      %swap3A_400 = arith.index_cast %scan3A_55 : i32 to index
      %swap3A_401 = arith.constant 416 : index
      %swap3A_402 = tpu.vector_load %arg7[%swap3A_400, %swap3A_401] {strides = array<i32>} : memref<32x768xf32, #tpu.memory_space<vmem>>, vector<1x16xf32>,
      %swap3A_403 = vector.shape_cast %swap3A_402 : vector<1x16xf32> to vector<16xf32>
      %swap3A_404 = vector.shape_cast %add3A_399 : vector<16xf32> to vector<1x16xf32>
      tpu.vector_store %arg7[%swap3A_400, %swap3A_401], %swap3A_404 {strides = array<i32>} : memref<32x768xf32, #tpu.memory_space<vmem>>, vector<1x16xf32>,
      %get3A_405 = arith.index_cast %scan3A_55 : i32 to index
      %get3A_406 = arith.constant 432 : index
      %get3A_407 = tpu.vector_load %arg7[%get3A_405, %get3A_406] {strides = array<i32>} : memref<32x768xf32, #tpu.memory_space<vmem>>, vector<1x16xf32>,
      %get3A_408 = vector.shape_cast %get3A_407 : vector<1x16xf32> to vector<16xf32>
      %get3A_409 = arith.constant 432 : index
      %get3A_410 = tpu.vector_load %arg6[%get3A_409] {strides = array<i32>} : memref<768xf32, #tpu.memory_space<vmem>>, vector<16xf32>,
      %get3A_411 = vector.shape_cast %get3A_410 : vector<16xf32> to vector<16xf32>
      %add3A_412 = arith.addf %get3A_408, %get3A_411 : vector<16xf32>
      %swap3A_413 = arith.index_cast %scan3A_55 : i32 to index
      %swap3A_414 = arith.constant 432 : index
      %swap3A_415 = tpu.vector_load %arg7[%swap3A_413, %swap3A_414] {strides = array<i32>} : memref<32x768xf32, #tpu.memory_space<vmem>>, vector<1x16xf32>,
      %swap3A_416 = vector.shape_cast %swap3A_415 : vector<1x16xf32> to vector<16xf32>
      %swap3A_417 = vector.shape_cast %add3A_412 : vector<16xf32> to vector<1x16xf32>
      tpu.vector_store %arg7[%swap3A_413, %swap3A_414], %swap3A_417 {strides = array<i32>} : memref<32x768xf32, #tpu.memory_space<vmem>>, vector<1x16xf32>,
      %get3A_418 = arith.index_cast %scan3A_55 : i32 to index
      %get3A_419 = arith.constant 448 : index
      %get3A_420 = tpu.vector_load %arg7[%get3A_418, %get3A_419] {strides = array<i32>} : memref<32x768xf32, #tpu.memory_space<vmem>>, vector<1x16xf32>,
      %get3A_421 = vector.shape_cast %get3A_420 : vector<1x16xf32> to vector<16xf32>
      %get3A_422 = arith.constant 448 : index
      %get3A_423 = tpu.vector_load %arg6[%get3A_422] {strides = array<i32>} : memref<768xf32, #tpu.memory_space<vmem>>, vector<16xf32>,
      %get3A_424 = vector.shape_cast %get3A_423 : vector<16xf32> to vector<16xf32>
      %add3A_425 = arith.addf %get3A_421, %get3A_424 : vector<16xf32>
      %swap3A_426 = arith.index_cast %scan3A_55 : i32 to index
      %swap3A_427 = arith.constant 448 : index
      %swap3A_428 = tpu.vector_load %arg7[%swap3A_426, %swap3A_427] {strides = array<i32>} : memref<32x768xf32, #tpu.memory_space<vmem>>, vector<1x16xf32>,
      %swap3A_429 = vector.shape_cast %swap3A_428 : vector<1x16xf32> to vector<16xf32>
      %swap3A_430 = vector.shape_cast %add3A_425 : vector<16xf32> to vector<1x16xf32>
      tpu.vector_store %arg7[%swap3A_426, %swap3A_427], %swap3A_430 {strides = array<i32>} : memref<32x768xf32, #tpu.memory_space<vmem>>, vector<1x16xf32>,
      %get3A_431 = arith.index_cast %scan3A_55 : i32 to index
      %get3A_432 = arith.constant 464 : index
      %get3A_433 = tpu.vector_load %arg7[%get3A_431, %get3A_432] {strides = array<i32>} : memref<32x768xf32, #tpu.memory_space<vmem>>, vector<1x16xf32>,
      %get3A_434 = vector.shape_cast %get3A_433 : vector<1x16xf32> to vector<16xf32>
      %get3A_435 = arith.constant 464 : index
      %get3A_436 = tpu.vector_load %arg6[%get3A_435] {strides = array<i32>} : memref<768xf32, #tpu.memory_space<vmem>>, vector<16xf32>,
      %get3A_437 = vector.shape_cast %get3A_436 : vector<16xf32> to vector<16xf32>
      %add3A_438 = arith.addf %get3A_434, %get3A_437 : vector<16xf32>
      %swap3A_439 = arith.index_cast %scan3A_55 : i32 to index
      %swap3A_440 = arith.constant 464 : index
      %swap3A_441 = tpu.vector_load %arg7[%swap3A_439, %swap3A_440] {strides = array<i32>} : memref<32x768xf32, #tpu.memory_space<vmem>>, vector<1x16xf32>,
      %swap3A_442 = vector.shape_cast %swap3A_441 : vector<1x16xf32> to vector<16xf32>
      %swap3A_443 = vector.shape_cast %add3A_438 : vector<16xf32> to vector<1x16xf32>
      tpu.vector_store %arg7[%swap3A_439, %swap3A_440], %swap3A_443 {strides = array<i32>} : memref<32x768xf32, #tpu.memory_space<vmem>>, vector<1x16xf32>,
      %get3A_444 = arith.index_cast %scan3A_55 : i32 to index
      %get3A_445 = arith.constant 480 : index
      %get3A_446 = tpu.vector_load %arg7[%get3A_444, %get3A_445] {strides = array<i32>} : memref<32x768xf32, #tpu.memory_space<vmem>>, vector<1x16xf32>,
      %get3A_447 = vector.shape_cast %get3A_446 : vector<1x16xf32> to vector<16xf32>
      %get3A_448 = arith.constant 480 : index
      %get3A_449 = tpu.vector_load %arg6[%get3A_448] {strides = array<i32>} : memref<768xf32, #tpu.memory_space<vmem>>, vector<16xf32>,
      %get3A_450 = vector.shape_cast %get3A_449 : vector<16xf32> to vector<16xf32>
      %add3A_451 = arith.addf %get3A_447, %get3A_450 : vector<16xf32>
      %swap3A_452 = arith.index_cast %scan3A_55 : i32 to index
      %swap3A_453 = arith.constant 480 : index
      %swap3A_454 = tpu.vector_load %arg7[%swap3A_452, %swap3A_453] {strides = array<i32>} : memref<32x768xf32, #tpu.memory_space<vmem>>, vector<1x16xf32>,
      %swap3A_455 = vector.shape_cast %swap3A_454 : vector<1x16xf32> to vector<16xf32>
      %swap3A_456 = vector.shape_cast %add3A_451 : vector<16xf32> to vector<1x16xf32>
      tpu.vector_store %arg7[%swap3A_452, %swap3A_453], %swap3A_456 {strides = array<i32>} : memref<32x768xf32, #tpu.memory_space<vmem>>, vector<1x16xf32>,
      %get3A_457 = arith.index_cast %scan3A_55 : i32 to index
      %get3A_458 = arith.constant 496 : index
      %get3A_459 = tpu.vector_load %arg7[%get3A_457, %get3A_458] {strides = array<i32>} : memref<32x768xf32, #tpu.memory_space<vmem>>, vector<1x16xf32>,
      %get3A_460 = vector.shape_cast %get3A_459 : vector<1x16xf32> to vector<16xf32>
      %get3A_461 = arith.constant 496 : index
      %get3A_462 = tpu.vector_load %arg6[%get3A_461] {strides = array<i32>} : memref<768xf32, #tpu.memory_space<vmem>>, vector<16xf32>,
      %get3A_463 = vector.shape_cast %get3A_462 : vector<16xf32> to vector<16xf32>
      %add3A_464 = arith.addf %get3A_460, %get3A_463 : vector<16xf32>
      %swap3A_465 = arith.index_cast %scan3A_55 : i32 to index
      %swap3A_466 = arith.constant 496 : index
      %swap3A_467 = tpu.vector_load %arg7[%swap3A_465, %swap3A_466] {strides = array<i32>} : memref<32x768xf32, #tpu.memory_space<vmem>>, vector<1x16xf32>,
      %swap3A_468 = vector.shape_cast %swap3A_467 : vector<1x16xf32> to vector<16xf32>
      %swap3A_469 = vector.shape_cast %add3A_464 : vector<16xf32> to vector<1x16xf32>
      tpu.vector_store %arg7[%swap3A_465, %swap3A_466], %swap3A_469 {strides = array<i32>} : memref<32x768xf32, #tpu.memory_space<vmem>>, vector<1x16xf32>,
      %get3A_470 = arith.index_cast %scan3A_55 : i32 to index
      %get3A_471 = arith.constant 512 : index
      %get3A_472 = tpu.vector_load %arg7[%get3A_470, %get3A_471] {strides = array<i32>} : memref<32x768xf32, #tpu.memory_space<vmem>>, vector<1x16xf32>,
      %get3A_473 = vector.shape_cast %get3A_472 : vector<1x16xf32> to vector<16xf32>
      %get3A_474 = arith.constant 512 : index
      %get3A_475 = tpu.vector_load %arg6[%get3A_474] {strides = array<i32>} : memref<768xf32, #tpu.memory_space<vmem>>, vector<16xf32>,
      %get3A_476 = vector.shape_cast %get3A_475 : vector<16xf32> to vector<16xf32>
      %add3A_477 = arith.addf %get3A_473, %get3A_476 : vector<16xf32>
      %swap3A_478 = arith.index_cast %scan3A_55 : i32 to index
      %swap3A_479 = arith.constant 512 : index
      %swap3A_480 = tpu.vector_load %arg7[%swap3A_478, %swap3A_479] {strides = array<i32>} : memref<32x768xf32, #tpu.memory_space<vmem>>, vector<1x16xf32>,
      %swap3A_481 = vector.shape_cast %swap3A_480 : vector<1x16xf32> to vector<16xf32>
      %swap3A_482 = vector.shape_cast %add3A_477 : vector<16xf32> to vector<1x16xf32>
      tpu.vector_store %arg7[%swap3A_478, %swap3A_479], %swap3A_482 {strides = array<i32>} : memref<32x768xf32, #tpu.memory_space<vmem>>, vector<1x16xf32>,
      %get3A_483 = arith.index_cast %scan3A_55 : i32 to index
      %get3A_484 = arith.constant 528 : index
      %get3A_485 = tpu.vector_load %arg7[%get3A_483, %get3A_484] {strides = array<i32>} : memref<32x768xf32, #tpu.memory_space<vmem>>, vector<1x16xf32>,
      %get3A_486 = vector.shape_cast %get3A_485 : vector<1x16xf32> to vector<16xf32>
      %get3A_487 = arith.constant 528 : index
      %get3A_488 = tpu.vector_load %arg6[%get3A_487] {strides = array<i32>} : memref<768xf32, #tpu.memory_space<vmem>>, vector<16xf32>,
      %get3A_489 = vector.shape_cast %get3A_488 : vector<16xf32> to vector<16xf32>
      %add3A_490 = arith.addf %get3A_486, %get3A_489 : vector<16xf32>
      %swap3A_491 = arith.index_cast %scan3A_55 : i32 to index
      %swap3A_492 = arith.constant 528 : index
      %swap3A_493 = tpu.vector_load %arg7[%swap3A_491, %swap3A_492] {strides = array<i32>} : memref<32x768xf32, #tpu.memory_space<vmem>>, vector<1x16xf32>,
      %swap3A_494 = vector.shape_cast %swap3A_493 : vector<1x16xf32> to vector<16xf32>
      %swap3A_495 = vector.shape_cast %add3A_490 : vector<16xf32> to vector<1x16xf32>
      tpu.vector_store %arg7[%swap3A_491, %swap3A_492], %swap3A_495 {strides = array<i32>} : memref<32x768xf32, #tpu.memory_space<vmem>>, vector<1x16xf32>,
      %get3A_496 = arith.index_cast %scan3A_55 : i32 to index
      %get3A_497 = arith.constant 544 : index
      %get3A_498 = tpu.vector_load %arg7[%get3A_496, %get3A_497] {strides = array<i32>} : memref<32x768xf32, #tpu.memory_space<vmem>>, vector<1x16xf32>,
      %get3A_499 = vector.shape_cast %get3A_498 : vector<1x16xf32> to vector<16xf32>
      %get3A_500 = arith.constant 544 : index
      %get3A_501 = tpu.vector_load %arg6[%get3A_500] {strides = array<i32>} : memref<768xf32, #tpu.memory_space<vmem>>, vector<16xf32>,
      %get3A_502 = vector.shape_cast %get3A_501 : vector<16xf32> to vector<16xf32>
      %add3A_503 = arith.addf %get3A_499, %get3A_502 : vector<16xf32>
      %swap3A_504 = arith.index_cast %scan3A_55 : i32 to index
      %swap3A_505 = arith.constant 544 : index
      %swap3A_506 = tpu.vector_load %arg7[%swap3A_504, %swap3A_505] {strides = array<i32>} : memref<32x768xf32, #tpu.memory_space<vmem>>, vector<1x16xf32>,
      %swap3A_507 = vector.shape_cast %swap3A_506 : vector<1x16xf32> to vector<16xf32>
      %swap3A_508 = vector.shape_cast %add3A_503 : vector<16xf32> to vector<1x16xf32>
      tpu.vector_store %arg7[%swap3A_504, %swap3A_505], %swap3A_508 {strides = array<i32>} : memref<32x768xf32, #tpu.memory_space<vmem>>, vector<1x16xf32>,
      %get3A_509 = arith.index_cast %scan3A_55 : i32 to index
      %get3A_510 = arith.constant 560 : index
      %get3A_511 = tpu.vector_load %arg7[%get3A_509, %get3A_510] {strides = array<i32>} : memref<32x768xf32, #tpu.memory_space<vmem>>, vector<1x16xf32>,
      %get3A_512 = vector.shape_cast %get3A_511 : vector<1x16xf32> to vector<16xf32>
      %get3A_513 = arith.constant 560 : index
      %get3A_514 = tpu.vector_load %arg6[%get3A_513] {strides = array<i32>} : memref<768xf32, #tpu.memory_space<vmem>>, vector<16xf32>,
      %get3A_515 = vector.shape_cast %get3A_514 : vector<16xf32> to vector<16xf32>
      %add3A_516 = arith.addf %get3A_512, %get3A_515 : vector<16xf32>
      %swap3A_517 = arith.index_cast %scan3A_55 : i32 to index
      %swap3A_518 = arith.constant 560 : index
      %swap3A_519 = tpu.vector_load %arg7[%swap3A_517, %swap3A_518] {strides = array<i32>} : memref<32x768xf32, #tpu.memory_space<vmem>>, vector<1x16xf32>,
      %swap3A_520 = vector.shape_cast %swap3A_519 : vector<1x16xf32> to vector<16xf32>
      %swap3A_521 = vector.shape_cast %add3A_516 : vector<16xf32> to vector<1x16xf32>
      tpu.vector_store %arg7[%swap3A_517, %swap3A_518], %swap3A_521 {strides = array<i32>} : memref<32x768xf32, #tpu.memory_space<vmem>>, vector<1x16xf32>,
      %get3A_522 = arith.index_cast %scan3A_55 : i32 to index
      %get3A_523 = arith.constant 576 : index
      %get3A_524 = tpu.vector_load %arg7[%get3A_522, %get3A_523] {strides = array<i32>} : memref<32x768xf32, #tpu.memory_space<vmem>>, vector<1x16xf32>,
      %get3A_525 = vector.shape_cast %get3A_524 : vector<1x16xf32> to vector<16xf32>
      %get3A_526 = arith.constant 576 : index
      %get3A_527 = tpu.vector_load %arg6[%get3A_526] {strides = array<i32>} : memref<768xf32, #tpu.memory_space<vmem>>, vector<16xf32>,
      %get3A_528 = vector.shape_cast %get3A_527 : vector<16xf32> to vector<16xf32>
      %add3A_529 = arith.addf %get3A_525, %get3A_528 : vector<16xf32>
      %swap3A_530 = arith.index_cast %scan3A_55 : i32 to index
      %swap3A_531 = arith.constant 576 : index
      %swap3A_532 = tpu.vector_load %arg7[%swap3A_530, %swap3A_531] {strides = array<i32>} : memref<32x768xf32, #tpu.memory_space<vmem>>, vector<1x16xf32>,
      %swap3A_533 = vector.shape_cast %swap3A_532 : vector<1x16xf32> to vector<16xf32>
      %swap3A_534 = vector.shape_cast %add3A_529 : vector<16xf32> to vector<1x16xf32>
      tpu.vector_store %arg7[%swap3A_530, %swap3A_531], %swap3A_534 {strides = array<i32>} : memref<32x768xf32, #tpu.memory_space<vmem>>, vector<1x16xf32>,
      %get3A_535 = arith.index_cast %scan3A_55 : i32 to index
      %get3A_536 = arith.constant 592 : index
      %get3A_537 = tpu.vector_load %arg7[%get3A_535, %get3A_536] {strides = array<i32>} : memref<32x768xf32, #tpu.memory_space<vmem>>, vector<1x16xf32>,
      %get3A_538 = vector.shape_cast %get3A_537 : vector<1x16xf32> to vector<16xf32>
      %get3A_539 = arith.constant 592 : index
      %get3A_540 = tpu.vector_load %arg6[%get3A_539] {strides = array<i32>} : memref<768xf32, #tpu.memory_space<vmem>>, vector<16xf32>,
      %get3A_541 = vector.shape_cast %get3A_540 : vector<16xf32> to vector<16xf32>
      %add3A_542 = arith.addf %get3A_538, %get3A_541 : vector<16xf32>
      %swap3A_543 = arith.index_cast %scan3A_55 : i32 to index
      %swap3A_544 = arith.constant 592 : index
      %swap3A_545 = tpu.vector_load %arg7[%swap3A_543, %swap3A_544] {strides = array<i32>} : memref<32x768xf32, #tpu.memory_space<vmem>>, vector<1x16xf32>,
      %swap3A_546 = vector.shape_cast %swap3A_545 : vector<1x16xf32> to vector<16xf32>
      %swap3A_547 = vector.shape_cast %add3A_542 : vector<16xf32> to vector<1x16xf32>
      tpu.vector_store %arg7[%swap3A_543, %swap3A_544], %swap3A_547 {strides = array<i32>} : memref<32x768xf32, #tpu.memory_space<vmem>>, vector<1x16xf32>,
      %get3A_548 = arith.index_cast %scan3A_55 : i32 to index
      %get3A_549 = arith.constant 608 : index
      %get3A_550 = tpu.vector_load %arg7[%get3A_548, %get3A_549] {strides = array<i32>} : memref<32x768xf32, #tpu.memory_space<vmem>>, vector<1x16xf32>,
      %get3A_551 = vector.shape_cast %get3A_550 : vector<1x16xf32> to vector<16xf32>
      %get3A_552 = arith.constant 608 : index
      %get3A_553 = tpu.vector_load %arg6[%get3A_552] {strides = array<i32>} : memref<768xf32, #tpu.memory_space<vmem>>, vector<16xf32>,
      %get3A_554 = vector.shape_cast %get3A_553 : vector<16xf32> to vector<16xf32>
      %add3A_555 = arith.addf %get3A_551, %get3A_554 : vector<16xf32>
      %swap3A_556 = arith.index_cast %scan3A_55 : i32 to index
      %swap3A_557 = arith.constant 608 : index
      %swap3A_558 = tpu.vector_load %arg7[%swap3A_556, %swap3A_557] {strides = array<i32>} : memref<32x768xf32, #tpu.memory_space<vmem>>, vector<1x16xf32>,
      %swap3A_559 = vector.shape_cast %swap3A_558 : vector<1x16xf32> to vector<16xf32>
      %swap3A_560 = vector.shape_cast %add3A_555 : vector<16xf32> to vector<1x16xf32>
      tpu.vector_store %arg7[%swap3A_556, %swap3A_557], %swap3A_560 {strides = array<i32>} : memref<32x768xf32, #tpu.memory_space<vmem>>, vector<1x16xf32>,
      %get3A_561 = arith.index_cast %scan3A_55 : i32 to index
      %get3A_562 = arith.constant 624 : index
      %get3A_563 = tpu.vector_load %arg7[%get3A_561, %get3A_562] {strides = array<i32>} : memref<32x768xf32, #tpu.memory_space<vmem>>, vector<1x16xf32>,
      %get3A_564 = vector.shape_cast %get3A_563 : vector<1x16xf32> to vector<16xf32>
      %get3A_565 = arith.constant 624 : index
      %get3A_566 = tpu.vector_load %arg6[%get3A_565] {strides = array<i32>} : memref<768xf32, #tpu.memory_space<vmem>>, vector<16xf32>,
      %get3A_567 = vector.shape_cast %get3A_566 : vector<16xf32> to vector<16xf32>
      %add3A_568 = arith.addf %get3A_564, %get3A_567 : vector<16xf32>
      %swap3A_569 = arith.index_cast %scan3A_55 : i32 to index
      %swap3A_570 = arith.constant 624 : index
      %swap3A_571 = tpu.vector_load %arg7[%swap3A_569, %swap3A_570] {strides = array<i32>} : memref<32x768xf32, #tpu.memory_space<vmem>>, vector<1x16xf32>,
      %swap3A_572 = vector.shape_cast %swap3A_571 : vector<1x16xf32> to vector<16xf32>
      %swap3A_573 = vector.shape_cast %add3A_568 : vector<16xf32> to vector<1x16xf32>
      tpu.vector_store %arg7[%swap3A_569, %swap3A_570], %swap3A_573 {strides = array<i32>} : memref<32x768xf32, #tpu.memory_space<vmem>>, vector<1x16xf32>,
      %get3A_574 = arith.index_cast %scan3A_55 : i32 to index
      %get3A_575 = arith.constant 640 : index
      %get3A_576 = tpu.vector_load %arg7[%get3A_574, %get3A_575] {strides = array<i32>} : memref<32x768xf32, #tpu.memory_space<vmem>>, vector<1x16xf32>,
      %get3A_577 = vector.shape_cast %get3A_576 : vector<1x16xf32> to vector<16xf32>
      %get3A_578 = arith.constant 640 : index
      %get3A_579 = tpu.vector_load %arg6[%get3A_578] {strides = array<i32>} : memref<768xf32, #tpu.memory_space<vmem>>, vector<16xf32>,
      %get3A_580 = vector.shape_cast %get3A_579 : vector<16xf32> to vector<16xf32>
      %add3A_581 = arith.addf %get3A_577, %get3A_580 : vector<16xf32>
      %swap3A_582 = arith.index_cast %scan3A_55 : i32 to index
      %swap3A_583 = arith.constant 640 : index
      %swap3A_584 = tpu.vector_load %arg7[%swap3A_582, %swap3A_583] {strides = array<i32>} : memref<32x768xf32, #tpu.memory_space<vmem>>, vector<1x16xf32>,
      %swap3A_585 = vector.shape_cast %swap3A_584 : vector<1x16xf32> to vector<16xf32>
      %swap3A_586 = vector.shape_cast %add3A_581 : vector<16xf32> to vector<1x16xf32>
      tpu.vector_store %arg7[%swap3A_582, %swap3A_583], %swap3A_586 {strides = array<i32>} : memref<32x768xf32, #tpu.memory_space<vmem>>, vector<1x16xf32>,
      %get3A_587 = arith.index_cast %scan3A_55 : i32 to index
      %get3A_588 = arith.constant 656 : index
      %get3A_589 = tpu.vector_load %arg7[%get3A_587, %get3A_588] {strides = array<i32>} : memref<32x768xf32, #tpu.memory_space<vmem>>, vector<1x16xf32>,
      %get3A_590 = vector.shape_cast %get3A_589 : vector<1x16xf32> to vector<16xf32>
      %get3A_591 = arith.constant 656 : index
      %get3A_592 = tpu.vector_load %arg6[%get3A_591] {strides = array<i32>} : memref<768xf32, #tpu.memory_space<vmem>>, vector<16xf32>,
      %get3A_593 = vector.shape_cast %get3A_592 : vector<16xf32> to vector<16xf32>
      %add3A_594 = arith.addf %get3A_590, %get3A_593 : vector<16xf32>
      %swap3A_595 = arith.index_cast %scan3A_55 : i32 to index
      %swap3A_596 = arith.constant 656 : index
      %swap3A_597 = tpu.vector_load %arg7[%swap3A_595, %swap3A_596] {strides = array<i32>} : memref<32x768xf32, #tpu.memory_space<vmem>>, vector<1x16xf32>,
      %swap3A_598 = vector.shape_cast %swap3A_597 : vector<1x16xf32> to vector<16xf32>
      %swap3A_599 = vector.shape_cast %add3A_594 : vector<16xf32> to vector<1x16xf32>
      tpu.vector_store %arg7[%swap3A_595, %swap3A_596], %swap3A_599 {strides = array<i32>} : memref<32x768xf32, #tpu.memory_space<vmem>>, vector<1x16xf32>,
      %get3A_600 = arith.index_cast %scan3A_55 : i32 to index
      %get3A_601 = arith.constant 672 : index
      %get3A_602 = tpu.vector_load %arg7[%get3A_600, %get3A_601] {strides = array<i32>} : memref<32x768xf32, #tpu.memory_space<vmem>>, vector<1x16xf32>,
      %get3A_603 = vector.shape_cast %get3A_602 : vector<1x16xf32> to vector<16xf32>
      %get3A_604 = arith.constant 672 : index
      %get3A_605 = tpu.vector_load %arg6[%get3A_604] {strides = array<i32>} : memref<768xf32, #tpu.memory_space<vmem>>, vector<16xf32>,
      %get3A_606 = vector.shape_cast %get3A_605 : vector<16xf32> to vector<16xf32>
      %add3A_607 = arith.addf %get3A_603, %get3A_606 : vector<16xf32>
      %swap3A_608 = arith.index_cast %scan3A_55 : i32 to index
      %swap3A_609 = arith.constant 672 : index
      %swap3A_610 = tpu.vector_load %arg7[%swap3A_608, %swap3A_609] {strides = array<i32>} : memref<32x768xf32, #tpu.memory_space<vmem>>, vector<1x16xf32>,
      %swap3A_611 = vector.shape_cast %swap3A_610 : vector<1x16xf32> to vector<16xf32>
      %swap3A_612 = vector.shape_cast %add3A_607 : vector<16xf32> to vector<1x16xf32>
      tpu.vector_store %arg7[%swap3A_608, %swap3A_609], %swap3A_612 {strides = array<i32>} : memref<32x768xf32, #tpu.memory_space<vmem>>, vector<1x16xf32>,
      %get3A_613 = arith.index_cast %scan3A_55 : i32 to index
      %get3A_614 = arith.constant 688 : index
      %get3A_615 = tpu.vector_load %arg7[%get3A_613, %get3A_614] {strides = array<i32>} : memref<32x768xf32, #tpu.memory_space<vmem>>, vector<1x16xf32>,
      %get3A_616 = vector.shape_cast %get3A_615 : vector<1x16xf32> to vector<16xf32>
      %get3A_617 = arith.constant 688 : index
      %get3A_618 = tpu.vector_load %arg6[%get3A_617] {strides = array<i32>} : memref<768xf32, #tpu.memory_space<vmem>>, vector<16xf32>,
      %get3A_619 = vector.shape_cast %get3A_618 : vector<16xf32> to vector<16xf32>
      %add3A_620 = arith.addf %get3A_616, %get3A_619 : vector<16xf32>
      %swap3A_621 = arith.index_cast %scan3A_55 : i32 to index
      %swap3A_622 = arith.constant 688 : index
      %swap3A_623 = tpu.vector_load %arg7[%swap3A_621, %swap3A_622] {strides = array<i32>} : memref<32x768xf32, #tpu.memory_space<vmem>>, vector<1x16xf32>,
      %swap3A_624 = vector.shape_cast %swap3A_623 : vector<1x16xf32> to vector<16xf32>
      %swap3A_625 = vector.shape_cast %add3A_620 : vector<16xf32> to vector<1x16xf32>
      tpu.vector_store %arg7[%swap3A_621, %swap3A_622], %swap3A_625 {strides = array<i32>} : memref<32x768xf32, #tpu.memory_space<vmem>>, vector<1x16xf32>,
      %get3A_626 = arith.index_cast %scan3A_55 : i32 to index
      %get3A_627 = arith.constant 704 : index
      %get3A_628 = tpu.vector_load %arg7[%get3A_626, %get3A_627] {strides = array<i32>} : memref<32x768xf32, #tpu.memory_space<vmem>>, vector<1x16xf32>,
      %get3A_629 = vector.shape_cast %get3A_628 : vector<1x16xf32> to vector<16xf32>
      %get3A_630 = arith.constant 704 : index
      %get3A_631 = tpu.vector_load %arg6[%get3A_630] {strides = array<i32>} : memref<768xf32, #tpu.memory_space<vmem>>, vector<16xf32>,
      %get3A_632 = vector.shape_cast %get3A_631 : vector<16xf32> to vector<16xf32>
      %add3A_633 = arith.addf %get3A_629, %get3A_632 : vector<16xf32>
      %swap3A_634 = arith.index_cast %scan3A_55 : i32 to index
      %swap3A_635 = arith.constant 704 : index
      %swap3A_636 = tpu.vector_load %arg7[%swap3A_634, %swap3A_635] {strides = array<i32>} : memref<32x768xf32, #tpu.memory_space<vmem>>, vector<1x16xf32>,
      %swap3A_637 = vector.shape_cast %swap3A_636 : vector<1x16xf32> to vector<16xf32>
      %swap3A_638 = vector.shape_cast %add3A_633 : vector<16xf32> to vector<1x16xf32>
      tpu.vector_store %arg7[%swap3A_634, %swap3A_635], %swap3A_638 {strides = array<i32>} : memref<32x768xf32, #tpu.memory_space<vmem>>, vector<1x16xf32>,
      %get3A_639 = arith.index_cast %scan3A_55 : i32 to index
      %get3A_640 = arith.constant 720 : index
      %get3A_641 = tpu.vector_load %arg7[%get3A_639, %get3A_640] {strides = array<i32>} : memref<32x768xf32, #tpu.memory_space<vmem>>, vector<1x16xf32>,
      %get3A_642 = vector.shape_cast %get3A_641 : vector<1x16xf32> to vector<16xf32>
      %get3A_643 = arith.constant 720 : index
      %get3A_644 = tpu.vector_load %arg6[%get3A_643] {strides = array<i32>} : memref<768xf32, #tpu.memory_space<vmem>>, vector<16xf32>,
      %get3A_645 = vector.shape_cast %get3A_644 : vector<16xf32> to vector<16xf32>
      %add3A_646 = arith.addf %get3A_642, %get3A_645 : vector<16xf32>
      %swap3A_647 = arith.index_cast %scan3A_55 : i32 to index
      %swap3A_648 = arith.constant 720 : index
      %swap3A_649 = tpu.vector_load %arg7[%swap3A_647, %swap3A_648] {strides = array<i32>} : memref<32x768xf32, #tpu.memory_space<vmem>>, vector<1x16xf32>,
      %swap3A_650 = vector.shape_cast %swap3A_649 : vector<1x16xf32> to vector<16xf32>
      %swap3A_651 = vector.shape_cast %add3A_646 : vector<16xf32> to vector<1x16xf32>
      tpu.vector_store %arg7[%swap3A_647, %swap3A_648], %swap3A_651 {strides = array<i32>} : memref<32x768xf32, #tpu.memory_space<vmem>>, vector<1x16xf32>,
      %get3A_652 = arith.index_cast %scan3A_55 : i32 to index
      %get3A_653 = arith.constant 736 : index
      %get3A_654 = tpu.vector_load %arg7[%get3A_652, %get3A_653] {strides = array<i32>} : memref<32x768xf32, #tpu.memory_space<vmem>>, vector<1x16xf32>,
      %get3A_655 = vector.shape_cast %get3A_654 : vector<1x16xf32> to vector<16xf32>
      %get3A_656 = arith.constant 736 : index
      %get3A_657 = tpu.vector_load %arg6[%get3A_656] {strides = array<i32>} : memref<768xf32, #tpu.memory_space<vmem>>, vector<16xf32>,
      %get3A_658 = vector.shape_cast %get3A_657 : vector<16xf32> to vector<16xf32>
      %add3A_659 = arith.addf %get3A_655, %get3A_658 : vector<16xf32>
      %swap3A_660 = arith.index_cast %scan3A_55 : i32 to index
      %swap3A_661 = arith.constant 736 : index
      %swap3A_662 = tpu.vector_load %arg7[%swap3A_660, %swap3A_661] {strides = array<i32>} : memref<32x768xf32, #tpu.memory_space<vmem>>, vector<1x16xf32>,
      %swap3A_663 = vector.shape_cast %swap3A_662 : vector<1x16xf32> to vector<16xf32>
      %swap3A_664 = vector.shape_cast %add3A_659 : vector<16xf32> to vector<1x16xf32>
      tpu.vector_store %arg7[%swap3A_660, %swap3A_661], %swap3A_664 {strides = array<i32>} : memref<32x768xf32, #tpu.memory_space<vmem>>, vector<1x16xf32>,
      %get3A_665 = arith.index_cast %scan3A_55 : i32 to index
      %get3A_666 = arith.constant 752 : index
      %get3A_667 = tpu.vector_load %arg7[%get3A_665, %get3A_666] {strides = array<i32>} : memref<32x768xf32, #tpu.memory_space<vmem>>, vector<1x16xf32>,
      %get3A_668 = vector.shape_cast %get3A_667 : vector<1x16xf32> to vector<16xf32>
      %get3A_669 = arith.constant 752 : index
      %get3A_670 = tpu.vector_load %arg6[%get3A_669] {strides = array<i32>} : memref<768xf32, #tpu.memory_space<vmem>>, vector<16xf32>,
      %get3A_671 = vector.shape_cast %get3A_670 : vector<16xf32> to vector<16xf32>
      %add3A_672 = arith.addf %get3A_668, %get3A_671 : vector<16xf32>
      %swap3A_673 = arith.index_cast %scan3A_55 : i32 to index
      %swap3A_674 = arith.constant 752 : index
      %swap3A_675 = tpu.vector_load %arg7[%swap3A_673, %swap3A_674] {strides = array<i32>} : memref<32x768xf32, #tpu.memory_space<vmem>>, vector<1x16xf32>,
      %swap3A_676 = vector.shape_cast %swap3A_675 : vector<1x16xf32> to vector<16xf32>
      %swap3A_677 = vector.shape_cast %add3A_672 : vector<16xf32> to vector<1x16xf32>
      tpu.vector_store %arg7[%swap3A_673, %swap3A_674], %swap3A_677 {strides = array<i32>} : memref<32x768xf32, #tpu.memory_space<vmem>>, vector<1x16xf32>,
    }
    %scan3A_40 = arith.constant 32 : i32
    %scan3A_41 = arith.constant 0 : i32
    %scan3A_42 = arith.constant 0 : i32
    %scan3A_43 = arith.constant 16 : i32
    %scan3A_44 = arith.addi %scan3A_42, %scan3A_43 : i32
    %scan3A_45 = arith.constant 1 : i32
    scf.for %scan3A_55 = %scan3A_42 to %scan3A_44 step %scan3A_45  : i32 {
      %mul3A_56 = arith.constant 4 : i32
      %mul3A_57 = arith.muli %scan3A_55, %mul3A_56 : i32
      %add3A_58 = arith.constant 0 : i32
      %add3A_59 = arith.addi %mul3A_57, %add3A_58 : i32
      %dma_wait3A_60 = arith.constant 0 : i32
      %dma_wait3A_61 = arith.constant 0 : i32
      %dma_wait3A_62 = tpu.memref_slice %arg2[%add3A_59, %add3A, %dma_wait3A_60, %dma_wait3A_61] : memref<64x32x32x768xf32, #tpu.memory_space<hbm>> -> memref<1x1x32x768xf32, #tpu.memory_space<hbm>>
      %dma_wait3A_63 = tpu.memref_squeeze %dma_wait3A_62 : memref<1x1x32x768xf32, #tpu.memory_space<hbm>> -> memref<32x768xf32, #tpu.memory_space<hbm>>
      %dma_wait3A_64 = arith.constant 0 : i32
      %dma_wait3A_65 = arith.constant 0 : i32
      %dma_wait3A_66 = tpu.memref_slice %arg2[%add3A_59, %add3A, %dma_wait3A_64, %dma_wait3A_65] : memref<64x32x32x768xf32, #tpu.memory_space<hbm>> -> memref<1x1x32x768xf32, #tpu.memory_space<hbm>>
      %dma_wait3A_67 = tpu.memref_squeeze %dma_wait3A_66 : memref<1x1x32x768xf32, #tpu.memory_space<hbm>> -> memref<32x768xf32, #tpu.memory_space<hbm>>
      tpu.wait_dma2 semaphore(%arg12 : memref<!tpu.dma_semaphore, #tpu.memory_space<semaphore_mem>>) src(%dma_wait3A_67 : memref<32x768xf32, #tpu.memory_space<hbm>>) dst(%arg8 : memref<32x768xf32, #tpu.memory_space<vmem>>)
      %scan3A_68 = arith.constant 0 : i32
      %scan3A_69 = arith.constant 0 : i32
      %scan3A_70 = arith.constant 32 : i32
      %scan3A_71 = arith.addi %scan3A_69, %scan3A_70 : i32
      %scan3A_72 = arith.constant 1 : i32
      scf.for %scan3A_222 = %scan3A_69 to %scan3A_71 step %scan3A_72  : i32 {
        %get3A = arith.index_cast %scan3A_222 : i32 to index
        %get3A_223 = arith.constant 0 : index
        %get3A_224 = tpu.vector_load %arg8[%get3A, %get3A_223] {strides = array<i32>} : memref<32x768xf32, #tpu.memory_space<vmem>>, vector<1x16xf32>,
        %get3A_225 = vector.shape_cast %get3A_224 : vector<1x16xf32> to vector<16xf32>
        %get3A_226 = arith.index_cast %scan3A_222 : i32 to index
        %get3A_227 = arith.constant 0 : index
        %get3A_228 = tpu.vector_load %arg7[%get3A_226, %get3A_227] {strides = array<i32>} : memref<32x768xf32, #tpu.memory_space<vmem>>, vector<1x16xf32>,
        %get3A_229 = vector.shape_cast %get3A_228 : vector<1x16xf32> to vector<16xf32>
        %add3A_230 = arith.addf %get3A_225, %get3A_229 : vector<16xf32>
        %swap3A = arith.index_cast %scan3A_222 : i32 to index
        %swap3A_231 = arith.constant 0 : index
        %swap3A_232 = tpu.vector_load %arg8[%swap3A, %swap3A_231] {strides = array<i32>} : memref<32x768xf32, #tpu.memory_space<vmem>>, vector<1x16xf32>,
        %swap3A_233 = vector.shape_cast %swap3A_232 : vector<1x16xf32> to vector<16xf32>
        %swap3A_234 = vector.shape_cast %add3A_230 : vector<16xf32> to vector<1x16xf32>
        tpu.vector_store %arg8[%swap3A, %swap3A_231], %swap3A_234 {strides = array<i32>} : memref<32x768xf32, #tpu.memory_space<vmem>>, vector<1x16xf32>,
        %get3A_235 = arith.index_cast %scan3A_222 : i32 to index
        %get3A_236 = arith.constant 16 : index
        %get3A_237 = tpu.vector_load %arg8[%get3A_235, %get3A_236] {strides = array<i32>} : memref<32x768xf32, #tpu.memory_space<vmem>>, vector<1x16xf32>,
        %get3A_238 = vector.shape_cast %get3A_237 : vector<1x16xf32> to vector<16xf32>
        %get3A_239 = arith.index_cast %scan3A_222 : i32 to index
        %get3A_240 = arith.constant 16 : index
        %get3A_241 = tpu.vector_load %arg7[%get3A_239, %get3A_240] {strides = array<i32>} : memref<32x768xf32, #tpu.memory_space<vmem>>, vector<1x16xf32>,
        %get3A_242 = vector.shape_cast %get3A_241 : vector<1x16xf32> to vector<16xf32>
        %add3A_243 = arith.addf %get3A_238, %get3A_242 : vector<16xf32>
        %swap3A_244 = arith.index_cast %scan3A_222 : i32 to index
        %swap3A_245 = arith.constant 16 : index
        %swap3A_246 = tpu.vector_load %arg8[%swap3A_244, %swap3A_245] {strides = array<i32>} : memref<32x768xf32, #tpu.memory_space<vmem>>, vector<1x16xf32>,
        %swap3A_247 = vector.shape_cast %swap3A_246 : vector<1x16xf32> to vector<16xf32>
        %swap3A_248 = vector.shape_cast %add3A_243 : vector<16xf32> to vector<1x16xf32>
        tpu.vector_store %arg8[%swap3A_244, %swap3A_245], %swap3A_248 {strides = array<i32>} : memref<32x768xf32, #tpu.memory_space<vmem>>, vector<1x16xf32>,
        %get3A_249 = arith.index_cast %scan3A_222 : i32 to index
        %get3A_250 = arith.constant 32 : index
        %get3A_251 = tpu.vector_load %arg8[%get3A_249, %get3A_250] {strides = array<i32>} : memref<32x768xf32, #tpu.memory_space<vmem>>, vector<1x16xf32>,
        %get3A_252 = vector.shape_cast %get3A_251 : vector<1x16xf32> to vector<16xf32>
        %get3A_253 = arith.index_cast %scan3A_222 : i32 to index
        %get3A_254 = arith.constant 32 : index
        %get3A_255 = tpu.vector_load %arg7[%get3A_253, %get3A_254] {strides = array<i32>} : memref<32x768xf32, #tpu.memory_space<vmem>>, vector<1x16xf32>,
        %get3A_256 = vector.shape_cast %get3A_255 : vector<1x16xf32> to vector<16xf32>
        %add3A_257 = arith.addf %get3A_252, %get3A_256 : vector<16xf32>
        %swap3A_258 = arith.index_cast %scan3A_222 : i32 to index
        %swap3A_259 = arith.constant 32 : index
        %swap3A_260 = tpu.vector_load %arg8[%swap3A_258, %swap3A_259] {strides = array<i32>} : memref<32x768xf32, #tpu.memory_space<vmem>>, vector<1x16xf32>,
        %swap3A_261 = vector.shape_cast %swap3A_260 : vector<1x16xf32> to vector<16xf32>
        %swap3A_262 = vector.shape_cast %add3A_257 : vector<16xf32> to vector<1x16xf32>
        tpu.vector_store %arg8[%swap3A_258, %swap3A_259], %swap3A_262 {strides = array<i32>} : memref<32x768xf32, #tpu.memory_space<vmem>>, vector<1x16xf32>,
        %get3A_263 = arith.index_cast %scan3A_222 : i32 to index
        %get3A_264 = arith.constant 48 : index
        %get3A_265 = tpu.vector_load %arg8[%get3A_263, %get3A_264] {strides = array<i32>} : memref<32x768xf32, #tpu.memory_space<vmem>>, vector<1x16xf32>,
        %get3A_266 = vector.shape_cast %get3A_265 : vector<1x16xf32> to vector<16xf32>
        %get3A_267 = arith.index_cast %scan3A_222 : i32 to index
        %get3A_268 = arith.constant 48 : index
        %get3A_269 = tpu.vector_load %arg7[%get3A_267, %get3A_268] {strides = array<i32>} : memref<32x768xf32, #tpu.memory_space<vmem>>, vector<1x16xf32>,
        %get3A_270 = vector.shape_cast %get3A_269 : vector<1x16xf32> to vector<16xf32>
        %add3A_271 = arith.addf %get3A_266, %get3A_270 : vector<16xf32>
        %swap3A_272 = arith.index_cast %scan3A_222 : i32 to index
        %swap3A_273 = arith.constant 48 : index
        %swap3A_274 = tpu.vector_load %arg8[%swap3A_272, %swap3A_273] {strides = array<i32>} : memref<32x768xf32, #tpu.memory_space<vmem>>, vector<1x16xf32>,
        %swap3A_275 = vector.shape_cast %swap3A_274 : vector<1x16xf32> to vector<16xf32>
        %swap3A_276 = vector.shape_cast %add3A_271 : vector<16xf32> to vector<1x16xf32>
        tpu.vector_store %arg8[%swap3A_272, %swap3A_273], %swap3A_276 {strides = array<i32>} : memref<32x768xf32, #tpu.memory_space<vmem>>, vector<1x16xf32>,
        %get3A_277 = arith.index_cast %scan3A_222 : i32 to index
        %get3A_278 = arith.constant 64 : index
        %get3A_279 = tpu.vector_load %arg8[%get3A_277, %get3A_278] {strides = array<i32>} : memref<32x768xf32, #tpu.memory_space<vmem>>, vector<1x16xf32>,
        %get3A_280 = vector.shape_cast %get3A_279 : vector<1x16xf32> to vector<16xf32>
        %get3A_281 = arith.index_cast %scan3A_222 : i32 to index
        %get3A_282 = arith.constant 64 : index
        %get3A_283 = tpu.vector_load %arg7[%get3A_281, %get3A_282] {strides = array<i32>} : memref<32x768xf32, #tpu.memory_space<vmem>>, vector<1x16xf32>,
        %get3A_284 = vector.shape_cast %get3A_283 : vector<1x16xf32> to vector<16xf32>
        %add3A_285 = arith.addf %get3A_280, %get3A_284 : vector<16xf32>
        %swap3A_286 = arith.index_cast %scan3A_222 : i32 to index
        %swap3A_287 = arith.constant 64 : index
        %swap3A_288 = tpu.vector_load %arg8[%swap3A_286, %swap3A_287] {strides = array<i32>} : memref<32x768xf32, #tpu.memory_space<vmem>>, vector<1x16xf32>,
        %swap3A_289 = vector.shape_cast %swap3A_288 : vector<1x16xf32> to vector<16xf32>
        %swap3A_290 = vector.shape_cast %add3A_285 : vector<16xf32> to vector<1x16xf32>
        tpu.vector_store %arg8[%swap3A_286, %swap3A_287], %swap3A_290 {strides = array<i32>} : memref<32x768xf32, #tpu.memory_space<vmem>>, vector<1x16xf32>,
        %get3A_291 = arith.index_cast %scan3A_222 : i32 to index
        %get3A_292 = arith.constant 80 : index
        %get3A_293 = tpu.vector_load %arg8[%get3A_291, %get3A_292] {strides = array<i32>} : memref<32x768xf32, #tpu.memory_space<vmem>>, vector<1x16xf32>,
        %get3A_294 = vector.shape_cast %get3A_293 : vector<1x16xf32> to vector<16xf32>
        %get3A_295 = arith.index_cast %scan3A_222 : i32 to index
        %get3A_296 = arith.constant 80 : index
        %get3A_297 = tpu.vector_load %arg7[%get3A_295, %get3A_296] {strides = array<i32>} : memref<32x768xf32, #tpu.memory_space<vmem>>, vector<1x16xf32>,
        %get3A_298 = vector.shape_cast %get3A_297 : vector<1x16xf32> to vector<16xf32>
        %add3A_299 = arith.addf %get3A_294, %get3A_298 : vector<16xf32>
        %swap3A_300 = arith.index_cast %scan3A_222 : i32 to index
        %swap3A_301 = arith.constant 80 : index
        %swap3A_302 = tpu.vector_load %arg8[%swap3A_300, %swap3A_301] {strides = array<i32>} : memref<32x768xf32, #tpu.memory_space<vmem>>, vector<1x16xf32>,
        %swap3A_303 = vector.shape_cast %swap3A_302 : vector<1x16xf32> to vector<16xf32>
        %swap3A_304 = vector.shape_cast %add3A_299 : vector<16xf32> to vector<1x16xf32>
        tpu.vector_store %arg8[%swap3A_300, %swap3A_301], %swap3A_304 {strides = array<i32>} : memref<32x768xf32, #tpu.memory_space<vmem>>, vector<1x16xf32>,
        %get3A_305 = arith.index_cast %scan3A_222 : i32 to index
        %get3A_306 = arith.constant 96 : index
        %get3A_307 = tpu.vector_load %arg8[%get3A_305, %get3A_306] {strides = array<i32>} : memref<32x768xf32, #tpu.memory_space<vmem>>, vector<1x16xf32>,
        %get3A_308 = vector.shape_cast %get3A_307 : vector<1x16xf32> to vector<16xf32>
        %get3A_309 = arith.index_cast %scan3A_222 : i32 to index
        %get3A_310 = arith.constant 96 : index
        %get3A_311 = tpu.vector_load %arg7[%get3A_309, %get3A_310] {strides = array<i32>} : memref<32x768xf32, #tpu.memory_space<vmem>>, vector<1x16xf32>,
        %get3A_312 = vector.shape_cast %get3A_311 : vector<1x16xf32> to vector<16xf32>
        %add3A_313 = arith.addf %get3A_308, %get3A_312 : vector<16xf32>
        %swap3A_314 = arith.index_cast %scan3A_222 : i32 to index
        %swap3A_315 = arith.constant 96 : index
        %swap3A_316 = tpu.vector_load %arg8[%swap3A_314, %swap3A_315] {strides = array<i32>} : memref<32x768xf32, #tpu.memory_space<vmem>>, vector<1x16xf32>,
        %swap3A_317 = vector.shape_cast %swap3A_316 : vector<1x16xf32> to vector<16xf32>
        %swap3A_318 = vector.shape_cast %add3A_313 : vector<16xf32> to vector<1x16xf32>
        tpu.vector_store %arg8[%swap3A_314, %swap3A_315], %swap3A_318 {strides = array<i32>} : memref<32x768xf32, #tpu.memory_space<vmem>>, vector<1x16xf32>,
        %get3A_319 = arith.index_cast %scan3A_222 : i32 to index
        %get3A_320 = arith.constant 112 : index
        %get3A_321 = tpu.vector_load %arg8[%get3A_319, %get3A_320] {strides = array<i32>} : memref<32x768xf32, #tpu.memory_space<vmem>>, vector<1x16xf32>,
        %get3A_322 = vector.shape_cast %get3A_321 : vector<1x16xf32> to vector<16xf32>
        %get3A_323 = arith.index_cast %scan3A_222 : i32 to index
        %get3A_324 = arith.constant 112 : index
        %get3A_325 = tpu.vector_load %arg7[%get3A_323, %get3A_324] {strides = array<i32>} : memref<32x768xf32, #tpu.memory_space<vmem>>, vector<1x16xf32>,
        %get3A_326 = vector.shape_cast %get3A_325 : vector<1x16xf32> to vector<16xf32>
        %add3A_327 = arith.addf %get3A_322, %get3A_326 : vector<16xf32>
        %swap3A_328 = arith.index_cast %scan3A_222 : i32 to index
        %swap3A_329 = arith.constant 112 : index
        %swap3A_330 = tpu.vector_load %arg8[%swap3A_328, %swap3A_329] {strides = array<i32>} : memref<32x768xf32, #tpu.memory_space<vmem>>, vector<1x16xf32>,
        %swap3A_331 = vector.shape_cast %swap3A_330 : vector<1x16xf32> to vector<16xf32>
        %swap3A_332 = vector.shape_cast %add3A_327 : vector<16xf32> to vector<1x16xf32>
        tpu.vector_store %arg8[%swap3A_328, %swap3A_329], %swap3A_332 {strides = array<i32>} : memref<32x768xf32, #tpu.memory_space<vmem>>, vector<1x16xf32>,
        %get3A_333 = arith.index_cast %scan3A_222 : i32 to index
        %get3A_334 = arith.constant 128 : index
        %get3A_335 = tpu.vector_load %arg8[%get3A_333, %get3A_334] {strides = array<i32>} : memref<32x768xf32, #tpu.memory_space<vmem>>, vector<1x16xf32>,
        %get3A_336 = vector.shape_cast %get3A_335 : vector<1x16xf32> to vector<16xf32>
        %get3A_337 = arith.index_cast %scan3A_222 : i32 to index
        %get3A_338 = arith.constant 128 : index
        %get3A_339 = tpu.vector_load %arg7[%get3A_337, %get3A_338] {strides = array<i32>} : memref<32x768xf32, #tpu.memory_space<vmem>>, vector<1x16xf32>,
        %get3A_340 = vector.shape_cast %get3A_339 : vector<1x16xf32> to vector<16xf32>
        %add3A_341 = arith.addf %get3A_336, %get3A_340 : vector<16xf32>
        %swap3A_342 = arith.index_cast %scan3A_222 : i32 to index
        %swap3A_343 = arith.constant 128 : index
        %swap3A_344 = tpu.vector_load %arg8[%swap3A_342, %swap3A_343] {strides = array<i32>} : memref<32x768xf32, #tpu.memory_space<vmem>>, vector<1x16xf32>,
        %swap3A_345 = vector.shape_cast %swap3A_344 : vector<1x16xf32> to vector<16xf32>
        %swap3A_346 = vector.shape_cast %add3A_341 : vector<16xf32> to vector<1x16xf32>
        tpu.vector_store %arg8[%swap3A_342, %swap3A_343], %swap3A_346 {strides = array<i32>} : memref<32x768xf32, #tpu.memory_space<vmem>>, vector<1x16xf32>,
        %get3A_347 = arith.index_cast %scan3A_222 : i32 to index
        %get3A_348 = arith.constant 144 : index
        %get3A_349 = tpu.vector_load %arg8[%get3A_347, %get3A_348] {strides = array<i32>} : memref<32x768xf32, #tpu.memory_space<vmem>>, vector<1x16xf32>,
        %get3A_350 = vector.shape_cast %get3A_349 : vector<1x16xf32> to vector<16xf32>
        %get3A_351 = arith.index_cast %scan3A_222 : i32 to index
        %get3A_352 = arith.constant 144 : index
        %get3A_353 = tpu.vector_load %arg7[%get3A_351, %get3A_352] {strides = array<i32>} : memref<32x768xf32, #tpu.memory_space<vmem>>, vector<1x16xf32>,
        %get3A_354 = vector.shape_cast %get3A_353 : vector<1x16xf32> to vector<16xf32>
        %add3A_355 = arith.addf %get3A_350, %get3A_354 : vector<16xf32>
        %swap3A_356 = arith.index_cast %scan3A_222 : i32 to index
        %swap3A_357 = arith.constant 144 : index
        %swap3A_358 = tpu.vector_load %arg8[%swap3A_356, %swap3A_357] {strides = array<i32>} : memref<32x768xf32, #tpu.memory_space<vmem>>, vector<1x16xf32>,
        %swap3A_359 = vector.shape_cast %swap3A_358 : vector<1x16xf32> to vector<16xf32>
        %swap3A_360 = vector.shape_cast %add3A_355 : vector<16xf32> to vector<1x16xf32>
        tpu.vector_store %arg8[%swap3A_356, %swap3A_357], %swap3A_360 {strides = array<i32>} : memref<32x768xf32, #tpu.memory_space<vmem>>, vector<1x16xf32>,
        %get3A_361 = arith.index_cast %scan3A_222 : i32 to index
        %get3A_362 = arith.constant 160 : index
        %get3A_363 = tpu.vector_load %arg8[%get3A_361, %get3A_362] {strides = array<i32>} : memref<32x768xf32, #tpu.memory_space<vmem>>, vector<1x16xf32>,
        %get3A_364 = vector.shape_cast %get3A_363 : vector<1x16xf32> to vector<16xf32>
        %get3A_365 = arith.index_cast %scan3A_222 : i32 to index
        %get3A_366 = arith.constant 160 : index
        %get3A_367 = tpu.vector_load %arg7[%get3A_365, %get3A_366] {strides = array<i32>} : memref<32x768xf32, #tpu.memory_space<vmem>>, vector<1x16xf32>,
        %get3A_368 = vector.shape_cast %get3A_367 : vector<1x16xf32> to vector<16xf32>
        %add3A_369 = arith.addf %get3A_364, %get3A_368 : vector<16xf32>
        %swap3A_370 = arith.index_cast %scan3A_222 : i32 to index
        %swap3A_371 = arith.constant 160 : index
        %swap3A_372 = tpu.vector_load %arg8[%swap3A_370, %swap3A_371] {strides = array<i32>} : memref<32x768xf32, #tpu.memory_space<vmem>>, vector<1x16xf32>,
        %swap3A_373 = vector.shape_cast %swap3A_372 : vector<1x16xf32> to vector<16xf32>
        %swap3A_374 = vector.shape_cast %add3A_369 : vector<16xf32> to vector<1x16xf32>
        tpu.vector_store %arg8[%swap3A_370, %swap3A_371], %swap3A_374 {strides = array<i32>} : memref<32x768xf32, #tpu.memory_space<vmem>>, vector<1x16xf32>,
        %get3A_375 = arith.index_cast %scan3A_222 : i32 to index
        %get3A_376 = arith.constant 176 : index
        %get3A_377 = tpu.vector_load %arg8[%get3A_375, %get3A_376] {strides = array<i32>} : memref<32x768xf32, #tpu.memory_space<vmem>>, vector<1x16xf32>,
        %get3A_378 = vector.shape_cast %get3A_377 : vector<1x16xf32> to vector<16xf32>
        %get3A_379 = arith.index_cast %scan3A_222 : i32 to index
        %get3A_380 = arith.constant 176 : index
        %get3A_381 = tpu.vector_load %arg7[%get3A_379, %get3A_380] {strides = array<i32>} : memref<32x768xf32, #tpu.memory_space<vmem>>, vector<1x16xf32>,
        %get3A_382 = vector.shape_cast %get3A_381 : vector<1x16xf32> to vector<16xf32>
        %add3A_383 = arith.addf %get3A_378, %get3A_382 : vector<16xf32>
        %swap3A_384 = arith.index_cast %scan3A_222 : i32 to index
        %swap3A_385 = arith.constant 176 : index
        %swap3A_386 = tpu.vector_load %arg8[%swap3A_384, %swap3A_385] {strides = array<i32>} : memref<32x768xf32, #tpu.memory_space<vmem>>, vector<1x16xf32>,
        %swap3A_387 = vector.shape_cast %swap3A_386 : vector<1x16xf32> to vector<16xf32>
        %swap3A_388 = vector.shape_cast %add3A_383 : vector<16xf32> to vector<1x16xf32>
        tpu.vector_store %arg8[%swap3A_384, %swap3A_385], %swap3A_388 {strides = array<i32>} : memref<32x768xf32, #tpu.memory_space<vmem>>, vector<1x16xf32>,
        %get3A_389 = arith.index_cast %scan3A_222 : i32 to index
        %get3A_390 = arith.constant 192 : index
        %get3A_391 = tpu.vector_load %arg8[%get3A_389, %get3A_390] {strides = array<i32>} : memref<32x768xf32, #tpu.memory_space<vmem>>, vector<1x16xf32>,
        %get3A_392 = vector.shape_cast %get3A_391 : vector<1x16xf32> to vector<16xf32>
        %get3A_393 = arith.index_cast %scan3A_222 : i32 to index
        %get3A_394 = arith.constant 192 : index
        %get3A_395 = tpu.vector_load %arg7[%get3A_393, %get3A_394] {strides = array<i32>} : memref<32x768xf32, #tpu.memory_space<vmem>>, vector<1x16xf32>,
        %get3A_396 = vector.shape_cast %get3A_395 : vector<1x16xf32> to vector<16xf32>
        %add3A_397 = arith.addf %get3A_392, %get3A_396 : vector<16xf32>
        %swap3A_398 = arith.index_cast %scan3A_222 : i32 to index
        %swap3A_399 = arith.constant 192 : index
        %swap3A_400 = tpu.vector_load %arg8[%swap3A_398, %swap3A_399] {strides = array<i32>} : memref<32x768xf32, #tpu.memory_space<vmem>>, vector<1x16xf32>,
        %swap3A_401 = vector.shape_cast %swap3A_400 : vector<1x16xf32> to vector<16xf32>
        %swap3A_402 = vector.shape_cast %add3A_397 : vector<16xf32> to vector<1x16xf32>
        tpu.vector_store %arg8[%swap3A_398, %swap3A_399], %swap3A_402 {strides = array<i32>} : memref<32x768xf32, #tpu.memory_space<vmem>>, vector<1x16xf32>,
        %get3A_403 = arith.index_cast %scan3A_222 : i32 to index
        %get3A_404 = arith.constant 208 : index
        %get3A_405 = tpu.vector_load %arg8[%get3A_403, %get3A_404] {strides = array<i32>} : memref<32x768xf32, #tpu.memory_space<vmem>>, vector<1x16xf32>,
        %get3A_406 = vector.shape_cast %get3A_405 : vector<1x16xf32> to vector<16xf32>
        %get3A_407 = arith.index_cast %scan3A_222 : i32 to index
        %get3A_408 = arith.constant 208 : index
        %get3A_409 = tpu.vector_load %arg7[%get3A_407, %get3A_408] {strides = array<i32>} : memref<32x768xf32, #tpu.memory_space<vmem>>, vector<1x16xf32>,
        %get3A_410 = vector.shape_cast %get3A_409 : vector<1x16xf32> to vector<16xf32>
        %add3A_411 = arith.addf %get3A_406, %get3A_410 : vector<16xf32>
        %swap3A_412 = arith.index_cast %scan3A_222 : i32 to index
        %swap3A_413 = arith.constant 208 : index
        %swap3A_414 = tpu.vector_load %arg8[%swap3A_412, %swap3A_413] {strides = array<i32>} : memref<32x768xf32, #tpu.memory_space<vmem>>, vector<1x16xf32>,
        %swap3A_415 = vector.shape_cast %swap3A_414 : vector<1x16xf32> to vector<16xf32>
        %swap3A_416 = vector.shape_cast %add3A_411 : vector<16xf32> to vector<1x16xf32>
        tpu.vector_store %arg8[%swap3A_412, %swap3A_413], %swap3A_416 {strides = array<i32>} : memref<32x768xf32, #tpu.memory_space<vmem>>, vector<1x16xf32>,
        %get3A_417 = arith.index_cast %scan3A_222 : i32 to index
        %get3A_418 = arith.constant 224 : index
        %get3A_419 = tpu.vector_load %arg8[%get3A_417, %get3A_418] {strides = array<i32>} : memref<32x768xf32, #tpu.memory_space<vmem>>, vector<1x16xf32>,
        %get3A_420 = vector.shape_cast %get3A_419 : vector<1x16xf32> to vector<16xf32>
        %get3A_421 = arith.index_cast %scan3A_222 : i32 to index
        %get3A_422 = arith.constant 224 : index
        %get3A_423 = tpu.vector_load %arg7[%get3A_421, %get3A_422] {strides = array<i32>} : memref<32x768xf32, #tpu.memory_space<vmem>>, vector<1x16xf32>,
        %get3A_424 = vector.shape_cast %get3A_423 : vector<1x16xf32> to vector<16xf32>
        %add3A_425 = arith.addf %get3A_420, %get3A_424 : vector<16xf32>
        %swap3A_426 = arith.index_cast %scan3A_222 : i32 to index
        %swap3A_427 = arith.constant 224 : index
        %swap3A_428 = tpu.vector_load %arg8[%swap3A_426, %swap3A_427] {strides = array<i32>} : memref<32x768xf32, #tpu.memory_space<vmem>>, vector<1x16xf32>,
        %swap3A_429 = vector.shape_cast %swap3A_428 : vector<1x16xf32> to vector<16xf32>
        %swap3A_430 = vector.shape_cast %add3A_425 : vector<16xf32> to vector<1x16xf32>
        tpu.vector_store %arg8[%swap3A_426, %swap3A_427], %swap3A_430 {strides = array<i32>} : memref<32x768xf32, #tpu.memory_space<vmem>>, vector<1x16xf32>,
        %get3A_431 = arith.index_cast %scan3A_222 : i32 to index
        %get3A_432 = arith.constant 240 : index
        %get3A_433 = tpu.vector_load %arg8[%get3A_431, %get3A_432] {strides = array<i32>} : memref<32x768xf32, #tpu.memory_space<vmem>>, vector<1x16xf32>,
        %get3A_434 = vector.shape_cast %get3A_433 : vector<1x16xf32> to vector<16xf32>
        %get3A_435 = arith.index_cast %scan3A_222 : i32 to index
        %get3A_436 = arith.constant 240 : index
        %get3A_437 = tpu.vector_load %arg7[%get3A_435, %get3A_436] {strides = array<i32>} : memref<32x768xf32, #tpu.memory_space<vmem>>, vector<1x16xf32>,
        %get3A_438 = vector.shape_cast %get3A_437 : vector<1x16xf32> to vector<16xf32>
        %add3A_439 = arith.addf %get3A_434, %get3A_438 : vector<16xf32>
        %swap3A_440 = arith.index_cast %scan3A_222 : i32 to index
        %swap3A_441 = arith.constant 240 : index
        %swap3A_442 = tpu.vector_load %arg8[%swap3A_440, %swap3A_441] {strides = array<i32>} : memref<32x768xf32, #tpu.memory_space<vmem>>, vector<1x16xf32>,
        %swap3A_443 = vector.shape_cast %swap3A_442 : vector<1x16xf32> to vector<16xf32>
        %swap3A_444 = vector.shape_cast %add3A_439 : vector<16xf32> to vector<1x16xf32>
        tpu.vector_store %arg8[%swap3A_440, %swap3A_441], %swap3A_444 {strides = array<i32>} : memref<32x768xf32, #tpu.memory_space<vmem>>, vector<1x16xf32>,
        %get3A_445 = arith.index_cast %scan3A_222 : i32 to index
        %get3A_446 = arith.constant 256 : index
        %get3A_447 = tpu.vector_load %arg8[%get3A_445, %get3A_446] {strides = array<i32>} : memref<32x768xf32, #tpu.memory_space<vmem>>, vector<1x16xf32>,
        %get3A_448 = vector.shape_cast %get3A_447 : vector<1x16xf32> to vector<16xf32>
        %get3A_449 = arith.index_cast %scan3A_222 : i32 to index
        %get3A_450 = arith.constant 256 : index
        %get3A_451 = tpu.vector_load %arg7[%get3A_449, %get3A_450] {strides = array<i32>} : memref<32x768xf32, #tpu.memory_space<vmem>>, vector<1x16xf32>,
        %get3A_452 = vector.shape_cast %get3A_451 : vector<1x16xf32> to vector<16xf32>
        %add3A_453 = arith.addf %get3A_448, %get3A_452 : vector<16xf32>
        %swap3A_454 = arith.index_cast %scan3A_222 : i32 to index
        %swap3A_455 = arith.constant 256 : index
        %swap3A_456 = tpu.vector_load %arg8[%swap3A_454, %swap3A_455] {strides = array<i32>} : memref<32x768xf32, #tpu.memory_space<vmem>>, vector<1x16xf32>,
        %swap3A_457 = vector.shape_cast %swap3A_456 : vector<1x16xf32> to vector<16xf32>
        %swap3A_458 = vector.shape_cast %add3A_453 : vector<16xf32> to vector<1x16xf32>
        tpu.vector_store %arg8[%swap3A_454, %swap3A_455], %swap3A_458 {strides = array<i32>} : memref<32x768xf32, #tpu.memory_space<vmem>>, vector<1x16xf32>,
        %get3A_459 = arith.index_cast %scan3A_222 : i32 to index
        %get3A_460 = arith.constant 272 : index
        %get3A_461 = tpu.vector_load %arg8[%get3A_459, %get3A_460] {strides = array<i32>} : memref<32x768xf32, #tpu.memory_space<vmem>>, vector<1x16xf32>,
        %get3A_462 = vector.shape_cast %get3A_461 : vector<1x16xf32> to vector<16xf32>
        %get3A_463 = arith.index_cast %scan3A_222 : i32 to index
        %get3A_464 = arith.constant 272 : index
        %get3A_465 = tpu.vector_load %arg7[%get3A_463, %get3A_464] {strides = array<i32>} : memref<32x768xf32, #tpu.memory_space<vmem>>, vector<1x16xf32>,
        %get3A_466 = vector.shape_cast %get3A_465 : vector<1x16xf32> to vector<16xf32>
        %add3A_467 = arith.addf %get3A_462, %get3A_466 : vector<16xf32>
        %swap3A_468 = arith.index_cast %scan3A_222 : i32 to index
        %swap3A_469 = arith.constant 272 : index
        %swap3A_470 = tpu.vector_load %arg8[%swap3A_468, %swap3A_469] {strides = array<i32>} : memref<32x768xf32, #tpu.memory_space<vmem>>, vector<1x16xf32>,
        %swap3A_471 = vector.shape_cast %swap3A_470 : vector<1x16xf32> to vector<16xf32>
        %swap3A_472 = vector.shape_cast %add3A_467 : vector<16xf32> to vector<1x16xf32>
        tpu.vector_store %arg8[%swap3A_468, %swap3A_469], %swap3A_472 {strides = array<i32>} : memref<32x768xf32, #tpu.memory_space<vmem>>, vector<1x16xf32>,
        %get3A_473 = arith.index_cast %scan3A_222 : i32 to index
        %get3A_474 = arith.constant 288 : index
        %get3A_475 = tpu.vector_load %arg8[%get3A_473, %get3A_474] {strides = array<i32>} : memref<32x768xf32, #tpu.memory_space<vmem>>, vector<1x16xf32>,
        %get3A_476 = vector.shape_cast %get3A_475 : vector<1x16xf32> to vector<16xf32>
        %get3A_477 = arith.index_cast %scan3A_222 : i32 to index
        %get3A_478 = arith.constant 288 : index
        %get3A_479 = tpu.vector_load %arg7[%get3A_477, %get3A_478] {strides = array<i32>} : memref<32x768xf32, #tpu.memory_space<vmem>>, vector<1x16xf32>,
        %get3A_480 = vector.shape_cast %get3A_479 : vector<1x16xf32> to vector<16xf32>
        %add3A_481 = arith.addf %get3A_476, %get3A_480 : vector<16xf32>
        %swap3A_482 = arith.index_cast %scan3A_222 : i32 to index
        %swap3A_483 = arith.constant 288 : index
        %swap3A_484 = tpu.vector_load %arg8[%swap3A_482, %swap3A_483] {strides = array<i32>} : memref<32x768xf32, #tpu.memory_space<vmem>>, vector<1x16xf32>,
        %swap3A_485 = vector.shape_cast %swap3A_484 : vector<1x16xf32> to vector<16xf32>
        %swap3A_486 = vector.shape_cast %add3A_481 : vector<16xf32> to vector<1x16xf32>
        tpu.vector_store %arg8[%swap3A_482, %swap3A_483], %swap3A_486 {strides = array<i32>} : memref<32x768xf32, #tpu.memory_space<vmem>>, vector<1x16xf32>,
        %get3A_487 = arith.index_cast %scan3A_222 : i32 to index
        %get3A_488 = arith.constant 304 : index
        %get3A_489 = tpu.vector_load %arg8[%get3A_487, %get3A_488] {strides = array<i32>} : memref<32x768xf32, #tpu.memory_space<vmem>>, vector<1x16xf32>,
        %get3A_490 = vector.shape_cast %get3A_489 : vector<1x16xf32> to vector<16xf32>
        %get3A_491 = arith.index_cast %scan3A_222 : i32 to index
        %get3A_492 = arith.constant 304 : index
        %get3A_493 = tpu.vector_load %arg7[%get3A_491, %get3A_492] {strides = array<i32>} : memref<32x768xf32, #tpu.memory_space<vmem>>, vector<1x16xf32>,
        %get3A_494 = vector.shape_cast %get3A_493 : vector<1x16xf32> to vector<16xf32>
        %add3A_495 = arith.addf %get3A_490, %get3A_494 : vector<16xf32>
        %swap3A_496 = arith.index_cast %scan3A_222 : i32 to index
        %swap3A_497 = arith.constant 304 : index
        %swap3A_498 = tpu.vector_load %arg8[%swap3A_496, %swap3A_497] {strides = array<i32>} : memref<32x768xf32, #tpu.memory_space<vmem>>, vector<1x16xf32>,
        %swap3A_499 = vector.shape_cast %swap3A_498 : vector<1x16xf32> to vector<16xf32>
        %swap3A_500 = vector.shape_cast %add3A_495 : vector<16xf32> to vector<1x16xf32>
        tpu.vector_store %arg8[%swap3A_496, %swap3A_497], %swap3A_500 {strides = array<i32>} : memref<32x768xf32, #tpu.memory_space<vmem>>, vector<1x16xf32>,
        %get3A_501 = arith.index_cast %scan3A_222 : i32 to index
        %get3A_502 = arith.constant 320 : index
        %get3A_503 = tpu.vector_load %arg8[%get3A_501, %get3A_502] {strides = array<i32>} : memref<32x768xf32, #tpu.memory_space<vmem>>, vector<1x16xf32>,
        %get3A_504 = vector.shape_cast %get3A_503 : vector<1x16xf32> to vector<16xf32>
        %get3A_505 = arith.index_cast %scan3A_222 : i32 to index
        %get3A_506 = arith.constant 320 : index
        %get3A_507 = tpu.vector_load %arg7[%get3A_505, %get3A_506] {strides = array<i32>} : memref<32x768xf32, #tpu.memory_space<vmem>>, vector<1x16xf32>,
        %get3A_508 = vector.shape_cast %get3A_507 : vector<1x16xf32> to vector<16xf32>
        %add3A_509 = arith.addf %get3A_504, %get3A_508 : vector<16xf32>
        %swap3A_510 = arith.index_cast %scan3A_222 : i32 to index
        %swap3A_511 = arith.constant 320 : index
        %swap3A_512 = tpu.vector_load %arg8[%swap3A_510, %swap3A_511] {strides = array<i32>} : memref<32x768xf32, #tpu.memory_space<vmem>>, vector<1x16xf32>,
        %swap3A_513 = vector.shape_cast %swap3A_512 : vector<1x16xf32> to vector<16xf32>
        %swap3A_514 = vector.shape_cast %add3A_509 : vector<16xf32> to vector<1x16xf32>
        tpu.vector_store %arg8[%swap3A_510, %swap3A_511], %swap3A_514 {strides = array<i32>} : memref<32x768xf32, #tpu.memory_space<vmem>>, vector<1x16xf32>,
        %get3A_515 = arith.index_cast %scan3A_222 : i32 to index
        %get3A_516 = arith.constant 336 : index
        %get3A_517 = tpu.vector_load %arg8[%get3A_515, %get3A_516] {strides = array<i32>} : memref<32x768xf32, #tpu.memory_space<vmem>>, vector<1x16xf32>,
        %get3A_518 = vector.shape_cast %get3A_517 : vector<1x16xf32> to vector<16xf32>
        %get3A_519 = arith.index_cast %scan3A_222 : i32 to index
        %get3A_520 = arith.constant 336 : index
        %get3A_521 = tpu.vector_load %arg7[%get3A_519, %get3A_520] {strides = array<i32>} : memref<32x768xf32, #tpu.memory_space<vmem>>, vector<1x16xf32>,
        %get3A_522 = vector.shape_cast %get3A_521 : vector<1x16xf32> to vector<16xf32>
        %add3A_523 = arith.addf %get3A_518, %get3A_522 : vector<16xf32>
        %swap3A_524 = arith.index_cast %scan3A_222 : i32 to index
        %swap3A_525 = arith.constant 336 : index
        %swap3A_526 = tpu.vector_load %arg8[%swap3A_524, %swap3A_525] {strides = array<i32>} : memref<32x768xf32, #tpu.memory_space<vmem>>, vector<1x16xf32>,
        %swap3A_527 = vector.shape_cast %swap3A_526 : vector<1x16xf32> to vector<16xf32>
        %swap3A_528 = vector.shape_cast %add3A_523 : vector<16xf32> to vector<1x16xf32>
        tpu.vector_store %arg8[%swap3A_524, %swap3A_525], %swap3A_528 {strides = array<i32>} : memref<32x768xf32, #tpu.memory_space<vmem>>, vector<1x16xf32>,
        %get3A_529 = arith.index_cast %scan3A_222 : i32 to index
        %get3A_530 = arith.constant 352 : index
        %get3A_531 = tpu.vector_load %arg8[%get3A_529, %get3A_530] {strides = array<i32>} : memref<32x768xf32, #tpu.memory_space<vmem>>, vector<1x16xf32>,
        %get3A_532 = vector.shape_cast %get3A_531 : vector<1x16xf32> to vector<16xf32>
        %get3A_533 = arith.index_cast %scan3A_222 : i32 to index
        %get3A_534 = arith.constant 352 : index
        %get3A_535 = tpu.vector_load %arg7[%get3A_533, %get3A_534] {strides = array<i32>} : memref<32x768xf32, #tpu.memory_space<vmem>>, vector<1x16xf32>,
        %get3A_536 = vector.shape_cast %get3A_535 : vector<1x16xf32> to vector<16xf32>
        %add3A_537 = arith.addf %get3A_532, %get3A_536 : vector<16xf32>
        %swap3A_538 = arith.index_cast %scan3A_222 : i32 to index
        %swap3A_539 = arith.constant 352 : index
        %swap3A_540 = tpu.vector_load %arg8[%swap3A_538, %swap3A_539] {strides = array<i32>} : memref<32x768xf32, #tpu.memory_space<vmem>>, vector<1x16xf32>,
        %swap3A_541 = vector.shape_cast %swap3A_540 : vector<1x16xf32> to vector<16xf32>
        %swap3A_542 = vector.shape_cast %add3A_537 : vector<16xf32> to vector<1x16xf32>
        tpu.vector_store %arg8[%swap3A_538, %swap3A_539], %swap3A_542 {strides = array<i32>} : memref<32x768xf32, #tpu.memory_space<vmem>>, vector<1x16xf32>,
        %get3A_543 = arith.index_cast %scan3A_222 : i32 to index
        %get3A_544 = arith.constant 368 : index
        %get3A_545 = tpu.vector_load %arg8[%get3A_543, %get3A_544] {strides = array<i32>} : memref<32x768xf32, #tpu.memory_space<vmem>>, vector<1x16xf32>,
        %get3A_546 = vector.shape_cast %get3A_545 : vector<1x16xf32> to vector<16xf32>
        %get3A_547 = arith.index_cast %scan3A_222 : i32 to index
        %get3A_548 = arith.constant 368 : index
        %get3A_549 = tpu.vector_load %arg7[%get3A_547, %get3A_548] {strides = array<i32>} : memref<32x768xf32, #tpu.memory_space<vmem>>, vector<1x16xf32>,
        %get3A_550 = vector.shape_cast %get3A_549 : vector<1x16xf32> to vector<16xf32>
        %add3A_551 = arith.addf %get3A_546, %get3A_550 : vector<16xf32>
        %swap3A_552 = arith.index_cast %scan3A_222 : i32 to index
        %swap3A_553 = arith.constant 368 : index
        %swap3A_554 = tpu.vector_load %arg8[%swap3A_552, %swap3A_553] {strides = array<i32>} : memref<32x768xf32, #tpu.memory_space<vmem>>, vector<1x16xf32>,
        %swap3A_555 = vector.shape_cast %swap3A_554 : vector<1x16xf32> to vector<16xf32>
        %swap3A_556 = vector.shape_cast %add3A_551 : vector<16xf32> to vector<1x16xf32>
        tpu.vector_store %arg8[%swap3A_552, %swap3A_553], %swap3A_556 {strides = array<i32>} : memref<32x768xf32, #tpu.memory_space<vmem>>, vector<1x16xf32>,
        %get3A_557 = arith.index_cast %scan3A_222 : i32 to index
        %get3A_558 = arith.constant 384 : index
        %get3A_559 = tpu.vector_load %arg8[%get3A_557, %get3A_558] {strides = array<i32>} : memref<32x768xf32, #tpu.memory_space<vmem>>, vector<1x16xf32>,
        %get3A_560 = vector.shape_cast %get3A_559 : vector<1x16xf32> to vector<16xf32>
        %get3A_561 = arith.index_cast %scan3A_222 : i32 to index
        %get3A_562 = arith.constant 384 : index
        %get3A_563 = tpu.vector_load %arg7[%get3A_561, %get3A_562] {strides = array<i32>} : memref<32x768xf32, #tpu.memory_space<vmem>>, vector<1x16xf32>,
        %get3A_564 = vector.shape_cast %get3A_563 : vector<1x16xf32> to vector<16xf32>
        %add3A_565 = arith.addf %get3A_560, %get3A_564 : vector<16xf32>
        %swap3A_566 = arith.index_cast %scan3A_222 : i32 to index
        %swap3A_567 = arith.constant 384 : index
        %swap3A_568 = tpu.vector_load %arg8[%swap3A_566, %swap3A_567] {strides = array<i32>} : memref<32x768xf32, #tpu.memory_space<vmem>>, vector<1x16xf32>,
        %swap3A_569 = vector.shape_cast %swap3A_568 : vector<1x16xf32> to vector<16xf32>
        %swap3A_570 = vector.shape_cast %add3A_565 : vector<16xf32> to vector<1x16xf32>
        tpu.vector_store %arg8[%swap3A_566, %swap3A_567], %swap3A_570 {strides = array<i32>} : memref<32x768xf32, #tpu.memory_space<vmem>>, vector<1x16xf32>,
        %get3A_571 = arith.index_cast %scan3A_222 : i32 to index
        %get3A_572 = arith.constant 400 : index
        %get3A_573 = tpu.vector_load %arg8[%get3A_571, %get3A_572] {strides = array<i32>} : memref<32x768xf32, #tpu.memory_space<vmem>>, vector<1x16xf32>,
        %get3A_574 = vector.shape_cast %get3A_573 : vector<1x16xf32> to vector<16xf32>
        %get3A_575 = arith.index_cast %scan3A_222 : i32 to index
        %get3A_576 = arith.constant 400 : index
        %get3A_577 = tpu.vector_load %arg7[%get3A_575, %get3A_576] {strides = array<i32>} : memref<32x768xf32, #tpu.memory_space<vmem>>, vector<1x16xf32>,
        %get3A_578 = vector.shape_cast %get3A_577 : vector<1x16xf32> to vector<16xf32>
        %add3A_579 = arith.addf %get3A_574, %get3A_578 : vector<16xf32>
        %swap3A_580 = arith.index_cast %scan3A_222 : i32 to index
        %swap3A_581 = arith.constant 400 : index
        %swap3A_582 = tpu.vector_load %arg8[%swap3A_580, %swap3A_581] {strides = array<i32>} : memref<32x768xf32, #tpu.memory_space<vmem>>, vector<1x16xf32>,
        %swap3A_583 = vector.shape_cast %swap3A_582 : vector<1x16xf32> to vector<16xf32>
        %swap3A_584 = vector.shape_cast %add3A_579 : vector<16xf32> to vector<1x16xf32>
        tpu.vector_store %arg8[%swap3A_580, %swap3A_581], %swap3A_584 {strides = array<i32>} : memref<32x768xf32, #tpu.memory_space<vmem>>, vector<1x16xf32>,
        %get3A_585 = arith.index_cast %scan3A_222 : i32 to index
        %get3A_586 = arith.constant 416 : index
        %get3A_587 = tpu.vector_load %arg8[%get3A_585, %get3A_586] {strides = array<i32>} : memref<32x768xf32, #tpu.memory_space<vmem>>, vector<1x16xf32>,
        %get3A_588 = vector.shape_cast %get3A_587 : vector<1x16xf32> to vector<16xf32>
        %get3A_589 = arith.index_cast %scan3A_222 : i32 to index
        %get3A_590 = arith.constant 416 : index
        %get3A_591 = tpu.vector_load %arg7[%get3A_589, %get3A_590] {strides = array<i32>} : memref<32x768xf32, #tpu.memory_space<vmem>>, vector<1x16xf32>,
        %get3A_592 = vector.shape_cast %get3A_591 : vector<1x16xf32> to vector<16xf32>
        %add3A_593 = arith.addf %get3A_588, %get3A_592 : vector<16xf32>
        %swap3A_594 = arith.index_cast %scan3A_222 : i32 to index
        %swap3A_595 = arith.constant 416 : index
        %swap3A_596 = tpu.vector_load %arg8[%swap3A_594, %swap3A_595] {strides = array<i32>} : memref<32x768xf32, #tpu.memory_space<vmem>>, vector<1x16xf32>,
        %swap3A_597 = vector.shape_cast %swap3A_596 : vector<1x16xf32> to vector<16xf32>
        %swap3A_598 = vector.shape_cast %add3A_593 : vector<16xf32> to vector<1x16xf32>
        tpu.vector_store %arg8[%swap3A_594, %swap3A_595], %swap3A_598 {strides = array<i32>} : memref<32x768xf32, #tpu.memory_space<vmem>>, vector<1x16xf32>,
        %get3A_599 = arith.index_cast %scan3A_222 : i32 to index
        %get3A_600 = arith.constant 432 : index
        %get3A_601 = tpu.vector_load %arg8[%get3A_599, %get3A_600] {strides = array<i32>} : memref<32x768xf32, #tpu.memory_space<vmem>>, vector<1x16xf32>,
        %get3A_602 = vector.shape_cast %get3A_601 : vector<1x16xf32> to vector<16xf32>
        %get3A_603 = arith.index_cast %scan3A_222 : i32 to index
        %get3A_604 = arith.constant 432 : index
        %get3A_605 = tpu.vector_load %arg7[%get3A_603, %get3A_604] {strides = array<i32>} : memref<32x768xf32, #tpu.memory_space<vmem>>, vector<1x16xf32>,
        %get3A_606 = vector.shape_cast %get3A_605 : vector<1x16xf32> to vector<16xf32>
        %add3A_607 = arith.addf %get3A_602, %get3A_606 : vector<16xf32>
        %swap3A_608 = arith.index_cast %scan3A_222 : i32 to index
        %swap3A_609 = arith.constant 432 : index
        %swap3A_610 = tpu.vector_load %arg8[%swap3A_608, %swap3A_609] {strides = array<i32>} : memref<32x768xf32, #tpu.memory_space<vmem>>, vector<1x16xf32>,
        %swap3A_611 = vector.shape_cast %swap3A_610 : vector<1x16xf32> to vector<16xf32>
        %swap3A_612 = vector.shape_cast %add3A_607 : vector<16xf32> to vector<1x16xf32>
        tpu.vector_store %arg8[%swap3A_608, %swap3A_609], %swap3A_612 {strides = array<i32>} : memref<32x768xf32, #tpu.memory_space<vmem>>, vector<1x16xf32>,
        %get3A_613 = arith.index_cast %scan3A_222 : i32 to index
        %get3A_614 = arith.constant 448 : index
        %get3A_615 = tpu.vector_load %arg8[%get3A_613, %get3A_614] {strides = array<i32>} : memref<32x768xf32, #tpu.memory_space<vmem>>, vector<1x16xf32>,
        %get3A_616 = vector.shape_cast %get3A_615 : vector<1x16xf32> to vector<16xf32>
        %get3A_617 = arith.index_cast %scan3A_222 : i32 to index
        %get3A_618 = arith.constant 448 : index
        %get3A_619 = tpu.vector_load %arg7[%get3A_617, %get3A_618] {strides = array<i32>} : memref<32x768xf32, #tpu.memory_space<vmem>>, vector<1x16xf32>,
        %get3A_620 = vector.shape_cast %get3A_619 : vector<1x16xf32> to vector<16xf32>
        %add3A_621 = arith.addf %get3A_616, %get3A_620 : vector<16xf32>
        %swap3A_622 = arith.index_cast %scan3A_222 : i32 to index
        %swap3A_623 = arith.constant 448 : index
        %swap3A_624 = tpu.vector_load %arg8[%swap3A_622, %swap3A_623] {strides = array<i32>} : memref<32x768xf32, #tpu.memory_space<vmem>>, vector<1x16xf32>,
        %swap3A_625 = vector.shape_cast %swap3A_624 : vector<1x16xf32> to vector<16xf32>
        %swap3A_626 = vector.shape_cast %add3A_621 : vector<16xf32> to vector<1x16xf32>
        tpu.vector_store %arg8[%swap3A_622, %swap3A_623], %swap3A_626 {strides = array<i32>} : memref<32x768xf32, #tpu.memory_space<vmem>>, vector<1x16xf32>,
        %get3A_627 = arith.index_cast %scan3A_222 : i32 to index
        %get3A_628 = arith.constant 464 : index
        %get3A_629 = tpu.vector_load %arg8[%get3A_627, %get3A_628] {strides = array<i32>} : memref<32x768xf32, #tpu.memory_space<vmem>>, vector<1x16xf32>,
        %get3A_630 = vector.shape_cast %get3A_629 : vector<1x16xf32> to vector<16xf32>
        %get3A_631 = arith.index_cast %scan3A_222 : i32 to index
        %get3A_632 = arith.constant 464 : index
        %get3A_633 = tpu.vector_load %arg7[%get3A_631, %get3A_632] {strides = array<i32>} : memref<32x768xf32, #tpu.memory_space<vmem>>, vector<1x16xf32>,
        %get3A_634 = vector.shape_cast %get3A_633 : vector<1x16xf32> to vector<16xf32>
        %add3A_635 = arith.addf %get3A_630, %get3A_634 : vector<16xf32>
        %swap3A_636 = arith.index_cast %scan3A_222 : i32 to index
        %swap3A_637 = arith.constant 464 : index
        %swap3A_638 = tpu.vector_load %arg8[%swap3A_636, %swap3A_637] {strides = array<i32>} : memref<32x768xf32, #tpu.memory_space<vmem>>, vector<1x16xf32>,
        %swap3A_639 = vector.shape_cast %swap3A_638 : vector<1x16xf32> to vector<16xf32>
        %swap3A_640 = vector.shape_cast %add3A_635 : vector<16xf32> to vector<1x16xf32>
        tpu.vector_store %arg8[%swap3A_636, %swap3A_637], %swap3A_640 {strides = array<i32>} : memref<32x768xf32, #tpu.memory_space<vmem>>, vector<1x16xf32>,
        %get3A_641 = arith.index_cast %scan3A_222 : i32 to index
        %get3A_642 = arith.constant 480 : index
        %get3A_643 = tpu.vector_load %arg8[%get3A_641, %get3A_642] {strides = array<i32>} : memref<32x768xf32, #tpu.memory_space<vmem>>, vector<1x16xf32>,
        %get3A_644 = vector.shape_cast %get3A_643 : vector<1x16xf32> to vector<16xf32>
        %get3A_645 = arith.index_cast %scan3A_222 : i32 to index
        %get3A_646 = arith.constant 480 : index
        %get3A_647 = tpu.vector_load %arg7[%get3A_645, %get3A_646] {strides = array<i32>} : memref<32x768xf32, #tpu.memory_space<vmem>>, vector<1x16xf32>,
        %get3A_648 = vector.shape_cast %get3A_647 : vector<1x16xf32> to vector<16xf32>
        %add3A_649 = arith.addf %get3A_644, %get3A_648 : vector<16xf32>
        %swap3A_650 = arith.index_cast %scan3A_222 : i32 to index
        %swap3A_651 = arith.constant 480 : index
        %swap3A_652 = tpu.vector_load %arg8[%swap3A_650, %swap3A_651] {strides = array<i32>} : memref<32x768xf32, #tpu.memory_space<vmem>>, vector<1x16xf32>,
        %swap3A_653 = vector.shape_cast %swap3A_652 : vector<1x16xf32> to vector<16xf32>
        %swap3A_654 = vector.shape_cast %add3A_649 : vector<16xf32> to vector<1x16xf32>
        tpu.vector_store %arg8[%swap3A_650, %swap3A_651], %swap3A_654 {strides = array<i32>} : memref<32x768xf32, #tpu.memory_space<vmem>>, vector<1x16xf32>,
        %get3A_655 = arith.index_cast %scan3A_222 : i32 to index
        %get3A_656 = arith.constant 496 : index
        %get3A_657 = tpu.vector_load %arg8[%get3A_655, %get3A_656] {strides = array<i32>} : memref<32x768xf32, #tpu.memory_space<vmem>>, vector<1x16xf32>,
        %get3A_658 = vector.shape_cast %get3A_657 : vector<1x16xf32> to vector<16xf32>
        %get3A_659 = arith.index_cast %scan3A_222 : i32 to index
        %get3A_660 = arith.constant 496 : index
        %get3A_661 = tpu.vector_load %arg7[%get3A_659, %get3A_660] {strides = array<i32>} : memref<32x768xf32, #tpu.memory_space<vmem>>, vector<1x16xf32>,
        %get3A_662 = vector.shape_cast %get3A_661 : vector<1x16xf32> to vector<16xf32>
        %add3A_663 = arith.addf %get3A_658, %get3A_662 : vector<16xf32>
        %swap3A_664 = arith.index_cast %scan3A_222 : i32 to index
        %swap3A_665 = arith.constant 496 : index
        %swap3A_666 = tpu.vector_load %arg8[%swap3A_664, %swap3A_665] {strides = array<i32>} : memref<32x768xf32, #tpu.memory_space<vmem>>, vector<1x16xf32>,
        %swap3A_667 = vector.shape_cast %swap3A_666 : vector<1x16xf32> to vector<16xf32>
        %swap3A_668 = vector.shape_cast %add3A_663 : vector<16xf32> to vector<1x16xf32>
        tpu.vector_store %arg8[%swap3A_664, %swap3A_665], %swap3A_668 {strides = array<i32>} : memref<32x768xf32, #tpu.memory_space<vmem>>, vector<1x16xf32>,
        %get3A_669 = arith.index_cast %scan3A_222 : i32 to index
        %get3A_670 = arith.constant 512 : index
        %get3A_671 = tpu.vector_load %arg8[%get3A_669, %get3A_670] {strides = array<i32>} : memref<32x768xf32, #tpu.memory_space<vmem>>, vector<1x16xf32>,
        %get3A_672 = vector.shape_cast %get3A_671 : vector<1x16xf32> to vector<16xf32>
        %get3A_673 = arith.index_cast %scan3A_222 : i32 to index
        %get3A_674 = arith.constant 512 : index
        %get3A_675 = tpu.vector_load %arg7[%get3A_673, %get3A_674] {strides = array<i32>} : memref<32x768xf32, #tpu.memory_space<vmem>>, vector<1x16xf32>,
        %get3A_676 = vector.shape_cast %get3A_675 : vector<1x16xf32> to vector<16xf32>
        %add3A_677 = arith.addf %get3A_672, %get3A_676 : vector<16xf32>
        %swap3A_678 = arith.index_cast %scan3A_222 : i32 to index
        %swap3A_679 = arith.constant 512 : index
        %swap3A_680 = tpu.vector_load %arg8[%swap3A_678, %swap3A_679] {strides = array<i32>} : memref<32x768xf32, #tpu.memory_space<vmem>>, vector<1x16xf32>,
        %swap3A_681 = vector.shape_cast %swap3A_680 : vector<1x16xf32> to vector<16xf32>
        %swap3A_682 = vector.shape_cast %add3A_677 : vector<16xf32> to vector<1x16xf32>
        tpu.vector_store %arg8[%swap3A_678, %swap3A_679], %swap3A_682 {strides = array<i32>} : memref<32x768xf32, #tpu.memory_space<vmem>>, vector<1x16xf32>,
        %get3A_683 = arith.index_cast %scan3A_222 : i32 to index
        %get3A_684 = arith.constant 528 : index
        %get3A_685 = tpu.vector_load %arg8[%get3A_683, %get3A_684] {strides = array<i32>} : memref<32x768xf32, #tpu.memory_space<vmem>>, vector<1x16xf32>,
        %get3A_686 = vector.shape_cast %get3A_685 : vector<1x16xf32> to vector<16xf32>
        %get3A_687 = arith.index_cast %scan3A_222 : i32 to index
        %get3A_688 = arith.constant 528 : index
        %get3A_689 = tpu.vector_load %arg7[%get3A_687, %get3A_688] {strides = array<i32>} : memref<32x768xf32, #tpu.memory_space<vmem>>, vector<1x16xf32>,
        %get3A_690 = vector.shape_cast %get3A_689 : vector<1x16xf32> to vector<16xf32>
        %add3A_691 = arith.addf %get3A_686, %get3A_690 : vector<16xf32>
        %swap3A_692 = arith.index_cast %scan3A_222 : i32 to index
        %swap3A_693 = arith.constant 528 : index
        %swap3A_694 = tpu.vector_load %arg8[%swap3A_692, %swap3A_693] {strides = array<i32>} : memref<32x768xf32, #tpu.memory_space<vmem>>, vector<1x16xf32>,
        %swap3A_695 = vector.shape_cast %swap3A_694 : vector<1x16xf32> to vector<16xf32>
        %swap3A_696 = vector.shape_cast %add3A_691 : vector<16xf32> to vector<1x16xf32>
        tpu.vector_store %arg8[%swap3A_692, %swap3A_693], %swap3A_696 {strides = array<i32>} : memref<32x768xf32, #tpu.memory_space<vmem>>, vector<1x16xf32>,
        %get3A_697 = arith.index_cast %scan3A_222 : i32 to index
        %get3A_698 = arith.constant 544 : index
        %get3A_699 = tpu.vector_load %arg8[%get3A_697, %get3A_698] {strides = array<i32>} : memref<32x768xf32, #tpu.memory_space<vmem>>, vector<1x16xf32>,
        %get3A_700 = vector.shape_cast %get3A_699 : vector<1x16xf32> to vector<16xf32>
        %get3A_701 = arith.index_cast %scan3A_222 : i32 to index
        %get3A_702 = arith.constant 544 : index
        %get3A_703 = tpu.vector_load %arg7[%get3A_701, %get3A_702] {strides = array<i32>} : memref<32x768xf32, #tpu.memory_space<vmem>>, vector<1x16xf32>,
        %get3A_704 = vector.shape_cast %get3A_703 : vector<1x16xf32> to vector<16xf32>
        %add3A_705 = arith.addf %get3A_700, %get3A_704 : vector<16xf32>
        %swap3A_706 = arith.index_cast %scan3A_222 : i32 to index
        %swap3A_707 = arith.constant 544 : index
        %swap3A_708 = tpu.vector_load %arg8[%swap3A_706, %swap3A_707] {strides = array<i32>} : memref<32x768xf32, #tpu.memory_space<vmem>>, vector<1x16xf32>,
        %swap3A_709 = vector.shape_cast %swap3A_708 : vector<1x16xf32> to vector<16xf32>
        %swap3A_710 = vector.shape_cast %add3A_705 : vector<16xf32> to vector<1x16xf32>
        tpu.vector_store %arg8[%swap3A_706, %swap3A_707], %swap3A_710 {strides = array<i32>} : memref<32x768xf32, #tpu.memory_space<vmem>>, vector<1x16xf32>,
        %get3A_711 = arith.index_cast %scan3A_222 : i32 to index
        %get3A_712 = arith.constant 560 : index
        %get3A_713 = tpu.vector_load %arg8[%get3A_711, %get3A_712] {strides = array<i32>} : memref<32x768xf32, #tpu.memory_space<vmem>>, vector<1x16xf32>,
        %get3A_714 = vector.shape_cast %get3A_713 : vector<1x16xf32> to vector<16xf32>
        %get3A_715 = arith.index_cast %scan3A_222 : i32 to index
        %get3A_716 = arith.constant 560 : index
        %get3A_717 = tpu.vector_load %arg7[%get3A_715, %get3A_716] {strides = array<i32>} : memref<32x768xf32, #tpu.memory_space<vmem>>, vector<1x16xf32>,
        %get3A_718 = vector.shape_cast %get3A_717 : vector<1x16xf32> to vector<16xf32>
        %add3A_719 = arith.addf %get3A_714, %get3A_718 : vector<16xf32>
        %swap3A_720 = arith.index_cast %scan3A_222 : i32 to index
        %swap3A_721 = arith.constant 560 : index
        %swap3A_722 = tpu.vector_load %arg8[%swap3A_720, %swap3A_721] {strides = array<i32>} : memref<32x768xf32, #tpu.memory_space<vmem>>, vector<1x16xf32>,
        %swap3A_723 = vector.shape_cast %swap3A_722 : vector<1x16xf32> to vector<16xf32>
        %swap3A_724 = vector.shape_cast %add3A_719 : vector<16xf32> to vector<1x16xf32>
        tpu.vector_store %arg8[%swap3A_720, %swap3A_721], %swap3A_724 {strides = array<i32>} : memref<32x768xf32, #tpu.memory_space<vmem>>, vector<1x16xf32>,
        %get3A_725 = arith.index_cast %scan3A_222 : i32 to index
        %get3A_726 = arith.constant 576 : index
        %get3A_727 = tpu.vector_load %arg8[%get3A_725, %get3A_726] {strides = array<i32>} : memref<32x768xf32, #tpu.memory_space<vmem>>, vector<1x16xf32>,
        %get3A_728 = vector.shape_cast %get3A_727 : vector<1x16xf32> to vector<16xf32>
        %get3A_729 = arith.index_cast %scan3A_222 : i32 to index
        %get3A_730 = arith.constant 576 : index
        %get3A_731 = tpu.vector_load %arg7[%get3A_729, %get3A_730] {strides = array<i32>} : memref<32x768xf32, #tpu.memory_space<vmem>>, vector<1x16xf32>,
        %get3A_732 = vector.shape_cast %get3A_731 : vector<1x16xf32> to vector<16xf32>
        %add3A_733 = arith.addf %get3A_728, %get3A_732 : vector<16xf32>
        %swap3A_734 = arith.index_cast %scan3A_222 : i32 to index
        %swap3A_735 = arith.constant 576 : index
        %swap3A_736 = tpu.vector_load %arg8[%swap3A_734, %swap3A_735] {strides = array<i32>} : memref<32x768xf32, #tpu.memory_space<vmem>>, vector<1x16xf32>,
        %swap3A_737 = vector.shape_cast %swap3A_736 : vector<1x16xf32> to vector<16xf32>
        %swap3A_738 = vector.shape_cast %add3A_733 : vector<16xf32> to vector<1x16xf32>
        tpu.vector_store %arg8[%swap3A_734, %swap3A_735], %swap3A_738 {strides = array<i32>} : memref<32x768xf32, #tpu.memory_space<vmem>>, vector<1x16xf32>,
        %get3A_739 = arith.index_cast %scan3A_222 : i32 to index
        %get3A_740 = arith.constant 592 : index
        %get3A_741 = tpu.vector_load %arg8[%get3A_739, %get3A_740] {strides = array<i32>} : memref<32x768xf32, #tpu.memory_space<vmem>>, vector<1x16xf32>,
        %get3A_742 = vector.shape_cast %get3A_741 : vector<1x16xf32> to vector<16xf32>
        %get3A_743 = arith.index_cast %scan3A_222 : i32 to index
        %get3A_744 = arith.constant 592 : index
        %get3A_745 = tpu.vector_load %arg7[%get3A_743, %get3A_744] {strides = array<i32>} : memref<32x768xf32, #tpu.memory_space<vmem>>, vector<1x16xf32>,
        %get3A_746 = vector.shape_cast %get3A_745 : vector<1x16xf32> to vector<16xf32>
        %add3A_747 = arith.addf %get3A_742, %get3A_746 : vector<16xf32>
        %swap3A_748 = arith.index_cast %scan3A_222 : i32 to index
        %swap3A_749 = arith.constant 592 : index
        %swap3A_750 = tpu.vector_load %arg8[%swap3A_748, %swap3A_749] {strides = array<i32>} : memref<32x768xf32, #tpu.memory_space<vmem>>, vector<1x16xf32>,
        %swap3A_751 = vector.shape_cast %swap3A_750 : vector<1x16xf32> to vector<16xf32>
        %swap3A_752 = vector.shape_cast %add3A_747 : vector<16xf32> to vector<1x16xf32>
        tpu.vector_store %arg8[%swap3A_748, %swap3A_749], %swap3A_752 {strides = array<i32>} : memref<32x768xf32, #tpu.memory_space<vmem>>, vector<1x16xf32>,
        %get3A_753 = arith.index_cast %scan3A_222 : i32 to index
        %get3A_754 = arith.constant 608 : index
        %get3A_755 = tpu.vector_load %arg8[%get3A_753, %get3A_754] {strides = array<i32>} : memref<32x768xf32, #tpu.memory_space<vmem>>, vector<1x16xf32>,
        %get3A_756 = vector.shape_cast %get3A_755 : vector<1x16xf32> to vector<16xf32>
        %get3A_757 = arith.index_cast %scan3A_222 : i32 to index
        %get3A_758 = arith.constant 608 : index
        %get3A_759 = tpu.vector_load %arg7[%get3A_757, %get3A_758] {strides = array<i32>} : memref<32x768xf32, #tpu.memory_space<vmem>>, vector<1x16xf32>,
        %get3A_760 = vector.shape_cast %get3A_759 : vector<1x16xf32> to vector<16xf32>
        %add3A_761 = arith.addf %get3A_756, %get3A_760 : vector<16xf32>
        %swap3A_762 = arith.index_cast %scan3A_222 : i32 to index
        %swap3A_763 = arith.constant 608 : index
        %swap3A_764 = tpu.vector_load %arg8[%swap3A_762, %swap3A_763] {strides = array<i32>} : memref<32x768xf32, #tpu.memory_space<vmem>>, vector<1x16xf32>,
        %swap3A_765 = vector.shape_cast %swap3A_764 : vector<1x16xf32> to vector<16xf32>
        %swap3A_766 = vector.shape_cast %add3A_761 : vector<16xf32> to vector<1x16xf32>
        tpu.vector_store %arg8[%swap3A_762, %swap3A_763], %swap3A_766 {strides = array<i32>} : memref<32x768xf32, #tpu.memory_space<vmem>>, vector<1x16xf32>,
        %get3A_767 = arith.index_cast %scan3A_222 : i32 to index
        %get3A_768 = arith.constant 624 : index
        %get3A_769 = tpu.vector_load %arg8[%get3A_767, %get3A_768] {strides = array<i32>} : memref<32x768xf32, #tpu.memory_space<vmem>>, vector<1x16xf32>,
        %get3A_770 = vector.shape_cast %get3A_769 : vector<1x16xf32> to vector<16xf32>
        %get3A_771 = arith.index_cast %scan3A_222 : i32 to index
        %get3A_772 = arith.constant 624 : index
        %get3A_773 = tpu.vector_load %arg7[%get3A_771, %get3A_772] {strides = array<i32>} : memref<32x768xf32, #tpu.memory_space<vmem>>, vector<1x16xf32>,
        %get3A_774 = vector.shape_cast %get3A_773 : vector<1x16xf32> to vector<16xf32>
        %add3A_775 = arith.addf %get3A_770, %get3A_774 : vector<16xf32>
        %swap3A_776 = arith.index_cast %scan3A_222 : i32 to index
        %swap3A_777 = arith.constant 624 : index
        %swap3A_778 = tpu.vector_load %arg8[%swap3A_776, %swap3A_777] {strides = array<i32>} : memref<32x768xf32, #tpu.memory_space<vmem>>, vector<1x16xf32>,
        %swap3A_779 = vector.shape_cast %swap3A_778 : vector<1x16xf32> to vector<16xf32>
        %swap3A_780 = vector.shape_cast %add3A_775 : vector<16xf32> to vector<1x16xf32>
        tpu.vector_store %arg8[%swap3A_776, %swap3A_777], %swap3A_780 {strides = array<i32>} : memref<32x768xf32, #tpu.memory_space<vmem>>, vector<1x16xf32>,
        %get3A_781 = arith.index_cast %scan3A_222 : i32 to index
        %get3A_782 = arith.constant 640 : index
        %get3A_783 = tpu.vector_load %arg8[%get3A_781, %get3A_782] {strides = array<i32>} : memref<32x768xf32, #tpu.memory_space<vmem>>, vector<1x16xf32>,
        %get3A_784 = vector.shape_cast %get3A_783 : vector<1x16xf32> to vector<16xf32>
        %get3A_785 = arith.index_cast %scan3A_222 : i32 to index
        %get3A_786 = arith.constant 640 : index
        %get3A_787 = tpu.vector_load %arg7[%get3A_785, %get3A_786] {strides = array<i32>} : memref<32x768xf32, #tpu.memory_space<vmem>>, vector<1x16xf32>,
        %get3A_788 = vector.shape_cast %get3A_787 : vector<1x16xf32> to vector<16xf32>
        %add3A_789 = arith.addf %get3A_784, %get3A_788 : vector<16xf32>
        %swap3A_790 = arith.index_cast %scan3A_222 : i32 to index
        %swap3A_791 = arith.constant 640 : index
        %swap3A_792 = tpu.vector_load %arg8[%swap3A_790, %swap3A_791] {strides = array<i32>} : memref<32x768xf32, #tpu.memory_space<vmem>>, vector<1x16xf32>,
        %swap3A_793 = vector.shape_cast %swap3A_792 : vector<1x16xf32> to vector<16xf32>
        %swap3A_794 = vector.shape_cast %add3A_789 : vector<16xf32> to vector<1x16xf32>
        tpu.vector_store %arg8[%swap3A_790, %swap3A_791], %swap3A_794 {strides = array<i32>} : memref<32x768xf32, #tpu.memory_space<vmem>>, vector<1x16xf32>,
        %get3A_795 = arith.index_cast %scan3A_222 : i32 to index
        %get3A_796 = arith.constant 656 : index
        %get3A_797 = tpu.vector_load %arg8[%get3A_795, %get3A_796] {strides = array<i32>} : memref<32x768xf32, #tpu.memory_space<vmem>>, vector<1x16xf32>,
        %get3A_798 = vector.shape_cast %get3A_797 : vector<1x16xf32> to vector<16xf32>
        %get3A_799 = arith.index_cast %scan3A_222 : i32 to index
        %get3A_800 = arith.constant 656 : index
        %get3A_801 = tpu.vector_load %arg7[%get3A_799, %get3A_800] {strides = array<i32>} : memref<32x768xf32, #tpu.memory_space<vmem>>, vector<1x16xf32>,
        %get3A_802 = vector.shape_cast %get3A_801 : vector<1x16xf32> to vector<16xf32>
        %add3A_803 = arith.addf %get3A_798, %get3A_802 : vector<16xf32>
        %swap3A_804 = arith.index_cast %scan3A_222 : i32 to index
        %swap3A_805 = arith.constant 656 : index
        %swap3A_806 = tpu.vector_load %arg8[%swap3A_804, %swap3A_805] {strides = array<i32>} : memref<32x768xf32, #tpu.memory_space<vmem>>, vector<1x16xf32>,
        %swap3A_807 = vector.shape_cast %swap3A_806 : vector<1x16xf32> to vector<16xf32>
        %swap3A_808 = vector.shape_cast %add3A_803 : vector<16xf32> to vector<1x16xf32>
        tpu.vector_store %arg8[%swap3A_804, %swap3A_805], %swap3A_808 {strides = array<i32>} : memref<32x768xf32, #tpu.memory_space<vmem>>, vector<1x16xf32>,
        %get3A_809 = arith.index_cast %scan3A_222 : i32 to index
        %get3A_810 = arith.constant 672 : index
        %get3A_811 = tpu.vector_load %arg8[%get3A_809, %get3A_810] {strides = array<i32>} : memref<32x768xf32, #tpu.memory_space<vmem>>, vector<1x16xf32>,
        %get3A_812 = vector.shape_cast %get3A_811 : vector<1x16xf32> to vector<16xf32>
        %get3A_813 = arith.index_cast %scan3A_222 : i32 to index
        %get3A_814 = arith.constant 672 : index
        %get3A_815 = tpu.vector_load %arg7[%get3A_813, %get3A_814] {strides = array<i32>} : memref<32x768xf32, #tpu.memory_space<vmem>>, vector<1x16xf32>,
        %get3A_816 = vector.shape_cast %get3A_815 : vector<1x16xf32> to vector<16xf32>
        %add3A_817 = arith.addf %get3A_812, %get3A_816 : vector<16xf32>
        %swap3A_818 = arith.index_cast %scan3A_222 : i32 to index
        %swap3A_819 = arith.constant 672 : index
        %swap3A_820 = tpu.vector_load %arg8[%swap3A_818, %swap3A_819] {strides = array<i32>} : memref<32x768xf32, #tpu.memory_space<vmem>>, vector<1x16xf32>,
        %swap3A_821 = vector.shape_cast %swap3A_820 : vector<1x16xf32> to vector<16xf32>
        %swap3A_822 = vector.shape_cast %add3A_817 : vector<16xf32> to vector<1x16xf32>
        tpu.vector_store %arg8[%swap3A_818, %swap3A_819], %swap3A_822 {strides = array<i32>} : memref<32x768xf32, #tpu.memory_space<vmem>>, vector<1x16xf32>,
        %get3A_823 = arith.index_cast %scan3A_222 : i32 to index
        %get3A_824 = arith.constant 688 : index
        %get3A_825 = tpu.vector_load %arg8[%get3A_823, %get3A_824] {strides = array<i32>} : memref<32x768xf32, #tpu.memory_space<vmem>>, vector<1x16xf32>,
        %get3A_826 = vector.shape_cast %get3A_825 : vector<1x16xf32> to vector<16xf32>
        %get3A_827 = arith.index_cast %scan3A_222 : i32 to index
        %get3A_828 = arith.constant 688 : index
        %get3A_829 = tpu.vector_load %arg7[%get3A_827, %get3A_828] {strides = array<i32>} : memref<32x768xf32, #tpu.memory_space<vmem>>, vector<1x16xf32>,
        %get3A_830 = vector.shape_cast %get3A_829 : vector<1x16xf32> to vector<16xf32>
        %add3A_831 = arith.addf %get3A_826, %get3A_830 : vector<16xf32>
        %swap3A_832 = arith.index_cast %scan3A_222 : i32 to index
        %swap3A_833 = arith.constant 688 : index
        %swap3A_834 = tpu.vector_load %arg8[%swap3A_832, %swap3A_833] {strides = array<i32>} : memref<32x768xf32, #tpu.memory_space<vmem>>, vector<1x16xf32>,
        %swap3A_835 = vector.shape_cast %swap3A_834 : vector<1x16xf32> to vector<16xf32>
        %swap3A_836 = vector.shape_cast %add3A_831 : vector<16xf32> to vector<1x16xf32>
        tpu.vector_store %arg8[%swap3A_832, %swap3A_833], %swap3A_836 {strides = array<i32>} : memref<32x768xf32, #tpu.memory_space<vmem>>, vector<1x16xf32>,
        %get3A_837 = arith.index_cast %scan3A_222 : i32 to index
        %get3A_838 = arith.constant 704 : index
        %get3A_839 = tpu.vector_load %arg8[%get3A_837, %get3A_838] {strides = array<i32>} : memref<32x768xf32, #tpu.memory_space<vmem>>, vector<1x16xf32>,
        %get3A_840 = vector.shape_cast %get3A_839 : vector<1x16xf32> to vector<16xf32>
        %get3A_841 = arith.index_cast %scan3A_222 : i32 to index
        %get3A_842 = arith.constant 704 : index
        %get3A_843 = tpu.vector_load %arg7[%get3A_841, %get3A_842] {strides = array<i32>} : memref<32x768xf32, #tpu.memory_space<vmem>>, vector<1x16xf32>,
        %get3A_844 = vector.shape_cast %get3A_843 : vector<1x16xf32> to vector<16xf32>
        %add3A_845 = arith.addf %get3A_840, %get3A_844 : vector<16xf32>
        %swap3A_846 = arith.index_cast %scan3A_222 : i32 to index
        %swap3A_847 = arith.constant 704 : index
        %swap3A_848 = tpu.vector_load %arg8[%swap3A_846, %swap3A_847] {strides = array<i32>} : memref<32x768xf32, #tpu.memory_space<vmem>>, vector<1x16xf32>,
        %swap3A_849 = vector.shape_cast %swap3A_848 : vector<1x16xf32> to vector<16xf32>
        %swap3A_850 = vector.shape_cast %add3A_845 : vector<16xf32> to vector<1x16xf32>
        tpu.vector_store %arg8[%swap3A_846, %swap3A_847], %swap3A_850 {strides = array<i32>} : memref<32x768xf32, #tpu.memory_space<vmem>>, vector<1x16xf32>,
        %get3A_851 = arith.index_cast %scan3A_222 : i32 to index
        %get3A_852 = arith.constant 720 : index
        %get3A_853 = tpu.vector_load %arg8[%get3A_851, %get3A_852] {strides = array<i32>} : memref<32x768xf32, #tpu.memory_space<vmem>>, vector<1x16xf32>,
        %get3A_854 = vector.shape_cast %get3A_853 : vector<1x16xf32> to vector<16xf32>
        %get3A_855 = arith.index_cast %scan3A_222 : i32 to index
        %get3A_856 = arith.constant 720 : index
        %get3A_857 = tpu.vector_load %arg7[%get3A_855, %get3A_856] {strides = array<i32>} : memref<32x768xf32, #tpu.memory_space<vmem>>, vector<1x16xf32>,
        %get3A_858 = vector.shape_cast %get3A_857 : vector<1x16xf32> to vector<16xf32>
        %add3A_859 = arith.addf %get3A_854, %get3A_858 : vector<16xf32>
        %swap3A_860 = arith.index_cast %scan3A_222 : i32 to index
        %swap3A_861 = arith.constant 720 : index
        %swap3A_862 = tpu.vector_load %arg8[%swap3A_860, %swap3A_861] {strides = array<i32>} : memref<32x768xf32, #tpu.memory_space<vmem>>, vector<1x16xf32>,
        %swap3A_863 = vector.shape_cast %swap3A_862 : vector<1x16xf32> to vector<16xf32>
        %swap3A_864 = vector.shape_cast %add3A_859 : vector<16xf32> to vector<1x16xf32>
        tpu.vector_store %arg8[%swap3A_860, %swap3A_861], %swap3A_864 {strides = array<i32>} : memref<32x768xf32, #tpu.memory_space<vmem>>, vector<1x16xf32>,
        %get3A_865 = arith.index_cast %scan3A_222 : i32 to index
        %get3A_866 = arith.constant 736 : index
        %get3A_867 = tpu.vector_load %arg8[%get3A_865, %get3A_866] {strides = array<i32>} : memref<32x768xf32, #tpu.memory_space<vmem>>, vector<1x16xf32>,
        %get3A_868 = vector.shape_cast %get3A_867 : vector<1x16xf32> to vector<16xf32>
        %get3A_869 = arith.index_cast %scan3A_222 : i32 to index
        %get3A_870 = arith.constant 736 : index
        %get3A_871 = tpu.vector_load %arg7[%get3A_869, %get3A_870] {strides = array<i32>} : memref<32x768xf32, #tpu.memory_space<vmem>>, vector<1x16xf32>,
        %get3A_872 = vector.shape_cast %get3A_871 : vector<1x16xf32> to vector<16xf32>
        %add3A_873 = arith.addf %get3A_868, %get3A_872 : vector<16xf32>
        %swap3A_874 = arith.index_cast %scan3A_222 : i32 to index
        %swap3A_875 = arith.constant 736 : index
        %swap3A_876 = tpu.vector_load %arg8[%swap3A_874, %swap3A_875] {strides = array<i32>} : memref<32x768xf32, #tpu.memory_space<vmem>>, vector<1x16xf32>,
        %swap3A_877 = vector.shape_cast %swap3A_876 : vector<1x16xf32> to vector<16xf32>
        %swap3A_878 = vector.shape_cast %add3A_873 : vector<16xf32> to vector<1x16xf32>
        tpu.vector_store %arg8[%swap3A_874, %swap3A_875], %swap3A_878 {strides = array<i32>} : memref<32x768xf32, #tpu.memory_space<vmem>>, vector<1x16xf32>,
        %get3A_879 = arith.index_cast %scan3A_222 : i32 to index
        %get3A_880 = arith.constant 752 : index
        %get3A_881 = tpu.vector_load %arg8[%get3A_879, %get3A_880] {strides = array<i32>} : memref<32x768xf32, #tpu.memory_space<vmem>>, vector<1x16xf32>,
        %get3A_882 = vector.shape_cast %get3A_881 : vector<1x16xf32> to vector<16xf32>
        %get3A_883 = arith.index_cast %scan3A_222 : i32 to index
        %get3A_884 = arith.constant 752 : index
        %get3A_885 = tpu.vector_load %arg7[%get3A_883, %get3A_884] {strides = array<i32>} : memref<32x768xf32, #tpu.memory_space<vmem>>, vector<1x16xf32>,
        %get3A_886 = vector.shape_cast %get3A_885 : vector<1x16xf32> to vector<16xf32>
        %add3A_887 = arith.addf %get3A_882, %get3A_886 : vector<16xf32>
        %swap3A_888 = arith.index_cast %scan3A_222 : i32 to index
        %swap3A_889 = arith.constant 752 : index
        %swap3A_890 = tpu.vector_load %arg8[%swap3A_888, %swap3A_889] {strides = array<i32>} : memref<32x768xf32, #tpu.memory_space<vmem>>, vector<1x16xf32>,
        %swap3A_891 = vector.shape_cast %swap3A_890 : vector<1x16xf32> to vector<16xf32>
        %swap3A_892 = vector.shape_cast %add3A_887 : vector<16xf32> to vector<1x16xf32>
        tpu.vector_store %arg8[%swap3A_888, %swap3A_889], %swap3A_892 {strides = array<i32>} : memref<32x768xf32, #tpu.memory_space<vmem>>, vector<1x16xf32>,
      }
      %scan3A_73 = arith.constant 32 : i32
      %dma_start3A_74 = arith.constant 0 : i32
      %dma_start3A_75 = arith.constant 0 : i32
      %dma_start3A_76 = tpu.memref_slice %arg5[%add3A_59, %add3A, %dma_start3A_74, %dma_start3A_75] : memref<64x32x32x768xf32, #tpu.memory_space<hbm>> -> memref<1x1x32x768xf32, #tpu.memory_space<hbm>>
      %dma_start3A_77 = tpu.memref_squeeze %dma_start3A_76 : memref<1x1x32x768xf32, #tpu.memory_space<hbm>> -> memref<32x768xf32, #tpu.memory_space<hbm>>
      %dma_start3A_78 = arith.constant 0 : i32
      %dma_start3A_79 = arith.constant 0 : i32
      %dma_start3A_80 = tpu.memref_slice %arg5[%add3A_59, %add3A, %dma_start3A_78, %dma_start3A_79] : memref<64x32x32x768xf32, #tpu.memory_space<hbm>> -> memref<1x1x32x768xf32, #tpu.memory_space<hbm>>
      %dma_start3A_81 = tpu.memref_squeeze %dma_start3A_80 : memref<1x1x32x768xf32, #tpu.memory_space<hbm>> -> memref<32x768xf32, #tpu.memory_space<hbm>>
      tpu.enqueue_dma source(%arg8 : memref<32x768xf32, #tpu.memory_space<vmem>>) target(%dma_start3A_81 : memref<32x768xf32, #tpu.memory_space<hbm>>) target_semaphore(%arg16 : memref<!tpu.dma_semaphore, #tpu.memory_space<semaphore_mem>>)
      %gt3A = arith.constant 0 : i32
      %gt3A_82 = arith.cmpi sgt, %add3A_59, %gt3A : i32
      %convert_element_type3A = arith.extui %gt3A_82 : i1 to i32
      %cond3A = arith.constant 0 : i32
      %cond3A_83 = arith.cmpi ne, %convert_element_type3A, %cond3A : i32
      scf.if %cond3A_83 {
        %sub3A_222 = arith.constant 1 : i32
        %sub3A_223 = arith.subi %add3A_59, %sub3A_222 : i32
        %dma_wait3A_224 = arith.constant 0 : i32
        %dma_wait3A_225 = arith.constant 0 : i32
        %dma_wait3A_226 = tpu.memref_slice %arg5[%sub3A_223, %add3A, %dma_wait3A_224, %dma_wait3A_225] : memref<64x32x32x768xf32, #tpu.memory_space<hbm>> -> memref<1x1x32x768xf32, #tpu.memory_space<hbm>>
        %dma_wait3A_227 = tpu.memref_squeeze %dma_wait3A_226 : memref<1x1x32x768xf32, #tpu.memory_space<hbm>> -> memref<32x768xf32, #tpu.memory_space<hbm>>
        %dma_wait3A_228 = arith.constant 0 : i32
        %dma_wait3A_229 = arith.constant 0 : i32
        %dma_wait3A_230 = tpu.memref_slice %arg5[%sub3A_223, %add3A, %dma_wait3A_228, %dma_wait3A_229] : memref<64x32x32x768xf32, #tpu.memory_space<hbm>> -> memref<1x1x32x768xf32, #tpu.memory_space<hbm>>
        %dma_wait3A_231 = tpu.memref_squeeze %dma_wait3A_230 : memref<1x1x32x768xf32, #tpu.memory_space<hbm>> -> memref<32x768xf32, #tpu.memory_space<hbm>>
        tpu.wait_dma2 semaphore(%arg19 : memref<!tpu.dma_semaphore, #tpu.memory_space<semaphore_mem>>) src(%arg11 : memref<32x768xf32, #tpu.memory_space<vmem>>) dst(%dma_wait3A_231 : memref<32x768xf32, #tpu.memory_space<hbm>>)
      } else {
      }
      %gt3A_84 = arith.constant 0 : i32
      %gt3A_85 = arith.cmpi sgt, %add3A_59, %gt3A_84 : i32
      %add3A_86 = arith.constant 4 : i32
      %add3A_87 = arith.addi %add3A_59, %add3A_86 : i32
      %sub3A = arith.constant 1 : i32
      %sub3A_88 = arith.subi %add3A_87, %sub3A : i32
      %lt3A = arith.constant 64 : i32
      %lt3A_89 = arith.cmpi slt, %sub3A_88, %lt3A : i32
      %and3A = arith.andi %gt3A_85, %lt3A_89 : i1
      %convert_element_type3A_90 = arith.extui %and3A : i1 to i32
      %cond3A_91 = arith.constant 0 : i32
      %cond3A_92 = arith.cmpi ne, %convert_element_type3A_90, %cond3A_91 : i32
      scf.if %cond3A_92 {
        %add3A_222 = arith.constant 4 : i32
        %add3A_223 = arith.addi %add3A_59, %add3A_222 : i32
        %sub3A_224 = arith.constant 1 : i32
        %sub3A_225 = arith.subi %add3A_223, %sub3A_224 : i32
        %dma_start3A_226 = arith.constant 0 : i32
        %dma_start3A_227 = arith.constant 0 : i32
        %dma_start3A_228 = tpu.memref_slice %arg2[%sub3A_225, %add3A, %dma_start3A_226, %dma_start3A_227] : memref<64x32x32x768xf32, #tpu.memory_space<hbm>> -> memref<1x1x32x768xf32, #tpu.memory_space<hbm>>
        %dma_start3A_229 = tpu.memref_squeeze %dma_start3A_228 : memref<1x1x32x768xf32, #tpu.memory_space<hbm>> -> memref<32x768xf32, #tpu.memory_space<hbm>>
        %dma_start3A_230 = arith.constant 0 : i32
        %dma_start3A_231 = arith.constant 0 : i32
        %dma_start3A_232 = tpu.memref_slice %arg2[%sub3A_225, %add3A, %dma_start3A_230, %dma_start3A_231] : memref<64x32x32x768xf32, #tpu.memory_space<hbm>> -> memref<1x1x32x768xf32, #tpu.memory_space<hbm>>
        %dma_start3A_233 = tpu.memref_squeeze %dma_start3A_232 : memref<1x1x32x768xf32, #tpu.memory_space<hbm>> -> memref<32x768xf32, #tpu.memory_space<hbm>>
        tpu.enqueue_dma source(%dma_start3A_233 : memref<32x768xf32, #tpu.memory_space<hbm>>) target(%arg11 : memref<32x768xf32, #tpu.memory_space<vmem>>) target_semaphore(%arg15 : memref<!tpu.dma_semaphore, #tpu.memory_space<semaphore_mem>>)
      } else {
      }
      %mul3A_93 = arith.constant 4 : i32
      %mul3A_94 = arith.muli %scan3A_55, %mul3A_93 : i32
      %add3A_95 = arith.constant 1 : i32
      %add3A_96 = arith.addi %mul3A_94, %add3A_95 : i32
      %dma_wait3A_97 = arith.constant 0 : i32
      %dma_wait3A_98 = arith.constant 0 : i32
      %dma_wait3A_99 = tpu.memref_slice %arg2[%add3A_96, %add3A, %dma_wait3A_97, %dma_wait3A_98] : memref<64x32x32x768xf32, #tpu.memory_space<hbm>> -> memref<1x1x32x768xf32, #tpu.memory_space<hbm>>
      %dma_wait3A_100 = tpu.memref_squeeze %dma_wait3A_99 : memref<1x1x32x768xf32, #tpu.memory_space<hbm>> -> memref<32x768xf32, #tpu.memory_space<hbm>>
      %dma_wait3A_101 = arith.constant 0 : i32
      %dma_wait3A_102 = arith.constant 0 : i32
      %dma_wait3A_103 = tpu.memref_slice %arg2[%add3A_96, %add3A, %dma_wait3A_101, %dma_wait3A_102] : memref<64x32x32x768xf32, #tpu.memory_space<hbm>> -> memref<1x1x32x768xf32, #tpu.memory_space<hbm>>
      %dma_wait3A_104 = tpu.memref_squeeze %dma_wait3A_103 : memref<1x1x32x768xf32, #tpu.memory_space<hbm>> -> memref<32x768xf32, #tpu.memory_space<hbm>>
      tpu.wait_dma2 semaphore(%arg13 : memref<!tpu.dma_semaphore, #tpu.memory_space<semaphore_mem>>) src(%dma_wait3A_104 : memref<32x768xf32, #tpu.memory_space<hbm>>) dst(%arg9 : memref<32x768xf32, #tpu.memory_space<vmem>>)
      %scan3A_105 = arith.constant 0 : i32
      %scan3A_106 = arith.constant 0 : i32
      %scan3A_107 = arith.constant 32 : i32
      %scan3A_108 = arith.addi %scan3A_106, %scan3A_107 : i32
      %scan3A_109 = arith.constant 1 : i32
      scf.for %scan3A_222 = %scan3A_106 to %scan3A_108 step %scan3A_109  : i32 {
        %get3A = arith.index_cast %scan3A_222 : i32 to index
        %get3A_223 = arith.constant 0 : index
        %get3A_224 = tpu.vector_load %arg9[%get3A, %get3A_223] {strides = array<i32>} : memref<32x768xf32, #tpu.memory_space<vmem>>, vector<1x16xf32>,
        %get3A_225 = vector.shape_cast %get3A_224 : vector<1x16xf32> to vector<16xf32>
        %get3A_226 = arith.index_cast %scan3A_222 : i32 to index
        %get3A_227 = arith.constant 0 : index
        %get3A_228 = tpu.vector_load %arg7[%get3A_226, %get3A_227] {strides = array<i32>} : memref<32x768xf32, #tpu.memory_space<vmem>>, vector<1x16xf32>,
        %get3A_229 = vector.shape_cast %get3A_228 : vector<1x16xf32> to vector<16xf32>
        %add3A_230 = arith.addf %get3A_225, %get3A_229 : vector<16xf32>
        %swap3A = arith.index_cast %scan3A_222 : i32 to index
        %swap3A_231 = arith.constant 0 : index
        %swap3A_232 = tpu.vector_load %arg9[%swap3A, %swap3A_231] {strides = array<i32>} : memref<32x768xf32, #tpu.memory_space<vmem>>, vector<1x16xf32>,
        %swap3A_233 = vector.shape_cast %swap3A_232 : vector<1x16xf32> to vector<16xf32>
        %swap3A_234 = vector.shape_cast %add3A_230 : vector<16xf32> to vector<1x16xf32>
        tpu.vector_store %arg9[%swap3A, %swap3A_231], %swap3A_234 {strides = array<i32>} : memref<32x768xf32, #tpu.memory_space<vmem>>, vector<1x16xf32>,
        %get3A_235 = arith.index_cast %scan3A_222 : i32 to index
        %get3A_236 = arith.constant 16 : index
        %get3A_237 = tpu.vector_load %arg9[%get3A_235, %get3A_236] {strides = array<i32>} : memref<32x768xf32, #tpu.memory_space<vmem>>, vector<1x16xf32>,
        %get3A_238 = vector.shape_cast %get3A_237 : vector<1x16xf32> to vector<16xf32>
        %get3A_239 = arith.index_cast %scan3A_222 : i32 to index
        %get3A_240 = arith.constant 16 : index
        %get3A_241 = tpu.vector_load %arg7[%get3A_239, %get3A_240] {strides = array<i32>} : memref<32x768xf32, #tpu.memory_space<vmem>>, vector<1x16xf32>,
        %get3A_242 = vector.shape_cast %get3A_241 : vector<1x16xf32> to vector<16xf32>
        %add3A_243 = arith.addf %get3A_238, %get3A_242 : vector<16xf32>
        %swap3A_244 = arith.index_cast %scan3A_222 : i32 to index
        %swap3A_245 = arith.constant 16 : index
        %swap3A_246 = tpu.vector_load %arg9[%swap3A_244, %swap3A_245] {strides = array<i32>} : memref<32x768xf32, #tpu.memory_space<vmem>>, vector<1x16xf32>,
        %swap3A_247 = vector.shape_cast %swap3A_246 : vector<1x16xf32> to vector<16xf32>
        %swap3A_248 = vector.shape_cast %add3A_243 : vector<16xf32> to vector<1x16xf32>
        tpu.vector_store %arg9[%swap3A_244, %swap3A_245], %swap3A_248 {strides = array<i32>} : memref<32x768xf32, #tpu.memory_space<vmem>>, vector<1x16xf32>,
        %get3A_249 = arith.index_cast %scan3A_222 : i32 to index
        %get3A_250 = arith.constant 32 : index
        %get3A_251 = tpu.vector_load %arg9[%get3A_249, %get3A_250] {strides = array<i32>} : memref<32x768xf32, #tpu.memory_space<vmem>>, vector<1x16xf32>,
        %get3A_252 = vector.shape_cast %get3A_251 : vector<1x16xf32> to vector<16xf32>
        %get3A_253 = arith.index_cast %scan3A_222 : i32 to index
        %get3A_254 = arith.constant 32 : index
        %get3A_255 = tpu.vector_load %arg7[%get3A_253, %get3A_254] {strides = array<i32>} : memref<32x768xf32, #tpu.memory_space<vmem>>, vector<1x16xf32>,
        %get3A_256 = vector.shape_cast %get3A_255 : vector<1x16xf32> to vector<16xf32>
        %add3A_257 = arith.addf %get3A_252, %get3A_256 : vector<16xf32>
        %swap3A_258 = arith.index_cast %scan3A_222 : i32 to index
        %swap3A_259 = arith.constant 32 : index
        %swap3A_260 = tpu.vector_load %arg9[%swap3A_258, %swap3A_259] {strides = array<i32>} : memref<32x768xf32, #tpu.memory_space<vmem>>, vector<1x16xf32>,
        %swap3A_261 = vector.shape_cast %swap3A_260 : vector<1x16xf32> to vector<16xf32>
        %swap3A_262 = vector.shape_cast %add3A_257 : vector<16xf32> to vector<1x16xf32>
        tpu.vector_store %arg9[%swap3A_258, %swap3A_259], %swap3A_262 {strides = array<i32>} : memref<32x768xf32, #tpu.memory_space<vmem>>, vector<1x16xf32>,
        %get3A_263 = arith.index_cast %scan3A_222 : i32 to index
        %get3A_264 = arith.constant 48 : index
        %get3A_265 = tpu.vector_load %arg9[%get3A_263, %get3A_264] {strides = array<i32>} : memref<32x768xf32, #tpu.memory_space<vmem>>, vector<1x16xf32>,
        %get3A_266 = vector.shape_cast %get3A_265 : vector<1x16xf32> to vector<16xf32>
        %get3A_267 = arith.index_cast %scan3A_222 : i32 to index
        %get3A_268 = arith.constant 48 : index
        %get3A_269 = tpu.vector_load %arg7[%get3A_267, %get3A_268] {strides = array<i32>} : memref<32x768xf32, #tpu.memory_space<vmem>>, vector<1x16xf32>,
        %get3A_270 = vector.shape_cast %get3A_269 : vector<1x16xf32> to vector<16xf32>
        %add3A_271 = arith.addf %get3A_266, %get3A_270 : vector<16xf32>
        %swap3A_272 = arith.index_cast %scan3A_222 : i32 to index
        %swap3A_273 = arith.constant 48 : index
        %swap3A_274 = tpu.vector_load %arg9[%swap3A_272, %swap3A_273] {strides = array<i32>} : memref<32x768xf32, #tpu.memory_space<vmem>>, vector<1x16xf32>,
        %swap3A_275 = vector.shape_cast %swap3A_274 : vector<1x16xf32> to vector<16xf32>
        %swap3A_276 = vector.shape_cast %add3A_271 : vector<16xf32> to vector<1x16xf32>
        tpu.vector_store %arg9[%swap3A_272, %swap3A_273], %swap3A_276 {strides = array<i32>} : memref<32x768xf32, #tpu.memory_space<vmem>>, vector<1x16xf32>,
        %get3A_277 = arith.index_cast %scan3A_222 : i32 to index
        %get3A_278 = arith.constant 64 : index
        %get3A_279 = tpu.vector_load %arg9[%get3A_277, %get3A_278] {strides = array<i32>} : memref<32x768xf32, #tpu.memory_space<vmem>>, vector<1x16xf32>,
        %get3A_280 = vector.shape_cast %get3A_279 : vector<1x16xf32> to vector<16xf32>
        %get3A_281 = arith.index_cast %scan3A_222 : i32 to index
        %get3A_282 = arith.constant 64 : index
        %get3A_283 = tpu.vector_load %arg7[%get3A_281, %get3A_282] {strides = array<i32>} : memref<32x768xf32, #tpu.memory_space<vmem>>, vector<1x16xf32>,
        %get3A_284 = vector.shape_cast %get3A_283 : vector<1x16xf32> to vector<16xf32>
        %add3A_285 = arith.addf %get3A_280, %get3A_284 : vector<16xf32>
        %swap3A_286 = arith.index_cast %scan3A_222 : i32 to index
        %swap3A_287 = arith.constant 64 : index
        %swap3A_288 = tpu.vector_load %arg9[%swap3A_286, %swap3A_287] {strides = array<i32>} : memref<32x768xf32, #tpu.memory_space<vmem>>, vector<1x16xf32>,
        %swap3A_289 = vector.shape_cast %swap3A_288 : vector<1x16xf32> to vector<16xf32>
        %swap3A_290 = vector.shape_cast %add3A_285 : vector<16xf32> to vector<1x16xf32>
        tpu.vector_store %arg9[%swap3A_286, %swap3A_287], %swap3A_290 {strides = array<i32>} : memref<32x768xf32, #tpu.memory_space<vmem>>, vector<1x16xf32>,
        %get3A_291 = arith.index_cast %scan3A_222 : i32 to index
        %get3A_292 = arith.constant 80 : index
        %get3A_293 = tpu.vector_load %arg9[%get3A_291, %get3A_292] {strides = array<i32>} : memref<32x768xf32, #tpu.memory_space<vmem>>, vector<1x16xf32>,
        %get3A_294 = vector.shape_cast %get3A_293 : vector<1x16xf32> to vector<16xf32>
        %get3A_295 = arith.index_cast %scan3A_222 : i32 to index
        %get3A_296 = arith.constant 80 : index
        %get3A_297 = tpu.vector_load %arg7[%get3A_295, %get3A_296] {strides = array<i32>} : memref<32x768xf32, #tpu.memory_space<vmem>>, vector<1x16xf32>,
        %get3A_298 = vector.shape_cast %get3A_297 : vector<1x16xf32> to vector<16xf32>
        %add3A_299 = arith.addf %get3A_294, %get3A_298 : vector<16xf32>
        %swap3A_300 = arith.index_cast %scan3A_222 : i32 to index
        %swap3A_301 = arith.constant 80 : index
        %swap3A_302 = tpu.vector_load %arg9[%swap3A_300, %swap3A_301] {strides = array<i32>} : memref<32x768xf32, #tpu.memory_space<vmem>>, vector<1x16xf32>,
        %swap3A_303 = vector.shape_cast %swap3A_302 : vector<1x16xf32> to vector<16xf32>
        %swap3A_304 = vector.shape_cast %add3A_299 : vector<16xf32> to vector<1x16xf32>
        tpu.vector_store %arg9[%swap3A_300, %swap3A_301], %swap3A_304 {strides = array<i32>} : memref<32x768xf32, #tpu.memory_space<vmem>>, vector<1x16xf32>,
        %get3A_305 = arith.index_cast %scan3A_222 : i32 to index
        %get3A_306 = arith.constant 96 : index
        %get3A_307 = tpu.vector_load %arg9[%get3A_305, %get3A_306] {strides = array<i32>} : memref<32x768xf32, #tpu.memory_space<vmem>>, vector<1x16xf32>,
        %get3A_308 = vector.shape_cast %get3A_307 : vector<1x16xf32> to vector<16xf32>
        %get3A_309 = arith.index_cast %scan3A_222 : i32 to index
        %get3A_310 = arith.constant 96 : index
        %get3A_311 = tpu.vector_load %arg7[%get3A_309, %get3A_310] {strides = array<i32>} : memref<32x768xf32, #tpu.memory_space<vmem>>, vector<1x16xf32>,
        %get3A_312 = vector.shape_cast %get3A_311 : vector<1x16xf32> to vector<16xf32>
        %add3A_313 = arith.addf %get3A_308, %get3A_312 : vector<16xf32>
        %swap3A_314 = arith.index_cast %scan3A_222 : i32 to index
        %swap3A_315 = arith.constant 96 : index
        %swap3A_316 = tpu.vector_load %arg9[%swap3A_314, %swap3A_315] {strides = array<i32>} : memref<32x768xf32, #tpu.memory_space<vmem>>, vector<1x16xf32>,
        %swap3A_317 = vector.shape_cast %swap3A_316 : vector<1x16xf32> to vector<16xf32>
        %swap3A_318 = vector.shape_cast %add3A_313 : vector<16xf32> to vector<1x16xf32>
        tpu.vector_store %arg9[%swap3A_314, %swap3A_315], %swap3A_318 {strides = array<i32>} : memref<32x768xf32, #tpu.memory_space<vmem>>, vector<1x16xf32>,
        %get3A_319 = arith.index_cast %scan3A_222 : i32 to index
        %get3A_320 = arith.constant 112 : index
        %get3A_321 = tpu.vector_load %arg9[%get3A_319, %get3A_320] {strides = array<i32>} : memref<32x768xf32, #tpu.memory_space<vmem>>, vector<1x16xf32>,
        %get3A_322 = vector.shape_cast %get3A_321 : vector<1x16xf32> to vector<16xf32>
        %get3A_323 = arith.index_cast %scan3A_222 : i32 to index
        %get3A_324 = arith.constant 112 : index
        %get3A_325 = tpu.vector_load %arg7[%get3A_323, %get3A_324] {strides = array<i32>} : memref<32x768xf32, #tpu.memory_space<vmem>>, vector<1x16xf32>,
        %get3A_326 = vector.shape_cast %get3A_325 : vector<1x16xf32> to vector<16xf32>
        %add3A_327 = arith.addf %get3A_322, %get3A_326 : vector<16xf32>
        %swap3A_328 = arith.index_cast %scan3A_222 : i32 to index
        %swap3A_329 = arith.constant 112 : index
        %swap3A_330 = tpu.vector_load %arg9[%swap3A_328, %swap3A_329] {strides = array<i32>} : memref<32x768xf32, #tpu.memory_space<vmem>>, vector<1x16xf32>,
        %swap3A_331 = vector.shape_cast %swap3A_330 : vector<1x16xf32> to vector<16xf32>
        %swap3A_332 = vector.shape_cast %add3A_327 : vector<16xf32> to vector<1x16xf32>
        tpu.vector_store %arg9[%swap3A_328, %swap3A_329], %swap3A_332 {strides = array<i32>} : memref<32x768xf32, #tpu.memory_space<vmem>>, vector<1x16xf32>,
        %get3A_333 = arith.index_cast %scan3A_222 : i32 to index
        %get3A_334 = arith.constant 128 : index
        %get3A_335 = tpu.vector_load %arg9[%get3A_333, %get3A_334] {strides = array<i32>} : memref<32x768xf32, #tpu.memory_space<vmem>>, vector<1x16xf32>,
        %get3A_336 = vector.shape_cast %get3A_335 : vector<1x16xf32> to vector<16xf32>
        %get3A_337 = arith.index_cast %scan3A_222 : i32 to index
        %get3A_338 = arith.constant 128 : index
        %get3A_339 = tpu.vector_load %arg7[%get3A_337, %get3A_338] {strides = array<i32>} : memref<32x768xf32, #tpu.memory_space<vmem>>, vector<1x16xf32>,
        %get3A_340 = vector.shape_cast %get3A_339 : vector<1x16xf32> to vector<16xf32>
        %add3A_341 = arith.addf %get3A_336, %get3A_340 : vector<16xf32>
        %swap3A_342 = arith.index_cast %scan3A_222 : i32 to index
        %swap3A_343 = arith.constant 128 : index
        %swap3A_344 = tpu.vector_load %arg9[%swap3A_342, %swap3A_343] {strides = array<i32>} : memref<32x768xf32, #tpu.memory_space<vmem>>, vector<1x16xf32>,
        %swap3A_345 = vector.shape_cast %swap3A_344 : vector<1x16xf32> to vector<16xf32>
        %swap3A_346 = vector.shape_cast %add3A_341 : vector<16xf32> to vector<1x16xf32>
        tpu.vector_store %arg9[%swap3A_342, %swap3A_343], %swap3A_346 {strides = array<i32>} : memref<32x768xf32, #tpu.memory_space<vmem>>, vector<1x16xf32>,
        %get3A_347 = arith.index_cast %scan3A_222 : i32 to index
        %get3A_348 = arith.constant 144 : index
        %get3A_349 = tpu.vector_load %arg9[%get3A_347, %get3A_348] {strides = array<i32>} : memref<32x768xf32, #tpu.memory_space<vmem>>, vector<1x16xf32>,
        %get3A_350 = vector.shape_cast %get3A_349 : vector<1x16xf32> to vector<16xf32>
        %get3A_351 = arith.index_cast %scan3A_222 : i32 to index
        %get3A_352 = arith.constant 144 : index
        %get3A_353 = tpu.vector_load %arg7[%get3A_351, %get3A_352] {strides = array<i32>} : memref<32x768xf32, #tpu.memory_space<vmem>>, vector<1x16xf32>,
        %get3A_354 = vector.shape_cast %get3A_353 : vector<1x16xf32> to vector<16xf32>
        %add3A_355 = arith.addf %get3A_350, %get3A_354 : vector<16xf32>
        %swap3A_356 = arith.index_cast %scan3A_222 : i32 to index
        %swap3A_357 = arith.constant 144 : index
        %swap3A_358 = tpu.vector_load %arg9[%swap3A_356, %swap3A_357] {strides = array<i32>} : memref<32x768xf32, #tpu.memory_space<vmem>>, vector<1x16xf32>,
        %swap3A_359 = vector.shape_cast %swap3A_358 : vector<1x16xf32> to vector<16xf32>
        %swap3A_360 = vector.shape_cast %add3A_355 : vector<16xf32> to vector<1x16xf32>
        tpu.vector_store %arg9[%swap3A_356, %swap3A_357], %swap3A_360 {strides = array<i32>} : memref<32x768xf32, #tpu.memory_space<vmem>>, vector<1x16xf32>,
        %get3A_361 = arith.index_cast %scan3A_222 : i32 to index
        %get3A_362 = arith.constant 160 : index
        %get3A_363 = tpu.vector_load %arg9[%get3A_361, %get3A_362] {strides = array<i32>} : memref<32x768xf32, #tpu.memory_space<vmem>>, vector<1x16xf32>,
        %get3A_364 = vector.shape_cast %get3A_363 : vector<1x16xf32> to vector<16xf32>
        %get3A_365 = arith.index_cast %scan3A_222 : i32 to index
        %get3A_366 = arith.constant 160 : index
        %get3A_367 = tpu.vector_load %arg7[%get3A_365, %get3A_366] {strides = array<i32>} : memref<32x768xf32, #tpu.memory_space<vmem>>, vector<1x16xf32>,
        %get3A_368 = vector.shape_cast %get3A_367 : vector<1x16xf32> to vector<16xf32>
        %add3A_369 = arith.addf %get3A_364, %get3A_368 : vector<16xf32>
        %swap3A_370 = arith.index_cast %scan3A_222 : i32 to index
        %swap3A_371 = arith.constant 160 : index
        %swap3A_372 = tpu.vector_load %arg9[%swap3A_370, %swap3A_371] {strides = array<i32>} : memref<32x768xf32, #tpu.memory_space<vmem>>, vector<1x16xf32>,
        %swap3A_373 = vector.shape_cast %swap3A_372 : vector<1x16xf32> to vector<16xf32>
        %swap3A_374 = vector.shape_cast %add3A_369 : vector<16xf32> to vector<1x16xf32>
        tpu.vector_store %arg9[%swap3A_370, %swap3A_371], %swap3A_374 {strides = array<i32>} : memref<32x768xf32, #tpu.memory_space<vmem>>, vector<1x16xf32>,
        %get3A_375 = arith.index_cast %scan3A_222 : i32 to index
        %get3A_376 = arith.constant 176 : index
        %get3A_377 = tpu.vector_load %arg9[%get3A_375, %get3A_376] {strides = array<i32>} : memref<32x768xf32, #tpu.memory_space<vmem>>, vector<1x16xf32>,
        %get3A_378 = vector.shape_cast %get3A_377 : vector<1x16xf32> to vector<16xf32>
        %get3A_379 = arith.index_cast %scan3A_222 : i32 to index
        %get3A_380 = arith.constant 176 : index
        %get3A_381 = tpu.vector_load %arg7[%get3A_379, %get3A_380] {strides = array<i32>} : memref<32x768xf32, #tpu.memory_space<vmem>>, vector<1x16xf32>,
        %get3A_382 = vector.shape_cast %get3A_381 : vector<1x16xf32> to vector<16xf32>
        %add3A_383 = arith.addf %get3A_378, %get3A_382 : vector<16xf32>
        %swap3A_384 = arith.index_cast %scan3A_222 : i32 to index
        %swap3A_385 = arith.constant 176 : index
        %swap3A_386 = tpu.vector_load %arg9[%swap3A_384, %swap3A_385] {strides = array<i32>} : memref<32x768xf32, #tpu.memory_space<vmem>>, vector<1x16xf32>,
        %swap3A_387 = vector.shape_cast %swap3A_386 : vector<1x16xf32> to vector<16xf32>
        %swap3A_388 = vector.shape_cast %add3A_383 : vector<16xf32> to vector<1x16xf32>
        tpu.vector_store %arg9[%swap3A_384, %swap3A_385], %swap3A_388 {strides = array<i32>} : memref<32x768xf32, #tpu.memory_space<vmem>>, vector<1x16xf32>,
        %get3A_389 = arith.index_cast %scan3A_222 : i32 to index
        %get3A_390 = arith.constant 192 : index
        %get3A_391 = tpu.vector_load %arg9[%get3A_389, %get3A_390] {strides = array<i32>} : memref<32x768xf32, #tpu.memory_space<vmem>>, vector<1x16xf32>,
        %get3A_392 = vector.shape_cast %get3A_391 : vector<1x16xf32> to vector<16xf32>
        %get3A_393 = arith.index_cast %scan3A_222 : i32 to index
        %get3A_394 = arith.constant 192 : index
        %get3A_395 = tpu.vector_load %arg7[%get3A_393, %get3A_394] {strides = array<i32>} : memref<32x768xf32, #tpu.memory_space<vmem>>, vector<1x16xf32>,
        %get3A_396 = vector.shape_cast %get3A_395 : vector<1x16xf32> to vector<16xf32>
        %add3A_397 = arith.addf %get3A_392, %get3A_396 : vector<16xf32>
        %swap3A_398 = arith.index_cast %scan3A_222 : i32 to index
        %swap3A_399 = arith.constant 192 : index
        %swap3A_400 = tpu.vector_load %arg9[%swap3A_398, %swap3A_399] {strides = array<i32>} : memref<32x768xf32, #tpu.memory_space<vmem>>, vector<1x16xf32>,
        %swap3A_401 = vector.shape_cast %swap3A_400 : vector<1x16xf32> to vector<16xf32>
        %swap3A_402 = vector.shape_cast %add3A_397 : vector<16xf32> to vector<1x16xf32>
        tpu.vector_store %arg9[%swap3A_398, %swap3A_399], %swap3A_402 {strides = array<i32>} : memref<32x768xf32, #tpu.memory_space<vmem>>, vector<1x16xf32>,
        %get3A_403 = arith.index_cast %scan3A_222 : i32 to index
        %get3A_404 = arith.constant 208 : index
        %get3A_405 = tpu.vector_load %arg9[%get3A_403, %get3A_404] {strides = array<i32>} : memref<32x768xf32, #tpu.memory_space<vmem>>, vector<1x16xf32>,
        %get3A_406 = vector.shape_cast %get3A_405 : vector<1x16xf32> to vector<16xf32>
        %get3A_407 = arith.index_cast %scan3A_222 : i32 to index
        %get3A_408 = arith.constant 208 : index
        %get3A_409 = tpu.vector_load %arg7[%get3A_407, %get3A_408] {strides = array<i32>} : memref<32x768xf32, #tpu.memory_space<vmem>>, vector<1x16xf32>,
        %get3A_410 = vector.shape_cast %get3A_409 : vector<1x16xf32> to vector<16xf32>
        %add3A_411 = arith.addf %get3A_406, %get3A_410 : vector<16xf32>
        %swap3A_412 = arith.index_cast %scan3A_222 : i32 to index
        %swap3A_413 = arith.constant 208 : index
        %swap3A_414 = tpu.vector_load %arg9[%swap3A_412, %swap3A_413] {strides = array<i32>} : memref<32x768xf32, #tpu.memory_space<vmem>>, vector<1x16xf32>,
        %swap3A_415 = vector.shape_cast %swap3A_414 : vector<1x16xf32> to vector<16xf32>
        %swap3A_416 = vector.shape_cast %add3A_411 : vector<16xf32> to vector<1x16xf32>
        tpu.vector_store %arg9[%swap3A_412, %swap3A_413], %swap3A_416 {strides = array<i32>} : memref<32x768xf32, #tpu.memory_space<vmem>>, vector<1x16xf32>,
        %get3A_417 = arith.index_cast %scan3A_222 : i32 to index
        %get3A_418 = arith.constant 224 : index
        %get3A_419 = tpu.vector_load %arg9[%get3A_417, %get3A_418] {strides = array<i32>} : memref<32x768xf32, #tpu.memory_space<vmem>>, vector<1x16xf32>,
        %get3A_420 = vector.shape_cast %get3A_419 : vector<1x16xf32> to vector<16xf32>
        %get3A_421 = arith.index_cast %scan3A_222 : i32 to index
        %get3A_422 = arith.constant 224 : index
        %get3A_423 = tpu.vector_load %arg7[%get3A_421, %get3A_422] {strides = array<i32>} : memref<32x768xf32, #tpu.memory_space<vmem>>, vector<1x16xf32>,
        %get3A_424 = vector.shape_cast %get3A_423 : vector<1x16xf32> to vector<16xf32>
        %add3A_425 = arith.addf %get3A_420, %get3A_424 : vector<16xf32>
        %swap3A_426 = arith.index_cast %scan3A_222 : i32 to index
        %swap3A_427 = arith.constant 224 : index
        %swap3A_428 = tpu.vector_load %arg9[%swap3A_426, %swap3A_427] {strides = array<i32>} : memref<32x768xf32, #tpu.memory_space<vmem>>, vector<1x16xf32>,
        %swap3A_429 = vector.shape_cast %swap3A_428 : vector<1x16xf32> to vector<16xf32>
        %swap3A_430 = vector.shape_cast %add3A_425 : vector<16xf32> to vector<1x16xf32>
        tpu.vector_store %arg9[%swap3A_426, %swap3A_427], %swap3A_430 {strides = array<i32>} : memref<32x768xf32, #tpu.memory_space<vmem>>, vector<1x16xf32>,
        %get3A_431 = arith.index_cast %scan3A_222 : i32 to index
        %get3A_432 = arith.constant 240 : index
        %get3A_433 = tpu.vector_load %arg9[%get3A_431, %get3A_432] {strides = array<i32>} : memref<32x768xf32, #tpu.memory_space<vmem>>, vector<1x16xf32>,
        %get3A_434 = vector.shape_cast %get3A_433 : vector<1x16xf32> to vector<16xf32>
        %get3A_435 = arith.index_cast %scan3A_222 : i32 to index
        %get3A_436 = arith.constant 240 : index
        %get3A_437 = tpu.vector_load %arg7[%get3A_435, %get3A_436] {strides = array<i32>} : memref<32x768xf32, #tpu.memory_space<vmem>>, vector<1x16xf32>,
        %get3A_438 = vector.shape_cast %get3A_437 : vector<1x16xf32> to vector<16xf32>
        %add3A_439 = arith.addf %get3A_434, %get3A_438 : vector<16xf32>
        %swap3A_440 = arith.index_cast %scan3A_222 : i32 to index
        %swap3A_441 = arith.constant 240 : index
        %swap3A_442 = tpu.vector_load %arg9[%swap3A_440, %swap3A_441] {strides = array<i32>} : memref<32x768xf32, #tpu.memory_space<vmem>>, vector<1x16xf32>,
        %swap3A_443 = vector.shape_cast %swap3A_442 : vector<1x16xf32> to vector<16xf32>
        %swap3A_444 = vector.shape_cast %add3A_439 : vector<16xf32> to vector<1x16xf32>
        tpu.vector_store %arg9[%swap3A_440, %swap3A_441], %swap3A_444 {strides = array<i32>} : memref<32x768xf32, #tpu.memory_space<vmem>>, vector<1x16xf32>,
        %get3A_445 = arith.index_cast %scan3A_222 : i32 to index
        %get3A_446 = arith.constant 256 : index
        %get3A_447 = tpu.vector_load %arg9[%get3A_445, %get3A_446] {strides = array<i32>} : memref<32x768xf32, #tpu.memory_space<vmem>>, vector<1x16xf32>,
        %get3A_448 = vector.shape_cast %get3A_447 : vector<1x16xf32> to vector<16xf32>
        %get3A_449 = arith.index_cast %scan3A_222 : i32 to index
        %get3A_450 = arith.constant 256 : index
        %get3A_451 = tpu.vector_load %arg7[%get3A_449, %get3A_450] {strides = array<i32>} : memref<32x768xf32, #tpu.memory_space<vmem>>, vector<1x16xf32>,
        %get3A_452 = vector.shape_cast %get3A_451 : vector<1x16xf32> to vector<16xf32>
        %add3A_453 = arith.addf %get3A_448, %get3A_452 : vector<16xf32>
        %swap3A_454 = arith.index_cast %scan3A_222 : i32 to index
        %swap3A_455 = arith.constant 256 : index
        %swap3A_456 = tpu.vector_load %arg9[%swap3A_454, %swap3A_455] {strides = array<i32>} : memref<32x768xf32, #tpu.memory_space<vmem>>, vector<1x16xf32>,
        %swap3A_457 = vector.shape_cast %swap3A_456 : vector<1x16xf32> to vector<16xf32>
        %swap3A_458 = vector.shape_cast %add3A_453 : vector<16xf32> to vector<1x16xf32>
        tpu.vector_store %arg9[%swap3A_454, %swap3A_455], %swap3A_458 {strides = array<i32>} : memref<32x768xf32, #tpu.memory_space<vmem>>, vector<1x16xf32>,
        %get3A_459 = arith.index_cast %scan3A_222 : i32 to index
        %get3A_460 = arith.constant 272 : index
        %get3A_461 = tpu.vector_load %arg9[%get3A_459, %get3A_460] {strides = array<i32>} : memref<32x768xf32, #tpu.memory_space<vmem>>, vector<1x16xf32>,
        %get3A_462 = vector.shape_cast %get3A_461 : vector<1x16xf32> to vector<16xf32>
        %get3A_463 = arith.index_cast %scan3A_222 : i32 to index
        %get3A_464 = arith.constant 272 : index
        %get3A_465 = tpu.vector_load %arg7[%get3A_463, %get3A_464] {strides = array<i32>} : memref<32x768xf32, #tpu.memory_space<vmem>>, vector<1x16xf32>,
        %get3A_466 = vector.shape_cast %get3A_465 : vector<1x16xf32> to vector<16xf32>
        %add3A_467 = arith.addf %get3A_462, %get3A_466 : vector<16xf32>
        %swap3A_468 = arith.index_cast %scan3A_222 : i32 to index
        %swap3A_469 = arith.constant 272 : index
        %swap3A_470 = tpu.vector_load %arg9[%swap3A_468, %swap3A_469] {strides = array<i32>} : memref<32x768xf32, #tpu.memory_space<vmem>>, vector<1x16xf32>,
        %swap3A_471 = vector.shape_cast %swap3A_470 : vector<1x16xf32> to vector<16xf32>
        %swap3A_472 = vector.shape_cast %add3A_467 : vector<16xf32> to vector<1x16xf32>
        tpu.vector_store %arg9[%swap3A_468, %swap3A_469], %swap3A_472 {strides = array<i32>} : memref<32x768xf32, #tpu.memory_space<vmem>>, vector<1x16xf32>,
        %get3A_473 = arith.index_cast %scan3A_222 : i32 to index
        %get3A_474 = arith.constant 288 : index
        %get3A_475 = tpu.vector_load %arg9[%get3A_473, %get3A_474] {strides = array<i32>} : memref<32x768xf32, #tpu.memory_space<vmem>>, vector<1x16xf32>,
        %get3A_476 = vector.shape_cast %get3A_475 : vector<1x16xf32> to vector<16xf32>
        %get3A_477 = arith.index_cast %scan3A_222 : i32 to index
        %get3A_478 = arith.constant 288 : index
        %get3A_479 = tpu.vector_load %arg7[%get3A_477, %get3A_478] {strides = array<i32>} : memref<32x768xf32, #tpu.memory_space<vmem>>, vector<1x16xf32>,
        %get3A_480 = vector.shape_cast %get3A_479 : vector<1x16xf32> to vector<16xf32>
        %add3A_481 = arith.addf %get3A_476, %get3A_480 : vector<16xf32>
        %swap3A_482 = arith.index_cast %scan3A_222 : i32 to index
        %swap3A_483 = arith.constant 288 : index
        %swap3A_484 = tpu.vector_load %arg9[%swap3A_482, %swap3A_483] {strides = array<i32>} : memref<32x768xf32, #tpu.memory_space<vmem>>, vector<1x16xf32>,
        %swap3A_485 = vector.shape_cast %swap3A_484 : vector<1x16xf32> to vector<16xf32>
        %swap3A_486 = vector.shape_cast %add3A_481 : vector<16xf32> to vector<1x16xf32>
        tpu.vector_store %arg9[%swap3A_482, %swap3A_483], %swap3A_486 {strides = array<i32>} : memref<32x768xf32, #tpu.memory_space<vmem>>, vector<1x16xf32>,
        %get3A_487 = arith.index_cast %scan3A_222 : i32 to index
        %get3A_488 = arith.constant 304 : index
        %get3A_489 = tpu.vector_load %arg9[%get3A_487, %get3A_488] {strides = array<i32>} : memref<32x768xf32, #tpu.memory_space<vmem>>, vector<1x16xf32>,
        %get3A_490 = vector.shape_cast %get3A_489 : vector<1x16xf32> to vector<16xf32>
        %get3A_491 = arith.index_cast %scan3A_222 : i32 to index
        %get3A_492 = arith.constant 304 : index
        %get3A_493 = tpu.vector_load %arg7[%get3A_491, %get3A_492] {strides = array<i32>} : memref<32x768xf32, #tpu.memory_space<vmem>>, vector<1x16xf32>,
        %get3A_494 = vector.shape_cast %get3A_493 : vector<1x16xf32> to vector<16xf32>
        %add3A_495 = arith.addf %get3A_490, %get3A_494 : vector<16xf32>
        %swap3A_496 = arith.index_cast %scan3A_222 : i32 to index
        %swap3A_497 = arith.constant 304 : index
        %swap3A_498 = tpu.vector_load %arg9[%swap3A_496, %swap3A_497] {strides = array<i32>} : memref<32x768xf32, #tpu.memory_space<vmem>>, vector<1x16xf32>,
        %swap3A_499 = vector.shape_cast %swap3A_498 : vector<1x16xf32> to vector<16xf32>
        %swap3A_500 = vector.shape_cast %add3A_495 : vector<16xf32> to vector<1x16xf32>
        tpu.vector_store %arg9[%swap3A_496, %swap3A_497], %swap3A_500 {strides = array<i32>} : memref<32x768xf32, #tpu.memory_space<vmem>>, vector<1x16xf32>,
        %get3A_501 = arith.index_cast %scan3A_222 : i32 to index
        %get3A_502 = arith.constant 320 : index
        %get3A_503 = tpu.vector_load %arg9[%get3A_501, %get3A_502] {strides = array<i32>} : memref<32x768xf32, #tpu.memory_space<vmem>>, vector<1x16xf32>,
        %get3A_504 = vector.shape_cast %get3A_503 : vector<1x16xf32> to vector<16xf32>
        %get3A_505 = arith.index_cast %scan3A_222 : i32 to index
        %get3A_506 = arith.constant 320 : index
        %get3A_507 = tpu.vector_load %arg7[%get3A_505, %get3A_506] {strides = array<i32>} : memref<32x768xf32, #tpu.memory_space<vmem>>, vector<1x16xf32>,
        %get3A_508 = vector.shape_cast %get3A_507 : vector<1x16xf32> to vector<16xf32>
        %add3A_509 = arith.addf %get3A_504, %get3A_508 : vector<16xf32>
        %swap3A_510 = arith.index_cast %scan3A_222 : i32 to index
        %swap3A_511 = arith.constant 320 : index
        %swap3A_512 = tpu.vector_load %arg9[%swap3A_510, %swap3A_511] {strides = array<i32>} : memref<32x768xf32, #tpu.memory_space<vmem>>, vector<1x16xf32>,
        %swap3A_513 = vector.shape_cast %swap3A_512 : vector<1x16xf32> to vector<16xf32>
        %swap3A_514 = vector.shape_cast %add3A_509 : vector<16xf32> to vector<1x16xf32>
        tpu.vector_store %arg9[%swap3A_510, %swap3A_511], %swap3A_514 {strides = array<i32>} : memref<32x768xf32, #tpu.memory_space<vmem>>, vector<1x16xf32>,
        %get3A_515 = arith.index_cast %scan3A_222 : i32 to index
        %get3A_516 = arith.constant 336 : index
        %get3A_517 = tpu.vector_load %arg9[%get3A_515, %get3A_516] {strides = array<i32>} : memref<32x768xf32, #tpu.memory_space<vmem>>, vector<1x16xf32>,
        %get3A_518 = vector.shape_cast %get3A_517 : vector<1x16xf32> to vector<16xf32>
        %get3A_519 = arith.index_cast %scan3A_222 : i32 to index
        %get3A_520 = arith.constant 336 : index
        %get3A_521 = tpu.vector_load %arg7[%get3A_519, %get3A_520] {strides = array<i32>} : memref<32x768xf32, #tpu.memory_space<vmem>>, vector<1x16xf32>,
        %get3A_522 = vector.shape_cast %get3A_521 : vector<1x16xf32> to vector<16xf32>
        %add3A_523 = arith.addf %get3A_518, %get3A_522 : vector<16xf32>
        %swap3A_524 = arith.index_cast %scan3A_222 : i32 to index
        %swap3A_525 = arith.constant 336 : index
        %swap3A_526 = tpu.vector_load %arg9[%swap3A_524, %swap3A_525] {strides = array<i32>} : memref<32x768xf32, #tpu.memory_space<vmem>>, vector<1x16xf32>,
        %swap3A_527 = vector.shape_cast %swap3A_526 : vector<1x16xf32> to vector<16xf32>
        %swap3A_528 = vector.shape_cast %add3A_523 : vector<16xf32> to vector<1x16xf32>
        tpu.vector_store %arg9[%swap3A_524, %swap3A_525], %swap3A_528 {strides = array<i32>} : memref<32x768xf32, #tpu.memory_space<vmem>>, vector<1x16xf32>,
        %get3A_529 = arith.index_cast %scan3A_222 : i32 to index
        %get3A_530 = arith.constant 352 : index
        %get3A_531 = tpu.vector_load %arg9[%get3A_529, %get3A_530] {strides = array<i32>} : memref<32x768xf32, #tpu.memory_space<vmem>>, vector<1x16xf32>,
        %get3A_532 = vector.shape_cast %get3A_531 : vector<1x16xf32> to vector<16xf32>
        %get3A_533 = arith.index_cast %scan3A_222 : i32 to index
        %get3A_534 = arith.constant 352 : index
        %get3A_535 = tpu.vector_load %arg7[%get3A_533, %get3A_534] {strides = array<i32>} : memref<32x768xf32, #tpu.memory_space<vmem>>, vector<1x16xf32>,
        %get3A_536 = vector.shape_cast %get3A_535 : vector<1x16xf32> to vector<16xf32>
        %add3A_537 = arith.addf %get3A_532, %get3A_536 : vector<16xf32>
        %swap3A_538 = arith.index_cast %scan3A_222 : i32 to index
        %swap3A_539 = arith.constant 352 : index
        %swap3A_540 = tpu.vector_load %arg9[%swap3A_538, %swap3A_539] {strides = array<i32>} : memref<32x768xf32, #tpu.memory_space<vmem>>, vector<1x16xf32>,
        %swap3A_541 = vector.shape_cast %swap3A_540 : vector<1x16xf32> to vector<16xf32>
        %swap3A_542 = vector.shape_cast %add3A_537 : vector<16xf32> to vector<1x16xf32>
        tpu.vector_store %arg9[%swap3A_538, %swap3A_539], %swap3A_542 {strides = array<i32>} : memref<32x768xf32, #tpu.memory_space<vmem>>, vector<1x16xf32>,
        %get3A_543 = arith.index_cast %scan3A_222 : i32 to index
        %get3A_544 = arith.constant 368 : index
        %get3A_545 = tpu.vector_load %arg9[%get3A_543, %get3A_544] {strides = array<i32>} : memref<32x768xf32, #tpu.memory_space<vmem>>, vector<1x16xf32>,
        %get3A_546 = vector.shape_cast %get3A_545 : vector<1x16xf32> to vector<16xf32>
        %get3A_547 = arith.index_cast %scan3A_222 : i32 to index
        %get3A_548 = arith.constant 368 : index
        %get3A_549 = tpu.vector_load %arg7[%get3A_547, %get3A_548] {strides = array<i32>} : memref<32x768xf32, #tpu.memory_space<vmem>>, vector<1x16xf32>,
        %get3A_550 = vector.shape_cast %get3A_549 : vector<1x16xf32> to vector<16xf32>
        %add3A_551 = arith.addf %get3A_546, %get3A_550 : vector<16xf32>
        %swap3A_552 = arith.index_cast %scan3A_222 : i32 to index
        %swap3A_553 = arith.constant 368 : index
        %swap3A_554 = tpu.vector_load %arg9[%swap3A_552, %swap3A_553] {strides = array<i32>} : memref<32x768xf32, #tpu.memory_space<vmem>>, vector<1x16xf32>,
        %swap3A_555 = vector.shape_cast %swap3A_554 : vector<1x16xf32> to vector<16xf32>
        %swap3A_556 = vector.shape_cast %add3A_551 : vector<16xf32> to vector<1x16xf32>
        tpu.vector_store %arg9[%swap3A_552, %swap3A_553], %swap3A_556 {strides = array<i32>} : memref<32x768xf32, #tpu.memory_space<vmem>>, vector<1x16xf32>,
        %get3A_557 = arith.index_cast %scan3A_222 : i32 to index
        %get3A_558 = arith.constant 384 : index
        %get3A_559 = tpu.vector_load %arg9[%get3A_557, %get3A_558] {strides = array<i32>} : memref<32x768xf32, #tpu.memory_space<vmem>>, vector<1x16xf32>,
        %get3A_560 = vector.shape_cast %get3A_559 : vector<1x16xf32> to vector<16xf32>
        %get3A_561 = arith.index_cast %scan3A_222 : i32 to index
        %get3A_562 = arith.constant 384 : index
        %get3A_563 = tpu.vector_load %arg7[%get3A_561, %get3A_562] {strides = array<i32>} : memref<32x768xf32, #tpu.memory_space<vmem>>, vector<1x16xf32>,
        %get3A_564 = vector.shape_cast %get3A_563 : vector<1x16xf32> to vector<16xf32>
        %add3A_565 = arith.addf %get3A_560, %get3A_564 : vector<16xf32>
        %swap3A_566 = arith.index_cast %scan3A_222 : i32 to index
        %swap3A_567 = arith.constant 384 : index
        %swap3A_568 = tpu.vector_load %arg9[%swap3A_566, %swap3A_567] {strides = array<i32>} : memref<32x768xf32, #tpu.memory_space<vmem>>, vector<1x16xf32>,
        %swap3A_569 = vector.shape_cast %swap3A_568 : vector<1x16xf32> to vector<16xf32>
        %swap3A_570 = vector.shape_cast %add3A_565 : vector<16xf32> to vector<1x16xf32>
        tpu.vector_store %arg9[%swap3A_566, %swap3A_567], %swap3A_570 {strides = array<i32>} : memref<32x768xf32, #tpu.memory_space<vmem>>, vector<1x16xf32>,
        %get3A_571 = arith.index_cast %scan3A_222 : i32 to index
        %get3A_572 = arith.constant 400 : index
        %get3A_573 = tpu.vector_load %arg9[%get3A_571, %get3A_572] {strides = array<i32>} : memref<32x768xf32, #tpu.memory_space<vmem>>, vector<1x16xf32>,
        %get3A_574 = vector.shape_cast %get3A_573 : vector<1x16xf32> to vector<16xf32>
        %get3A_575 = arith.index_cast %scan3A_222 : i32 to index
        %get3A_576 = arith.constant 400 : index
        %get3A_577 = tpu.vector_load %arg7[%get3A_575, %get3A_576] {strides = array<i32>} : memref<32x768xf32, #tpu.memory_space<vmem>>, vector<1x16xf32>,
        %get3A_578 = vector.shape_cast %get3A_577 : vector<1x16xf32> to vector<16xf32>
        %add3A_579 = arith.addf %get3A_574, %get3A_578 : vector<16xf32>
        %swap3A_580 = arith.index_cast %scan3A_222 : i32 to index
        %swap3A_581 = arith.constant 400 : index
        %swap3A_582 = tpu.vector_load %arg9[%swap3A_580, %swap3A_581] {strides = array<i32>} : memref<32x768xf32, #tpu.memory_space<vmem>>, vector<1x16xf32>,
        %swap3A_583 = vector.shape_cast %swap3A_582 : vector<1x16xf32> to vector<16xf32>
        %swap3A_584 = vector.shape_cast %add3A_579 : vector<16xf32> to vector<1x16xf32>
        tpu.vector_store %arg9[%swap3A_580, %swap3A_581], %swap3A_584 {strides = array<i32>} : memref<32x768xf32, #tpu.memory_space<vmem>>, vector<1x16xf32>,
        %get3A_585 = arith.index_cast %scan3A_222 : i32 to index
        %get3A_586 = arith.constant 416 : index
        %get3A_587 = tpu.vector_load %arg9[%get3A_585, %get3A_586] {strides = array<i32>} : memref<32x768xf32, #tpu.memory_space<vmem>>, vector<1x16xf32>,
        %get3A_588 = vector.shape_cast %get3A_587 : vector<1x16xf32> to vector<16xf32>
        %get3A_589 = arith.index_cast %scan3A_222 : i32 to index
        %get3A_590 = arith.constant 416 : index
        %get3A_591 = tpu.vector_load %arg7[%get3A_589, %get3A_590] {strides = array<i32>} : memref<32x768xf32, #tpu.memory_space<vmem>>, vector<1x16xf32>,
        %get3A_592 = vector.shape_cast %get3A_591 : vector<1x16xf32> to vector<16xf32>
        %add3A_593 = arith.addf %get3A_588, %get3A_592 : vector<16xf32>
        %swap3A_594 = arith.index_cast %scan3A_222 : i32 to index
        %swap3A_595 = arith.constant 416 : index
        %swap3A_596 = tpu.vector_load %arg9[%swap3A_594, %swap3A_595] {strides = array<i32>} : memref<32x768xf32, #tpu.memory_space<vmem>>, vector<1x16xf32>,
        %swap3A_597 = vector.shape_cast %swap3A_596 : vector<1x16xf32> to vector<16xf32>
        %swap3A_598 = vector.shape_cast %add3A_593 : vector<16xf32> to vector<1x16xf32>
        tpu.vector_store %arg9[%swap3A_594, %swap3A_595], %swap3A_598 {strides = array<i32>} : memref<32x768xf32, #tpu.memory_space<vmem>>, vector<1x16xf32>,
        %get3A_599 = arith.index_cast %scan3A_222 : i32 to index
        %get3A_600 = arith.constant 432 : index
        %get3A_601 = tpu.vector_load %arg9[%get3A_599, %get3A_600] {strides = array<i32>} : memref<32x768xf32, #tpu.memory_space<vmem>>, vector<1x16xf32>,
        %get3A_602 = vector.shape_cast %get3A_601 : vector<1x16xf32> to vector<16xf32>
        %get3A_603 = arith.index_cast %scan3A_222 : i32 to index
        %get3A_604 = arith.constant 432 : index
        %get3A_605 = tpu.vector_load %arg7[%get3A_603, %get3A_604] {strides = array<i32>} : memref<32x768xf32, #tpu.memory_space<vmem>>, vector<1x16xf32>,
        %get3A_606 = vector.shape_cast %get3A_605 : vector<1x16xf32> to vector<16xf32>
        %add3A_607 = arith.addf %get3A_602, %get3A_606 : vector<16xf32>
        %swap3A_608 = arith.index_cast %scan3A_222 : i32 to index
        %swap3A_609 = arith.constant 432 : index
        %swap3A_610 = tpu.vector_load %arg9[%swap3A_608, %swap3A_609] {strides = array<i32>} : memref<32x768xf32, #tpu.memory_space<vmem>>, vector<1x16xf32>,
        %swap3A_611 = vector.shape_cast %swap3A_610 : vector<1x16xf32> to vector<16xf32>
        %swap3A_612 = vector.shape_cast %add3A_607 : vector<16xf32> to vector<1x16xf32>
        tpu.vector_store %arg9[%swap3A_608, %swap3A_609], %swap3A_612 {strides = array<i32>} : memref<32x768xf32, #tpu.memory_space<vmem>>, vector<1x16xf32>,
        %get3A_613 = arith.index_cast %scan3A_222 : i32 to index
        %get3A_614 = arith.constant 448 : index
        %get3A_615 = tpu.vector_load %arg9[%get3A_613, %get3A_614] {strides = array<i32>} : memref<32x768xf32, #tpu.memory_space<vmem>>, vector<1x16xf32>,
        %get3A_616 = vector.shape_cast %get3A_615 : vector<1x16xf32> to vector<16xf32>
        %get3A_617 = arith.index_cast %scan3A_222 : i32 to index
        %get3A_618 = arith.constant 448 : index
        %get3A_619 = tpu.vector_load %arg7[%get3A_617, %get3A_618] {strides = array<i32>} : memref<32x768xf32, #tpu.memory_space<vmem>>, vector<1x16xf32>,
        %get3A_620 = vector.shape_cast %get3A_619 : vector<1x16xf32> to vector<16xf32>
        %add3A_621 = arith.addf %get3A_616, %get3A_620 : vector<16xf32>
        %swap3A_622 = arith.index_cast %scan3A_222 : i32 to index
        %swap3A_623 = arith.constant 448 : index
        %swap3A_624 = tpu.vector_load %arg9[%swap3A_622, %swap3A_623] {strides = array<i32>} : memref<32x768xf32, #tpu.memory_space<vmem>>, vector<1x16xf32>,
        %swap3A_625 = vector.shape_cast %swap3A_624 : vector<1x16xf32> to vector<16xf32>
        %swap3A_626 = vector.shape_cast %add3A_621 : vector<16xf32> to vector<1x16xf32>
        tpu.vector_store %arg9[%swap3A_622, %swap3A_623], %swap3A_626 {strides = array<i32>} : memref<32x768xf32, #tpu.memory_space<vmem>>, vector<1x16xf32>,
        %get3A_627 = arith.index_cast %scan3A_222 : i32 to index
        %get3A_628 = arith.constant 464 : index
        %get3A_629 = tpu.vector_load %arg9[%get3A_627, %get3A_628] {strides = array<i32>} : memref<32x768xf32, #tpu.memory_space<vmem>>, vector<1x16xf32>,
        %get3A_630 = vector.shape_cast %get3A_629 : vector<1x16xf32> to vector<16xf32>
        %get3A_631 = arith.index_cast %scan3A_222 : i32 to index
        %get3A_632 = arith.constant 464 : index
        %get3A_633 = tpu.vector_load %arg7[%get3A_631, %get3A_632] {strides = array<i32>} : memref<32x768xf32, #tpu.memory_space<vmem>>, vector<1x16xf32>,
        %get3A_634 = vector.shape_cast %get3A_633 : vector<1x16xf32> to vector<16xf32>
        %add3A_635 = arith.addf %get3A_630, %get3A_634 : vector<16xf32>
        %swap3A_636 = arith.index_cast %scan3A_222 : i32 to index
        %swap3A_637 = arith.constant 464 : index
        %swap3A_638 = tpu.vector_load %arg9[%swap3A_636, %swap3A_637] {strides = array<i32>} : memref<32x768xf32, #tpu.memory_space<vmem>>, vector<1x16xf32>,
        %swap3A_639 = vector.shape_cast %swap3A_638 : vector<1x16xf32> to vector<16xf32>
        %swap3A_640 = vector.shape_cast %add3A_635 : vector<16xf32> to vector<1x16xf32>
        tpu.vector_store %arg9[%swap3A_636, %swap3A_637], %swap3A_640 {strides = array<i32>} : memref<32x768xf32, #tpu.memory_space<vmem>>, vector<1x16xf32>,
        %get3A_641 = arith.index_cast %scan3A_222 : i32 to index
        %get3A_642 = arith.constant 480 : index
        %get3A_643 = tpu.vector_load %arg9[%get3A_641, %get3A_642] {strides = array<i32>} : memref<32x768xf32, #tpu.memory_space<vmem>>, vector<1x16xf32>,
        %get3A_644 = vector.shape_cast %get3A_643 : vector<1x16xf32> to vector<16xf32>
        %get3A_645 = arith.index_cast %scan3A_222 : i32 to index
        %get3A_646 = arith.constant 480 : index
        %get3A_647 = tpu.vector_load %arg7[%get3A_645, %get3A_646] {strides = array<i32>} : memref<32x768xf32, #tpu.memory_space<vmem>>, vector<1x16xf32>,
        %get3A_648 = vector.shape_cast %get3A_647 : vector<1x16xf32> to vector<16xf32>
        %add3A_649 = arith.addf %get3A_644, %get3A_648 : vector<16xf32>
        %swap3A_650 = arith.index_cast %scan3A_222 : i32 to index
        %swap3A_651 = arith.constant 480 : index
        %swap3A_652 = tpu.vector_load %arg9[%swap3A_650, %swap3A_651] {strides = array<i32>} : memref<32x768xf32, #tpu.memory_space<vmem>>, vector<1x16xf32>,
        %swap3A_653 = vector.shape_cast %swap3A_652 : vector<1x16xf32> to vector<16xf32>
        %swap3A_654 = vector.shape_cast %add3A_649 : vector<16xf32> to vector<1x16xf32>
        tpu.vector_store %arg9[%swap3A_650, %swap3A_651], %swap3A_654 {strides = array<i32>} : memref<32x768xf32, #tpu.memory_space<vmem>>, vector<1x16xf32>,
        %get3A_655 = arith.index_cast %scan3A_222 : i32 to index
        %get3A_656 = arith.constant 496 : index
        %get3A_657 = tpu.vector_load %arg9[%get3A_655, %get3A_656] {strides = array<i32>} : memref<32x768xf32, #tpu.memory_space<vmem>>, vector<1x16xf32>,
        %get3A_658 = vector.shape_cast %get3A_657 : vector<1x16xf32> to vector<16xf32>
        %get3A_659 = arith.index_cast %scan3A_222 : i32 to index
        %get3A_660 = arith.constant 496 : index
        %get3A_661 = tpu.vector_load %arg7[%get3A_659, %get3A_660] {strides = array<i32>} : memref<32x768xf32, #tpu.memory_space<vmem>>, vector<1x16xf32>,
        %get3A_662 = vector.shape_cast %get3A_661 : vector<1x16xf32> to vector<16xf32>
        %add3A_663 = arith.addf %get3A_658, %get3A_662 : vector<16xf32>
        %swap3A_664 = arith.index_cast %scan3A_222 : i32 to index
        %swap3A_665 = arith.constant 496 : index
        %swap3A_666 = tpu.vector_load %arg9[%swap3A_664, %swap3A_665] {strides = array<i32>} : memref<32x768xf32, #tpu.memory_space<vmem>>, vector<1x16xf32>,
        %swap3A_667 = vector.shape_cast %swap3A_666 : vector<1x16xf32> to vector<16xf32>
        %swap3A_668 = vector.shape_cast %add3A_663 : vector<16xf32> to vector<1x16xf32>
        tpu.vector_store %arg9[%swap3A_664, %swap3A_665], %swap3A_668 {strides = array<i32>} : memref<32x768xf32, #tpu.memory_space<vmem>>, vector<1x16xf32>,
        %get3A_669 = arith.index_cast %scan3A_222 : i32 to index
        %get3A_670 = arith.constant 512 : index
        %get3A_671 = tpu.vector_load %arg9[%get3A_669, %get3A_670] {strides = array<i32>} : memref<32x768xf32, #tpu.memory_space<vmem>>, vector<1x16xf32>,
        %get3A_672 = vector.shape_cast %get3A_671 : vector<1x16xf32> to vector<16xf32>
        %get3A_673 = arith.index_cast %scan3A_222 : i32 to index
        %get3A_674 = arith.constant 512 : index
        %get3A_675 = tpu.vector_load %arg7[%get3A_673, %get3A_674] {strides = array<i32>} : memref<32x768xf32, #tpu.memory_space<vmem>>, vector<1x16xf32>,
        %get3A_676 = vector.shape_cast %get3A_675 : vector<1x16xf32> to vector<16xf32>
        %add3A_677 = arith.addf %get3A_672, %get3A_676 : vector<16xf32>
        %swap3A_678 = arith.index_cast %scan3A_222 : i32 to index
        %swap3A_679 = arith.constant 512 : index
        %swap3A_680 = tpu.vector_load %arg9[%swap3A_678, %swap3A_679] {strides = array<i32>} : memref<32x768xf32, #tpu.memory_space<vmem>>, vector<1x16xf32>,
        %swap3A_681 = vector.shape_cast %swap3A_680 : vector<1x16xf32> to vector<16xf32>
        %swap3A_682 = vector.shape_cast %add3A_677 : vector<16xf32> to vector<1x16xf32>
        tpu.vector_store %arg9[%swap3A_678, %swap3A_679], %swap3A_682 {strides = array<i32>} : memref<32x768xf32, #tpu.memory_space<vmem>>, vector<1x16xf32>,
        %get3A_683 = arith.index_cast %scan3A_222 : i32 to index
        %get3A_684 = arith.constant 528 : index
        %get3A_685 = tpu.vector_load %arg9[%get3A_683, %get3A_684] {strides = array<i32>} : memref<32x768xf32, #tpu.memory_space<vmem>>, vector<1x16xf32>,
        %get3A_686 = vector.shape_cast %get3A_685 : vector<1x16xf32> to vector<16xf32>
        %get3A_687 = arith.index_cast %scan3A_222 : i32 to index
        %get3A_688 = arith.constant 528 : index
        %get3A_689 = tpu.vector_load %arg7[%get3A_687, %get3A_688] {strides = array<i32>} : memref<32x768xf32, #tpu.memory_space<vmem>>, vector<1x16xf32>,
        %get3A_690 = vector.shape_cast %get3A_689 : vector<1x16xf32> to vector<16xf32>
        %add3A_691 = arith.addf %get3A_686, %get3A_690 : vector<16xf32>
        %swap3A_692 = arith.index_cast %scan3A_222 : i32 to index
        %swap3A_693 = arith.constant 528 : index
        %swap3A_694 = tpu.vector_load %arg9[%swap3A_692, %swap3A_693] {strides = array<i32>} : memref<32x768xf32, #tpu.memory_space<vmem>>, vector<1x16xf32>,
        %swap3A_695 = vector.shape_cast %swap3A_694 : vector<1x16xf32> to vector<16xf32>
        %swap3A_696 = vector.shape_cast %add3A_691 : vector<16xf32> to vector<1x16xf32>
        tpu.vector_store %arg9[%swap3A_692, %swap3A_693], %swap3A_696 {strides = array<i32>} : memref<32x768xf32, #tpu.memory_space<vmem>>, vector<1x16xf32>,
        %get3A_697 = arith.index_cast %scan3A_222 : i32 to index
        %get3A_698 = arith.constant 544 : index
        %get3A_699 = tpu.vector_load %arg9[%get3A_697, %get3A_698] {strides = array<i32>} : memref<32x768xf32, #tpu.memory_space<vmem>>, vector<1x16xf32>,
        %get3A_700 = vector.shape_cast %get3A_699 : vector<1x16xf32> to vector<16xf32>
        %get3A_701 = arith.index_cast %scan3A_222 : i32 to index
        %get3A_702 = arith.constant 544 : index
        %get3A_703 = tpu.vector_load %arg7[%get3A_701, %get3A_702] {strides = array<i32>} : memref<32x768xf32, #tpu.memory_space<vmem>>, vector<1x16xf32>,
        %get3A_704 = vector.shape_cast %get3A_703 : vector<1x16xf32> to vector<16xf32>
        %add3A_705 = arith.addf %get3A_700, %get3A_704 : vector<16xf32>
        %swap3A_706 = arith.index_cast %scan3A_222 : i32 to index
        %swap3A_707 = arith.constant 544 : index
        %swap3A_708 = tpu.vector_load %arg9[%swap3A_706, %swap3A_707] {strides = array<i32>} : memref<32x768xf32, #tpu.memory_space<vmem>>, vector<1x16xf32>,
        %swap3A_709 = vector.shape_cast %swap3A_708 : vector<1x16xf32> to vector<16xf32>
        %swap3A_710 = vector.shape_cast %add3A_705 : vector<16xf32> to vector<1x16xf32>
        tpu.vector_store %arg9[%swap3A_706, %swap3A_707], %swap3A_710 {strides = array<i32>} : memref<32x768xf32, #tpu.memory_space<vmem>>, vector<1x16xf32>,
        %get3A_711 = arith.index_cast %scan3A_222 : i32 to index
        %get3A_712 = arith.constant 560 : index
        %get3A_713 = tpu.vector_load %arg9[%get3A_711, %get3A_712] {strides = array<i32>} : memref<32x768xf32, #tpu.memory_space<vmem>>, vector<1x16xf32>,
        %get3A_714 = vector.shape_cast %get3A_713 : vector<1x16xf32> to vector<16xf32>
        %get3A_715 = arith.index_cast %scan3A_222 : i32 to index
        %get3A_716 = arith.constant 560 : index
        %get3A_717 = tpu.vector_load %arg7[%get3A_715, %get3A_716] {strides = array<i32>} : memref<32x768xf32, #tpu.memory_space<vmem>>, vector<1x16xf32>,
        %get3A_718 = vector.shape_cast %get3A_717 : vector<1x16xf32> to vector<16xf32>
        %add3A_719 = arith.addf %get3A_714, %get3A_718 : vector<16xf32>
        %swap3A_720 = arith.index_cast %scan3A_222 : i32 to index
        %swap3A_721 = arith.constant 560 : index
        %swap3A_722 = tpu.vector_load %arg9[%swap3A_720, %swap3A_721] {strides = array<i32>} : memref<32x768xf32, #tpu.memory_space<vmem>>, vector<1x16xf32>,
        %swap3A_723 = vector.shape_cast %swap3A_722 : vector<1x16xf32> to vector<16xf32>
        %swap3A_724 = vector.shape_cast %add3A_719 : vector<16xf32> to vector<1x16xf32>
        tpu.vector_store %arg9[%swap3A_720, %swap3A_721], %swap3A_724 {strides = array<i32>} : memref<32x768xf32, #tpu.memory_space<vmem>>, vector<1x16xf32>,
        %get3A_725 = arith.index_cast %scan3A_222 : i32 to index
        %get3A_726 = arith.constant 576 : index
        %get3A_727 = tpu.vector_load %arg9[%get3A_725, %get3A_726] {strides = array<i32>} : memref<32x768xf32, #tpu.memory_space<vmem>>, vector<1x16xf32>,
        %get3A_728 = vector.shape_cast %get3A_727 : vector<1x16xf32> to vector<16xf32>
        %get3A_729 = arith.index_cast %scan3A_222 : i32 to index
        %get3A_730 = arith.constant 576 : index
        %get3A_731 = tpu.vector_load %arg7[%get3A_729, %get3A_730] {strides = array<i32>} : memref<32x768xf32, #tpu.memory_space<vmem>>, vector<1x16xf32>,
        %get3A_732 = vector.shape_cast %get3A_731 : vector<1x16xf32> to vector<16xf32>
        %add3A_733 = arith.addf %get3A_728, %get3A_732 : vector<16xf32>
        %swap3A_734 = arith.index_cast %scan3A_222 : i32 to index
        %swap3A_735 = arith.constant 576 : index
        %swap3A_736 = tpu.vector_load %arg9[%swap3A_734, %swap3A_735] {strides = array<i32>} : memref<32x768xf32, #tpu.memory_space<vmem>>, vector<1x16xf32>,
        %swap3A_737 = vector.shape_cast %swap3A_736 : vector<1x16xf32> to vector<16xf32>
        %swap3A_738 = vector.shape_cast %add3A_733 : vector<16xf32> to vector<1x16xf32>
        tpu.vector_store %arg9[%swap3A_734, %swap3A_735], %swap3A_738 {strides = array<i32>} : memref<32x768xf32, #tpu.memory_space<vmem>>, vector<1x16xf32>,
        %get3A_739 = arith.index_cast %scan3A_222 : i32 to index
        %get3A_740 = arith.constant 592 : index
        %get3A_741 = tpu.vector_load %arg9[%get3A_739, %get3A_740] {strides = array<i32>} : memref<32x768xf32, #tpu.memory_space<vmem>>, vector<1x16xf32>,
        %get3A_742 = vector.shape_cast %get3A_741 : vector<1x16xf32> to vector<16xf32>
        %get3A_743 = arith.index_cast %scan3A_222 : i32 to index
        %get3A_744 = arith.constant 592 : index
        %get3A_745 = tpu.vector_load %arg7[%get3A_743, %get3A_744] {strides = array<i32>} : memref<32x768xf32, #tpu.memory_space<vmem>>, vector<1x16xf32>,
        %get3A_746 = vector.shape_cast %get3A_745 : vector<1x16xf32> to vector<16xf32>
        %add3A_747 = arith.addf %get3A_742, %get3A_746 : vector<16xf32>
        %swap3A_748 = arith.index_cast %scan3A_222 : i32 to index
        %swap3A_749 = arith.constant 592 : index
        %swap3A_750 = tpu.vector_load %arg9[%swap3A_748, %swap3A_749] {strides = array<i32>} : memref<32x768xf32, #tpu.memory_space<vmem>>, vector<1x16xf32>,
        %swap3A_751 = vector.shape_cast %swap3A_750 : vector<1x16xf32> to vector<16xf32>
        %swap3A_752 = vector.shape_cast %add3A_747 : vector<16xf32> to vector<1x16xf32>
        tpu.vector_store %arg9[%swap3A_748, %swap3A_749], %swap3A_752 {strides = array<i32>} : memref<32x768xf32, #tpu.memory_space<vmem>>, vector<1x16xf32>,
        %get3A_753 = arith.index_cast %scan3A_222 : i32 to index
        %get3A_754 = arith.constant 608 : index
        %get3A_755 = tpu.vector_load %arg9[%get3A_753, %get3A_754] {strides = array<i32>} : memref<32x768xf32, #tpu.memory_space<vmem>>, vector<1x16xf32>,
        %get3A_756 = vector.shape_cast %get3A_755 : vector<1x16xf32> to vector<16xf32>
        %get3A_757 = arith.index_cast %scan3A_222 : i32 to index
        %get3A_758 = arith.constant 608 : index
        %get3A_759 = tpu.vector_load %arg7[%get3A_757, %get3A_758] {strides = array<i32>} : memref<32x768xf32, #tpu.memory_space<vmem>>, vector<1x16xf32>,
        %get3A_760 = vector.shape_cast %get3A_759 : vector<1x16xf32> to vector<16xf32>
        %add3A_761 = arith.addf %get3A_756, %get3A_760 : vector<16xf32>
        %swap3A_762 = arith.index_cast %scan3A_222 : i32 to index
        %swap3A_763 = arith.constant 608 : index
        %swap3A_764 = tpu.vector_load %arg9[%swap3A_762, %swap3A_763] {strides = array<i32>} : memref<32x768xf32, #tpu.memory_space<vmem>>, vector<1x16xf32>,
        %swap3A_765 = vector.shape_cast %swap3A_764 : vector<1x16xf32> to vector<16xf32>
        %swap3A_766 = vector.shape_cast %add3A_761 : vector<16xf32> to vector<1x16xf32>
        tpu.vector_store %arg9[%swap3A_762, %swap3A_763], %swap3A_766 {strides = array<i32>} : memref<32x768xf32, #tpu.memory_space<vmem>>, vector<1x16xf32>,
        %get3A_767 = arith.index_cast %scan3A_222 : i32 to index
        %get3A_768 = arith.constant 624 : index
        %get3A_769 = tpu.vector_load %arg9[%get3A_767, %get3A_768] {strides = array<i32>} : memref<32x768xf32, #tpu.memory_space<vmem>>, vector<1x16xf32>,
        %get3A_770 = vector.shape_cast %get3A_769 : vector<1x16xf32> to vector<16xf32>
        %get3A_771 = arith.index_cast %scan3A_222 : i32 to index
        %get3A_772 = arith.constant 624 : index
        %get3A_773 = tpu.vector_load %arg7[%get3A_771, %get3A_772] {strides = array<i32>} : memref<32x768xf32, #tpu.memory_space<vmem>>, vector<1x16xf32>,
        %get3A_774 = vector.shape_cast %get3A_773 : vector<1x16xf32> to vector<16xf32>
        %add3A_775 = arith.addf %get3A_770, %get3A_774 : vector<16xf32>
        %swap3A_776 = arith.index_cast %scan3A_222 : i32 to index
        %swap3A_777 = arith.constant 624 : index
        %swap3A_778 = tpu.vector_load %arg9[%swap3A_776, %swap3A_777] {strides = array<i32>} : memref<32x768xf32, #tpu.memory_space<vmem>>, vector<1x16xf32>,
        %swap3A_779 = vector.shape_cast %swap3A_778 : vector<1x16xf32> to vector<16xf32>
        %swap3A_780 = vector.shape_cast %add3A_775 : vector<16xf32> to vector<1x16xf32>
        tpu.vector_store %arg9[%swap3A_776, %swap3A_777], %swap3A_780 {strides = array<i32>} : memref<32x768xf32, #tpu.memory_space<vmem>>, vector<1x16xf32>,
        %get3A_781 = arith.index_cast %scan3A_222 : i32 to index
        %get3A_782 = arith.constant 640 : index
        %get3A_783 = tpu.vector_load %arg9[%get3A_781, %get3A_782] {strides = array<i32>} : memref<32x768xf32, #tpu.memory_space<vmem>>, vector<1x16xf32>,
        %get3A_784 = vector.shape_cast %get3A_783 : vector<1x16xf32> to vector<16xf32>
        %get3A_785 = arith.index_cast %scan3A_222 : i32 to index
        %get3A_786 = arith.constant 640 : index
        %get3A_787 = tpu.vector_load %arg7[%get3A_785, %get3A_786] {strides = array<i32>} : memref<32x768xf32, #tpu.memory_space<vmem>>, vector<1x16xf32>,
        %get3A_788 = vector.shape_cast %get3A_787 : vector<1x16xf32> to vector<16xf32>
        %add3A_789 = arith.addf %get3A_784, %get3A_788 : vector<16xf32>
        %swap3A_790 = arith.index_cast %scan3A_222 : i32 to index
        %swap3A_791 = arith.constant 640 : index
        %swap3A_792 = tpu.vector_load %arg9[%swap3A_790, %swap3A_791] {strides = array<i32>} : memref<32x768xf32, #tpu.memory_space<vmem>>, vector<1x16xf32>,
        %swap3A_793 = vector.shape_cast %swap3A_792 : vector<1x16xf32> to vector<16xf32>
        %swap3A_794 = vector.shape_cast %add3A_789 : vector<16xf32> to vector<1x16xf32>
        tpu.vector_store %arg9[%swap3A_790, %swap3A_791], %swap3A_794 {strides = array<i32>} : memref<32x768xf32, #tpu.memory_space<vmem>>, vector<1x16xf32>,
        %get3A_795 = arith.index_cast %scan3A_222 : i32 to index
        %get3A_796 = arith.constant 656 : index
        %get3A_797 = tpu.vector_load %arg9[%get3A_795, %get3A_796] {strides = array<i32>} : memref<32x768xf32, #tpu.memory_space<vmem>>, vector<1x16xf32>,
        %get3A_798 = vector.shape_cast %get3A_797 : vector<1x16xf32> to vector<16xf32>
        %get3A_799 = arith.index_cast %scan3A_222 : i32 to index
        %get3A_800 = arith.constant 656 : index
        %get3A_801 = tpu.vector_load %arg7[%get3A_799, %get3A_800] {strides = array<i32>} : memref<32x768xf32, #tpu.memory_space<vmem>>, vector<1x16xf32>,
        %get3A_802 = vector.shape_cast %get3A_801 : vector<1x16xf32> to vector<16xf32>
        %add3A_803 = arith.addf %get3A_798, %get3A_802 : vector<16xf32>
        %swap3A_804 = arith.index_cast %scan3A_222 : i32 to index
        %swap3A_805 = arith.constant 656 : index
        %swap3A_806 = tpu.vector_load %arg9[%swap3A_804, %swap3A_805] {strides = array<i32>} : memref<32x768xf32, #tpu.memory_space<vmem>>, vector<1x16xf32>,
        %swap3A_807 = vector.shape_cast %swap3A_806 : vector<1x16xf32> to vector<16xf32>
        %swap3A_808 = vector.shape_cast %add3A_803 : vector<16xf32> to vector<1x16xf32>
        tpu.vector_store %arg9[%swap3A_804, %swap3A_805], %swap3A_808 {strides = array<i32>} : memref<32x768xf32, #tpu.memory_space<vmem>>, vector<1x16xf32>,
        %get3A_809 = arith.index_cast %scan3A_222 : i32 to index
        %get3A_810 = arith.constant 672 : index
        %get3A_811 = tpu.vector_load %arg9[%get3A_809, %get3A_810] {strides = array<i32>} : memref<32x768xf32, #tpu.memory_space<vmem>>, vector<1x16xf32>,
        %get3A_812 = vector.shape_cast %get3A_811 : vector<1x16xf32> to vector<16xf32>
        %get3A_813 = arith.index_cast %scan3A_222 : i32 to index
        %get3A_814 = arith.constant 672 : index
        %get3A_815 = tpu.vector_load %arg7[%get3A_813, %get3A_814] {strides = array<i32>} : memref<32x768xf32, #tpu.memory_space<vmem>>, vector<1x16xf32>,
        %get3A_816 = vector.shape_cast %get3A_815 : vector<1x16xf32> to vector<16xf32>
        %add3A_817 = arith.addf %get3A_812, %get3A_816 : vector<16xf32>
        %swap3A_818 = arith.index_cast %scan3A_222 : i32 to index
        %swap3A_819 = arith.constant 672 : index
        %swap3A_820 = tpu.vector_load %arg9[%swap3A_818, %swap3A_819] {strides = array<i32>} : memref<32x768xf32, #tpu.memory_space<vmem>>, vector<1x16xf32>,
        %swap3A_821 = vector.shape_cast %swap3A_820 : vector<1x16xf32> to vector<16xf32>
        %swap3A_822 = vector.shape_cast %add3A_817 : vector<16xf32> to vector<1x16xf32>
        tpu.vector_store %arg9[%swap3A_818, %swap3A_819], %swap3A_822 {strides = array<i32>} : memref<32x768xf32, #tpu.memory_space<vmem>>, vector<1x16xf32>,
        %get3A_823 = arith.index_cast %scan3A_222 : i32 to index
        %get3A_824 = arith.constant 688 : index
        %get3A_825 = tpu.vector_load %arg9[%get3A_823, %get3A_824] {strides = array<i32>} : memref<32x768xf32, #tpu.memory_space<vmem>>, vector<1x16xf32>,
        %get3A_826 = vector.shape_cast %get3A_825 : vector<1x16xf32> to vector<16xf32>
        %get3A_827 = arith.index_cast %scan3A_222 : i32 to index
        %get3A_828 = arith.constant 688 : index
        %get3A_829 = tpu.vector_load %arg7[%get3A_827, %get3A_828] {strides = array<i32>} : memref<32x768xf32, #tpu.memory_space<vmem>>, vector<1x16xf32>,
        %get3A_830 = vector.shape_cast %get3A_829 : vector<1x16xf32> to vector<16xf32>
        %add3A_831 = arith.addf %get3A_826, %get3A_830 : vector<16xf32>
        %swap3A_832 = arith.index_cast %scan3A_222 : i32 to index
        %swap3A_833 = arith.constant 688 : index
        %swap3A_834 = tpu.vector_load %arg9[%swap3A_832, %swap3A_833] {strides = array<i32>} : memref<32x768xf32, #tpu.memory_space<vmem>>, vector<1x16xf32>,
        %swap3A_835 = vector.shape_cast %swap3A_834 : vector<1x16xf32> to vector<16xf32>
        %swap3A_836 = vector.shape_cast %add3A_831 : vector<16xf32> to vector<1x16xf32>
        tpu.vector_store %arg9[%swap3A_832, %swap3A_833], %swap3A_836 {strides = array<i32>} : memref<32x768xf32, #tpu.memory_space<vmem>>, vector<1x16xf32>,
        %get3A_837 = arith.index_cast %scan3A_222 : i32 to index
        %get3A_838 = arith.constant 704 : index
        %get3A_839 = tpu.vector_load %arg9[%get3A_837, %get3A_838] {strides = array<i32>} : memref<32x768xf32, #tpu.memory_space<vmem>>, vector<1x16xf32>,
        %get3A_840 = vector.shape_cast %get3A_839 : vector<1x16xf32> to vector<16xf32>
        %get3A_841 = arith.index_cast %scan3A_222 : i32 to index
        %get3A_842 = arith.constant 704 : index
        %get3A_843 = tpu.vector_load %arg7[%get3A_841, %get3A_842] {strides = array<i32>} : memref<32x768xf32, #tpu.memory_space<vmem>>, vector<1x16xf32>,
        %get3A_844 = vector.shape_cast %get3A_843 : vector<1x16xf32> to vector<16xf32>
        %add3A_845 = arith.addf %get3A_840, %get3A_844 : vector<16xf32>
        %swap3A_846 = arith.index_cast %scan3A_222 : i32 to index
        %swap3A_847 = arith.constant 704 : index
        %swap3A_848 = tpu.vector_load %arg9[%swap3A_846, %swap3A_847] {strides = array<i32>} : memref<32x768xf32, #tpu.memory_space<vmem>>, vector<1x16xf32>,
        %swap3A_849 = vector.shape_cast %swap3A_848 : vector<1x16xf32> to vector<16xf32>
        %swap3A_850 = vector.shape_cast %add3A_845 : vector<16xf32> to vector<1x16xf32>
        tpu.vector_store %arg9[%swap3A_846, %swap3A_847], %swap3A_850 {strides = array<i32>} : memref<32x768xf32, #tpu.memory_space<vmem>>, vector<1x16xf32>,
        %get3A_851 = arith.index_cast %scan3A_222 : i32 to index
        %get3A_852 = arith.constant 720 : index
        %get3A_853 = tpu.vector_load %arg9[%get3A_851, %get3A_852] {strides = array<i32>} : memref<32x768xf32, #tpu.memory_space<vmem>>, vector<1x16xf32>,
        %get3A_854 = vector.shape_cast %get3A_853 : vector<1x16xf32> to vector<16xf32>
        %get3A_855 = arith.index_cast %scan3A_222 : i32 to index
        %get3A_856 = arith.constant 720 : index
        %get3A_857 = tpu.vector_load %arg7[%get3A_855, %get3A_856] {strides = array<i32>} : memref<32x768xf32, #tpu.memory_space<vmem>>, vector<1x16xf32>,
        %get3A_858 = vector.shape_cast %get3A_857 : vector<1x16xf32> to vector<16xf32>
        %add3A_859 = arith.addf %get3A_854, %get3A_858 : vector<16xf32>
        %swap3A_860 = arith.index_cast %scan3A_222 : i32 to index
        %swap3A_861 = arith.constant 720 : index
        %swap3A_862 = tpu.vector_load %arg9[%swap3A_860, %swap3A_861] {strides = array<i32>} : memref<32x768xf32, #tpu.memory_space<vmem>>, vector<1x16xf32>,
        %swap3A_863 = vector.shape_cast %swap3A_862 : vector<1x16xf32> to vector<16xf32>
        %swap3A_864 = vector.shape_cast %add3A_859 : vector<16xf32> to vector<1x16xf32>
        tpu.vector_store %arg9[%swap3A_860, %swap3A_861], %swap3A_864 {strides = array<i32>} : memref<32x768xf32, #tpu.memory_space<vmem>>, vector<1x16xf32>,
        %get3A_865 = arith.index_cast %scan3A_222 : i32 to index
        %get3A_866 = arith.constant 736 : index
        %get3A_867 = tpu.vector_load %arg9[%get3A_865, %get3A_866] {strides = array<i32>} : memref<32x768xf32, #tpu.memory_space<vmem>>, vector<1x16xf32>,
        %get3A_868 = vector.shape_cast %get3A_867 : vector<1x16xf32> to vector<16xf32>
        %get3A_869 = arith.index_cast %scan3A_222 : i32 to index
        %get3A_870 = arith.constant 736 : index
        %get3A_871 = tpu.vector_load %arg7[%get3A_869, %get3A_870] {strides = array<i32>} : memref<32x768xf32, #tpu.memory_space<vmem>>, vector<1x16xf32>,
        %get3A_872 = vector.shape_cast %get3A_871 : vector<1x16xf32> to vector<16xf32>
        %add3A_873 = arith.addf %get3A_868, %get3A_872 : vector<16xf32>
        %swap3A_874 = arith.index_cast %scan3A_222 : i32 to index
        %swap3A_875 = arith.constant 736 : index
        %swap3A_876 = tpu.vector_load %arg9[%swap3A_874, %swap3A_875] {strides = array<i32>} : memref<32x768xf32, #tpu.memory_space<vmem>>, vector<1x16xf32>,
        %swap3A_877 = vector.shape_cast %swap3A_876 : vector<1x16xf32> to vector<16xf32>
        %swap3A_878 = vector.shape_cast %add3A_873 : vector<16xf32> to vector<1x16xf32>
        tpu.vector_store %arg9[%swap3A_874, %swap3A_875], %swap3A_878 {strides = array<i32>} : memref<32x768xf32, #tpu.memory_space<vmem>>, vector<1x16xf32>,
        %get3A_879 = arith.index_cast %scan3A_222 : i32 to index
        %get3A_880 = arith.constant 752 : index
        %get3A_881 = tpu.vector_load %arg9[%get3A_879, %get3A_880] {strides = array<i32>} : memref<32x768xf32, #tpu.memory_space<vmem>>, vector<1x16xf32>,
        %get3A_882 = vector.shape_cast %get3A_881 : vector<1x16xf32> to vector<16xf32>
        %get3A_883 = arith.index_cast %scan3A_222 : i32 to index
        %get3A_884 = arith.constant 752 : index
        %get3A_885 = tpu.vector_load %arg7[%get3A_883, %get3A_884] {strides = array<i32>} : memref<32x768xf32, #tpu.memory_space<vmem>>, vector<1x16xf32>,
        %get3A_886 = vector.shape_cast %get3A_885 : vector<1x16xf32> to vector<16xf32>
        %add3A_887 = arith.addf %get3A_882, %get3A_886 : vector<16xf32>
        %swap3A_888 = arith.index_cast %scan3A_222 : i32 to index
        %swap3A_889 = arith.constant 752 : index
        %swap3A_890 = tpu.vector_load %arg9[%swap3A_888, %swap3A_889] {strides = array<i32>} : memref<32x768xf32, #tpu.memory_space<vmem>>, vector<1x16xf32>,
        %swap3A_891 = vector.shape_cast %swap3A_890 : vector<1x16xf32> to vector<16xf32>
        %swap3A_892 = vector.shape_cast %add3A_887 : vector<16xf32> to vector<1x16xf32>
        tpu.vector_store %arg9[%swap3A_888, %swap3A_889], %swap3A_892 {strides = array<i32>} : memref<32x768xf32, #tpu.memory_space<vmem>>, vector<1x16xf32>,
      }
      %scan3A_110 = arith.constant 32 : i32
      %dma_start3A_111 = arith.constant 0 : i32
      %dma_start3A_112 = arith.constant 0 : i32
      %dma_start3A_113 = tpu.memref_slice %arg5[%add3A_96, %add3A, %dma_start3A_111, %dma_start3A_112] : memref<64x32x32x768xf32, #tpu.memory_space<hbm>> -> memref<1x1x32x768xf32, #tpu.memory_space<hbm>>
      %dma_start3A_114 = tpu.memref_squeeze %dma_start3A_113 : memref<1x1x32x768xf32, #tpu.memory_space<hbm>> -> memref<32x768xf32, #tpu.memory_space<hbm>>
      %dma_start3A_115 = arith.constant 0 : i32
      %dma_start3A_116 = arith.constant 0 : i32
      %dma_start3A_117 = tpu.memref_slice %arg5[%add3A_96, %add3A, %dma_start3A_115, %dma_start3A_116] : memref<64x32x32x768xf32, #tpu.memory_space<hbm>> -> memref<1x1x32x768xf32, #tpu.memory_space<hbm>>
      %dma_start3A_118 = tpu.memref_squeeze %dma_start3A_117 : memref<1x1x32x768xf32, #tpu.memory_space<hbm>> -> memref<32x768xf32, #tpu.memory_space<hbm>>
      tpu.enqueue_dma source(%arg9 : memref<32x768xf32, #tpu.memory_space<vmem>>) target(%dma_start3A_118 : memref<32x768xf32, #tpu.memory_space<hbm>>) target_semaphore(%arg17 : memref<!tpu.dma_semaphore, #tpu.memory_space<semaphore_mem>>)
      %gt3A_119 = arith.constant 0 : i32
      %gt3A_120 = arith.cmpi sgt, %add3A_96, %gt3A_119 : i32
      %convert_element_type3A_121 = arith.extui %gt3A_120 : i1 to i32
      %cond3A_122 = arith.constant 0 : i32
      %cond3A_123 = arith.cmpi ne, %convert_element_type3A_121, %cond3A_122 : i32
      scf.if %cond3A_123 {
        %sub3A_222 = arith.constant 1 : i32
        %sub3A_223 = arith.subi %add3A_96, %sub3A_222 : i32
        %dma_wait3A_224 = arith.constant 0 : i32
        %dma_wait3A_225 = arith.constant 0 : i32
        %dma_wait3A_226 = tpu.memref_slice %arg5[%sub3A_223, %add3A, %dma_wait3A_224, %dma_wait3A_225] : memref<64x32x32x768xf32, #tpu.memory_space<hbm>> -> memref<1x1x32x768xf32, #tpu.memory_space<hbm>>
        %dma_wait3A_227 = tpu.memref_squeeze %dma_wait3A_226 : memref<1x1x32x768xf32, #tpu.memory_space<hbm>> -> memref<32x768xf32, #tpu.memory_space<hbm>>
        %dma_wait3A_228 = arith.constant 0 : i32
        %dma_wait3A_229 = arith.constant 0 : i32
        %dma_wait3A_230 = tpu.memref_slice %arg5[%sub3A_223, %add3A, %dma_wait3A_228, %dma_wait3A_229] : memref<64x32x32x768xf32, #tpu.memory_space<hbm>> -> memref<1x1x32x768xf32, #tpu.memory_space<hbm>>
        %dma_wait3A_231 = tpu.memref_squeeze %dma_wait3A_230 : memref<1x1x32x768xf32, #tpu.memory_space<hbm>> -> memref<32x768xf32, #tpu.memory_space<hbm>>
        tpu.wait_dma2 semaphore(%arg16 : memref<!tpu.dma_semaphore, #tpu.memory_space<semaphore_mem>>) src(%arg8 : memref<32x768xf32, #tpu.memory_space<vmem>>) dst(%dma_wait3A_231 : memref<32x768xf32, #tpu.memory_space<hbm>>)
      } else {
      }
      %gt3A_124 = arith.constant 0 : i32
      %gt3A_125 = arith.cmpi sgt, %add3A_96, %gt3A_124 : i32
      %add3A_126 = arith.constant 4 : i32
      %add3A_127 = arith.addi %add3A_96, %add3A_126 : i32
      %sub3A_128 = arith.constant 1 : i32
      %sub3A_129 = arith.subi %add3A_127, %sub3A_128 : i32
      %lt3A_130 = arith.constant 64 : i32
      %lt3A_131 = arith.cmpi slt, %sub3A_129, %lt3A_130 : i32
      %and3A_132 = arith.andi %gt3A_125, %lt3A_131 : i1
      %convert_element_type3A_133 = arith.extui %and3A_132 : i1 to i32
      %cond3A_134 = arith.constant 0 : i32
      %cond3A_135 = arith.cmpi ne, %convert_element_type3A_133, %cond3A_134 : i32
      scf.if %cond3A_135 {
        %add3A_222 = arith.constant 4 : i32
        %add3A_223 = arith.addi %add3A_96, %add3A_222 : i32
        %sub3A_224 = arith.constant 1 : i32
        %sub3A_225 = arith.subi %add3A_223, %sub3A_224 : i32
        %dma_start3A_226 = arith.constant 0 : i32
        %dma_start3A_227 = arith.constant 0 : i32
        %dma_start3A_228 = tpu.memref_slice %arg2[%sub3A_225, %add3A, %dma_start3A_226, %dma_start3A_227] : memref<64x32x32x768xf32, #tpu.memory_space<hbm>> -> memref<1x1x32x768xf32, #tpu.memory_space<hbm>>
        %dma_start3A_229 = tpu.memref_squeeze %dma_start3A_228 : memref<1x1x32x768xf32, #tpu.memory_space<hbm>> -> memref<32x768xf32, #tpu.memory_space<hbm>>
        %dma_start3A_230 = arith.constant 0 : i32
        %dma_start3A_231 = arith.constant 0 : i32
        %dma_start3A_232 = tpu.memref_slice %arg2[%sub3A_225, %add3A, %dma_start3A_230, %dma_start3A_231] : memref<64x32x32x768xf32, #tpu.memory_space<hbm>> -> memref<1x1x32x768xf32, #tpu.memory_space<hbm>>
        %dma_start3A_233 = tpu.memref_squeeze %dma_start3A_232 : memref<1x1x32x768xf32, #tpu.memory_space<hbm>> -> memref<32x768xf32, #tpu.memory_space<hbm>>
        tpu.enqueue_dma source(%dma_start3A_233 : memref<32x768xf32, #tpu.memory_space<hbm>>) target(%arg8 : memref<32x768xf32, #tpu.memory_space<vmem>>) target_semaphore(%arg12 : memref<!tpu.dma_semaphore, #tpu.memory_space<semaphore_mem>>)
      } else {
      }
      %mul3A_136 = arith.constant 4 : i32
      %mul3A_137 = arith.muli %scan3A_55, %mul3A_136 : i32
      %add3A_138 = arith.constant 2 : i32
      %add3A_139 = arith.addi %mul3A_137, %add3A_138 : i32
      %dma_wait3A_140 = arith.constant 0 : i32
      %dma_wait3A_141 = arith.constant 0 : i32
      %dma_wait3A_142 = tpu.memref_slice %arg2[%add3A_139, %add3A, %dma_wait3A_140, %dma_wait3A_141] : memref<64x32x32x768xf32, #tpu.memory_space<hbm>> -> memref<1x1x32x768xf32, #tpu.memory_space<hbm>>
      %dma_wait3A_143 = tpu.memref_squeeze %dma_wait3A_142 : memref<1x1x32x768xf32, #tpu.memory_space<hbm>> -> memref<32x768xf32, #tpu.memory_space<hbm>>
      %dma_wait3A_144 = arith.constant 0 : i32
      %dma_wait3A_145 = arith.constant 0 : i32
      %dma_wait3A_146 = tpu.memref_slice %arg2[%add3A_139, %add3A, %dma_wait3A_144, %dma_wait3A_145] : memref<64x32x32x768xf32, #tpu.memory_space<hbm>> -> memref<1x1x32x768xf32, #tpu.memory_space<hbm>>
      %dma_wait3A_147 = tpu.memref_squeeze %dma_wait3A_146 : memref<1x1x32x768xf32, #tpu.memory_space<hbm>> -> memref<32x768xf32, #tpu.memory_space<hbm>>
      tpu.wait_dma2 semaphore(%arg14 : memref<!tpu.dma_semaphore, #tpu.memory_space<semaphore_mem>>) src(%dma_wait3A_147 : memref<32x768xf32, #tpu.memory_space<hbm>>) dst(%arg10 : memref<32x768xf32, #tpu.memory_space<vmem>>)
      %scan3A_148 = arith.constant 0 : i32
      %scan3A_149 = arith.constant 0 : i32
      %scan3A_150 = arith.constant 32 : i32
      %scan3A_151 = arith.addi %scan3A_149, %scan3A_150 : i32
      %scan3A_152 = arith.constant 1 : i32
      scf.for %scan3A_222 = %scan3A_149 to %scan3A_151 step %scan3A_152  : i32 {
        %get3A = arith.index_cast %scan3A_222 : i32 to index
        %get3A_223 = arith.constant 0 : index
        %get3A_224 = tpu.vector_load %arg10[%get3A, %get3A_223] {strides = array<i32>} : memref<32x768xf32, #tpu.memory_space<vmem>>, vector<1x16xf32>,
        %get3A_225 = vector.shape_cast %get3A_224 : vector<1x16xf32> to vector<16xf32>
        %get3A_226 = arith.index_cast %scan3A_222 : i32 to index
        %get3A_227 = arith.constant 0 : index
        %get3A_228 = tpu.vector_load %arg7[%get3A_226, %get3A_227] {strides = array<i32>} : memref<32x768xf32, #tpu.memory_space<vmem>>, vector<1x16xf32>,
        %get3A_229 = vector.shape_cast %get3A_228 : vector<1x16xf32> to vector<16xf32>
        %add3A_230 = arith.addf %get3A_225, %get3A_229 : vector<16xf32>
        %swap3A = arith.index_cast %scan3A_222 : i32 to index
        %swap3A_231 = arith.constant 0 : index
        %swap3A_232 = tpu.vector_load %arg10[%swap3A, %swap3A_231] {strides = array<i32>} : memref<32x768xf32, #tpu.memory_space<vmem>>, vector<1x16xf32>,
        %swap3A_233 = vector.shape_cast %swap3A_232 : vector<1x16xf32> to vector<16xf32>
        %swap3A_234 = vector.shape_cast %add3A_230 : vector<16xf32> to vector<1x16xf32>
        tpu.vector_store %arg10[%swap3A, %swap3A_231], %swap3A_234 {strides = array<i32>} : memref<32x768xf32, #tpu.memory_space<vmem>>, vector<1x16xf32>,
        %get3A_235 = arith.index_cast %scan3A_222 : i32 to index
        %get3A_236 = arith.constant 16 : index
        %get3A_237 = tpu.vector_load %arg10[%get3A_235, %get3A_236] {strides = array<i32>} : memref<32x768xf32, #tpu.memory_space<vmem>>, vector<1x16xf32>,
        %get3A_238 = vector.shape_cast %get3A_237 : vector<1x16xf32> to vector<16xf32>
        %get3A_239 = arith.index_cast %scan3A_222 : i32 to index
        %get3A_240 = arith.constant 16 : index
        %get3A_241 = tpu.vector_load %arg7[%get3A_239, %get3A_240] {strides = array<i32>} : memref<32x768xf32, #tpu.memory_space<vmem>>, vector<1x16xf32>,
        %get3A_242 = vector.shape_cast %get3A_241 : vector<1x16xf32> to vector<16xf32>
        %add3A_243 = arith.addf %get3A_238, %get3A_242 : vector<16xf32>
        %swap3A_244 = arith.index_cast %scan3A_222 : i32 to index
        %swap3A_245 = arith.constant 16 : index
        %swap3A_246 = tpu.vector_load %arg10[%swap3A_244, %swap3A_245] {strides = array<i32>} : memref<32x768xf32, #tpu.memory_space<vmem>>, vector<1x16xf32>,
        %swap3A_247 = vector.shape_cast %swap3A_246 : vector<1x16xf32> to vector<16xf32>
        %swap3A_248 = vector.shape_cast %add3A_243 : vector<16xf32> to vector<1x16xf32>
        tpu.vector_store %arg10[%swap3A_244, %swap3A_245], %swap3A_248 {strides = array<i32>} : memref<32x768xf32, #tpu.memory_space<vmem>>, vector<1x16xf32>,
        %get3A_249 = arith.index_cast %scan3A_222 : i32 to index
        %get3A_250 = arith.constant 32 : index
        %get3A_251 = tpu.vector_load %arg10[%get3A_249, %get3A_250] {strides = array<i32>} : memref<32x768xf32, #tpu.memory_space<vmem>>, vector<1x16xf32>,
        %get3A_252 = vector.shape_cast %get3A_251 : vector<1x16xf32> to vector<16xf32>
        %get3A_253 = arith.index_cast %scan3A_222 : i32 to index
        %get3A_254 = arith.constant 32 : index
        %get3A_255 = tpu.vector_load %arg7[%get3A_253, %get3A_254] {strides = array<i32>} : memref<32x768xf32, #tpu.memory_space<vmem>>, vector<1x16xf32>,
        %get3A_256 = vector.shape_cast %get3A_255 : vector<1x16xf32> to vector<16xf32>
        %add3A_257 = arith.addf %get3A_252, %get3A_256 : vector<16xf32>
        %swap3A_258 = arith.index_cast %scan3A_222 : i32 to index
        %swap3A_259 = arith.constant 32 : index
        %swap3A_260 = tpu.vector_load %arg10[%swap3A_258, %swap3A_259] {strides = array<i32>} : memref<32x768xf32, #tpu.memory_space<vmem>>, vector<1x16xf32>,
        %swap3A_261 = vector.shape_cast %swap3A_260 : vector<1x16xf32> to vector<16xf32>
        %swap3A_262 = vector.shape_cast %add3A_257 : vector<16xf32> to vector<1x16xf32>
        tpu.vector_store %arg10[%swap3A_258, %swap3A_259], %swap3A_262 {strides = array<i32>} : memref<32x768xf32, #tpu.memory_space<vmem>>, vector<1x16xf32>,
        %get3A_263 = arith.index_cast %scan3A_222 : i32 to index
        %get3A_264 = arith.constant 48 : index
        %get3A_265 = tpu.vector_load %arg10[%get3A_263, %get3A_264] {strides = array<i32>} : memref<32x768xf32, #tpu.memory_space<vmem>>, vector<1x16xf32>,
        %get3A_266 = vector.shape_cast %get3A_265 : vector<1x16xf32> to vector<16xf32>
        %get3A_267 = arith.index_cast %scan3A_222 : i32 to index
        %get3A_268 = arith.constant 48 : index
        %get3A_269 = tpu.vector_load %arg7[%get3A_267, %get3A_268] {strides = array<i32>} : memref<32x768xf32, #tpu.memory_space<vmem>>, vector<1x16xf32>,
        %get3A_270 = vector.shape_cast %get3A_269 : vector<1x16xf32> to vector<16xf32>
        %add3A_271 = arith.addf %get3A_266, %get3A_270 : vector<16xf32>
        %swap3A_272 = arith.index_cast %scan3A_222 : i32 to index
        %swap3A_273 = arith.constant 48 : index
        %swap3A_274 = tpu.vector_load %arg10[%swap3A_272, %swap3A_273] {strides = array<i32>} : memref<32x768xf32, #tpu.memory_space<vmem>>, vector<1x16xf32>,
        %swap3A_275 = vector.shape_cast %swap3A_274 : vector<1x16xf32> to vector<16xf32>
        %swap3A_276 = vector.shape_cast %add3A_271 : vector<16xf32> to vector<1x16xf32>
        tpu.vector_store %arg10[%swap3A_272, %swap3A_273], %swap3A_276 {strides = array<i32>} : memref<32x768xf32, #tpu.memory_space<vmem>>, vector<1x16xf32>,
        %get3A_277 = arith.index_cast %scan3A_222 : i32 to index
        %get3A_278 = arith.constant 64 : index
        %get3A_279 = tpu.vector_load %arg10[%get3A_277, %get3A_278] {strides = array<i32>} : memref<32x768xf32, #tpu.memory_space<vmem>>, vector<1x16xf32>,
        %get3A_280 = vector.shape_cast %get3A_279 : vector<1x16xf32> to vector<16xf32>
        %get3A_281 = arith.index_cast %scan3A_222 : i32 to index
        %get3A_282 = arith.constant 64 : index
        %get3A_283 = tpu.vector_load %arg7[%get3A_281, %get3A_282] {strides = array<i32>} : memref<32x768xf32, #tpu.memory_space<vmem>>, vector<1x16xf32>,
        %get3A_284 = vector.shape_cast %get3A_283 : vector<1x16xf32> to vector<16xf32>
        %add3A_285 = arith.addf %get3A_280, %get3A_284 : vector<16xf32>
        %swap3A_286 = arith.index_cast %scan3A_222 : i32 to index
        %swap3A_287 = arith.constant 64 : index
        %swap3A_288 = tpu.vector_load %arg10[%swap3A_286, %swap3A_287] {strides = array<i32>} : memref<32x768xf32, #tpu.memory_space<vmem>>, vector<1x16xf32>,
        %swap3A_289 = vector.shape_cast %swap3A_288 : vector<1x16xf32> to vector<16xf32>
        %swap3A_290 = vector.shape_cast %add3A_285 : vector<16xf32> to vector<1x16xf32>
        tpu.vector_store %arg10[%swap3A_286, %swap3A_287], %swap3A_290 {strides = array<i32>} : memref<32x768xf32, #tpu.memory_space<vmem>>, vector<1x16xf32>,
        %get3A_291 = arith.index_cast %scan3A_222 : i32 to index
        %get3A_292 = arith.constant 80 : index
        %get3A_293 = tpu.vector_load %arg10[%get3A_291, %get3A_292] {strides = array<i32>} : memref<32x768xf32, #tpu.memory_space<vmem>>, vector<1x16xf32>,
        %get3A_294 = vector.shape_cast %get3A_293 : vector<1x16xf32> to vector<16xf32>
        %get3A_295 = arith.index_cast %scan3A_222 : i32 to index
        %get3A_296 = arith.constant 80 : index
        %get3A_297 = tpu.vector_load %arg7[%get3A_295, %get3A_296] {strides = array<i32>} : memref<32x768xf32, #tpu.memory_space<vmem>>, vector<1x16xf32>,
        %get3A_298 = vector.shape_cast %get3A_297 : vector<1x16xf32> to vector<16xf32>
        %add3A_299 = arith.addf %get3A_294, %get3A_298 : vector<16xf32>
        %swap3A_300 = arith.index_cast %scan3A_222 : i32 to index
        %swap3A_301 = arith.constant 80 : index
        %swap3A_302 = tpu.vector_load %arg10[%swap3A_300, %swap3A_301] {strides = array<i32>} : memref<32x768xf32, #tpu.memory_space<vmem>>, vector<1x16xf32>,
        %swap3A_303 = vector.shape_cast %swap3A_302 : vector<1x16xf32> to vector<16xf32>
        %swap3A_304 = vector.shape_cast %add3A_299 : vector<16xf32> to vector<1x16xf32>
        tpu.vector_store %arg10[%swap3A_300, %swap3A_301], %swap3A_304 {strides = array<i32>} : memref<32x768xf32, #tpu.memory_space<vmem>>, vector<1x16xf32>,
        %get3A_305 = arith.index_cast %scan3A_222 : i32 to index
        %get3A_306 = arith.constant 96 : index
        %get3A_307 = tpu.vector_load %arg10[%get3A_305, %get3A_306] {strides = array<i32>} : memref<32x768xf32, #tpu.memory_space<vmem>>, vector<1x16xf32>,
        %get3A_308 = vector.shape_cast %get3A_307 : vector<1x16xf32> to vector<16xf32>
        %get3A_309 = arith.index_cast %scan3A_222 : i32 to index
        %get3A_310 = arith.constant 96 : index
        %get3A_311 = tpu.vector_load %arg7[%get3A_309, %get3A_310] {strides = array<i32>} : memref<32x768xf32, #tpu.memory_space<vmem>>, vector<1x16xf32>,
        %get3A_312 = vector.shape_cast %get3A_311 : vector<1x16xf32> to vector<16xf32>
        %add3A_313 = arith.addf %get3A_308, %get3A_312 : vector<16xf32>
        %swap3A_314 = arith.index_cast %scan3A_222 : i32 to index
        %swap3A_315 = arith.constant 96 : index
        %swap3A_316 = tpu.vector_load %arg10[%swap3A_314, %swap3A_315] {strides = array<i32>} : memref<32x768xf32, #tpu.memory_space<vmem>>, vector<1x16xf32>,
        %swap3A_317 = vector.shape_cast %swap3A_316 : vector<1x16xf32> to vector<16xf32>
        %swap3A_318 = vector.shape_cast %add3A_313 : vector<16xf32> to vector<1x16xf32>
        tpu.vector_store %arg10[%swap3A_314, %swap3A_315], %swap3A_318 {strides = array<i32>} : memref<32x768xf32, #tpu.memory_space<vmem>>, vector<1x16xf32>,
        %get3A_319 = arith.index_cast %scan3A_222 : i32 to index
        %get3A_320 = arith.constant 112 : index
        %get3A_321 = tpu.vector_load %arg10[%get3A_319, %get3A_320] {strides = array<i32>} : memref<32x768xf32, #tpu.memory_space<vmem>>, vector<1x16xf32>,
        %get3A_322 = vector.shape_cast %get3A_321 : vector<1x16xf32> to vector<16xf32>
        %get3A_323 = arith.index_cast %scan3A_222 : i32 to index
        %get3A_324 = arith.constant 112 : index
        %get3A_325 = tpu.vector_load %arg7[%get3A_323, %get3A_324] {strides = array<i32>} : memref<32x768xf32, #tpu.memory_space<vmem>>, vector<1x16xf32>,
        %get3A_326 = vector.shape_cast %get3A_325 : vector<1x16xf32> to vector<16xf32>
        %add3A_327 = arith.addf %get3A_322, %get3A_326 : vector<16xf32>
        %swap3A_328 = arith.index_cast %scan3A_222 : i32 to index
        %swap3A_329 = arith.constant 112 : index
        %swap3A_330 = tpu.vector_load %arg10[%swap3A_328, %swap3A_329] {strides = array<i32>} : memref<32x768xf32, #tpu.memory_space<vmem>>, vector<1x16xf32>,
        %swap3A_331 = vector.shape_cast %swap3A_330 : vector<1x16xf32> to vector<16xf32>
        %swap3A_332 = vector.shape_cast %add3A_327 : vector<16xf32> to vector<1x16xf32>
        tpu.vector_store %arg10[%swap3A_328, %swap3A_329], %swap3A_332 {strides = array<i32>} : memref<32x768xf32, #tpu.memory_space<vmem>>, vector<1x16xf32>,
        %get3A_333 = arith.index_cast %scan3A_222 : i32 to index
        %get3A_334 = arith.constant 128 : index
        %get3A_335 = tpu.vector_load %arg10[%get3A_333, %get3A_334] {strides = array<i32>} : memref<32x768xf32, #tpu.memory_space<vmem>>, vector<1x16xf32>,
        %get3A_336 = vector.shape_cast %get3A_335 : vector<1x16xf32> to vector<16xf32>
        %get3A_337 = arith.index_cast %scan3A_222 : i32 to index
        %get3A_338 = arith.constant 128 : index
        %get3A_339 = tpu.vector_load %arg7[%get3A_337, %get3A_338] {strides = array<i32>} : memref<32x768xf32, #tpu.memory_space<vmem>>, vector<1x16xf32>,
        %get3A_340 = vector.shape_cast %get3A_339 : vector<1x16xf32> to vector<16xf32>
        %add3A_341 = arith.addf %get3A_336, %get3A_340 : vector<16xf32>
        %swap3A_342 = arith.index_cast %scan3A_222 : i32 to index
        %swap3A_343 = arith.constant 128 : index
        %swap3A_344 = tpu.vector_load %arg10[%swap3A_342, %swap3A_343] {strides = array<i32>} : memref<32x768xf32, #tpu.memory_space<vmem>>, vector<1x16xf32>,
        %swap3A_345 = vector.shape_cast %swap3A_344 : vector<1x16xf32> to vector<16xf32>
        %swap3A_346 = vector.shape_cast %add3A_341 : vector<16xf32> to vector<1x16xf32>
        tpu.vector_store %arg10[%swap3A_342, %swap3A_343], %swap3A_346 {strides = array<i32>} : memref<32x768xf32, #tpu.memory_space<vmem>>, vector<1x16xf32>,
        %get3A_347 = arith.index_cast %scan3A_222 : i32 to index
        %get3A_348 = arith.constant 144 : index
        %get3A_349 = tpu.vector_load %arg10[%get3A_347, %get3A_348] {strides = array<i32>} : memref<32x768xf32, #tpu.memory_space<vmem>>, vector<1x16xf32>,
        %get3A_350 = vector.shape_cast %get3A_349 : vector<1x16xf32> to vector<16xf32>
        %get3A_351 = arith.index_cast %scan3A_222 : i32 to index
        %get3A_352 = arith.constant 144 : index
        %get3A_353 = tpu.vector_load %arg7[%get3A_351, %get3A_352] {strides = array<i32>} : memref<32x768xf32, #tpu.memory_space<vmem>>, vector<1x16xf32>,
        %get3A_354 = vector.shape_cast %get3A_353 : vector<1x16xf32> to vector<16xf32>
        %add3A_355 = arith.addf %get3A_350, %get3A_354 : vector<16xf32>
        %swap3A_356 = arith.index_cast %scan3A_222 : i32 to index
        %swap3A_357 = arith.constant 144 : index
        %swap3A_358 = tpu.vector_load %arg10[%swap3A_356, %swap3A_357] {strides = array<i32>} : memref<32x768xf32, #tpu.memory_space<vmem>>, vector<1x16xf32>,
        %swap3A_359 = vector.shape_cast %swap3A_358 : vector<1x16xf32> to vector<16xf32>
        %swap3A_360 = vector.shape_cast %add3A_355 : vector<16xf32> to vector<1x16xf32>
        tpu.vector_store %arg10[%swap3A_356, %swap3A_357], %swap3A_360 {strides = array<i32>} : memref<32x768xf32, #tpu.memory_space<vmem>>, vector<1x16xf32>,
        %get3A_361 = arith.index_cast %scan3A_222 : i32 to index
        %get3A_362 = arith.constant 160 : index
        %get3A_363 = tpu.vector_load %arg10[%get3A_361, %get3A_362] {strides = array<i32>} : memref<32x768xf32, #tpu.memory_space<vmem>>, vector<1x16xf32>,
        %get3A_364 = vector.shape_cast %get3A_363 : vector<1x16xf32> to vector<16xf32>
        %get3A_365 = arith.index_cast %scan3A_222 : i32 to index
        %get3A_366 = arith.constant 160 : index
        %get3A_367 = tpu.vector_load %arg7[%get3A_365, %get3A_366] {strides = array<i32>} : memref<32x768xf32, #tpu.memory_space<vmem>>, vector<1x16xf32>,
        %get3A_368 = vector.shape_cast %get3A_367 : vector<1x16xf32> to vector<16xf32>
        %add3A_369 = arith.addf %get3A_364, %get3A_368 : vector<16xf32>
        %swap3A_370 = arith.index_cast %scan3A_222 : i32 to index
        %swap3A_371 = arith.constant 160 : index
        %swap3A_372 = tpu.vector_load %arg10[%swap3A_370, %swap3A_371] {strides = array<i32>} : memref<32x768xf32, #tpu.memory_space<vmem>>, vector<1x16xf32>,
        %swap3A_373 = vector.shape_cast %swap3A_372 : vector<1x16xf32> to vector<16xf32>
        %swap3A_374 = vector.shape_cast %add3A_369 : vector<16xf32> to vector<1x16xf32>
        tpu.vector_store %arg10[%swap3A_370, %swap3A_371], %swap3A_374 {strides = array<i32>} : memref<32x768xf32, #tpu.memory_space<vmem>>, vector<1x16xf32>,
        %get3A_375 = arith.index_cast %scan3A_222 : i32 to index
        %get3A_376 = arith.constant 176 : index
        %get3A_377 = tpu.vector_load %arg10[%get3A_375, %get3A_376] {strides = array<i32>} : memref<32x768xf32, #tpu.memory_space<vmem>>, vector<1x16xf32>,
        %get3A_378 = vector.shape_cast %get3A_377 : vector<1x16xf32> to vector<16xf32>
        %get3A_379 = arith.index_cast %scan3A_222 : i32 to index
        %get3A_380 = arith.constant 176 : index
        %get3A_381 = tpu.vector_load %arg7[%get3A_379, %get3A_380] {strides = array<i32>} : memref<32x768xf32, #tpu.memory_space<vmem>>, vector<1x16xf32>,
        %get3A_382 = vector.shape_cast %get3A_381 : vector<1x16xf32> to vector<16xf32>
        %add3A_383 = arith.addf %get3A_378, %get3A_382 : vector<16xf32>
        %swap3A_384 = arith.index_cast %scan3A_222 : i32 to index
        %swap3A_385 = arith.constant 176 : index
        %swap3A_386 = tpu.vector_load %arg10[%swap3A_384, %swap3A_385] {strides = array<i32>} : memref<32x768xf32, #tpu.memory_space<vmem>>, vector<1x16xf32>,
        %swap3A_387 = vector.shape_cast %swap3A_386 : vector<1x16xf32> to vector<16xf32>
        %swap3A_388 = vector.shape_cast %add3A_383 : vector<16xf32> to vector<1x16xf32>
        tpu.vector_store %arg10[%swap3A_384, %swap3A_385], %swap3A_388 {strides = array<i32>} : memref<32x768xf32, #tpu.memory_space<vmem>>, vector<1x16xf32>,
        %get3A_389 = arith.index_cast %scan3A_222 : i32 to index
        %get3A_390 = arith.constant 192 : index
        %get3A_391 = tpu.vector_load %arg10[%get3A_389, %get3A_390] {strides = array<i32>} : memref<32x768xf32, #tpu.memory_space<vmem>>, vector<1x16xf32>,
        %get3A_392 = vector.shape_cast %get3A_391 : vector<1x16xf32> to vector<16xf32>
        %get3A_393 = arith.index_cast %scan3A_222 : i32 to index
        %get3A_394 = arith.constant 192 : index
        %get3A_395 = tpu.vector_load %arg7[%get3A_393, %get3A_394] {strides = array<i32>} : memref<32x768xf32, #tpu.memory_space<vmem>>, vector<1x16xf32>,
        %get3A_396 = vector.shape_cast %get3A_395 : vector<1x16xf32> to vector<16xf32>
        %add3A_397 = arith.addf %get3A_392, %get3A_396 : vector<16xf32>
        %swap3A_398 = arith.index_cast %scan3A_222 : i32 to index
        %swap3A_399 = arith.constant 192 : index
        %swap3A_400 = tpu.vector_load %arg10[%swap3A_398, %swap3A_399] {strides = array<i32>} : memref<32x768xf32, #tpu.memory_space<vmem>>, vector<1x16xf32>,
        %swap3A_401 = vector.shape_cast %swap3A_400 : vector<1x16xf32> to vector<16xf32>
        %swap3A_402 = vector.shape_cast %add3A_397 : vector<16xf32> to vector<1x16xf32>
        tpu.vector_store %arg10[%swap3A_398, %swap3A_399], %swap3A_402 {strides = array<i32>} : memref<32x768xf32, #tpu.memory_space<vmem>>, vector<1x16xf32>,
        %get3A_403 = arith.index_cast %scan3A_222 : i32 to index
        %get3A_404 = arith.constant 208 : index
        %get3A_405 = tpu.vector_load %arg10[%get3A_403, %get3A_404] {strides = array<i32>} : memref<32x768xf32, #tpu.memory_space<vmem>>, vector<1x16xf32>,
        %get3A_406 = vector.shape_cast %get3A_405 : vector<1x16xf32> to vector<16xf32>
        %get3A_407 = arith.index_cast %scan3A_222 : i32 to index
        %get3A_408 = arith.constant 208 : index
        %get3A_409 = tpu.vector_load %arg7[%get3A_407, %get3A_408] {strides = array<i32>} : memref<32x768xf32, #tpu.memory_space<vmem>>, vector<1x16xf32>,
        %get3A_410 = vector.shape_cast %get3A_409 : vector<1x16xf32> to vector<16xf32>
        %add3A_411 = arith.addf %get3A_406, %get3A_410 : vector<16xf32>
        %swap3A_412 = arith.index_cast %scan3A_222 : i32 to index
        %swap3A_413 = arith.constant 208 : index
        %swap3A_414 = tpu.vector_load %arg10[%swap3A_412, %swap3A_413] {strides = array<i32>} : memref<32x768xf32, #tpu.memory_space<vmem>>, vector<1x16xf32>,
        %swap3A_415 = vector.shape_cast %swap3A_414 : vector<1x16xf32> to vector<16xf32>
        %swap3A_416 = vector.shape_cast %add3A_411 : vector<16xf32> to vector<1x16xf32>
        tpu.vector_store %arg10[%swap3A_412, %swap3A_413], %swap3A_416 {strides = array<i32>} : memref<32x768xf32, #tpu.memory_space<vmem>>, vector<1x16xf32>,
        %get3A_417 = arith.index_cast %scan3A_222 : i32 to index
        %get3A_418 = arith.constant 224 : index
        %get3A_419 = tpu.vector_load %arg10[%get3A_417, %get3A_418] {strides = array<i32>} : memref<32x768xf32, #tpu.memory_space<vmem>>, vector<1x16xf32>,
        %get3A_420 = vector.shape_cast %get3A_419 : vector<1x16xf32> to vector<16xf32>
        %get3A_421 = arith.index_cast %scan3A_222 : i32 to index
        %get3A_422 = arith.constant 224 : index
        %get3A_423 = tpu.vector_load %arg7[%get3A_421, %get3A_422] {strides = array<i32>} : memref<32x768xf32, #tpu.memory_space<vmem>>, vector<1x16xf32>,
        %get3A_424 = vector.shape_cast %get3A_423 : vector<1x16xf32> to vector<16xf32>
        %add3A_425 = arith.addf %get3A_420, %get3A_424 : vector<16xf32>
        %swap3A_426 = arith.index_cast %scan3A_222 : i32 to index
        %swap3A_427 = arith.constant 224 : index
        %swap3A_428 = tpu.vector_load %arg10[%swap3A_426, %swap3A_427] {strides = array<i32>} : memref<32x768xf32, #tpu.memory_space<vmem>>, vector<1x16xf32>,
        %swap3A_429 = vector.shape_cast %swap3A_428 : vector<1x16xf32> to vector<16xf32>
        %swap3A_430 = vector.shape_cast %add3A_425 : vector<16xf32> to vector<1x16xf32>
        tpu.vector_store %arg10[%swap3A_426, %swap3A_427], %swap3A_430 {strides = array<i32>} : memref<32x768xf32, #tpu.memory_space<vmem>>, vector<1x16xf32>,
        %get3A_431 = arith.index_cast %scan3A_222 : i32 to index
        %get3A_432 = arith.constant 240 : index
        %get3A_433 = tpu.vector_load %arg10[%get3A_431, %get3A_432] {strides = array<i32>} : memref<32x768xf32, #tpu.memory_space<vmem>>, vector<1x16xf32>,
        %get3A_434 = vector.shape_cast %get3A_433 : vector<1x16xf32> to vector<16xf32>
        %get3A_435 = arith.index_cast %scan3A_222 : i32 to index
        %get3A_436 = arith.constant 240 : index
        %get3A_437 = tpu.vector_load %arg7[%get3A_435, %get3A_436] {strides = array<i32>} : memref<32x768xf32, #tpu.memory_space<vmem>>, vector<1x16xf32>,
        %get3A_438 = vector.shape_cast %get3A_437 : vector<1x16xf32> to vector<16xf32>
        %add3A_439 = arith.addf %get3A_434, %get3A_438 : vector<16xf32>
        %swap3A_440 = arith.index_cast %scan3A_222 : i32 to index
        %swap3A_441 = arith.constant 240 : index
        %swap3A_442 = tpu.vector_load %arg10[%swap3A_440, %swap3A_441] {strides = array<i32>} : memref<32x768xf32, #tpu.memory_space<vmem>>, vector<1x16xf32>,
        %swap3A_443 = vector.shape_cast %swap3A_442 : vector<1x16xf32> to vector<16xf32>
        %swap3A_444 = vector.shape_cast %add3A_439 : vector<16xf32> to vector<1x16xf32>
        tpu.vector_store %arg10[%swap3A_440, %swap3A_441], %swap3A_444 {strides = array<i32>} : memref<32x768xf32, #tpu.memory_space<vmem>>, vector<1x16xf32>,
        %get3A_445 = arith.index_cast %scan3A_222 : i32 to index
        %get3A_446 = arith.constant 256 : index
        %get3A_447 = tpu.vector_load %arg10[%get3A_445, %get3A_446] {strides = array<i32>} : memref<32x768xf32, #tpu.memory_space<vmem>>, vector<1x16xf32>,
        %get3A_448 = vector.shape_cast %get3A_447 : vector<1x16xf32> to vector<16xf32>
        %get3A_449 = arith.index_cast %scan3A_222 : i32 to index
        %get3A_450 = arith.constant 256 : index
        %get3A_451 = tpu.vector_load %arg7[%get3A_449, %get3A_450] {strides = array<i32>} : memref<32x768xf32, #tpu.memory_space<vmem>>, vector<1x16xf32>,
        %get3A_452 = vector.shape_cast %get3A_451 : vector<1x16xf32> to vector<16xf32>
        %add3A_453 = arith.addf %get3A_448, %get3A_452 : vector<16xf32>
        %swap3A_454 = arith.index_cast %scan3A_222 : i32 to index
        %swap3A_455 = arith.constant 256 : index
        %swap3A_456 = tpu.vector_load %arg10[%swap3A_454, %swap3A_455] {strides = array<i32>} : memref<32x768xf32, #tpu.memory_space<vmem>>, vector<1x16xf32>,
        %swap3A_457 = vector.shape_cast %swap3A_456 : vector<1x16xf32> to vector<16xf32>
        %swap3A_458 = vector.shape_cast %add3A_453 : vector<16xf32> to vector<1x16xf32>
        tpu.vector_store %arg10[%swap3A_454, %swap3A_455], %swap3A_458 {strides = array<i32>} : memref<32x768xf32, #tpu.memory_space<vmem>>, vector<1x16xf32>,
        %get3A_459 = arith.index_cast %scan3A_222 : i32 to index
        %get3A_460 = arith.constant 272 : index
        %get3A_461 = tpu.vector_load %arg10[%get3A_459, %get3A_460] {strides = array<i32>} : memref<32x768xf32, #tpu.memory_space<vmem>>, vector<1x16xf32>,
        %get3A_462 = vector.shape_cast %get3A_461 : vector<1x16xf32> to vector<16xf32>
        %get3A_463 = arith.index_cast %scan3A_222 : i32 to index
        %get3A_464 = arith.constant 272 : index
        %get3A_465 = tpu.vector_load %arg7[%get3A_463, %get3A_464] {strides = array<i32>} : memref<32x768xf32, #tpu.memory_space<vmem>>, vector<1x16xf32>,
        %get3A_466 = vector.shape_cast %get3A_465 : vector<1x16xf32> to vector<16xf32>
        %add3A_467 = arith.addf %get3A_462, %get3A_466 : vector<16xf32>
        %swap3A_468 = arith.index_cast %scan3A_222 : i32 to index
        %swap3A_469 = arith.constant 272 : index
        %swap3A_470 = tpu.vector_load %arg10[%swap3A_468, %swap3A_469] {strides = array<i32>} : memref<32x768xf32, #tpu.memory_space<vmem>>, vector<1x16xf32>,
        %swap3A_471 = vector.shape_cast %swap3A_470 : vector<1x16xf32> to vector<16xf32>
        %swap3A_472 = vector.shape_cast %add3A_467 : vector<16xf32> to vector<1x16xf32>
        tpu.vector_store %arg10[%swap3A_468, %swap3A_469], %swap3A_472 {strides = array<i32>} : memref<32x768xf32, #tpu.memory_space<vmem>>, vector<1x16xf32>,
        %get3A_473 = arith.index_cast %scan3A_222 : i32 to index
        %get3A_474 = arith.constant 288 : index
        %get3A_475 = tpu.vector_load %arg10[%get3A_473, %get3A_474] {strides = array<i32>} : memref<32x768xf32, #tpu.memory_space<vmem>>, vector<1x16xf32>,
        %get3A_476 = vector.shape_cast %get3A_475 : vector<1x16xf32> to vector<16xf32>
        %get3A_477 = arith.index_cast %scan3A_222 : i32 to index
        %get3A_478 = arith.constant 288 : index
        %get3A_479 = tpu.vector_load %arg7[%get3A_477, %get3A_478] {strides = array<i32>} : memref<32x768xf32, #tpu.memory_space<vmem>>, vector<1x16xf32>,
        %get3A_480 = vector.shape_cast %get3A_479 : vector<1x16xf32> to vector<16xf32>
        %add3A_481 = arith.addf %get3A_476, %get3A_480 : vector<16xf32>
        %swap3A_482 = arith.index_cast %scan3A_222 : i32 to index
        %swap3A_483 = arith.constant 288 : index
        %swap3A_484 = tpu.vector_load %arg10[%swap3A_482, %swap3A_483] {strides = array<i32>} : memref<32x768xf32, #tpu.memory_space<vmem>>, vector<1x16xf32>,
        %swap3A_485 = vector.shape_cast %swap3A_484 : vector<1x16xf32> to vector<16xf32>
        %swap3A_486 = vector.shape_cast %add3A_481 : vector<16xf32> to vector<1x16xf32>
        tpu.vector_store %arg10[%swap3A_482, %swap3A_483], %swap3A_486 {strides = array<i32>} : memref<32x768xf32, #tpu.memory_space<vmem>>, vector<1x16xf32>,
        %get3A_487 = arith.index_cast %scan3A_222 : i32 to index
        %get3A_488 = arith.constant 304 : index
        %get3A_489 = tpu.vector_load %arg10[%get3A_487, %get3A_488] {strides = array<i32>} : memref<32x768xf32, #tpu.memory_space<vmem>>, vector<1x16xf32>,
        %get3A_490 = vector.shape_cast %get3A_489 : vector<1x16xf32> to vector<16xf32>
        %get3A_491 = arith.index_cast %scan3A_222 : i32 to index
        %get3A_492 = arith.constant 304 : index
        %get3A_493 = tpu.vector_load %arg7[%get3A_491, %get3A_492] {strides = array<i32>} : memref<32x768xf32, #tpu.memory_space<vmem>>, vector<1x16xf32>,
        %get3A_494 = vector.shape_cast %get3A_493 : vector<1x16xf32> to vector<16xf32>
        %add3A_495 = arith.addf %get3A_490, %get3A_494 : vector<16xf32>
        %swap3A_496 = arith.index_cast %scan3A_222 : i32 to index
        %swap3A_497 = arith.constant 304 : index
        %swap3A_498 = tpu.vector_load %arg10[%swap3A_496, %swap3A_497] {strides = array<i32>} : memref<32x768xf32, #tpu.memory_space<vmem>>, vector<1x16xf32>,
        %swap3A_499 = vector.shape_cast %swap3A_498 : vector<1x16xf32> to vector<16xf32>
        %swap3A_500 = vector.shape_cast %add3A_495 : vector<16xf32> to vector<1x16xf32>
        tpu.vector_store %arg10[%swap3A_496, %swap3A_497], %swap3A_500 {strides = array<i32>} : memref<32x768xf32, #tpu.memory_space<vmem>>, vector<1x16xf32>,
        %get3A_501 = arith.index_cast %scan3A_222 : i32 to index
        %get3A_502 = arith.constant 320 : index
        %get3A_503 = tpu.vector_load %arg10[%get3A_501, %get3A_502] {strides = array<i32>} : memref<32x768xf32, #tpu.memory_space<vmem>>, vector<1x16xf32>,
        %get3A_504 = vector.shape_cast %get3A_503 : vector<1x16xf32> to vector<16xf32>
        %get3A_505 = arith.index_cast %scan3A_222 : i32 to index
        %get3A_506 = arith.constant 320 : index
        %get3A_507 = tpu.vector_load %arg7[%get3A_505, %get3A_506] {strides = array<i32>} : memref<32x768xf32, #tpu.memory_space<vmem>>, vector<1x16xf32>,
        %get3A_508 = vector.shape_cast %get3A_507 : vector<1x16xf32> to vector<16xf32>
        %add3A_509 = arith.addf %get3A_504, %get3A_508 : vector<16xf32>
        %swap3A_510 = arith.index_cast %scan3A_222 : i32 to index
        %swap3A_511 = arith.constant 320 : index
        %swap3A_512 = tpu.vector_load %arg10[%swap3A_510, %swap3A_511] {strides = array<i32>} : memref<32x768xf32, #tpu.memory_space<vmem>>, vector<1x16xf32>,
        %swap3A_513 = vector.shape_cast %swap3A_512 : vector<1x16xf32> to vector<16xf32>
        %swap3A_514 = vector.shape_cast %add3A_509 : vector<16xf32> to vector<1x16xf32>
        tpu.vector_store %arg10[%swap3A_510, %swap3A_511], %swap3A_514 {strides = array<i32>} : memref<32x768xf32, #tpu.memory_space<vmem>>, vector<1x16xf32>,
        %get3A_515 = arith.index_cast %scan3A_222 : i32 to index
        %get3A_516 = arith.constant 336 : index
        %get3A_517 = tpu.vector_load %arg10[%get3A_515, %get3A_516] {strides = array<i32>} : memref<32x768xf32, #tpu.memory_space<vmem>>, vector<1x16xf32>,
        %get3A_518 = vector.shape_cast %get3A_517 : vector<1x16xf32> to vector<16xf32>
        %get3A_519 = arith.index_cast %scan3A_222 : i32 to index
        %get3A_520 = arith.constant 336 : index
        %get3A_521 = tpu.vector_load %arg7[%get3A_519, %get3A_520] {strides = array<i32>} : memref<32x768xf32, #tpu.memory_space<vmem>>, vector<1x16xf32>,
        %get3A_522 = vector.shape_cast %get3A_521 : vector<1x16xf32> to vector<16xf32>
        %add3A_523 = arith.addf %get3A_518, %get3A_522 : vector<16xf32>
        %swap3A_524 = arith.index_cast %scan3A_222 : i32 to index
        %swap3A_525 = arith.constant 336 : index
        %swap3A_526 = tpu.vector_load %arg10[%swap3A_524, %swap3A_525] {strides = array<i32>} : memref<32x768xf32, #tpu.memory_space<vmem>>, vector<1x16xf32>,
        %swap3A_527 = vector.shape_cast %swap3A_526 : vector<1x16xf32> to vector<16xf32>
        %swap3A_528 = vector.shape_cast %add3A_523 : vector<16xf32> to vector<1x16xf32>
        tpu.vector_store %arg10[%swap3A_524, %swap3A_525], %swap3A_528 {strides = array<i32>} : memref<32x768xf32, #tpu.memory_space<vmem>>, vector<1x16xf32>,
        %get3A_529 = arith.index_cast %scan3A_222 : i32 to index
        %get3A_530 = arith.constant 352 : index
        %get3A_531 = tpu.vector_load %arg10[%get3A_529, %get3A_530] {strides = array<i32>} : memref<32x768xf32, #tpu.memory_space<vmem>>, vector<1x16xf32>,
        %get3A_532 = vector.shape_cast %get3A_531 : vector<1x16xf32> to vector<16xf32>
        %get3A_533 = arith.index_cast %scan3A_222 : i32 to index
        %get3A_534 = arith.constant 352 : index
        %get3A_535 = tpu.vector_load %arg7[%get3A_533, %get3A_534] {strides = array<i32>} : memref<32x768xf32, #tpu.memory_space<vmem>>, vector<1x16xf32>,
        %get3A_536 = vector.shape_cast %get3A_535 : vector<1x16xf32> to vector<16xf32>
        %add3A_537 = arith.addf %get3A_532, %get3A_536 : vector<16xf32>
        %swap3A_538 = arith.index_cast %scan3A_222 : i32 to index
        %swap3A_539 = arith.constant 352 : index
        %swap3A_540 = tpu.vector_load %arg10[%swap3A_538, %swap3A_539] {strides = array<i32>} : memref<32x768xf32, #tpu.memory_space<vmem>>, vector<1x16xf32>,
        %swap3A_541 = vector.shape_cast %swap3A_540 : vector<1x16xf32> to vector<16xf32>
        %swap3A_542 = vector.shape_cast %add3A_537 : vector<16xf32> to vector<1x16xf32>
        tpu.vector_store %arg10[%swap3A_538, %swap3A_539], %swap3A_542 {strides = array<i32>} : memref<32x768xf32, #tpu.memory_space<vmem>>, vector<1x16xf32>,
        %get3A_543 = arith.index_cast %scan3A_222 : i32 to index
        %get3A_544 = arith.constant 368 : index
        %get3A_545 = tpu.vector_load %arg10[%get3A_543, %get3A_544] {strides = array<i32>} : memref<32x768xf32, #tpu.memory_space<vmem>>, vector<1x16xf32>,
        %get3A_546 = vector.shape_cast %get3A_545 : vector<1x16xf32> to vector<16xf32>
        %get3A_547 = arith.index_cast %scan3A_222 : i32 to index
        %get3A_548 = arith.constant 368 : index
        %get3A_549 = tpu.vector_load %arg7[%get3A_547, %get3A_548] {strides = array<i32>} : memref<32x768xf32, #tpu.memory_space<vmem>>, vector<1x16xf32>,
        %get3A_550 = vector.shape_cast %get3A_549 : vector<1x16xf32> to vector<16xf32>
        %add3A_551 = arith.addf %get3A_546, %get3A_550 : vector<16xf32>
        %swap3A_552 = arith.index_cast %scan3A_222 : i32 to index
        %swap3A_553 = arith.constant 368 : index
        %swap3A_554 = tpu.vector_load %arg10[%swap3A_552, %swap3A_553] {strides = array<i32>} : memref<32x768xf32, #tpu.memory_space<vmem>>, vector<1x16xf32>,
        %swap3A_555 = vector.shape_cast %swap3A_554 : vector<1x16xf32> to vector<16xf32>
        %swap3A_556 = vector.shape_cast %add3A_551 : vector<16xf32> to vector<1x16xf32>
        tpu.vector_store %arg10[%swap3A_552, %swap3A_553], %swap3A_556 {strides = array<i32>} : memref<32x768xf32, #tpu.memory_space<vmem>>, vector<1x16xf32>,
        %get3A_557 = arith.index_cast %scan3A_222 : i32 to index
        %get3A_558 = arith.constant 384 : index
        %get3A_559 = tpu.vector_load %arg10[%get3A_557, %get3A_558] {strides = array<i32>} : memref<32x768xf32, #tpu.memory_space<vmem>>, vector<1x16xf32>,
        %get3A_560 = vector.shape_cast %get3A_559 : vector<1x16xf32> to vector<16xf32>
        %get3A_561 = arith.index_cast %scan3A_222 : i32 to index
        %get3A_562 = arith.constant 384 : index
        %get3A_563 = tpu.vector_load %arg7[%get3A_561, %get3A_562] {strides = array<i32>} : memref<32x768xf32, #tpu.memory_space<vmem>>, vector<1x16xf32>,
        %get3A_564 = vector.shape_cast %get3A_563 : vector<1x16xf32> to vector<16xf32>
        %add3A_565 = arith.addf %get3A_560, %get3A_564 : vector<16xf32>
        %swap3A_566 = arith.index_cast %scan3A_222 : i32 to index
        %swap3A_567 = arith.constant 384 : index
        %swap3A_568 = tpu.vector_load %arg10[%swap3A_566, %swap3A_567] {strides = array<i32>} : memref<32x768xf32, #tpu.memory_space<vmem>>, vector<1x16xf32>,
        %swap3A_569 = vector.shape_cast %swap3A_568 : vector<1x16xf32> to vector<16xf32>
        %swap3A_570 = vector.shape_cast %add3A_565 : vector<16xf32> to vector<1x16xf32>
        tpu.vector_store %arg10[%swap3A_566, %swap3A_567], %swap3A_570 {strides = array<i32>} : memref<32x768xf32, #tpu.memory_space<vmem>>, vector<1x16xf32>,
        %get3A_571 = arith.index_cast %scan3A_222 : i32 to index
        %get3A_572 = arith.constant 400 : index
        %get3A_573 = tpu.vector_load %arg10[%get3A_571, %get3A_572] {strides = array<i32>} : memref<32x768xf32, #tpu.memory_space<vmem>>, vector<1x16xf32>,
        %get3A_574 = vector.shape_cast %get3A_573 : vector<1x16xf32> to vector<16xf32>
        %get3A_575 = arith.index_cast %scan3A_222 : i32 to index
        %get3A_576 = arith.constant 400 : index
        %get3A_577 = tpu.vector_load %arg7[%get3A_575, %get3A_576] {strides = array<i32>} : memref<32x768xf32, #tpu.memory_space<vmem>>, vector<1x16xf32>,
        %get3A_578 = vector.shape_cast %get3A_577 : vector<1x16xf32> to vector<16xf32>
        %add3A_579 = arith.addf %get3A_574, %get3A_578 : vector<16xf32>
        %swap3A_580 = arith.index_cast %scan3A_222 : i32 to index
        %swap3A_581 = arith.constant 400 : index
        %swap3A_582 = tpu.vector_load %arg10[%swap3A_580, %swap3A_581] {strides = array<i32>} : memref<32x768xf32, #tpu.memory_space<vmem>>, vector<1x16xf32>,
        %swap3A_583 = vector.shape_cast %swap3A_582 : vector<1x16xf32> to vector<16xf32>
        %swap3A_584 = vector.shape_cast %add3A_579 : vector<16xf32> to vector<1x16xf32>
        tpu.vector_store %arg10[%swap3A_580, %swap3A_581], %swap3A_584 {strides = array<i32>} : memref<32x768xf32, #tpu.memory_space<vmem>>, vector<1x16xf32>,
        %get3A_585 = arith.index_cast %scan3A_222 : i32 to index
        %get3A_586 = arith.constant 416 : index
        %get3A_587 = tpu.vector_load %arg10[%get3A_585, %get3A_586] {strides = array<i32>} : memref<32x768xf32, #tpu.memory_space<vmem>>, vector<1x16xf32>,
        %get3A_588 = vector.shape_cast %get3A_587 : vector<1x16xf32> to vector<16xf32>
        %get3A_589 = arith.index_cast %scan3A_222 : i32 to index
        %get3A_590 = arith.constant 416 : index
        %get3A_591 = tpu.vector_load %arg7[%get3A_589, %get3A_590] {strides = array<i32>} : memref<32x768xf32, #tpu.memory_space<vmem>>, vector<1x16xf32>,
        %get3A_592 = vector.shape_cast %get3A_591 : vector<1x16xf32> to vector<16xf32>
        %add3A_593 = arith.addf %get3A_588, %get3A_592 : vector<16xf32>
        %swap3A_594 = arith.index_cast %scan3A_222 : i32 to index
        %swap3A_595 = arith.constant 416 : index
        %swap3A_596 = tpu.vector_load %arg10[%swap3A_594, %swap3A_595] {strides = array<i32>} : memref<32x768xf32, #tpu.memory_space<vmem>>, vector<1x16xf32>,
        %swap3A_597 = vector.shape_cast %swap3A_596 : vector<1x16xf32> to vector<16xf32>
        %swap3A_598 = vector.shape_cast %add3A_593 : vector<16xf32> to vector<1x16xf32>
        tpu.vector_store %arg10[%swap3A_594, %swap3A_595], %swap3A_598 {strides = array<i32>} : memref<32x768xf32, #tpu.memory_space<vmem>>, vector<1x16xf32>,
        %get3A_599 = arith.index_cast %scan3A_222 : i32 to index
        %get3A_600 = arith.constant 432 : index
        %get3A_601 = tpu.vector_load %arg10[%get3A_599, %get3A_600] {strides = array<i32>} : memref<32x768xf32, #tpu.memory_space<vmem>>, vector<1x16xf32>,
        %get3A_602 = vector.shape_cast %get3A_601 : vector<1x16xf32> to vector<16xf32>
        %get3A_603 = arith.index_cast %scan3A_222 : i32 to index
        %get3A_604 = arith.constant 432 : index
        %get3A_605 = tpu.vector_load %arg7[%get3A_603, %get3A_604] {strides = array<i32>} : memref<32x768xf32, #tpu.memory_space<vmem>>, vector<1x16xf32>,
        %get3A_606 = vector.shape_cast %get3A_605 : vector<1x16xf32> to vector<16xf32>
        %add3A_607 = arith.addf %get3A_602, %get3A_606 : vector<16xf32>
        %swap3A_608 = arith.index_cast %scan3A_222 : i32 to index
        %swap3A_609 = arith.constant 432 : index
        %swap3A_610 = tpu.vector_load %arg10[%swap3A_608, %swap3A_609] {strides = array<i32>} : memref<32x768xf32, #tpu.memory_space<vmem>>, vector<1x16xf32>,
        %swap3A_611 = vector.shape_cast %swap3A_610 : vector<1x16xf32> to vector<16xf32>
        %swap3A_612 = vector.shape_cast %add3A_607 : vector<16xf32> to vector<1x16xf32>
        tpu.vector_store %arg10[%swap3A_608, %swap3A_609], %swap3A_612 {strides = array<i32>} : memref<32x768xf32, #tpu.memory_space<vmem>>, vector<1x16xf32>,
        %get3A_613 = arith.index_cast %scan3A_222 : i32 to index
        %get3A_614 = arith.constant 448 : index
        %get3A_615 = tpu.vector_load %arg10[%get3A_613, %get3A_614] {strides = array<i32>} : memref<32x768xf32, #tpu.memory_space<vmem>>, vector<1x16xf32>,
        %get3A_616 = vector.shape_cast %get3A_615 : vector<1x16xf32> to vector<16xf32>
        %get3A_617 = arith.index_cast %scan3A_222 : i32 to index
        %get3A_618 = arith.constant 448 : index
        %get3A_619 = tpu.vector_load %arg7[%get3A_617, %get3A_618] {strides = array<i32>} : memref<32x768xf32, #tpu.memory_space<vmem>>, vector<1x16xf32>,
        %get3A_620 = vector.shape_cast %get3A_619 : vector<1x16xf32> to vector<16xf32>
        %add3A_621 = arith.addf %get3A_616, %get3A_620 : vector<16xf32>
        %swap3A_622 = arith.index_cast %scan3A_222 : i32 to index
        %swap3A_623 = arith.constant 448 : index
        %swap3A_624 = tpu.vector_load %arg10[%swap3A_622, %swap3A_623] {strides = array<i32>} : memref<32x768xf32, #tpu.memory_space<vmem>>, vector<1x16xf32>,
        %swap3A_625 = vector.shape_cast %swap3A_624 : vector<1x16xf32> to vector<16xf32>
        %swap3A_626 = vector.shape_cast %add3A_621 : vector<16xf32> to vector<1x16xf32>
        tpu.vector_store %arg10[%swap3A_622, %swap3A_623], %swap3A_626 {strides = array<i32>} : memref<32x768xf32, #tpu.memory_space<vmem>>, vector<1x16xf32>,
        %get3A_627 = arith.index_cast %scan3A_222 : i32 to index
        %get3A_628 = arith.constant 464 : index
        %get3A_629 = tpu.vector_load %arg10[%get3A_627, %get3A_628] {strides = array<i32>} : memref<32x768xf32, #tpu.memory_space<vmem>>, vector<1x16xf32>,
        %get3A_630 = vector.shape_cast %get3A_629 : vector<1x16xf32> to vector<16xf32>
        %get3A_631 = arith.index_cast %scan3A_222 : i32 to index
        %get3A_632 = arith.constant 464 : index
        %get3A_633 = tpu.vector_load %arg7[%get3A_631, %get3A_632] {strides = array<i32>} : memref<32x768xf32, #tpu.memory_space<vmem>>, vector<1x16xf32>,
        %get3A_634 = vector.shape_cast %get3A_633 : vector<1x16xf32> to vector<16xf32>
        %add3A_635 = arith.addf %get3A_630, %get3A_634 : vector<16xf32>
        %swap3A_636 = arith.index_cast %scan3A_222 : i32 to index
        %swap3A_637 = arith.constant 464 : index
        %swap3A_638 = tpu.vector_load %arg10[%swap3A_636, %swap3A_637] {strides = array<i32>} : memref<32x768xf32, #tpu.memory_space<vmem>>, vector<1x16xf32>,
        %swap3A_639 = vector.shape_cast %swap3A_638 : vector<1x16xf32> to vector<16xf32>
        %swap3A_640 = vector.shape_cast %add3A_635 : vector<16xf32> to vector<1x16xf32>
        tpu.vector_store %arg10[%swap3A_636, %swap3A_637], %swap3A_640 {strides = array<i32>} : memref<32x768xf32, #tpu.memory_space<vmem>>, vector<1x16xf32>,
        %get3A_641 = arith.index_cast %scan3A_222 : i32 to index
        %get3A_642 = arith.constant 480 : index
        %get3A_643 = tpu.vector_load %arg10[%get3A_641, %get3A_642] {strides = array<i32>} : memref<32x768xf32, #tpu.memory_space<vmem>>, vector<1x16xf32>,
        %get3A_644 = vector.shape_cast %get3A_643 : vector<1x16xf32> to vector<16xf32>
        %get3A_645 = arith.index_cast %scan3A_222 : i32 to index
        %get3A_646 = arith.constant 480 : index
        %get3A_647 = tpu.vector_load %arg7[%get3A_645, %get3A_646] {strides = array<i32>} : memref<32x768xf32, #tpu.memory_space<vmem>>, vector<1x16xf32>,
        %get3A_648 = vector.shape_cast %get3A_647 : vector<1x16xf32> to vector<16xf32>
        %add3A_649 = arith.addf %get3A_644, %get3A_648 : vector<16xf32>
        %swap3A_650 = arith.index_cast %scan3A_222 : i32 to index
        %swap3A_651 = arith.constant 480 : index
        %swap3A_652 = tpu.vector_load %arg10[%swap3A_650, %swap3A_651] {strides = array<i32>} : memref<32x768xf32, #tpu.memory_space<vmem>>, vector<1x16xf32>,
        %swap3A_653 = vector.shape_cast %swap3A_652 : vector<1x16xf32> to vector<16xf32>
        %swap3A_654 = vector.shape_cast %add3A_649 : vector<16xf32> to vector<1x16xf32>
        tpu.vector_store %arg10[%swap3A_650, %swap3A_651], %swap3A_654 {strides = array<i32>} : memref<32x768xf32, #tpu.memory_space<vmem>>, vector<1x16xf32>,
        %get3A_655 = arith.index_cast %scan3A_222 : i32 to index
        %get3A_656 = arith.constant 496 : index
        %get3A_657 = tpu.vector_load %arg10[%get3A_655, %get3A_656] {strides = array<i32>} : memref<32x768xf32, #tpu.memory_space<vmem>>, vector<1x16xf32>,
        %get3A_658 = vector.shape_cast %get3A_657 : vector<1x16xf32> to vector<16xf32>
        %get3A_659 = arith.index_cast %scan3A_222 : i32 to index
        %get3A_660 = arith.constant 496 : index
        %get3A_661 = tpu.vector_load %arg7[%get3A_659, %get3A_660] {strides = array<i32>} : memref<32x768xf32, #tpu.memory_space<vmem>>, vector<1x16xf32>,
        %get3A_662 = vector.shape_cast %get3A_661 : vector<1x16xf32> to vector<16xf32>
        %add3A_663 = arith.addf %get3A_658, %get3A_662 : vector<16xf32>
        %swap3A_664 = arith.index_cast %scan3A_222 : i32 to index
        %swap3A_665 = arith.constant 496 : index
        %swap3A_666 = tpu.vector_load %arg10[%swap3A_664, %swap3A_665] {strides = array<i32>} : memref<32x768xf32, #tpu.memory_space<vmem>>, vector<1x16xf32>,
        %swap3A_667 = vector.shape_cast %swap3A_666 : vector<1x16xf32> to vector<16xf32>
        %swap3A_668 = vector.shape_cast %add3A_663 : vector<16xf32> to vector<1x16xf32>
        tpu.vector_store %arg10[%swap3A_664, %swap3A_665], %swap3A_668 {strides = array<i32>} : memref<32x768xf32, #tpu.memory_space<vmem>>, vector<1x16xf32>,
        %get3A_669 = arith.index_cast %scan3A_222 : i32 to index
        %get3A_670 = arith.constant 512 : index
        %get3A_671 = tpu.vector_load %arg10[%get3A_669, %get3A_670] {strides = array<i32>} : memref<32x768xf32, #tpu.memory_space<vmem>>, vector<1x16xf32>,
        %get3A_672 = vector.shape_cast %get3A_671 : vector<1x16xf32> to vector<16xf32>
        %get3A_673 = arith.index_cast %scan3A_222 : i32 to index
        %get3A_674 = arith.constant 512 : index
        %get3A_675 = tpu.vector_load %arg7[%get3A_673, %get3A_674] {strides = array<i32>} : memref<32x768xf32, #tpu.memory_space<vmem>>, vector<1x16xf32>,
        %get3A_676 = vector.shape_cast %get3A_675 : vector<1x16xf32> to vector<16xf32>
        %add3A_677 = arith.addf %get3A_672, %get3A_676 : vector<16xf32>
        %swap3A_678 = arith.index_cast %scan3A_222 : i32 to index
        %swap3A_679 = arith.constant 512 : index
        %swap3A_680 = tpu.vector_load %arg10[%swap3A_678, %swap3A_679] {strides = array<i32>} : memref<32x768xf32, #tpu.memory_space<vmem>>, vector<1x16xf32>,
        %swap3A_681 = vector.shape_cast %swap3A_680 : vector<1x16xf32> to vector<16xf32>
        %swap3A_682 = vector.shape_cast %add3A_677 : vector<16xf32> to vector<1x16xf32>
        tpu.vector_store %arg10[%swap3A_678, %swap3A_679], %swap3A_682 {strides = array<i32>} : memref<32x768xf32, #tpu.memory_space<vmem>>, vector<1x16xf32>,
        %get3A_683 = arith.index_cast %scan3A_222 : i32 to index
        %get3A_684 = arith.constant 528 : index
        %get3A_685 = tpu.vector_load %arg10[%get3A_683, %get3A_684] {strides = array<i32>} : memref<32x768xf32, #tpu.memory_space<vmem>>, vector<1x16xf32>,
        %get3A_686 = vector.shape_cast %get3A_685 : vector<1x16xf32> to vector<16xf32>
        %get3A_687 = arith.index_cast %scan3A_222 : i32 to index
        %get3A_688 = arith.constant 528 : index
        %get3A_689 = tpu.vector_load %arg7[%get3A_687, %get3A_688] {strides = array<i32>} : memref<32x768xf32, #tpu.memory_space<vmem>>, vector<1x16xf32>,
        %get3A_690 = vector.shape_cast %get3A_689 : vector<1x16xf32> to vector<16xf32>
        %add3A_691 = arith.addf %get3A_686, %get3A_690 : vector<16xf32>
        %swap3A_692 = arith.index_cast %scan3A_222 : i32 to index
        %swap3A_693 = arith.constant 528 : index
        %swap3A_694 = tpu.vector_load %arg10[%swap3A_692, %swap3A_693] {strides = array<i32>} : memref<32x768xf32, #tpu.memory_space<vmem>>, vector<1x16xf32>,
        %swap3A_695 = vector.shape_cast %swap3A_694 : vector<1x16xf32> to vector<16xf32>
        %swap3A_696 = vector.shape_cast %add3A_691 : vector<16xf32> to vector<1x16xf32>
        tpu.vector_store %arg10[%swap3A_692, %swap3A_693], %swap3A_696 {strides = array<i32>} : memref<32x768xf32, #tpu.memory_space<vmem>>, vector<1x16xf32>,
        %get3A_697 = arith.index_cast %scan3A_222 : i32 to index
        %get3A_698 = arith.constant 544 : index
        %get3A_699 = tpu.vector_load %arg10[%get3A_697, %get3A_698] {strides = array<i32>} : memref<32x768xf32, #tpu.memory_space<vmem>>, vector<1x16xf32>,
        %get3A_700 = vector.shape_cast %get3A_699 : vector<1x16xf32> to vector<16xf32>
        %get3A_701 = arith.index_cast %scan3A_222 : i32 to index
        %get3A_702 = arith.constant 544 : index
        %get3A_703 = tpu.vector_load %arg7[%get3A_701, %get3A_702] {strides = array<i32>} : memref<32x768xf32, #tpu.memory_space<vmem>>, vector<1x16xf32>,
        %get3A_704 = vector.shape_cast %get3A_703 : vector<1x16xf32> to vector<16xf32>
        %add3A_705 = arith.addf %get3A_700, %get3A_704 : vector<16xf32>
        %swap3A_706 = arith.index_cast %scan3A_222 : i32 to index
        %swap3A_707 = arith.constant 544 : index
        %swap3A_708 = tpu.vector_load %arg10[%swap3A_706, %swap3A_707] {strides = array<i32>} : memref<32x768xf32, #tpu.memory_space<vmem>>, vector<1x16xf32>,
        %swap3A_709 = vector.shape_cast %swap3A_708 : vector<1x16xf32> to vector<16xf32>
        %swap3A_710 = vector.shape_cast %add3A_705 : vector<16xf32> to vector<1x16xf32>
        tpu.vector_store %arg10[%swap3A_706, %swap3A_707], %swap3A_710 {strides = array<i32>} : memref<32x768xf32, #tpu.memory_space<vmem>>, vector<1x16xf32>,
        %get3A_711 = arith.index_cast %scan3A_222 : i32 to index
        %get3A_712 = arith.constant 560 : index
        %get3A_713 = tpu.vector_load %arg10[%get3A_711, %get3A_712] {strides = array<i32>} : memref<32x768xf32, #tpu.memory_space<vmem>>, vector<1x16xf32>,
        %get3A_714 = vector.shape_cast %get3A_713 : vector<1x16xf32> to vector<16xf32>
        %get3A_715 = arith.index_cast %scan3A_222 : i32 to index
        %get3A_716 = arith.constant 560 : index
        %get3A_717 = tpu.vector_load %arg7[%get3A_715, %get3A_716] {strides = array<i32>} : memref<32x768xf32, #tpu.memory_space<vmem>>, vector<1x16xf32>,
        %get3A_718 = vector.shape_cast %get3A_717 : vector<1x16xf32> to vector<16xf32>
        %add3A_719 = arith.addf %get3A_714, %get3A_718 : vector<16xf32>
        %swap3A_720 = arith.index_cast %scan3A_222 : i32 to index
        %swap3A_721 = arith.constant 560 : index
        %swap3A_722 = tpu.vector_load %arg10[%swap3A_720, %swap3A_721] {strides = array<i32>} : memref<32x768xf32, #tpu.memory_space<vmem>>, vector<1x16xf32>,
        %swap3A_723 = vector.shape_cast %swap3A_722 : vector<1x16xf32> to vector<16xf32>
        %swap3A_724 = vector.shape_cast %add3A_719 : vector<16xf32> to vector<1x16xf32>
        tpu.vector_store %arg10[%swap3A_720, %swap3A_721], %swap3A_724 {strides = array<i32>} : memref<32x768xf32, #tpu.memory_space<vmem>>, vector<1x16xf32>,
        %get3A_725 = arith.index_cast %scan3A_222 : i32 to index
        %get3A_726 = arith.constant 576 : index
        %get3A_727 = tpu.vector_load %arg10[%get3A_725, %get3A_726] {strides = array<i32>} : memref<32x768xf32, #tpu.memory_space<vmem>>, vector<1x16xf32>,
        %get3A_728 = vector.shape_cast %get3A_727 : vector<1x16xf32> to vector<16xf32>
        %get3A_729 = arith.index_cast %scan3A_222 : i32 to index
        %get3A_730 = arith.constant 576 : index
        %get3A_731 = tpu.vector_load %arg7[%get3A_729, %get3A_730] {strides = array<i32>} : memref<32x768xf32, #tpu.memory_space<vmem>>, vector<1x16xf32>,
        %get3A_732 = vector.shape_cast %get3A_731 : vector<1x16xf32> to vector<16xf32>
        %add3A_733 = arith.addf %get3A_728, %get3A_732 : vector<16xf32>
        %swap3A_734 = arith.index_cast %scan3A_222 : i32 to index
        %swap3A_735 = arith.constant 576 : index
        %swap3A_736 = tpu.vector_load %arg10[%swap3A_734, %swap3A_735] {strides = array<i32>} : memref<32x768xf32, #tpu.memory_space<vmem>>, vector<1x16xf32>,
        %swap3A_737 = vector.shape_cast %swap3A_736 : vector<1x16xf32> to vector<16xf32>
        %swap3A_738 = vector.shape_cast %add3A_733 : vector<16xf32> to vector<1x16xf32>
        tpu.vector_store %arg10[%swap3A_734, %swap3A_735], %swap3A_738 {strides = array<i32>} : memref<32x768xf32, #tpu.memory_space<vmem>>, vector<1x16xf32>,
        %get3A_739 = arith.index_cast %scan3A_222 : i32 to index
        %get3A_740 = arith.constant 592 : index
        %get3A_741 = tpu.vector_load %arg10[%get3A_739, %get3A_740] {strides = array<i32>} : memref<32x768xf32, #tpu.memory_space<vmem>>, vector<1x16xf32>,
        %get3A_742 = vector.shape_cast %get3A_741 : vector<1x16xf32> to vector<16xf32>
        %get3A_743 = arith.index_cast %scan3A_222 : i32 to index
        %get3A_744 = arith.constant 592 : index
        %get3A_745 = tpu.vector_load %arg7[%get3A_743, %get3A_744] {strides = array<i32>} : memref<32x768xf32, #tpu.memory_space<vmem>>, vector<1x16xf32>,
        %get3A_746 = vector.shape_cast %get3A_745 : vector<1x16xf32> to vector<16xf32>
        %add3A_747 = arith.addf %get3A_742, %get3A_746 : vector<16xf32>
        %swap3A_748 = arith.index_cast %scan3A_222 : i32 to index
        %swap3A_749 = arith.constant 592 : index
        %swap3A_750 = tpu.vector_load %arg10[%swap3A_748, %swap3A_749] {strides = array<i32>} : memref<32x768xf32, #tpu.memory_space<vmem>>, vector<1x16xf32>,
        %swap3A_751 = vector.shape_cast %swap3A_750 : vector<1x16xf32> to vector<16xf32>
        %swap3A_752 = vector.shape_cast %add3A_747 : vector<16xf32> to vector<1x16xf32>
        tpu.vector_store %arg10[%swap3A_748, %swap3A_749], %swap3A_752 {strides = array<i32>} : memref<32x768xf32, #tpu.memory_space<vmem>>, vector<1x16xf32>,
        %get3A_753 = arith.index_cast %scan3A_222 : i32 to index
        %get3A_754 = arith.constant 608 : index
        %get3A_755 = tpu.vector_load %arg10[%get3A_753, %get3A_754] {strides = array<i32>} : memref<32x768xf32, #tpu.memory_space<vmem>>, vector<1x16xf32>,
        %get3A_756 = vector.shape_cast %get3A_755 : vector<1x16xf32> to vector<16xf32>
        %get3A_757 = arith.index_cast %scan3A_222 : i32 to index
        %get3A_758 = arith.constant 608 : index
        %get3A_759 = tpu.vector_load %arg7[%get3A_757, %get3A_758] {strides = array<i32>} : memref<32x768xf32, #tpu.memory_space<vmem>>, vector<1x16xf32>,
        %get3A_760 = vector.shape_cast %get3A_759 : vector<1x16xf32> to vector<16xf32>
        %add3A_761 = arith.addf %get3A_756, %get3A_760 : vector<16xf32>
        %swap3A_762 = arith.index_cast %scan3A_222 : i32 to index
        %swap3A_763 = arith.constant 608 : index
        %swap3A_764 = tpu.vector_load %arg10[%swap3A_762, %swap3A_763] {strides = array<i32>} : memref<32x768xf32, #tpu.memory_space<vmem>>, vector<1x16xf32>,
        %swap3A_765 = vector.shape_cast %swap3A_764 : vector<1x16xf32> to vector<16xf32>
        %swap3A_766 = vector.shape_cast %add3A_761 : vector<16xf32> to vector<1x16xf32>
        tpu.vector_store %arg10[%swap3A_762, %swap3A_763], %swap3A_766 {strides = array<i32>} : memref<32x768xf32, #tpu.memory_space<vmem>>, vector<1x16xf32>,
        %get3A_767 = arith.index_cast %scan3A_222 : i32 to index
        %get3A_768 = arith.constant 624 : index
        %get3A_769 = tpu.vector_load %arg10[%get3A_767, %get3A_768] {strides = array<i32>} : memref<32x768xf32, #tpu.memory_space<vmem>>, vector<1x16xf32>,
        %get3A_770 = vector.shape_cast %get3A_769 : vector<1x16xf32> to vector<16xf32>
        %get3A_771 = arith.index_cast %scan3A_222 : i32 to index
        %get3A_772 = arith.constant 624 : index
        %get3A_773 = tpu.vector_load %arg7[%get3A_771, %get3A_772] {strides = array<i32>} : memref<32x768xf32, #tpu.memory_space<vmem>>, vector<1x16xf32>,
        %get3A_774 = vector.shape_cast %get3A_773 : vector<1x16xf32> to vector<16xf32>
        %add3A_775 = arith.addf %get3A_770, %get3A_774 : vector<16xf32>
        %swap3A_776 = arith.index_cast %scan3A_222 : i32 to index
        %swap3A_777 = arith.constant 624 : index
        %swap3A_778 = tpu.vector_load %arg10[%swap3A_776, %swap3A_777] {strides = array<i32>} : memref<32x768xf32, #tpu.memory_space<vmem>>, vector<1x16xf32>,
        %swap3A_779 = vector.shape_cast %swap3A_778 : vector<1x16xf32> to vector<16xf32>
        %swap3A_780 = vector.shape_cast %add3A_775 : vector<16xf32> to vector<1x16xf32>
        tpu.vector_store %arg10[%swap3A_776, %swap3A_777], %swap3A_780 {strides = array<i32>} : memref<32x768xf32, #tpu.memory_space<vmem>>, vector<1x16xf32>,
        %get3A_781 = arith.index_cast %scan3A_222 : i32 to index
        %get3A_782 = arith.constant 640 : index
        %get3A_783 = tpu.vector_load %arg10[%get3A_781, %get3A_782] {strides = array<i32>} : memref<32x768xf32, #tpu.memory_space<vmem>>, vector<1x16xf32>,
        %get3A_784 = vector.shape_cast %get3A_783 : vector<1x16xf32> to vector<16xf32>
        %get3A_785 = arith.index_cast %scan3A_222 : i32 to index
        %get3A_786 = arith.constant 640 : index
        %get3A_787 = tpu.vector_load %arg7[%get3A_785, %get3A_786] {strides = array<i32>} : memref<32x768xf32, #tpu.memory_space<vmem>>, vector<1x16xf32>,
        %get3A_788 = vector.shape_cast %get3A_787 : vector<1x16xf32> to vector<16xf32>
        %add3A_789 = arith.addf %get3A_784, %get3A_788 : vector<16xf32>
        %swap3A_790 = arith.index_cast %scan3A_222 : i32 to index
        %swap3A_791 = arith.constant 640 : index
        %swap3A_792 = tpu.vector_load %arg10[%swap3A_790, %swap3A_791] {strides = array<i32>} : memref<32x768xf32, #tpu.memory_space<vmem>>, vector<1x16xf32>,
        %swap3A_793 = vector.shape_cast %swap3A_792 : vector<1x16xf32> to vector<16xf32>
        %swap3A_794 = vector.shape_cast %add3A_789 : vector<16xf32> to vector<1x16xf32>
        tpu.vector_store %arg10[%swap3A_790, %swap3A_791], %swap3A_794 {strides = array<i32>} : memref<32x768xf32, #tpu.memory_space<vmem>>, vector<1x16xf32>,
        %get3A_795 = arith.index_cast %scan3A_222 : i32 to index
        %get3A_796 = arith.constant 656 : index
        %get3A_797 = tpu.vector_load %arg10[%get3A_795, %get3A_796] {strides = array<i32>} : memref<32x768xf32, #tpu.memory_space<vmem>>, vector<1x16xf32>,
        %get3A_798 = vector.shape_cast %get3A_797 : vector<1x16xf32> to vector<16xf32>
        %get3A_799 = arith.index_cast %scan3A_222 : i32 to index
        %get3A_800 = arith.constant 656 : index
        %get3A_801 = tpu.vector_load %arg7[%get3A_799, %get3A_800] {strides = array<i32>} : memref<32x768xf32, #tpu.memory_space<vmem>>, vector<1x16xf32>,
        %get3A_802 = vector.shape_cast %get3A_801 : vector<1x16xf32> to vector<16xf32>
        %add3A_803 = arith.addf %get3A_798, %get3A_802 : vector<16xf32>
        %swap3A_804 = arith.index_cast %scan3A_222 : i32 to index
        %swap3A_805 = arith.constant 656 : index
        %swap3A_806 = tpu.vector_load %arg10[%swap3A_804, %swap3A_805] {strides = array<i32>} : memref<32x768xf32, #tpu.memory_space<vmem>>, vector<1x16xf32>,
        %swap3A_807 = vector.shape_cast %swap3A_806 : vector<1x16xf32> to vector<16xf32>
        %swap3A_808 = vector.shape_cast %add3A_803 : vector<16xf32> to vector<1x16xf32>
        tpu.vector_store %arg10[%swap3A_804, %swap3A_805], %swap3A_808 {strides = array<i32>} : memref<32x768xf32, #tpu.memory_space<vmem>>, vector<1x16xf32>,
        %get3A_809 = arith.index_cast %scan3A_222 : i32 to index
        %get3A_810 = arith.constant 672 : index
        %get3A_811 = tpu.vector_load %arg10[%get3A_809, %get3A_810] {strides = array<i32>} : memref<32x768xf32, #tpu.memory_space<vmem>>, vector<1x16xf32>,
        %get3A_812 = vector.shape_cast %get3A_811 : vector<1x16xf32> to vector<16xf32>
        %get3A_813 = arith.index_cast %scan3A_222 : i32 to index
        %get3A_814 = arith.constant 672 : index
        %get3A_815 = tpu.vector_load %arg7[%get3A_813, %get3A_814] {strides = array<i32>} : memref<32x768xf32, #tpu.memory_space<vmem>>, vector<1x16xf32>,
        %get3A_816 = vector.shape_cast %get3A_815 : vector<1x16xf32> to vector<16xf32>
        %add3A_817 = arith.addf %get3A_812, %get3A_816 : vector<16xf32>
        %swap3A_818 = arith.index_cast %scan3A_222 : i32 to index
        %swap3A_819 = arith.constant 672 : index
        %swap3A_820 = tpu.vector_load %arg10[%swap3A_818, %swap3A_819] {strides = array<i32>} : memref<32x768xf32, #tpu.memory_space<vmem>>, vector<1x16xf32>,
        %swap3A_821 = vector.shape_cast %swap3A_820 : vector<1x16xf32> to vector<16xf32>
        %swap3A_822 = vector.shape_cast %add3A_817 : vector<16xf32> to vector<1x16xf32>
        tpu.vector_store %arg10[%swap3A_818, %swap3A_819], %swap3A_822 {strides = array<i32>} : memref<32x768xf32, #tpu.memory_space<vmem>>, vector<1x16xf32>,
        %get3A_823 = arith.index_cast %scan3A_222 : i32 to index
        %get3A_824 = arith.constant 688 : index
        %get3A_825 = tpu.vector_load %arg10[%get3A_823, %get3A_824] {strides = array<i32>} : memref<32x768xf32, #tpu.memory_space<vmem>>, vector<1x16xf32>,
        %get3A_826 = vector.shape_cast %get3A_825 : vector<1x16xf32> to vector<16xf32>
        %get3A_827 = arith.index_cast %scan3A_222 : i32 to index
        %get3A_828 = arith.constant 688 : index
        %get3A_829 = tpu.vector_load %arg7[%get3A_827, %get3A_828] {strides = array<i32>} : memref<32x768xf32, #tpu.memory_space<vmem>>, vector<1x16xf32>,
        %get3A_830 = vector.shape_cast %get3A_829 : vector<1x16xf32> to vector<16xf32>
        %add3A_831 = arith.addf %get3A_826, %get3A_830 : vector<16xf32>
        %swap3A_832 = arith.index_cast %scan3A_222 : i32 to index
        %swap3A_833 = arith.constant 688 : index
        %swap3A_834 = tpu.vector_load %arg10[%swap3A_832, %swap3A_833] {strides = array<i32>} : memref<32x768xf32, #tpu.memory_space<vmem>>, vector<1x16xf32>,
        %swap3A_835 = vector.shape_cast %swap3A_834 : vector<1x16xf32> to vector<16xf32>
        %swap3A_836 = vector.shape_cast %add3A_831 : vector<16xf32> to vector<1x16xf32>
        tpu.vector_store %arg10[%swap3A_832, %swap3A_833], %swap3A_836 {strides = array<i32>} : memref<32x768xf32, #tpu.memory_space<vmem>>, vector<1x16xf32>,
        %get3A_837 = arith.index_cast %scan3A_222 : i32 to index
        %get3A_838 = arith.constant 704 : index
        %get3A_839 = tpu.vector_load %arg10[%get3A_837, %get3A_838] {strides = array<i32>} : memref<32x768xf32, #tpu.memory_space<vmem>>, vector<1x16xf32>,
        %get3A_840 = vector.shape_cast %get3A_839 : vector<1x16xf32> to vector<16xf32>
        %get3A_841 = arith.index_cast %scan3A_222 : i32 to index
        %get3A_842 = arith.constant 704 : index
        %get3A_843 = tpu.vector_load %arg7[%get3A_841, %get3A_842] {strides = array<i32>} : memref<32x768xf32, #tpu.memory_space<vmem>>, vector<1x16xf32>,
        %get3A_844 = vector.shape_cast %get3A_843 : vector<1x16xf32> to vector<16xf32>
        %add3A_845 = arith.addf %get3A_840, %get3A_844 : vector<16xf32>
        %swap3A_846 = arith.index_cast %scan3A_222 : i32 to index
        %swap3A_847 = arith.constant 704 : index
        %swap3A_848 = tpu.vector_load %arg10[%swap3A_846, %swap3A_847] {strides = array<i32>} : memref<32x768xf32, #tpu.memory_space<vmem>>, vector<1x16xf32>,
        %swap3A_849 = vector.shape_cast %swap3A_848 : vector<1x16xf32> to vector<16xf32>
        %swap3A_850 = vector.shape_cast %add3A_845 : vector<16xf32> to vector<1x16xf32>
        tpu.vector_store %arg10[%swap3A_846, %swap3A_847], %swap3A_850 {strides = array<i32>} : memref<32x768xf32, #tpu.memory_space<vmem>>, vector<1x16xf32>,
        %get3A_851 = arith.index_cast %scan3A_222 : i32 to index
        %get3A_852 = arith.constant 720 : index
        %get3A_853 = tpu.vector_load %arg10[%get3A_851, %get3A_852] {strides = array<i32>} : memref<32x768xf32, #tpu.memory_space<vmem>>, vector<1x16xf32>,
        %get3A_854 = vector.shape_cast %get3A_853 : vector<1x16xf32> to vector<16xf32>
        %get3A_855 = arith.index_cast %scan3A_222 : i32 to index
        %get3A_856 = arith.constant 720 : index
        %get3A_857 = tpu.vector_load %arg7[%get3A_855, %get3A_856] {strides = array<i32>} : memref<32x768xf32, #tpu.memory_space<vmem>>, vector<1x16xf32>,
        %get3A_858 = vector.shape_cast %get3A_857 : vector<1x16xf32> to vector<16xf32>
        %add3A_859 = arith.addf %get3A_854, %get3A_858 : vector<16xf32>
        %swap3A_860 = arith.index_cast %scan3A_222 : i32 to index
        %swap3A_861 = arith.constant 720 : index
        %swap3A_862 = tpu.vector_load %arg10[%swap3A_860, %swap3A_861] {strides = array<i32>} : memref<32x768xf32, #tpu.memory_space<vmem>>, vector<1x16xf32>,
        %swap3A_863 = vector.shape_cast %swap3A_862 : vector<1x16xf32> to vector<16xf32>
        %swap3A_864 = vector.shape_cast %add3A_859 : vector<16xf32> to vector<1x16xf32>
        tpu.vector_store %arg10[%swap3A_860, %swap3A_861], %swap3A_864 {strides = array<i32>} : memref<32x768xf32, #tpu.memory_space<vmem>>, vector<1x16xf32>,
        %get3A_865 = arith.index_cast %scan3A_222 : i32 to index
        %get3A_866 = arith.constant 736 : index
        %get3A_867 = tpu.vector_load %arg10[%get3A_865, %get3A_866] {strides = array<i32>} : memref<32x768xf32, #tpu.memory_space<vmem>>, vector<1x16xf32>,
        %get3A_868 = vector.shape_cast %get3A_867 : vector<1x16xf32> to vector<16xf32>
        %get3A_869 = arith.index_cast %scan3A_222 : i32 to index
        %get3A_870 = arith.constant 736 : index
        %get3A_871 = tpu.vector_load %arg7[%get3A_869, %get3A_870] {strides = array<i32>} : memref<32x768xf32, #tpu.memory_space<vmem>>, vector<1x16xf32>,
        %get3A_872 = vector.shape_cast %get3A_871 : vector<1x16xf32> to vector<16xf32>
        %add3A_873 = arith.addf %get3A_868, %get3A_872 : vector<16xf32>
        %swap3A_874 = arith.index_cast %scan3A_222 : i32 to index
        %swap3A_875 = arith.constant 736 : index
        %swap3A_876 = tpu.vector_load %arg10[%swap3A_874, %swap3A_875] {strides = array<i32>} : memref<32x768xf32, #tpu.memory_space<vmem>>, vector<1x16xf32>,
        %swap3A_877 = vector.shape_cast %swap3A_876 : vector<1x16xf32> to vector<16xf32>
        %swap3A_878 = vector.shape_cast %add3A_873 : vector<16xf32> to vector<1x16xf32>
        tpu.vector_store %arg10[%swap3A_874, %swap3A_875], %swap3A_878 {strides = array<i32>} : memref<32x768xf32, #tpu.memory_space<vmem>>, vector<1x16xf32>,
        %get3A_879 = arith.index_cast %scan3A_222 : i32 to index
        %get3A_880 = arith.constant 752 : index
        %get3A_881 = tpu.vector_load %arg10[%get3A_879, %get3A_880] {strides = array<i32>} : memref<32x768xf32, #tpu.memory_space<vmem>>, vector<1x16xf32>,
        %get3A_882 = vector.shape_cast %get3A_881 : vector<1x16xf32> to vector<16xf32>
        %get3A_883 = arith.index_cast %scan3A_222 : i32 to index
        %get3A_884 = arith.constant 752 : index
        %get3A_885 = tpu.vector_load %arg7[%get3A_883, %get3A_884] {strides = array<i32>} : memref<32x768xf32, #tpu.memory_space<vmem>>, vector<1x16xf32>,
        %get3A_886 = vector.shape_cast %get3A_885 : vector<1x16xf32> to vector<16xf32>
        %add3A_887 = arith.addf %get3A_882, %get3A_886 : vector<16xf32>
        %swap3A_888 = arith.index_cast %scan3A_222 : i32 to index
        %swap3A_889 = arith.constant 752 : index
        %swap3A_890 = tpu.vector_load %arg10[%swap3A_888, %swap3A_889] {strides = array<i32>} : memref<32x768xf32, #tpu.memory_space<vmem>>, vector<1x16xf32>,
        %swap3A_891 = vector.shape_cast %swap3A_890 : vector<1x16xf32> to vector<16xf32>
        %swap3A_892 = vector.shape_cast %add3A_887 : vector<16xf32> to vector<1x16xf32>
        tpu.vector_store %arg10[%swap3A_888, %swap3A_889], %swap3A_892 {strides = array<i32>} : memref<32x768xf32, #tpu.memory_space<vmem>>, vector<1x16xf32>,
      }
      %scan3A_153 = arith.constant 32 : i32
      %dma_start3A_154 = arith.constant 0 : i32
      %dma_start3A_155 = arith.constant 0 : i32
      %dma_start3A_156 = tpu.memref_slice %arg5[%add3A_139, %add3A, %dma_start3A_154, %dma_start3A_155] : memref<64x32x32x768xf32, #tpu.memory_space<hbm>> -> memref<1x1x32x768xf32, #tpu.memory_space<hbm>>
      %dma_start3A_157 = tpu.memref_squeeze %dma_start3A_156 : memref<1x1x32x768xf32, #tpu.memory_space<hbm>> -> memref<32x768xf32, #tpu.memory_space<hbm>>
      %dma_start3A_158 = arith.constant 0 : i32
      %dma_start3A_159 = arith.constant 0 : i32
      %dma_start3A_160 = tpu.memref_slice %arg5[%add3A_139, %add3A, %dma_start3A_158, %dma_start3A_159] : memref<64x32x32x768xf32, #tpu.memory_space<hbm>> -> memref<1x1x32x768xf32, #tpu.memory_space<hbm>>
      %dma_start3A_161 = tpu.memref_squeeze %dma_start3A_160 : memref<1x1x32x768xf32, #tpu.memory_space<hbm>> -> memref<32x768xf32, #tpu.memory_space<hbm>>
      tpu.enqueue_dma source(%arg10 : memref<32x768xf32, #tpu.memory_space<vmem>>) target(%dma_start3A_161 : memref<32x768xf32, #tpu.memory_space<hbm>>) target_semaphore(%arg18 : memref<!tpu.dma_semaphore, #tpu.memory_space<semaphore_mem>>)
      %gt3A_162 = arith.constant 0 : i32
      %gt3A_163 = arith.cmpi sgt, %add3A_139, %gt3A_162 : i32
      %convert_element_type3A_164 = arith.extui %gt3A_163 : i1 to i32
      %cond3A_165 = arith.constant 0 : i32
      %cond3A_166 = arith.cmpi ne, %convert_element_type3A_164, %cond3A_165 : i32
      scf.if %cond3A_166 {
        %sub3A_222 = arith.constant 1 : i32
        %sub3A_223 = arith.subi %add3A_139, %sub3A_222 : i32
        %dma_wait3A_224 = arith.constant 0 : i32
        %dma_wait3A_225 = arith.constant 0 : i32
        %dma_wait3A_226 = tpu.memref_slice %arg5[%sub3A_223, %add3A, %dma_wait3A_224, %dma_wait3A_225] : memref<64x32x32x768xf32, #tpu.memory_space<hbm>> -> memref<1x1x32x768xf32, #tpu.memory_space<hbm>>
        %dma_wait3A_227 = tpu.memref_squeeze %dma_wait3A_226 : memref<1x1x32x768xf32, #tpu.memory_space<hbm>> -> memref<32x768xf32, #tpu.memory_space<hbm>>
        %dma_wait3A_228 = arith.constant 0 : i32
        %dma_wait3A_229 = arith.constant 0 : i32
        %dma_wait3A_230 = tpu.memref_slice %arg5[%sub3A_223, %add3A, %dma_wait3A_228, %dma_wait3A_229] : memref<64x32x32x768xf32, #tpu.memory_space<hbm>> -> memref<1x1x32x768xf32, #tpu.memory_space<hbm>>
        %dma_wait3A_231 = tpu.memref_squeeze %dma_wait3A_230 : memref<1x1x32x768xf32, #tpu.memory_space<hbm>> -> memref<32x768xf32, #tpu.memory_space<hbm>>
        tpu.wait_dma2 semaphore(%arg17 : memref<!tpu.dma_semaphore, #tpu.memory_space<semaphore_mem>>) src(%arg9 : memref<32x768xf32, #tpu.memory_space<vmem>>) dst(%dma_wait3A_231 : memref<32x768xf32, #tpu.memory_space<hbm>>)
      } else {
      }
      %gt3A_167 = arith.constant 0 : i32
      %gt3A_168 = arith.cmpi sgt, %add3A_139, %gt3A_167 : i32
      %add3A_169 = arith.constant 4 : i32
      %add3A_170 = arith.addi %add3A_139, %add3A_169 : i32
      %sub3A_171 = arith.constant 1 : i32
      %sub3A_172 = arith.subi %add3A_170, %sub3A_171 : i32
      %lt3A_173 = arith.constant 64 : i32
      %lt3A_174 = arith.cmpi slt, %sub3A_172, %lt3A_173 : i32
      %and3A_175 = arith.andi %gt3A_168, %lt3A_174 : i1
      %convert_element_type3A_176 = arith.extui %and3A_175 : i1 to i32
      %cond3A_177 = arith.constant 0 : i32
      %cond3A_178 = arith.cmpi ne, %convert_element_type3A_176, %cond3A_177 : i32
      scf.if %cond3A_178 {
        %add3A_222 = arith.constant 4 : i32
        %add3A_223 = arith.addi %add3A_139, %add3A_222 : i32
        %sub3A_224 = arith.constant 1 : i32
        %sub3A_225 = arith.subi %add3A_223, %sub3A_224 : i32
        %dma_start3A_226 = arith.constant 0 : i32
        %dma_start3A_227 = arith.constant 0 : i32
        %dma_start3A_228 = tpu.memref_slice %arg2[%sub3A_225, %add3A, %dma_start3A_226, %dma_start3A_227] : memref<64x32x32x768xf32, #tpu.memory_space<hbm>> -> memref<1x1x32x768xf32, #tpu.memory_space<hbm>>
        %dma_start3A_229 = tpu.memref_squeeze %dma_start3A_228 : memref<1x1x32x768xf32, #tpu.memory_space<hbm>> -> memref<32x768xf32, #tpu.memory_space<hbm>>
        %dma_start3A_230 = arith.constant 0 : i32
        %dma_start3A_231 = arith.constant 0 : i32
        %dma_start3A_232 = tpu.memref_slice %arg2[%sub3A_225, %add3A, %dma_start3A_230, %dma_start3A_231] : memref<64x32x32x768xf32, #tpu.memory_space<hbm>> -> memref<1x1x32x768xf32, #tpu.memory_space<hbm>>
        %dma_start3A_233 = tpu.memref_squeeze %dma_start3A_232 : memref<1x1x32x768xf32, #tpu.memory_space<hbm>> -> memref<32x768xf32, #tpu.memory_space<hbm>>
        tpu.enqueue_dma source(%dma_start3A_233 : memref<32x768xf32, #tpu.memory_space<hbm>>) target(%arg9 : memref<32x768xf32, #tpu.memory_space<vmem>>) target_semaphore(%arg13 : memref<!tpu.dma_semaphore, #tpu.memory_space<semaphore_mem>>)
      } else {
      }
      %mul3A_179 = arith.constant 4 : i32
      %mul3A_180 = arith.muli %scan3A_55, %mul3A_179 : i32
      %add3A_181 = arith.constant 3 : i32
      %add3A_182 = arith.addi %mul3A_180, %add3A_181 : i32
      %dma_wait3A_183 = arith.constant 0 : i32
      %dma_wait3A_184 = arith.constant 0 : i32
      %dma_wait3A_185 = tpu.memref_slice %arg2[%add3A_182, %add3A, %dma_wait3A_183, %dma_wait3A_184] : memref<64x32x32x768xf32, #tpu.memory_space<hbm>> -> memref<1x1x32x768xf32, #tpu.memory_space<hbm>>
      %dma_wait3A_186 = tpu.memref_squeeze %dma_wait3A_185 : memref<1x1x32x768xf32, #tpu.memory_space<hbm>> -> memref<32x768xf32, #tpu.memory_space<hbm>>
      %dma_wait3A_187 = arith.constant 0 : i32
      %dma_wait3A_188 = arith.constant 0 : i32
      %dma_wait3A_189 = tpu.memref_slice %arg2[%add3A_182, %add3A, %dma_wait3A_187, %dma_wait3A_188] : memref<64x32x32x768xf32, #tpu.memory_space<hbm>> -> memref<1x1x32x768xf32, #tpu.memory_space<hbm>>
      %dma_wait3A_190 = tpu.memref_squeeze %dma_wait3A_189 : memref<1x1x32x768xf32, #tpu.memory_space<hbm>> -> memref<32x768xf32, #tpu.memory_space<hbm>>
      tpu.wait_dma2 semaphore(%arg15 : memref<!tpu.dma_semaphore, #tpu.memory_space<semaphore_mem>>) src(%dma_wait3A_190 : memref<32x768xf32, #tpu.memory_space<hbm>>) dst(%arg11 : memref<32x768xf32, #tpu.memory_space<vmem>>)
      %scan3A_191 = arith.constant 0 : i32
      %scan3A_192 = arith.constant 0 : i32
      %scan3A_193 = arith.constant 32 : i32
      %scan3A_194 = arith.addi %scan3A_192, %scan3A_193 : i32
      %scan3A_195 = arith.constant 1 : i32
      scf.for %scan3A_222 = %scan3A_192 to %scan3A_194 step %scan3A_195  : i32 {
        %get3A = arith.index_cast %scan3A_222 : i32 to index
        %get3A_223 = arith.constant 0 : index
        %get3A_224 = tpu.vector_load %arg11[%get3A, %get3A_223] {strides = array<i32>} : memref<32x768xf32, #tpu.memory_space<vmem>>, vector<1x16xf32>,
        %get3A_225 = vector.shape_cast %get3A_224 : vector<1x16xf32> to vector<16xf32>
        %get3A_226 = arith.index_cast %scan3A_222 : i32 to index
        %get3A_227 = arith.constant 0 : index
        %get3A_228 = tpu.vector_load %arg7[%get3A_226, %get3A_227] {strides = array<i32>} : memref<32x768xf32, #tpu.memory_space<vmem>>, vector<1x16xf32>,
        %get3A_229 = vector.shape_cast %get3A_228 : vector<1x16xf32> to vector<16xf32>
        %add3A_230 = arith.addf %get3A_225, %get3A_229 : vector<16xf32>
        %swap3A = arith.index_cast %scan3A_222 : i32 to index
        %swap3A_231 = arith.constant 0 : index
        %swap3A_232 = tpu.vector_load %arg11[%swap3A, %swap3A_231] {strides = array<i32>} : memref<32x768xf32, #tpu.memory_space<vmem>>, vector<1x16xf32>,
        %swap3A_233 = vector.shape_cast %swap3A_232 : vector<1x16xf32> to vector<16xf32>
        %swap3A_234 = vector.shape_cast %add3A_230 : vector<16xf32> to vector<1x16xf32>
        tpu.vector_store %arg11[%swap3A, %swap3A_231], %swap3A_234 {strides = array<i32>} : memref<32x768xf32, #tpu.memory_space<vmem>>, vector<1x16xf32>,
        %get3A_235 = arith.index_cast %scan3A_222 : i32 to index
        %get3A_236 = arith.constant 16 : index
        %get3A_237 = tpu.vector_load %arg11[%get3A_235, %get3A_236] {strides = array<i32>} : memref<32x768xf32, #tpu.memory_space<vmem>>, vector<1x16xf32>,
        %get3A_238 = vector.shape_cast %get3A_237 : vector<1x16xf32> to vector<16xf32>
        %get3A_239 = arith.index_cast %scan3A_222 : i32 to index
        %get3A_240 = arith.constant 16 : index
        %get3A_241 = tpu.vector_load %arg7[%get3A_239, %get3A_240] {strides = array<i32>} : memref<32x768xf32, #tpu.memory_space<vmem>>, vector<1x16xf32>,
        %get3A_242 = vector.shape_cast %get3A_241 : vector<1x16xf32> to vector<16xf32>
        %add3A_243 = arith.addf %get3A_238, %get3A_242 : vector<16xf32>
        %swap3A_244 = arith.index_cast %scan3A_222 : i32 to index
        %swap3A_245 = arith.constant 16 : index
        %swap3A_246 = tpu.vector_load %arg11[%swap3A_244, %swap3A_245] {strides = array<i32>} : memref<32x768xf32, #tpu.memory_space<vmem>>, vector<1x16xf32>,
        %swap3A_247 = vector.shape_cast %swap3A_246 : vector<1x16xf32> to vector<16xf32>
        %swap3A_248 = vector.shape_cast %add3A_243 : vector<16xf32> to vector<1x16xf32>
        tpu.vector_store %arg11[%swap3A_244, %swap3A_245], %swap3A_248 {strides = array<i32>} : memref<32x768xf32, #tpu.memory_space<vmem>>, vector<1x16xf32>,
        %get3A_249 = arith.index_cast %scan3A_222 : i32 to index
        %get3A_250 = arith.constant 32 : index
        %get3A_251 = tpu.vector_load %arg11[%get3A_249, %get3A_250] {strides = array<i32>} : memref<32x768xf32, #tpu.memory_space<vmem>>, vector<1x16xf32>,
        %get3A_252 = vector.shape_cast %get3A_251 : vector<1x16xf32> to vector<16xf32>
        %get3A_253 = arith.index_cast %scan3A_222 : i32 to index
        %get3A_254 = arith.constant 32 : index
        %get3A_255 = tpu.vector_load %arg7[%get3A_253, %get3A_254] {strides = array<i32>} : memref<32x768xf32, #tpu.memory_space<vmem>>, vector<1x16xf32>,
        %get3A_256 = vector.shape_cast %get3A_255 : vector<1x16xf32> to vector<16xf32>
        %add3A_257 = arith.addf %get3A_252, %get3A_256 : vector<16xf32>
        %swap3A_258 = arith.index_cast %scan3A_222 : i32 to index
        %swap3A_259 = arith.constant 32 : index
        %swap3A_260 = tpu.vector_load %arg11[%swap3A_258, %swap3A_259] {strides = array<i32>} : memref<32x768xf32, #tpu.memory_space<vmem>>, vector<1x16xf32>,
        %swap3A_261 = vector.shape_cast %swap3A_260 : vector<1x16xf32> to vector<16xf32>
        %swap3A_262 = vector.shape_cast %add3A_257 : vector<16xf32> to vector<1x16xf32>
        tpu.vector_store %arg11[%swap3A_258, %swap3A_259], %swap3A_262 {strides = array<i32>} : memref<32x768xf32, #tpu.memory_space<vmem>>, vector<1x16xf32>,
        %get3A_263 = arith.index_cast %scan3A_222 : i32 to index
        %get3A_264 = arith.constant 48 : index
        %get3A_265 = tpu.vector_load %arg11[%get3A_263, %get3A_264] {strides = array<i32>} : memref<32x768xf32, #tpu.memory_space<vmem>>, vector<1x16xf32>,
        %get3A_266 = vector.shape_cast %get3A_265 : vector<1x16xf32> to vector<16xf32>
        %get3A_267 = arith.index_cast %scan3A_222 : i32 to index
        %get3A_268 = arith.constant 48 : index
        %get3A_269 = tpu.vector_load %arg7[%get3A_267, %get3A_268] {strides = array<i32>} : memref<32x768xf32, #tpu.memory_space<vmem>>, vector<1x16xf32>,
        %get3A_270 = vector.shape_cast %get3A_269 : vector<1x16xf32> to vector<16xf32>
        %add3A_271 = arith.addf %get3A_266, %get3A_270 : vector<16xf32>
        %swap3A_272 = arith.index_cast %scan3A_222 : i32 to index
        %swap3A_273 = arith.constant 48 : index
        %swap3A_274 = tpu.vector_load %arg11[%swap3A_272, %swap3A_273] {strides = array<i32>} : memref<32x768xf32, #tpu.memory_space<vmem>>, vector<1x16xf32>,
        %swap3A_275 = vector.shape_cast %swap3A_274 : vector<1x16xf32> to vector<16xf32>
        %swap3A_276 = vector.shape_cast %add3A_271 : vector<16xf32> to vector<1x16xf32>
        tpu.vector_store %arg11[%swap3A_272, %swap3A_273], %swap3A_276 {strides = array<i32>} : memref<32x768xf32, #tpu.memory_space<vmem>>, vector<1x16xf32>,
        %get3A_277 = arith.index_cast %scan3A_222 : i32 to index
        %get3A_278 = arith.constant 64 : index
        %get3A_279 = tpu.vector_load %arg11[%get3A_277, %get3A_278] {strides = array<i32>} : memref<32x768xf32, #tpu.memory_space<vmem>>, vector<1x16xf32>,
        %get3A_280 = vector.shape_cast %get3A_279 : vector<1x16xf32> to vector<16xf32>
        %get3A_281 = arith.index_cast %scan3A_222 : i32 to index
        %get3A_282 = arith.constant 64 : index
        %get3A_283 = tpu.vector_load %arg7[%get3A_281, %get3A_282] {strides = array<i32>} : memref<32x768xf32, #tpu.memory_space<vmem>>, vector<1x16xf32>,
        %get3A_284 = vector.shape_cast %get3A_283 : vector<1x16xf32> to vector<16xf32>
        %add3A_285 = arith.addf %get3A_280, %get3A_284 : vector<16xf32>
        %swap3A_286 = arith.index_cast %scan3A_222 : i32 to index
        %swap3A_287 = arith.constant 64 : index
        %swap3A_288 = tpu.vector_load %arg11[%swap3A_286, %swap3A_287] {strides = array<i32>} : memref<32x768xf32, #tpu.memory_space<vmem>>, vector<1x16xf32>,
        %swap3A_289 = vector.shape_cast %swap3A_288 : vector<1x16xf32> to vector<16xf32>
        %swap3A_290 = vector.shape_cast %add3A_285 : vector<16xf32> to vector<1x16xf32>
        tpu.vector_store %arg11[%swap3A_286, %swap3A_287], %swap3A_290 {strides = array<i32>} : memref<32x768xf32, #tpu.memory_space<vmem>>, vector<1x16xf32>,
        %get3A_291 = arith.index_cast %scan3A_222 : i32 to index
        %get3A_292 = arith.constant 80 : index
        %get3A_293 = tpu.vector_load %arg11[%get3A_291, %get3A_292] {strides = array<i32>} : memref<32x768xf32, #tpu.memory_space<vmem>>, vector<1x16xf32>,
        %get3A_294 = vector.shape_cast %get3A_293 : vector<1x16xf32> to vector<16xf32>
        %get3A_295 = arith.index_cast %scan3A_222 : i32 to index
        %get3A_296 = arith.constant 80 : index
        %get3A_297 = tpu.vector_load %arg7[%get3A_295, %get3A_296] {strides = array<i32>} : memref<32x768xf32, #tpu.memory_space<vmem>>, vector<1x16xf32>,
        %get3A_298 = vector.shape_cast %get3A_297 : vector<1x16xf32> to vector<16xf32>
        %add3A_299 = arith.addf %get3A_294, %get3A_298 : vector<16xf32>
        %swap3A_300 = arith.index_cast %scan3A_222 : i32 to index
        %swap3A_301 = arith.constant 80 : index
        %swap3A_302 = tpu.vector_load %arg11[%swap3A_300, %swap3A_301] {strides = array<i32>} : memref<32x768xf32, #tpu.memory_space<vmem>>, vector<1x16xf32>,
        %swap3A_303 = vector.shape_cast %swap3A_302 : vector<1x16xf32> to vector<16xf32>
        %swap3A_304 = vector.shape_cast %add3A_299 : vector<16xf32> to vector<1x16xf32>
        tpu.vector_store %arg11[%swap3A_300, %swap3A_301], %swap3A_304 {strides = array<i32>} : memref<32x768xf32, #tpu.memory_space<vmem>>, vector<1x16xf32>,
        %get3A_305 = arith.index_cast %scan3A_222 : i32 to index
        %get3A_306 = arith.constant 96 : index
        %get3A_307 = tpu.vector_load %arg11[%get3A_305, %get3A_306] {strides = array<i32>} : memref<32x768xf32, #tpu.memory_space<vmem>>, vector<1x16xf32>,
        %get3A_308 = vector.shape_cast %get3A_307 : vector<1x16xf32> to vector<16xf32>
        %get3A_309 = arith.index_cast %scan3A_222 : i32 to index
        %get3A_310 = arith.constant 96 : index
        %get3A_311 = tpu.vector_load %arg7[%get3A_309, %get3A_310] {strides = array<i32>} : memref<32x768xf32, #tpu.memory_space<vmem>>, vector<1x16xf32>,
        %get3A_312 = vector.shape_cast %get3A_311 : vector<1x16xf32> to vector<16xf32>
        %add3A_313 = arith.addf %get3A_308, %get3A_312 : vector<16xf32>
        %swap3A_314 = arith.index_cast %scan3A_222 : i32 to index
        %swap3A_315 = arith.constant 96 : index
        %swap3A_316 = tpu.vector_load %arg11[%swap3A_314, %swap3A_315] {strides = array<i32>} : memref<32x768xf32, #tpu.memory_space<vmem>>, vector<1x16xf32>,
        %swap3A_317 = vector.shape_cast %swap3A_316 : vector<1x16xf32> to vector<16xf32>
        %swap3A_318 = vector.shape_cast %add3A_313 : vector<16xf32> to vector<1x16xf32>
        tpu.vector_store %arg11[%swap3A_314, %swap3A_315], %swap3A_318 {strides = array<i32>} : memref<32x768xf32, #tpu.memory_space<vmem>>, vector<1x16xf32>,
        %get3A_319 = arith.index_cast %scan3A_222 : i32 to index
        %get3A_320 = arith.constant 112 : index
        %get3A_321 = tpu.vector_load %arg11[%get3A_319, %get3A_320] {strides = array<i32>} : memref<32x768xf32, #tpu.memory_space<vmem>>, vector<1x16xf32>,
        %get3A_322 = vector.shape_cast %get3A_321 : vector<1x16xf32> to vector<16xf32>
        %get3A_323 = arith.index_cast %scan3A_222 : i32 to index
        %get3A_324 = arith.constant 112 : index
        %get3A_325 = tpu.vector_load %arg7[%get3A_323, %get3A_324] {strides = array<i32>} : memref<32x768xf32, #tpu.memory_space<vmem>>, vector<1x16xf32>,
        %get3A_326 = vector.shape_cast %get3A_325 : vector<1x16xf32> to vector<16xf32>
        %add3A_327 = arith.addf %get3A_322, %get3A_326 : vector<16xf32>
        %swap3A_328 = arith.index_cast %scan3A_222 : i32 to index
        %swap3A_329 = arith.constant 112 : index
        %swap3A_330 = tpu.vector_load %arg11[%swap3A_328, %swap3A_329] {strides = array<i32>} : memref<32x768xf32, #tpu.memory_space<vmem>>, vector<1x16xf32>,
        %swap3A_331 = vector.shape_cast %swap3A_330 : vector<1x16xf32> to vector<16xf32>
        %swap3A_332 = vector.shape_cast %add3A_327 : vector<16xf32> to vector<1x16xf32>
        tpu.vector_store %arg11[%swap3A_328, %swap3A_329], %swap3A_332 {strides = array<i32>} : memref<32x768xf32, #tpu.memory_space<vmem>>, vector<1x16xf32>,
        %get3A_333 = arith.index_cast %scan3A_222 : i32 to index
        %get3A_334 = arith.constant 128 : index
        %get3A_335 = tpu.vector_load %arg11[%get3A_333, %get3A_334] {strides = array<i32>} : memref<32x768xf32, #tpu.memory_space<vmem>>, vector<1x16xf32>,
        %get3A_336 = vector.shape_cast %get3A_335 : vector<1x16xf32> to vector<16xf32>
        %get3A_337 = arith.index_cast %scan3A_222 : i32 to index
        %get3A_338 = arith.constant 128 : index
        %get3A_339 = tpu.vector_load %arg7[%get3A_337, %get3A_338] {strides = array<i32>} : memref<32x768xf32, #tpu.memory_space<vmem>>, vector<1x16xf32>,
        %get3A_340 = vector.shape_cast %get3A_339 : vector<1x16xf32> to vector<16xf32>
        %add3A_341 = arith.addf %get3A_336, %get3A_340 : vector<16xf32>
        %swap3A_342 = arith.index_cast %scan3A_222 : i32 to index
        %swap3A_343 = arith.constant 128 : index
        %swap3A_344 = tpu.vector_load %arg11[%swap3A_342, %swap3A_343] {strides = array<i32>} : memref<32x768xf32, #tpu.memory_space<vmem>>, vector<1x16xf32>,
        %swap3A_345 = vector.shape_cast %swap3A_344 : vector<1x16xf32> to vector<16xf32>
        %swap3A_346 = vector.shape_cast %add3A_341 : vector<16xf32> to vector<1x16xf32>
        tpu.vector_store %arg11[%swap3A_342, %swap3A_343], %swap3A_346 {strides = array<i32>} : memref<32x768xf32, #tpu.memory_space<vmem>>, vector<1x16xf32>,
        %get3A_347 = arith.index_cast %scan3A_222 : i32 to index
        %get3A_348 = arith.constant 144 : index
        %get3A_349 = tpu.vector_load %arg11[%get3A_347, %get3A_348] {strides = array<i32>} : memref<32x768xf32, #tpu.memory_space<vmem>>, vector<1x16xf32>,
        %get3A_350 = vector.shape_cast %get3A_349 : vector<1x16xf32> to vector<16xf32>
        %get3A_351 = arith.index_cast %scan3A_222 : i32 to index
        %get3A_352 = arith.constant 144 : index
        %get3A_353 = tpu.vector_load %arg7[%get3A_351, %get3A_352] {strides = array<i32>} : memref<32x768xf32, #tpu.memory_space<vmem>>, vector<1x16xf32>,
        %get3A_354 = vector.shape_cast %get3A_353 : vector<1x16xf32> to vector<16xf32>
        %add3A_355 = arith.addf %get3A_350, %get3A_354 : vector<16xf32>
        %swap3A_356 = arith.index_cast %scan3A_222 : i32 to index
        %swap3A_357 = arith.constant 144 : index
        %swap3A_358 = tpu.vector_load %arg11[%swap3A_356, %swap3A_357] {strides = array<i32>} : memref<32x768xf32, #tpu.memory_space<vmem>>, vector<1x16xf32>,
        %swap3A_359 = vector.shape_cast %swap3A_358 : vector<1x16xf32> to vector<16xf32>
        %swap3A_360 = vector.shape_cast %add3A_355 : vector<16xf32> to vector<1x16xf32>
        tpu.vector_store %arg11[%swap3A_356, %swap3A_357], %swap3A_360 {strides = array<i32>} : memref<32x768xf32, #tpu.memory_space<vmem>>, vector<1x16xf32>,
        %get3A_361 = arith.index_cast %scan3A_222 : i32 to index
        %get3A_362 = arith.constant 160 : index
        %get3A_363 = tpu.vector_load %arg11[%get3A_361, %get3A_362] {strides = array<i32>} : memref<32x768xf32, #tpu.memory_space<vmem>>, vector<1x16xf32>,
        %get3A_364 = vector.shape_cast %get3A_363 : vector<1x16xf32> to vector<16xf32>
        %get3A_365 = arith.index_cast %scan3A_222 : i32 to index
        %get3A_366 = arith.constant 160 : index
        %get3A_367 = tpu.vector_load %arg7[%get3A_365, %get3A_366] {strides = array<i32>} : memref<32x768xf32, #tpu.memory_space<vmem>>, vector<1x16xf32>,
        %get3A_368 = vector.shape_cast %get3A_367 : vector<1x16xf32> to vector<16xf32>
        %add3A_369 = arith.addf %get3A_364, %get3A_368 : vector<16xf32>
        %swap3A_370 = arith.index_cast %scan3A_222 : i32 to index
        %swap3A_371 = arith.constant 160 : index
        %swap3A_372 = tpu.vector_load %arg11[%swap3A_370, %swap3A_371] {strides = array<i32>} : memref<32x768xf32, #tpu.memory_space<vmem>>, vector<1x16xf32>,
        %swap3A_373 = vector.shape_cast %swap3A_372 : vector<1x16xf32> to vector<16xf32>
        %swap3A_374 = vector.shape_cast %add3A_369 : vector<16xf32> to vector<1x16xf32>
        tpu.vector_store %arg11[%swap3A_370, %swap3A_371], %swap3A_374 {strides = array<i32>} : memref<32x768xf32, #tpu.memory_space<vmem>>, vector<1x16xf32>,
        %get3A_375 = arith.index_cast %scan3A_222 : i32 to index
        %get3A_376 = arith.constant 176 : index
        %get3A_377 = tpu.vector_load %arg11[%get3A_375, %get3A_376] {strides = array<i32>} : memref<32x768xf32, #tpu.memory_space<vmem>>, vector<1x16xf32>,
        %get3A_378 = vector.shape_cast %get3A_377 : vector<1x16xf32> to vector<16xf32>
        %get3A_379 = arith.index_cast %scan3A_222 : i32 to index
        %get3A_380 = arith.constant 176 : index
        %get3A_381 = tpu.vector_load %arg7[%get3A_379, %get3A_380] {strides = array<i32>} : memref<32x768xf32, #tpu.memory_space<vmem>>, vector<1x16xf32>,
        %get3A_382 = vector.shape_cast %get3A_381 : vector<1x16xf32> to vector<16xf32>
        %add3A_383 = arith.addf %get3A_378, %get3A_382 : vector<16xf32>
        %swap3A_384 = arith.index_cast %scan3A_222 : i32 to index
        %swap3A_385 = arith.constant 176 : index
        %swap3A_386 = tpu.vector_load %arg11[%swap3A_384, %swap3A_385] {strides = array<i32>} : memref<32x768xf32, #tpu.memory_space<vmem>>, vector<1x16xf32>,
        %swap3A_387 = vector.shape_cast %swap3A_386 : vector<1x16xf32> to vector<16xf32>
        %swap3A_388 = vector.shape_cast %add3A_383 : vector<16xf32> to vector<1x16xf32>
        tpu.vector_store %arg11[%swap3A_384, %swap3A_385], %swap3A_388 {strides = array<i32>} : memref<32x768xf32, #tpu.memory_space<vmem>>, vector<1x16xf32>,
        %get3A_389 = arith.index_cast %scan3A_222 : i32 to index
        %get3A_390 = arith.constant 192 : index
        %get3A_391 = tpu.vector_load %arg11[%get3A_389, %get3A_390] {strides = array<i32>} : memref<32x768xf32, #tpu.memory_space<vmem>>, vector<1x16xf32>,
        %get3A_392 = vector.shape_cast %get3A_391 : vector<1x16xf32> to vector<16xf32>
        %get3A_393 = arith.index_cast %scan3A_222 : i32 to index
        %get3A_394 = arith.constant 192 : index
        %get3A_395 = tpu.vector_load %arg7[%get3A_393, %get3A_394] {strides = array<i32>} : memref<32x768xf32, #tpu.memory_space<vmem>>, vector<1x16xf32>,
        %get3A_396 = vector.shape_cast %get3A_395 : vector<1x16xf32> to vector<16xf32>
        %add3A_397 = arith.addf %get3A_392, %get3A_396 : vector<16xf32>
        %swap3A_398 = arith.index_cast %scan3A_222 : i32 to index
        %swap3A_399 = arith.constant 192 : index
        %swap3A_400 = tpu.vector_load %arg11[%swap3A_398, %swap3A_399] {strides = array<i32>} : memref<32x768xf32, #tpu.memory_space<vmem>>, vector<1x16xf32>,
        %swap3A_401 = vector.shape_cast %swap3A_400 : vector<1x16xf32> to vector<16xf32>
        %swap3A_402 = vector.shape_cast %add3A_397 : vector<16xf32> to vector<1x16xf32>
        tpu.vector_store %arg11[%swap3A_398, %swap3A_399], %swap3A_402 {strides = array<i32>} : memref<32x768xf32, #tpu.memory_space<vmem>>, vector<1x16xf32>,
        %get3A_403 = arith.index_cast %scan3A_222 : i32 to index
        %get3A_404 = arith.constant 208 : index
        %get3A_405 = tpu.vector_load %arg11[%get3A_403, %get3A_404] {strides = array<i32>} : memref<32x768xf32, #tpu.memory_space<vmem>>, vector<1x16xf32>,
        %get3A_406 = vector.shape_cast %get3A_405 : vector<1x16xf32> to vector<16xf32>
        %get3A_407 = arith.index_cast %scan3A_222 : i32 to index
        %get3A_408 = arith.constant 208 : index
        %get3A_409 = tpu.vector_load %arg7[%get3A_407, %get3A_408] {strides = array<i32>} : memref<32x768xf32, #tpu.memory_space<vmem>>, vector<1x16xf32>,
        %get3A_410 = vector.shape_cast %get3A_409 : vector<1x16xf32> to vector<16xf32>
        %add3A_411 = arith.addf %get3A_406, %get3A_410 : vector<16xf32>
        %swap3A_412 = arith.index_cast %scan3A_222 : i32 to index
        %swap3A_413 = arith.constant 208 : index
        %swap3A_414 = tpu.vector_load %arg11[%swap3A_412, %swap3A_413] {strides = array<i32>} : memref<32x768xf32, #tpu.memory_space<vmem>>, vector<1x16xf32>,
        %swap3A_415 = vector.shape_cast %swap3A_414 : vector<1x16xf32> to vector<16xf32>
        %swap3A_416 = vector.shape_cast %add3A_411 : vector<16xf32> to vector<1x16xf32>
        tpu.vector_store %arg11[%swap3A_412, %swap3A_413], %swap3A_416 {strides = array<i32>} : memref<32x768xf32, #tpu.memory_space<vmem>>, vector<1x16xf32>,
        %get3A_417 = arith.index_cast %scan3A_222 : i32 to index
        %get3A_418 = arith.constant 224 : index
        %get3A_419 = tpu.vector_load %arg11[%get3A_417, %get3A_418] {strides = array<i32>} : memref<32x768xf32, #tpu.memory_space<vmem>>, vector<1x16xf32>,
        %get3A_420 = vector.shape_cast %get3A_419 : vector<1x16xf32> to vector<16xf32>
        %get3A_421 = arith.index_cast %scan3A_222 : i32 to index
        %get3A_422 = arith.constant 224 : index
        %get3A_423 = tpu.vector_load %arg7[%get3A_421, %get3A_422] {strides = array<i32>} : memref<32x768xf32, #tpu.memory_space<vmem>>, vector<1x16xf32>,
        %get3A_424 = vector.shape_cast %get3A_423 : vector<1x16xf32> to vector<16xf32>
        %add3A_425 = arith.addf %get3A_420, %get3A_424 : vector<16xf32>
        %swap3A_426 = arith.index_cast %scan3A_222 : i32 to index
        %swap3A_427 = arith.constant 224 : index
        %swap3A_428 = tpu.vector_load %arg11[%swap3A_426, %swap3A_427] {strides = array<i32>} : memref<32x768xf32, #tpu.memory_space<vmem>>, vector<1x16xf32>,
        %swap3A_429 = vector.shape_cast %swap3A_428 : vector<1x16xf32> to vector<16xf32>
        %swap3A_430 = vector.shape_cast %add3A_425 : vector<16xf32> to vector<1x16xf32>
        tpu.vector_store %arg11[%swap3A_426, %swap3A_427], %swap3A_430 {strides = array<i32>} : memref<32x768xf32, #tpu.memory_space<vmem>>, vector<1x16xf32>,
        %get3A_431 = arith.index_cast %scan3A_222 : i32 to index
        %get3A_432 = arith.constant 240 : index
        %get3A_433 = tpu.vector_load %arg11[%get3A_431, %get3A_432] {strides = array<i32>} : memref<32x768xf32, #tpu.memory_space<vmem>>, vector<1x16xf32>,
        %get3A_434 = vector.shape_cast %get3A_433 : vector<1x16xf32> to vector<16xf32>
        %get3A_435 = arith.index_cast %scan3A_222 : i32 to index
        %get3A_436 = arith.constant 240 : index
        %get3A_437 = tpu.vector_load %arg7[%get3A_435, %get3A_436] {strides = array<i32>} : memref<32x768xf32, #tpu.memory_space<vmem>>, vector<1x16xf32>,
        %get3A_438 = vector.shape_cast %get3A_437 : vector<1x16xf32> to vector<16xf32>
        %add3A_439 = arith.addf %get3A_434, %get3A_438 : vector<16xf32>
        %swap3A_440 = arith.index_cast %scan3A_222 : i32 to index
        %swap3A_441 = arith.constant 240 : index
        %swap3A_442 = tpu.vector_load %arg11[%swap3A_440, %swap3A_441] {strides = array<i32>} : memref<32x768xf32, #tpu.memory_space<vmem>>, vector<1x16xf32>,
        %swap3A_443 = vector.shape_cast %swap3A_442 : vector<1x16xf32> to vector<16xf32>
        %swap3A_444 = vector.shape_cast %add3A_439 : vector<16xf32> to vector<1x16xf32>
        tpu.vector_store %arg11[%swap3A_440, %swap3A_441], %swap3A_444 {strides = array<i32>} : memref<32x768xf32, #tpu.memory_space<vmem>>, vector<1x16xf32>,
        %get3A_445 = arith.index_cast %scan3A_222 : i32 to index
        %get3A_446 = arith.constant 256 : index
        %get3A_447 = tpu.vector_load %arg11[%get3A_445, %get3A_446] {strides = array<i32>} : memref<32x768xf32, #tpu.memory_space<vmem>>, vector<1x16xf32>,
        %get3A_448 = vector.shape_cast %get3A_447 : vector<1x16xf32> to vector<16xf32>
        %get3A_449 = arith.index_cast %scan3A_222 : i32 to index
        %get3A_450 = arith.constant 256 : index
        %get3A_451 = tpu.vector_load %arg7[%get3A_449, %get3A_450] {strides = array<i32>} : memref<32x768xf32, #tpu.memory_space<vmem>>, vector<1x16xf32>,
        %get3A_452 = vector.shape_cast %get3A_451 : vector<1x16xf32> to vector<16xf32>
        %add3A_453 = arith.addf %get3A_448, %get3A_452 : vector<16xf32>
        %swap3A_454 = arith.index_cast %scan3A_222 : i32 to index
        %swap3A_455 = arith.constant 256 : index
        %swap3A_456 = tpu.vector_load %arg11[%swap3A_454, %swap3A_455] {strides = array<i32>} : memref<32x768xf32, #tpu.memory_space<vmem>>, vector<1x16xf32>,
        %swap3A_457 = vector.shape_cast %swap3A_456 : vector<1x16xf32> to vector<16xf32>
        %swap3A_458 = vector.shape_cast %add3A_453 : vector<16xf32> to vector<1x16xf32>
        tpu.vector_store %arg11[%swap3A_454, %swap3A_455], %swap3A_458 {strides = array<i32>} : memref<32x768xf32, #tpu.memory_space<vmem>>, vector<1x16xf32>,
        %get3A_459 = arith.index_cast %scan3A_222 : i32 to index
        %get3A_460 = arith.constant 272 : index
        %get3A_461 = tpu.vector_load %arg11[%get3A_459, %get3A_460] {strides = array<i32>} : memref<32x768xf32, #tpu.memory_space<vmem>>, vector<1x16xf32>,
        %get3A_462 = vector.shape_cast %get3A_461 : vector<1x16xf32> to vector<16xf32>
        %get3A_463 = arith.index_cast %scan3A_222 : i32 to index
        %get3A_464 = arith.constant 272 : index
        %get3A_465 = tpu.vector_load %arg7[%get3A_463, %get3A_464] {strides = array<i32>} : memref<32x768xf32, #tpu.memory_space<vmem>>, vector<1x16xf32>,
        %get3A_466 = vector.shape_cast %get3A_465 : vector<1x16xf32> to vector<16xf32>
        %add3A_467 = arith.addf %get3A_462, %get3A_466 : vector<16xf32>
        %swap3A_468 = arith.index_cast %scan3A_222 : i32 to index
        %swap3A_469 = arith.constant 272 : index
        %swap3A_470 = tpu.vector_load %arg11[%swap3A_468, %swap3A_469] {strides = array<i32>} : memref<32x768xf32, #tpu.memory_space<vmem>>, vector<1x16xf32>,
        %swap3A_471 = vector.shape_cast %swap3A_470 : vector<1x16xf32> to vector<16xf32>
        %swap3A_472 = vector.shape_cast %add3A_467 : vector<16xf32> to vector<1x16xf32>
        tpu.vector_store %arg11[%swap3A_468, %swap3A_469], %swap3A_472 {strides = array<i32>} : memref<32x768xf32, #tpu.memory_space<vmem>>, vector<1x16xf32>,
        %get3A_473 = arith.index_cast %scan3A_222 : i32 to index
        %get3A_474 = arith.constant 288 : index
        %get3A_475 = tpu.vector_load %arg11[%get3A_473, %get3A_474] {strides = array<i32>} : memref<32x768xf32, #tpu.memory_space<vmem>>, vector<1x16xf32>,
        %get3A_476 = vector.shape_cast %get3A_475 : vector<1x16xf32> to vector<16xf32>
        %get3A_477 = arith.index_cast %scan3A_222 : i32 to index
        %get3A_478 = arith.constant 288 : index
        %get3A_479 = tpu.vector_load %arg7[%get3A_477, %get3A_478] {strides = array<i32>} : memref<32x768xf32, #tpu.memory_space<vmem>>, vector<1x16xf32>,
        %get3A_480 = vector.shape_cast %get3A_479 : vector<1x16xf32> to vector<16xf32>
        %add3A_481 = arith.addf %get3A_476, %get3A_480 : vector<16xf32>
        %swap3A_482 = arith.index_cast %scan3A_222 : i32 to index
        %swap3A_483 = arith.constant 288 : index
        %swap3A_484 = tpu.vector_load %arg11[%swap3A_482, %swap3A_483] {strides = array<i32>} : memref<32x768xf32, #tpu.memory_space<vmem>>, vector<1x16xf32>,
        %swap3A_485 = vector.shape_cast %swap3A_484 : vector<1x16xf32> to vector<16xf32>
        %swap3A_486 = vector.shape_cast %add3A_481 : vector<16xf32> to vector<1x16xf32>
        tpu.vector_store %arg11[%swap3A_482, %swap3A_483], %swap3A_486 {strides = array<i32>} : memref<32x768xf32, #tpu.memory_space<vmem>>, vector<1x16xf32>,
        %get3A_487 = arith.index_cast %scan3A_222 : i32 to index
        %get3A_488 = arith.constant 304 : index
        %get3A_489 = tpu.vector_load %arg11[%get3A_487, %get3A_488] {strides = array<i32>} : memref<32x768xf32, #tpu.memory_space<vmem>>, vector<1x16xf32>,
        %get3A_490 = vector.shape_cast %get3A_489 : vector<1x16xf32> to vector<16xf32>
        %get3A_491 = arith.index_cast %scan3A_222 : i32 to index
        %get3A_492 = arith.constant 304 : index
        %get3A_493 = tpu.vector_load %arg7[%get3A_491, %get3A_492] {strides = array<i32>} : memref<32x768xf32, #tpu.memory_space<vmem>>, vector<1x16xf32>,
        %get3A_494 = vector.shape_cast %get3A_493 : vector<1x16xf32> to vector<16xf32>
        %add3A_495 = arith.addf %get3A_490, %get3A_494 : vector<16xf32>
        %swap3A_496 = arith.index_cast %scan3A_222 : i32 to index
        %swap3A_497 = arith.constant 304 : index
        %swap3A_498 = tpu.vector_load %arg11[%swap3A_496, %swap3A_497] {strides = array<i32>} : memref<32x768xf32, #tpu.memory_space<vmem>>, vector<1x16xf32>,
        %swap3A_499 = vector.shape_cast %swap3A_498 : vector<1x16xf32> to vector<16xf32>
        %swap3A_500 = vector.shape_cast %add3A_495 : vector<16xf32> to vector<1x16xf32>
        tpu.vector_store %arg11[%swap3A_496, %swap3A_497], %swap3A_500 {strides = array<i32>} : memref<32x768xf32, #tpu.memory_space<vmem>>, vector<1x16xf32>,
        %get3A_501 = arith.index_cast %scan3A_222 : i32 to index
        %get3A_502 = arith.constant 320 : index
        %get3A_503 = tpu.vector_load %arg11[%get3A_501, %get3A_502] {strides = array<i32>} : memref<32x768xf32, #tpu.memory_space<vmem>>, vector<1x16xf32>,
        %get3A_504 = vector.shape_cast %get3A_503 : vector<1x16xf32> to vector<16xf32>
        %get3A_505 = arith.index_cast %scan3A_222 : i32 to index
        %get3A_506 = arith.constant 320 : index
        %get3A_507 = tpu.vector_load %arg7[%get3A_505, %get3A_506] {strides = array<i32>} : memref<32x768xf32, #tpu.memory_space<vmem>>, vector<1x16xf32>,
        %get3A_508 = vector.shape_cast %get3A_507 : vector<1x16xf32> to vector<16xf32>
        %add3A_509 = arith.addf %get3A_504, %get3A_508 : vector<16xf32>
        %swap3A_510 = arith.index_cast %scan3A_222 : i32 to index
        %swap3A_511 = arith.constant 320 : index
        %swap3A_512 = tpu.vector_load %arg11[%swap3A_510, %swap3A_511] {strides = array<i32>} : memref<32x768xf32, #tpu.memory_space<vmem>>, vector<1x16xf32>,
        %swap3A_513 = vector.shape_cast %swap3A_512 : vector<1x16xf32> to vector<16xf32>
        %swap3A_514 = vector.shape_cast %add3A_509 : vector<16xf32> to vector<1x16xf32>
        tpu.vector_store %arg11[%swap3A_510, %swap3A_511], %swap3A_514 {strides = array<i32>} : memref<32x768xf32, #tpu.memory_space<vmem>>, vector<1x16xf32>,
        %get3A_515 = arith.index_cast %scan3A_222 : i32 to index
        %get3A_516 = arith.constant 336 : index
        %get3A_517 = tpu.vector_load %arg11[%get3A_515, %get3A_516] {strides = array<i32>} : memref<32x768xf32, #tpu.memory_space<vmem>>, vector<1x16xf32>,
        %get3A_518 = vector.shape_cast %get3A_517 : vector<1x16xf32> to vector<16xf32>
        %get3A_519 = arith.index_cast %scan3A_222 : i32 to index
        %get3A_520 = arith.constant 336 : index
        %get3A_521 = tpu.vector_load %arg7[%get3A_519, %get3A_520] {strides = array<i32>} : memref<32x768xf32, #tpu.memory_space<vmem>>, vector<1x16xf32>,
        %get3A_522 = vector.shape_cast %get3A_521 : vector<1x16xf32> to vector<16xf32>
        %add3A_523 = arith.addf %get3A_518, %get3A_522 : vector<16xf32>
        %swap3A_524 = arith.index_cast %scan3A_222 : i32 to index
        %swap3A_525 = arith.constant 336 : index
        %swap3A_526 = tpu.vector_load %arg11[%swap3A_524, %swap3A_525] {strides = array<i32>} : memref<32x768xf32, #tpu.memory_space<vmem>>, vector<1x16xf32>,
        %swap3A_527 = vector.shape_cast %swap3A_526 : vector<1x16xf32> to vector<16xf32>
        %swap3A_528 = vector.shape_cast %add3A_523 : vector<16xf32> to vector<1x16xf32>
        tpu.vector_store %arg11[%swap3A_524, %swap3A_525], %swap3A_528 {strides = array<i32>} : memref<32x768xf32, #tpu.memory_space<vmem>>, vector<1x16xf32>,
        %get3A_529 = arith.index_cast %scan3A_222 : i32 to index
        %get3A_530 = arith.constant 352 : index
        %get3A_531 = tpu.vector_load %arg11[%get3A_529, %get3A_530] {strides = array<i32>} : memref<32x768xf32, #tpu.memory_space<vmem>>, vector<1x16xf32>,
        %get3A_532 = vector.shape_cast %get3A_531 : vector<1x16xf32> to vector<16xf32>
        %get3A_533 = arith.index_cast %scan3A_222 : i32 to index
        %get3A_534 = arith.constant 352 : index
        %get3A_535 = tpu.vector_load %arg7[%get3A_533, %get3A_534] {strides = array<i32>} : memref<32x768xf32, #tpu.memory_space<vmem>>, vector<1x16xf32>,
        %get3A_536 = vector.shape_cast %get3A_535 : vector<1x16xf32> to vector<16xf32>
        %add3A_537 = arith.addf %get3A_532, %get3A_536 : vector<16xf32>
        %swap3A_538 = arith.index_cast %scan3A_222 : i32 to index
        %swap3A_539 = arith.constant 352 : index
        %swap3A_540 = tpu.vector_load %arg11[%swap3A_538, %swap3A_539] {strides = array<i32>} : memref<32x768xf32, #tpu.memory_space<vmem>>, vector<1x16xf32>,
        %swap3A_541 = vector.shape_cast %swap3A_540 : vector<1x16xf32> to vector<16xf32>
        %swap3A_542 = vector.shape_cast %add3A_537 : vector<16xf32> to vector<1x16xf32>
        tpu.vector_store %arg11[%swap3A_538, %swap3A_539], %swap3A_542 {strides = array<i32>} : memref<32x768xf32, #tpu.memory_space<vmem>>, vector<1x16xf32>,
        %get3A_543 = arith.index_cast %scan3A_222 : i32 to index
        %get3A_544 = arith.constant 368 : index
        %get3A_545 = tpu.vector_load %arg11[%get3A_543, %get3A_544] {strides = array<i32>} : memref<32x768xf32, #tpu.memory_space<vmem>>, vector<1x16xf32>,
        %get3A_546 = vector.shape_cast %get3A_545 : vector<1x16xf32> to vector<16xf32>
        %get3A_547 = arith.index_cast %scan3A_222 : i32 to index
        %get3A_548 = arith.constant 368 : index
        %get3A_549 = tpu.vector_load %arg7[%get3A_547, %get3A_548] {strides = array<i32>} : memref<32x768xf32, #tpu.memory_space<vmem>>, vector<1x16xf32>,
        %get3A_550 = vector.shape_cast %get3A_549 : vector<1x16xf32> to vector<16xf32>
        %add3A_551 = arith.addf %get3A_546, %get3A_550 : vector<16xf32>
        %swap3A_552 = arith.index_cast %scan3A_222 : i32 to index
        %swap3A_553 = arith.constant 368 : index
        %swap3A_554 = tpu.vector_load %arg11[%swap3A_552, %swap3A_553] {strides = array<i32>} : memref<32x768xf32, #tpu.memory_space<vmem>>, vector<1x16xf32>,
        %swap3A_555 = vector.shape_cast %swap3A_554 : vector<1x16xf32> to vector<16xf32>
        %swap3A_556 = vector.shape_cast %add3A_551 : vector<16xf32> to vector<1x16xf32>
        tpu.vector_store %arg11[%swap3A_552, %swap3A_553], %swap3A_556 {strides = array<i32>} : memref<32x768xf32, #tpu.memory_space<vmem>>, vector<1x16xf32>,
        %get3A_557 = arith.index_cast %scan3A_222 : i32 to index
        %get3A_558 = arith.constant 384 : index
        %get3A_559 = tpu.vector_load %arg11[%get3A_557, %get3A_558] {strides = array<i32>} : memref<32x768xf32, #tpu.memory_space<vmem>>, vector<1x16xf32>,
        %get3A_560 = vector.shape_cast %get3A_559 : vector<1x16xf32> to vector<16xf32>
        %get3A_561 = arith.index_cast %scan3A_222 : i32 to index
        %get3A_562 = arith.constant 384 : index
        %get3A_563 = tpu.vector_load %arg7[%get3A_561, %get3A_562] {strides = array<i32>} : memref<32x768xf32, #tpu.memory_space<vmem>>, vector<1x16xf32>,
        %get3A_564 = vector.shape_cast %get3A_563 : vector<1x16xf32> to vector<16xf32>
        %add3A_565 = arith.addf %get3A_560, %get3A_564 : vector<16xf32>
        %swap3A_566 = arith.index_cast %scan3A_222 : i32 to index
        %swap3A_567 = arith.constant 384 : index
        %swap3A_568 = tpu.vector_load %arg11[%swap3A_566, %swap3A_567] {strides = array<i32>} : memref<32x768xf32, #tpu.memory_space<vmem>>, vector<1x16xf32>,
        %swap3A_569 = vector.shape_cast %swap3A_568 : vector<1x16xf32> to vector<16xf32>
        %swap3A_570 = vector.shape_cast %add3A_565 : vector<16xf32> to vector<1x16xf32>
        tpu.vector_store %arg11[%swap3A_566, %swap3A_567], %swap3A_570 {strides = array<i32>} : memref<32x768xf32, #tpu.memory_space<vmem>>, vector<1x16xf32>,
        %get3A_571 = arith.index_cast %scan3A_222 : i32 to index
        %get3A_572 = arith.constant 400 : index
        %get3A_573 = tpu.vector_load %arg11[%get3A_571, %get3A_572] {strides = array<i32>} : memref<32x768xf32, #tpu.memory_space<vmem>>, vector<1x16xf32>,
        %get3A_574 = vector.shape_cast %get3A_573 : vector<1x16xf32> to vector<16xf32>
        %get3A_575 = arith.index_cast %scan3A_222 : i32 to index
        %get3A_576 = arith.constant 400 : index
        %get3A_577 = tpu.vector_load %arg7[%get3A_575, %get3A_576] {strides = array<i32>} : memref<32x768xf32, #tpu.memory_space<vmem>>, vector<1x16xf32>,
        %get3A_578 = vector.shape_cast %get3A_577 : vector<1x16xf32> to vector<16xf32>
        %add3A_579 = arith.addf %get3A_574, %get3A_578 : vector<16xf32>
        %swap3A_580 = arith.index_cast %scan3A_222 : i32 to index
        %swap3A_581 = arith.constant 400 : index
        %swap3A_582 = tpu.vector_load %arg11[%swap3A_580, %swap3A_581] {strides = array<i32>} : memref<32x768xf32, #tpu.memory_space<vmem>>, vector<1x16xf32>,
        %swap3A_583 = vector.shape_cast %swap3A_582 : vector<1x16xf32> to vector<16xf32>
        %swap3A_584 = vector.shape_cast %add3A_579 : vector<16xf32> to vector<1x16xf32>
        tpu.vector_store %arg11[%swap3A_580, %swap3A_581], %swap3A_584 {strides = array<i32>} : memref<32x768xf32, #tpu.memory_space<vmem>>, vector<1x16xf32>,
        %get3A_585 = arith.index_cast %scan3A_222 : i32 to index
        %get3A_586 = arith.constant 416 : index
        %get3A_587 = tpu.vector_load %arg11[%get3A_585, %get3A_586] {strides = array<i32>} : memref<32x768xf32, #tpu.memory_space<vmem>>, vector<1x16xf32>,
        %get3A_588 = vector.shape_cast %get3A_587 : vector<1x16xf32> to vector<16xf32>
        %get3A_589 = arith.index_cast %scan3A_222 : i32 to index
        %get3A_590 = arith.constant 416 : index
        %get3A_591 = tpu.vector_load %arg7[%get3A_589, %get3A_590] {strides = array<i32>} : memref<32x768xf32, #tpu.memory_space<vmem>>, vector<1x16xf32>,
        %get3A_592 = vector.shape_cast %get3A_591 : vector<1x16xf32> to vector<16xf32>
        %add3A_593 = arith.addf %get3A_588, %get3A_592 : vector<16xf32>
        %swap3A_594 = arith.index_cast %scan3A_222 : i32 to index
        %swap3A_595 = arith.constant 416 : index
        %swap3A_596 = tpu.vector_load %arg11[%swap3A_594, %swap3A_595] {strides = array<i32>} : memref<32x768xf32, #tpu.memory_space<vmem>>, vector<1x16xf32>,
        %swap3A_597 = vector.shape_cast %swap3A_596 : vector<1x16xf32> to vector<16xf32>
        %swap3A_598 = vector.shape_cast %add3A_593 : vector<16xf32> to vector<1x16xf32>
        tpu.vector_store %arg11[%swap3A_594, %swap3A_595], %swap3A_598 {strides = array<i32>} : memref<32x768xf32, #tpu.memory_space<vmem>>, vector<1x16xf32>,
        %get3A_599 = arith.index_cast %scan3A_222 : i32 to index
        %get3A_600 = arith.constant 432 : index
        %get3A_601 = tpu.vector_load %arg11[%get3A_599, %get3A_600] {strides = array<i32>} : memref<32x768xf32, #tpu.memory_space<vmem>>, vector<1x16xf32>,
        %get3A_602 = vector.shape_cast %get3A_601 : vector<1x16xf32> to vector<16xf32>
        %get3A_603 = arith.index_cast %scan3A_222 : i32 to index
        %get3A_604 = arith.constant 432 : index
        %get3A_605 = tpu.vector_load %arg7[%get3A_603, %get3A_604] {strides = array<i32>} : memref<32x768xf32, #tpu.memory_space<vmem>>, vector<1x16xf32>,
        %get3A_606 = vector.shape_cast %get3A_605 : vector<1x16xf32> to vector<16xf32>
        %add3A_607 = arith.addf %get3A_602, %get3A_606 : vector<16xf32>
        %swap3A_608 = arith.index_cast %scan3A_222 : i32 to index
        %swap3A_609 = arith.constant 432 : index
        %swap3A_610 = tpu.vector_load %arg11[%swap3A_608, %swap3A_609] {strides = array<i32>} : memref<32x768xf32, #tpu.memory_space<vmem>>, vector<1x16xf32>,
        %swap3A_611 = vector.shape_cast %swap3A_610 : vector<1x16xf32> to vector<16xf32>
        %swap3A_612 = vector.shape_cast %add3A_607 : vector<16xf32> to vector<1x16xf32>
        tpu.vector_store %arg11[%swap3A_608, %swap3A_609], %swap3A_612 {strides = array<i32>} : memref<32x768xf32, #tpu.memory_space<vmem>>, vector<1x16xf32>,
        %get3A_613 = arith.index_cast %scan3A_222 : i32 to index
        %get3A_614 = arith.constant 448 : index
        %get3A_615 = tpu.vector_load %arg11[%get3A_613, %get3A_614] {strides = array<i32>} : memref<32x768xf32, #tpu.memory_space<vmem>>, vector<1x16xf32>,
        %get3A_616 = vector.shape_cast %get3A_615 : vector<1x16xf32> to vector<16xf32>
        %get3A_617 = arith.index_cast %scan3A_222 : i32 to index
        %get3A_618 = arith.constant 448 : index
        %get3A_619 = tpu.vector_load %arg7[%get3A_617, %get3A_618] {strides = array<i32>} : memref<32x768xf32, #tpu.memory_space<vmem>>, vector<1x16xf32>,
        %get3A_620 = vector.shape_cast %get3A_619 : vector<1x16xf32> to vector<16xf32>
        %add3A_621 = arith.addf %get3A_616, %get3A_620 : vector<16xf32>
        %swap3A_622 = arith.index_cast %scan3A_222 : i32 to index
        %swap3A_623 = arith.constant 448 : index
        %swap3A_624 = tpu.vector_load %arg11[%swap3A_622, %swap3A_623] {strides = array<i32>} : memref<32x768xf32, #tpu.memory_space<vmem>>, vector<1x16xf32>,
        %swap3A_625 = vector.shape_cast %swap3A_624 : vector<1x16xf32> to vector<16xf32>
        %swap3A_626 = vector.shape_cast %add3A_621 : vector<16xf32> to vector<1x16xf32>
        tpu.vector_store %arg11[%swap3A_622, %swap3A_623], %swap3A_626 {strides = array<i32>} : memref<32x768xf32, #tpu.memory_space<vmem>>, vector<1x16xf32>,
        %get3A_627 = arith.index_cast %scan3A_222 : i32 to index
        %get3A_628 = arith.constant 464 : index
        %get3A_629 = tpu.vector_load %arg11[%get3A_627, %get3A_628] {strides = array<i32>} : memref<32x768xf32, #tpu.memory_space<vmem>>, vector<1x16xf32>,
        %get3A_630 = vector.shape_cast %get3A_629 : vector<1x16xf32> to vector<16xf32>
        %get3A_631 = arith.index_cast %scan3A_222 : i32 to index
        %get3A_632 = arith.constant 464 : index
        %get3A_633 = tpu.vector_load %arg7[%get3A_631, %get3A_632] {strides = array<i32>} : memref<32x768xf32, #tpu.memory_space<vmem>>, vector<1x16xf32>,
        %get3A_634 = vector.shape_cast %get3A_633 : vector<1x16xf32> to vector<16xf32>
        %add3A_635 = arith.addf %get3A_630, %get3A_634 : vector<16xf32>
        %swap3A_636 = arith.index_cast %scan3A_222 : i32 to index
        %swap3A_637 = arith.constant 464 : index
        %swap3A_638 = tpu.vector_load %arg11[%swap3A_636, %swap3A_637] {strides = array<i32>} : memref<32x768xf32, #tpu.memory_space<vmem>>, vector<1x16xf32>,
        %swap3A_639 = vector.shape_cast %swap3A_638 : vector<1x16xf32> to vector<16xf32>
        %swap3A_640 = vector.shape_cast %add3A_635 : vector<16xf32> to vector<1x16xf32>
        tpu.vector_store %arg11[%swap3A_636, %swap3A_637], %swap3A_640 {strides = array<i32>} : memref<32x768xf32, #tpu.memory_space<vmem>>, vector<1x16xf32>,
        %get3A_641 = arith.index_cast %scan3A_222 : i32 to index
        %get3A_642 = arith.constant 480 : index
        %get3A_643 = tpu.vector_load %arg11[%get3A_641, %get3A_642] {strides = array<i32>} : memref<32x768xf32, #tpu.memory_space<vmem>>, vector<1x16xf32>,
        %get3A_644 = vector.shape_cast %get3A_643 : vector<1x16xf32> to vector<16xf32>
        %get3A_645 = arith.index_cast %scan3A_222 : i32 to index
        %get3A_646 = arith.constant 480 : index
        %get3A_647 = tpu.vector_load %arg7[%get3A_645, %get3A_646] {strides = array<i32>} : memref<32x768xf32, #tpu.memory_space<vmem>>, vector<1x16xf32>,
        %get3A_648 = vector.shape_cast %get3A_647 : vector<1x16xf32> to vector<16xf32>
        %add3A_649 = arith.addf %get3A_644, %get3A_648 : vector<16xf32>
        %swap3A_650 = arith.index_cast %scan3A_222 : i32 to index
        %swap3A_651 = arith.constant 480 : index
        %swap3A_652 = tpu.vector_load %arg11[%swap3A_650, %swap3A_651] {strides = array<i32>} : memref<32x768xf32, #tpu.memory_space<vmem>>, vector<1x16xf32>,
        %swap3A_653 = vector.shape_cast %swap3A_652 : vector<1x16xf32> to vector<16xf32>
        %swap3A_654 = vector.shape_cast %add3A_649 : vector<16xf32> to vector<1x16xf32>
        tpu.vector_store %arg11[%swap3A_650, %swap3A_651], %swap3A_654 {strides = array<i32>} : memref<32x768xf32, #tpu.memory_space<vmem>>, vector<1x16xf32>,
        %get3A_655 = arith.index_cast %scan3A_222 : i32 to index
        %get3A_656 = arith.constant 496 : index
        %get3A_657 = tpu.vector_load %arg11[%get3A_655, %get3A_656] {strides = array<i32>} : memref<32x768xf32, #tpu.memory_space<vmem>>, vector<1x16xf32>,
        %get3A_658 = vector.shape_cast %get3A_657 : vector<1x16xf32> to vector<16xf32>
        %get3A_659 = arith.index_cast %scan3A_222 : i32 to index
        %get3A_660 = arith.constant 496 : index
        %get3A_661 = tpu.vector_load %arg7[%get3A_659, %get3A_660] {strides = array<i32>} : memref<32x768xf32, #tpu.memory_space<vmem>>, vector<1x16xf32>,
        %get3A_662 = vector.shape_cast %get3A_661 : vector<1x16xf32> to vector<16xf32>
        %add3A_663 = arith.addf %get3A_658, %get3A_662 : vector<16xf32>
        %swap3A_664 = arith.index_cast %scan3A_222 : i32 to index
        %swap3A_665 = arith.constant 496 : index
        %swap3A_666 = tpu.vector_load %arg11[%swap3A_664, %swap3A_665] {strides = array<i32>} : memref<32x768xf32, #tpu.memory_space<vmem>>, vector<1x16xf32>,
        %swap3A_667 = vector.shape_cast %swap3A_666 : vector<1x16xf32> to vector<16xf32>
        %swap3A_668 = vector.shape_cast %add3A_663 : vector<16xf32> to vector<1x16xf32>
        tpu.vector_store %arg11[%swap3A_664, %swap3A_665], %swap3A_668 {strides = array<i32>} : memref<32x768xf32, #tpu.memory_space<vmem>>, vector<1x16xf32>,
        %get3A_669 = arith.index_cast %scan3A_222 : i32 to index
        %get3A_670 = arith.constant 512 : index
        %get3A_671 = tpu.vector_load %arg11[%get3A_669, %get3A_670] {strides = array<i32>} : memref<32x768xf32, #tpu.memory_space<vmem>>, vector<1x16xf32>,
        %get3A_672 = vector.shape_cast %get3A_671 : vector<1x16xf32> to vector<16xf32>
        %get3A_673 = arith.index_cast %scan3A_222 : i32 to index
        %get3A_674 = arith.constant 512 : index
        %get3A_675 = tpu.vector_load %arg7[%get3A_673, %get3A_674] {strides = array<i32>} : memref<32x768xf32, #tpu.memory_space<vmem>>, vector<1x16xf32>,
        %get3A_676 = vector.shape_cast %get3A_675 : vector<1x16xf32> to vector<16xf32>
        %add3A_677 = arith.addf %get3A_672, %get3A_676 : vector<16xf32>
        %swap3A_678 = arith.index_cast %scan3A_222 : i32 to index
        %swap3A_679 = arith.constant 512 : index
        %swap3A_680 = tpu.vector_load %arg11[%swap3A_678, %swap3A_679] {strides = array<i32>} : memref<32x768xf32, #tpu.memory_space<vmem>>, vector<1x16xf32>,
        %swap3A_681 = vector.shape_cast %swap3A_680 : vector<1x16xf32> to vector<16xf32>
        %swap3A_682 = vector.shape_cast %add3A_677 : vector<16xf32> to vector<1x16xf32>
        tpu.vector_store %arg11[%swap3A_678, %swap3A_679], %swap3A_682 {strides = array<i32>} : memref<32x768xf32, #tpu.memory_space<vmem>>, vector<1x16xf32>,
        %get3A_683 = arith.index_cast %scan3A_222 : i32 to index
        %get3A_684 = arith.constant 528 : index
        %get3A_685 = tpu.vector_load %arg11[%get3A_683, %get3A_684] {strides = array<i32>} : memref<32x768xf32, #tpu.memory_space<vmem>>, vector<1x16xf32>,
        %get3A_686 = vector.shape_cast %get3A_685 : vector<1x16xf32> to vector<16xf32>
        %get3A_687 = arith.index_cast %scan3A_222 : i32 to index
        %get3A_688 = arith.constant 528 : index
        %get3A_689 = tpu.vector_load %arg7[%get3A_687, %get3A_688] {strides = array<i32>} : memref<32x768xf32, #tpu.memory_space<vmem>>, vector<1x16xf32>,
        %get3A_690 = vector.shape_cast %get3A_689 : vector<1x16xf32> to vector<16xf32>
        %add3A_691 = arith.addf %get3A_686, %get3A_690 : vector<16xf32>
        %swap3A_692 = arith.index_cast %scan3A_222 : i32 to index
        %swap3A_693 = arith.constant 528 : index
        %swap3A_694 = tpu.vector_load %arg11[%swap3A_692, %swap3A_693] {strides = array<i32>} : memref<32x768xf32, #tpu.memory_space<vmem>>, vector<1x16xf32>,
        %swap3A_695 = vector.shape_cast %swap3A_694 : vector<1x16xf32> to vector<16xf32>
        %swap3A_696 = vector.shape_cast %add3A_691 : vector<16xf32> to vector<1x16xf32>
        tpu.vector_store %arg11[%swap3A_692, %swap3A_693], %swap3A_696 {strides = array<i32>} : memref<32x768xf32, #tpu.memory_space<vmem>>, vector<1x16xf32>,
        %get3A_697 = arith.index_cast %scan3A_222 : i32 to index
        %get3A_698 = arith.constant 544 : index
        %get3A_699 = tpu.vector_load %arg11[%get3A_697, %get3A_698] {strides = array<i32>} : memref<32x768xf32, #tpu.memory_space<vmem>>, vector<1x16xf32>,
        %get3A_700 = vector.shape_cast %get3A_699 : vector<1x16xf32> to vector<16xf32>
        %get3A_701 = arith.index_cast %scan3A_222 : i32 to index
        %get3A_702 = arith.constant 544 : index
        %get3A_703 = tpu.vector_load %arg7[%get3A_701, %get3A_702] {strides = array<i32>} : memref<32x768xf32, #tpu.memory_space<vmem>>, vector<1x16xf32>,
        %get3A_704 = vector.shape_cast %get3A_703 : vector<1x16xf32> to vector<16xf32>
        %add3A_705 = arith.addf %get3A_700, %get3A_704 : vector<16xf32>
        %swap3A_706 = arith.index_cast %scan3A_222 : i32 to index
        %swap3A_707 = arith.constant 544 : index
        %swap3A_708 = tpu.vector_load %arg11[%swap3A_706, %swap3A_707] {strides = array<i32>} : memref<32x768xf32, #tpu.memory_space<vmem>>, vector<1x16xf32>,
        %swap3A_709 = vector.shape_cast %swap3A_708 : vector<1x16xf32> to vector<16xf32>
        %swap3A_710 = vector.shape_cast %add3A_705 : vector<16xf32> to vector<1x16xf32>
        tpu.vector_store %arg11[%swap3A_706, %swap3A_707], %swap3A_710 {strides = array<i32>} : memref<32x768xf32, #tpu.memory_space<vmem>>, vector<1x16xf32>,
        %get3A_711 = arith.index_cast %scan3A_222 : i32 to index
        %get3A_712 = arith.constant 560 : index
        %get3A_713 = tpu.vector_load %arg11[%get3A_711, %get3A_712] {strides = array<i32>} : memref<32x768xf32, #tpu.memory_space<vmem>>, vector<1x16xf32>,
        %get3A_714 = vector.shape_cast %get3A_713 : vector<1x16xf32> to vector<16xf32>
        %get3A_715 = arith.index_cast %scan3A_222 : i32 to index
        %get3A_716 = arith.constant 560 : index
        %get3A_717 = tpu.vector_load %arg7[%get3A_715, %get3A_716] {strides = array<i32>} : memref<32x768xf32, #tpu.memory_space<vmem>>, vector<1x16xf32>,
        %get3A_718 = vector.shape_cast %get3A_717 : vector<1x16xf32> to vector<16xf32>
        %add3A_719 = arith.addf %get3A_714, %get3A_718 : vector<16xf32>
        %swap3A_720 = arith.index_cast %scan3A_222 : i32 to index
        %swap3A_721 = arith.constant 560 : index
        %swap3A_722 = tpu.vector_load %arg11[%swap3A_720, %swap3A_721] {strides = array<i32>} : memref<32x768xf32, #tpu.memory_space<vmem>>, vector<1x16xf32>,
        %swap3A_723 = vector.shape_cast %swap3A_722 : vector<1x16xf32> to vector<16xf32>
        %swap3A_724 = vector.shape_cast %add3A_719 : vector<16xf32> to vector<1x16xf32>
        tpu.vector_store %arg11[%swap3A_720, %swap3A_721], %swap3A_724 {strides = array<i32>} : memref<32x768xf32, #tpu.memory_space<vmem>>, vector<1x16xf32>,
        %get3A_725 = arith.index_cast %scan3A_222 : i32 to index
        %get3A_726 = arith.constant 576 : index
        %get3A_727 = tpu.vector_load %arg11[%get3A_725, %get3A_726] {strides = array<i32>} : memref<32x768xf32, #tpu.memory_space<vmem>>, vector<1x16xf32>,
        %get3A_728 = vector.shape_cast %get3A_727 : vector<1x16xf32> to vector<16xf32>
        %get3A_729 = arith.index_cast %scan3A_222 : i32 to index
        %get3A_730 = arith.constant 576 : index
        %get3A_731 = tpu.vector_load %arg7[%get3A_729, %get3A_730] {strides = array<i32>} : memref<32x768xf32, #tpu.memory_space<vmem>>, vector<1x16xf32>,
        %get3A_732 = vector.shape_cast %get3A_731 : vector<1x16xf32> to vector<16xf32>
        %add3A_733 = arith.addf %get3A_728, %get3A_732 : vector<16xf32>
        %swap3A_734 = arith.index_cast %scan3A_222 : i32 to index
        %swap3A_735 = arith.constant 576 : index
        %swap3A_736 = tpu.vector_load %arg11[%swap3A_734, %swap3A_735] {strides = array<i32>} : memref<32x768xf32, #tpu.memory_space<vmem>>, vector<1x16xf32>,
        %swap3A_737 = vector.shape_cast %swap3A_736 : vector<1x16xf32> to vector<16xf32>
        %swap3A_738 = vector.shape_cast %add3A_733 : vector<16xf32> to vector<1x16xf32>
        tpu.vector_store %arg11[%swap3A_734, %swap3A_735], %swap3A_738 {strides = array<i32>} : memref<32x768xf32, #tpu.memory_space<vmem>>, vector<1x16xf32>,
        %get3A_739 = arith.index_cast %scan3A_222 : i32 to index
        %get3A_740 = arith.constant 592 : index
        %get3A_741 = tpu.vector_load %arg11[%get3A_739, %get3A_740] {strides = array<i32>} : memref<32x768xf32, #tpu.memory_space<vmem>>, vector<1x16xf32>,
        %get3A_742 = vector.shape_cast %get3A_741 : vector<1x16xf32> to vector<16xf32>
        %get3A_743 = arith.index_cast %scan3A_222 : i32 to index
        %get3A_744 = arith.constant 592 : index
        %get3A_745 = tpu.vector_load %arg7[%get3A_743, %get3A_744] {strides = array<i32>} : memref<32x768xf32, #tpu.memory_space<vmem>>, vector<1x16xf32>,
        %get3A_746 = vector.shape_cast %get3A_745 : vector<1x16xf32> to vector<16xf32>
        %add3A_747 = arith.addf %get3A_742, %get3A_746 : vector<16xf32>
        %swap3A_748 = arith.index_cast %scan3A_222 : i32 to index
        %swap3A_749 = arith.constant 592 : index
        %swap3A_750 = tpu.vector_load %arg11[%swap3A_748, %swap3A_749] {strides = array<i32>} : memref<32x768xf32, #tpu.memory_space<vmem>>, vector<1x16xf32>,
        %swap3A_751 = vector.shape_cast %swap3A_750 : vector<1x16xf32> to vector<16xf32>
        %swap3A_752 = vector.shape_cast %add3A_747 : vector<16xf32> to vector<1x16xf32>
        tpu.vector_store %arg11[%swap3A_748, %swap3A_749], %swap3A_752 {strides = array<i32>} : memref<32x768xf32, #tpu.memory_space<vmem>>, vector<1x16xf32>,
        %get3A_753 = arith.index_cast %scan3A_222 : i32 to index
        %get3A_754 = arith.constant 608 : index
        %get3A_755 = tpu.vector_load %arg11[%get3A_753, %get3A_754] {strides = array<i32>} : memref<32x768xf32, #tpu.memory_space<vmem>>, vector<1x16xf32>,
        %get3A_756 = vector.shape_cast %get3A_755 : vector<1x16xf32> to vector<16xf32>
        %get3A_757 = arith.index_cast %scan3A_222 : i32 to index
        %get3A_758 = arith.constant 608 : index
        %get3A_759 = tpu.vector_load %arg7[%get3A_757, %get3A_758] {strides = array<i32>} : memref<32x768xf32, #tpu.memory_space<vmem>>, vector<1x16xf32>,
        %get3A_760 = vector.shape_cast %get3A_759 : vector<1x16xf32> to vector<16xf32>
        %add3A_761 = arith.addf %get3A_756, %get3A_760 : vector<16xf32>
        %swap3A_762 = arith.index_cast %scan3A_222 : i32 to index
        %swap3A_763 = arith.constant 608 : index
        %swap3A_764 = tpu.vector_load %arg11[%swap3A_762, %swap3A_763] {strides = array<i32>} : memref<32x768xf32, #tpu.memory_space<vmem>>, vector<1x16xf32>,
        %swap3A_765 = vector.shape_cast %swap3A_764 : vector<1x16xf32> to vector<16xf32>
        %swap3A_766 = vector.shape_cast %add3A_761 : vector<16xf32> to vector<1x16xf32>
        tpu.vector_store %arg11[%swap3A_762, %swap3A_763], %swap3A_766 {strides = array<i32>} : memref<32x768xf32, #tpu.memory_space<vmem>>, vector<1x16xf32>,
        %get3A_767 = arith.index_cast %scan3A_222 : i32 to index
        %get3A_768 = arith.constant 624 : index
        %get3A_769 = tpu.vector_load %arg11[%get3A_767, %get3A_768] {strides = array<i32>} : memref<32x768xf32, #tpu.memory_space<vmem>>, vector<1x16xf32>,
        %get3A_770 = vector.shape_cast %get3A_769 : vector<1x16xf32> to vector<16xf32>
        %get3A_771 = arith.index_cast %scan3A_222 : i32 to index
        %get3A_772 = arith.constant 624 : index
        %get3A_773 = tpu.vector_load %arg7[%get3A_771, %get3A_772] {strides = array<i32>} : memref<32x768xf32, #tpu.memory_space<vmem>>, vector<1x16xf32>,
        %get3A_774 = vector.shape_cast %get3A_773 : vector<1x16xf32> to vector<16xf32>
        %add3A_775 = arith.addf %get3A_770, %get3A_774 : vector<16xf32>
        %swap3A_776 = arith.index_cast %scan3A_222 : i32 to index
        %swap3A_777 = arith.constant 624 : index
        %swap3A_778 = tpu.vector_load %arg11[%swap3A_776, %swap3A_777] {strides = array<i32>} : memref<32x768xf32, #tpu.memory_space<vmem>>, vector<1x16xf32>,
        %swap3A_779 = vector.shape_cast %swap3A_778 : vector<1x16xf32> to vector<16xf32>
        %swap3A_780 = vector.shape_cast %add3A_775 : vector<16xf32> to vector<1x16xf32>
        tpu.vector_store %arg11[%swap3A_776, %swap3A_777], %swap3A_780 {strides = array<i32>} : memref<32x768xf32, #tpu.memory_space<vmem>>, vector<1x16xf32>,
        %get3A_781 = arith.index_cast %scan3A_222 : i32 to index
        %get3A_782 = arith.constant 640 : index
        %get3A_783 = tpu.vector_load %arg11[%get3A_781, %get3A_782] {strides = array<i32>} : memref<32x768xf32, #tpu.memory_space<vmem>>, vector<1x16xf32>,
        %get3A_784 = vector.shape_cast %get3A_783 : vector<1x16xf32> to vector<16xf32>
        %get3A_785 = arith.index_cast %scan3A_222 : i32 to index
        %get3A_786 = arith.constant 640 : index
        %get3A_787 = tpu.vector_load %arg7[%get3A_785, %get3A_786] {strides = array<i32>} : memref<32x768xf32, #tpu.memory_space<vmem>>, vector<1x16xf32>,
        %get3A_788 = vector.shape_cast %get3A_787 : vector<1x16xf32> to vector<16xf32>
        %add3A_789 = arith.addf %get3A_784, %get3A_788 : vector<16xf32>
        %swap3A_790 = arith.index_cast %scan3A_222 : i32 to index
        %swap3A_791 = arith.constant 640 : index
        %swap3A_792 = tpu.vector_load %arg11[%swap3A_790, %swap3A_791] {strides = array<i32>} : memref<32x768xf32, #tpu.memory_space<vmem>>, vector<1x16xf32>,
        %swap3A_793 = vector.shape_cast %swap3A_792 : vector<1x16xf32> to vector<16xf32>
        %swap3A_794 = vector.shape_cast %add3A_789 : vector<16xf32> to vector<1x16xf32>
        tpu.vector_store %arg11[%swap3A_790, %swap3A_791], %swap3A_794 {strides = array<i32>} : memref<32x768xf32, #tpu.memory_space<vmem>>, vector<1x16xf32>,
        %get3A_795 = arith.index_cast %scan3A_222 : i32 to index
        %get3A_796 = arith.constant 656 : index
        %get3A_797 = tpu.vector_load %arg11[%get3A_795, %get3A_796] {strides = array<i32>} : memref<32x768xf32, #tpu.memory_space<vmem>>, vector<1x16xf32>,
        %get3A_798 = vector.shape_cast %get3A_797 : vector<1x16xf32> to vector<16xf32>
        %get3A_799 = arith.index_cast %scan3A_222 : i32 to index
        %get3A_800 = arith.constant 656 : index
        %get3A_801 = tpu.vector_load %arg7[%get3A_799, %get3A_800] {strides = array<i32>} : memref<32x768xf32, #tpu.memory_space<vmem>>, vector<1x16xf32>,
        %get3A_802 = vector.shape_cast %get3A_801 : vector<1x16xf32> to vector<16xf32>
        %add3A_803 = arith.addf %get3A_798, %get3A_802 : vector<16xf32>
        %swap3A_804 = arith.index_cast %scan3A_222 : i32 to index
        %swap3A_805 = arith.constant 656 : index
        %swap3A_806 = tpu.vector_load %arg11[%swap3A_804, %swap3A_805] {strides = array<i32>} : memref<32x768xf32, #tpu.memory_space<vmem>>, vector<1x16xf32>,
        %swap3A_807 = vector.shape_cast %swap3A_806 : vector<1x16xf32> to vector<16xf32>
        %swap3A_808 = vector.shape_cast %add3A_803 : vector<16xf32> to vector<1x16xf32>
        tpu.vector_store %arg11[%swap3A_804, %swap3A_805], %swap3A_808 {strides = array<i32>} : memref<32x768xf32, #tpu.memory_space<vmem>>, vector<1x16xf32>,
        %get3A_809 = arith.index_cast %scan3A_222 : i32 to index
        %get3A_810 = arith.constant 672 : index
        %get3A_811 = tpu.vector_load %arg11[%get3A_809, %get3A_810] {strides = array<i32>} : memref<32x768xf32, #tpu.memory_space<vmem>>, vector<1x16xf32>,
        %get3A_812 = vector.shape_cast %get3A_811 : vector<1x16xf32> to vector<16xf32>
        %get3A_813 = arith.index_cast %scan3A_222 : i32 to index
        %get3A_814 = arith.constant 672 : index
        %get3A_815 = tpu.vector_load %arg7[%get3A_813, %get3A_814] {strides = array<i32>} : memref<32x768xf32, #tpu.memory_space<vmem>>, vector<1x16xf32>,
        %get3A_816 = vector.shape_cast %get3A_815 : vector<1x16xf32> to vector<16xf32>
        %add3A_817 = arith.addf %get3A_812, %get3A_816 : vector<16xf32>
        %swap3A_818 = arith.index_cast %scan3A_222 : i32 to index
        %swap3A_819 = arith.constant 672 : index
        %swap3A_820 = tpu.vector_load %arg11[%swap3A_818, %swap3A_819] {strides = array<i32>} : memref<32x768xf32, #tpu.memory_space<vmem>>, vector<1x16xf32>,
        %swap3A_821 = vector.shape_cast %swap3A_820 : vector<1x16xf32> to vector<16xf32>
        %swap3A_822 = vector.shape_cast %add3A_817 : vector<16xf32> to vector<1x16xf32>
        tpu.vector_store %arg11[%swap3A_818, %swap3A_819], %swap3A_822 {strides = array<i32>} : memref<32x768xf32, #tpu.memory_space<vmem>>, vector<1x16xf32>,
        %get3A_823 = arith.index_cast %scan3A_222 : i32 to index
        %get3A_824 = arith.constant 688 : index
        %get3A_825 = tpu.vector_load %arg11[%get3A_823, %get3A_824] {strides = array<i32>} : memref<32x768xf32, #tpu.memory_space<vmem>>, vector<1x16xf32>,
        %get3A_826 = vector.shape_cast %get3A_825 : vector<1x16xf32> to vector<16xf32>
        %get3A_827 = arith.index_cast %scan3A_222 : i32 to index
        %get3A_828 = arith.constant 688 : index
        %get3A_829 = tpu.vector_load %arg7[%get3A_827, %get3A_828] {strides = array<i32>} : memref<32x768xf32, #tpu.memory_space<vmem>>, vector<1x16xf32>,
        %get3A_830 = vector.shape_cast %get3A_829 : vector<1x16xf32> to vector<16xf32>
        %add3A_831 = arith.addf %get3A_826, %get3A_830 : vector<16xf32>
        %swap3A_832 = arith.index_cast %scan3A_222 : i32 to index
        %swap3A_833 = arith.constant 688 : index
        %swap3A_834 = tpu.vector_load %arg11[%swap3A_832, %swap3A_833] {strides = array<i32>} : memref<32x768xf32, #tpu.memory_space<vmem>>, vector<1x16xf32>,
        %swap3A_835 = vector.shape_cast %swap3A_834 : vector<1x16xf32> to vector<16xf32>
        %swap3A_836 = vector.shape_cast %add3A_831 : vector<16xf32> to vector<1x16xf32>
        tpu.vector_store %arg11[%swap3A_832, %swap3A_833], %swap3A_836 {strides = array<i32>} : memref<32x768xf32, #tpu.memory_space<vmem>>, vector<1x16xf32>,
        %get3A_837 = arith.index_cast %scan3A_222 : i32 to index
        %get3A_838 = arith.constant 704 : index
        %get3A_839 = tpu.vector_load %arg11[%get3A_837, %get3A_838] {strides = array<i32>} : memref<32x768xf32, #tpu.memory_space<vmem>>, vector<1x16xf32>,
        %get3A_840 = vector.shape_cast %get3A_839 : vector<1x16xf32> to vector<16xf32>
        %get3A_841 = arith.index_cast %scan3A_222 : i32 to index
        %get3A_842 = arith.constant 704 : index
        %get3A_843 = tpu.vector_load %arg7[%get3A_841, %get3A_842] {strides = array<i32>} : memref<32x768xf32, #tpu.memory_space<vmem>>, vector<1x16xf32>,
        %get3A_844 = vector.shape_cast %get3A_843 : vector<1x16xf32> to vector<16xf32>
        %add3A_845 = arith.addf %get3A_840, %get3A_844 : vector<16xf32>
        %swap3A_846 = arith.index_cast %scan3A_222 : i32 to index
        %swap3A_847 = arith.constant 704 : index
        %swap3A_848 = tpu.vector_load %arg11[%swap3A_846, %swap3A_847] {strides = array<i32>} : memref<32x768xf32, #tpu.memory_space<vmem>>, vector<1x16xf32>,
        %swap3A_849 = vector.shape_cast %swap3A_848 : vector<1x16xf32> to vector<16xf32>
        %swap3A_850 = vector.shape_cast %add3A_845 : vector<16xf32> to vector<1x16xf32>
        tpu.vector_store %arg11[%swap3A_846, %swap3A_847], %swap3A_850 {strides = array<i32>} : memref<32x768xf32, #tpu.memory_space<vmem>>, vector<1x16xf32>,
        %get3A_851 = arith.index_cast %scan3A_222 : i32 to index
        %get3A_852 = arith.constant 720 : index
        %get3A_853 = tpu.vector_load %arg11[%get3A_851, %get3A_852] {strides = array<i32>} : memref<32x768xf32, #tpu.memory_space<vmem>>, vector<1x16xf32>,
        %get3A_854 = vector.shape_cast %get3A_853 : vector<1x16xf32> to vector<16xf32>
        %get3A_855 = arith.index_cast %scan3A_222 : i32 to index
        %get3A_856 = arith.constant 720 : index
        %get3A_857 = tpu.vector_load %arg7[%get3A_855, %get3A_856] {strides = array<i32>} : memref<32x768xf32, #tpu.memory_space<vmem>>, vector<1x16xf32>,
        %get3A_858 = vector.shape_cast %get3A_857 : vector<1x16xf32> to vector<16xf32>
        %add3A_859 = arith.addf %get3A_854, %get3A_858 : vector<16xf32>
        %swap3A_860 = arith.index_cast %scan3A_222 : i32 to index
        %swap3A_861 = arith.constant 720 : index
        %swap3A_862 = tpu.vector_load %arg11[%swap3A_860, %swap3A_861] {strides = array<i32>} : memref<32x768xf32, #tpu.memory_space<vmem>>, vector<1x16xf32>,
        %swap3A_863 = vector.shape_cast %swap3A_862 : vector<1x16xf32> to vector<16xf32>
        %swap3A_864 = vector.shape_cast %add3A_859 : vector<16xf32> to vector<1x16xf32>
        tpu.vector_store %arg11[%swap3A_860, %swap3A_861], %swap3A_864 {strides = array<i32>} : memref<32x768xf32, #tpu.memory_space<vmem>>, vector<1x16xf32>,
        %get3A_865 = arith.index_cast %scan3A_222 : i32 to index
        %get3A_866 = arith.constant 736 : index
        %get3A_867 = tpu.vector_load %arg11[%get3A_865, %get3A_866] {strides = array<i32>} : memref<32x768xf32, #tpu.memory_space<vmem>>, vector<1x16xf32>,
        %get3A_868 = vector.shape_cast %get3A_867 : vector<1x16xf32> to vector<16xf32>
        %get3A_869 = arith.index_cast %scan3A_222 : i32 to index
        %get3A_870 = arith.constant 736 : index
        %get3A_871 = tpu.vector_load %arg7[%get3A_869, %get3A_870] {strides = array<i32>} : memref<32x768xf32, #tpu.memory_space<vmem>>, vector<1x16xf32>,
        %get3A_872 = vector.shape_cast %get3A_871 : vector<1x16xf32> to vector<16xf32>
        %add3A_873 = arith.addf %get3A_868, %get3A_872 : vector<16xf32>
        %swap3A_874 = arith.index_cast %scan3A_222 : i32 to index
        %swap3A_875 = arith.constant 736 : index
        %swap3A_876 = tpu.vector_load %arg11[%swap3A_874, %swap3A_875] {strides = array<i32>} : memref<32x768xf32, #tpu.memory_space<vmem>>, vector<1x16xf32>,
        %swap3A_877 = vector.shape_cast %swap3A_876 : vector<1x16xf32> to vector<16xf32>
        %swap3A_878 = vector.shape_cast %add3A_873 : vector<16xf32> to vector<1x16xf32>
        tpu.vector_store %arg11[%swap3A_874, %swap3A_875], %swap3A_878 {strides = array<i32>} : memref<32x768xf32, #tpu.memory_space<vmem>>, vector<1x16xf32>,
        %get3A_879 = arith.index_cast %scan3A_222 : i32 to index
        %get3A_880 = arith.constant 752 : index
        %get3A_881 = tpu.vector_load %arg11[%get3A_879, %get3A_880] {strides = array<i32>} : memref<32x768xf32, #tpu.memory_space<vmem>>, vector<1x16xf32>,
        %get3A_882 = vector.shape_cast %get3A_881 : vector<1x16xf32> to vector<16xf32>
        %get3A_883 = arith.index_cast %scan3A_222 : i32 to index
        %get3A_884 = arith.constant 752 : index
        %get3A_885 = tpu.vector_load %arg7[%get3A_883, %get3A_884] {strides = array<i32>} : memref<32x768xf32, #tpu.memory_space<vmem>>, vector<1x16xf32>,
        %get3A_886 = vector.shape_cast %get3A_885 : vector<1x16xf32> to vector<16xf32>
        %add3A_887 = arith.addf %get3A_882, %get3A_886 : vector<16xf32>
        %swap3A_888 = arith.index_cast %scan3A_222 : i32 to index
        %swap3A_889 = arith.constant 752 : index
        %swap3A_890 = tpu.vector_load %arg11[%swap3A_888, %swap3A_889] {strides = array<i32>} : memref<32x768xf32, #tpu.memory_space<vmem>>, vector<1x16xf32>,
        %swap3A_891 = vector.shape_cast %swap3A_890 : vector<1x16xf32> to vector<16xf32>
        %swap3A_892 = vector.shape_cast %add3A_887 : vector<16xf32> to vector<1x16xf32>
        tpu.vector_store %arg11[%swap3A_888, %swap3A_889], %swap3A_892 {strides = array<i32>} : memref<32x768xf32, #tpu.memory_space<vmem>>, vector<1x16xf32>,
      }
      %scan3A_196 = arith.constant 32 : i32
      %dma_start3A_197 = arith.constant 0 : i32
      %dma_start3A_198 = arith.constant 0 : i32
      %dma_start3A_199 = tpu.memref_slice %arg5[%add3A_182, %add3A, %dma_start3A_197, %dma_start3A_198] : memref<64x32x32x768xf32, #tpu.memory_space<hbm>> -> memref<1x1x32x768xf32, #tpu.memory_space<hbm>>
      %dma_start3A_200 = tpu.memref_squeeze %dma_start3A_199 : memref<1x1x32x768xf32, #tpu.memory_space<hbm>> -> memref<32x768xf32, #tpu.memory_space<hbm>>
      %dma_start3A_201 = arith.constant 0 : i32
      %dma_start3A_202 = arith.constant 0 : i32
      %dma_start3A_203 = tpu.memref_slice %arg5[%add3A_182, %add3A, %dma_start3A_201, %dma_start3A_202] : memref<64x32x32x768xf32, #tpu.memory_space<hbm>> -> memref<1x1x32x768xf32, #tpu.memory_space<hbm>>
      %dma_start3A_204 = tpu.memref_squeeze %dma_start3A_203 : memref<1x1x32x768xf32, #tpu.memory_space<hbm>> -> memref<32x768xf32, #tpu.memory_space<hbm>>
      tpu.enqueue_dma source(%arg11 : memref<32x768xf32, #tpu.memory_space<vmem>>) target(%dma_start3A_204 : memref<32x768xf32, #tpu.memory_space<hbm>>) target_semaphore(%arg19 : memref<!tpu.dma_semaphore, #tpu.memory_space<semaphore_mem>>)
      %gt3A_205 = arith.constant 0 : i32
      %gt3A_206 = arith.cmpi sgt, %add3A_182, %gt3A_205 : i32
      %convert_element_type3A_207 = arith.extui %gt3A_206 : i1 to i32
      %cond3A_208 = arith.constant 0 : i32
      %cond3A_209 = arith.cmpi ne, %convert_element_type3A_207, %cond3A_208 : i32
      scf.if %cond3A_209 {
        %sub3A_222 = arith.constant 1 : i32
        %sub3A_223 = arith.subi %add3A_182, %sub3A_222 : i32
        %dma_wait3A_224 = arith.constant 0 : i32
        %dma_wait3A_225 = arith.constant 0 : i32
        %dma_wait3A_226 = tpu.memref_slice %arg5[%sub3A_223, %add3A, %dma_wait3A_224, %dma_wait3A_225] : memref<64x32x32x768xf32, #tpu.memory_space<hbm>> -> memref<1x1x32x768xf32, #tpu.memory_space<hbm>>
        %dma_wait3A_227 = tpu.memref_squeeze %dma_wait3A_226 : memref<1x1x32x768xf32, #tpu.memory_space<hbm>> -> memref<32x768xf32, #tpu.memory_space<hbm>>
        %dma_wait3A_228 = arith.constant 0 : i32
        %dma_wait3A_229 = arith.constant 0 : i32
        %dma_wait3A_230 = tpu.memref_slice %arg5[%sub3A_223, %add3A, %dma_wait3A_228, %dma_wait3A_229] : memref<64x32x32x768xf32, #tpu.memory_space<hbm>> -> memref<1x1x32x768xf32, #tpu.memory_space<hbm>>
        %dma_wait3A_231 = tpu.memref_squeeze %dma_wait3A_230 : memref<1x1x32x768xf32, #tpu.memory_space<hbm>> -> memref<32x768xf32, #tpu.memory_space<hbm>>
        tpu.wait_dma2 semaphore(%arg18 : memref<!tpu.dma_semaphore, #tpu.memory_space<semaphore_mem>>) src(%arg10 : memref<32x768xf32, #tpu.memory_space<vmem>>) dst(%dma_wait3A_231 : memref<32x768xf32, #tpu.memory_space<hbm>>)
      } else {
      }
      %gt3A_210 = arith.constant 0 : i32
      %gt3A_211 = arith.cmpi sgt, %add3A_182, %gt3A_210 : i32
      %add3A_212 = arith.constant 4 : i32
      %add3A_213 = arith.addi %add3A_182, %add3A_212 : i32
      %sub3A_214 = arith.constant 1 : i32
      %sub3A_215 = arith.subi %add3A_213, %sub3A_214 : i32
      %lt3A_216 = arith.constant 64 : i32
      %lt3A_217 = arith.cmpi slt, %sub3A_215, %lt3A_216 : i32
      %and3A_218 = arith.andi %gt3A_211, %lt3A_217 : i1
      %convert_element_type3A_219 = arith.extui %and3A_218 : i1 to i32
      %cond3A_220 = arith.constant 0 : i32
      %cond3A_221 = arith.cmpi ne, %convert_element_type3A_219, %cond3A_220 : i32
      scf.if %cond3A_221 {
        %add3A_222 = arith.constant 4 : i32
        %add3A_223 = arith.addi %add3A_182, %add3A_222 : i32
        %sub3A_224 = arith.constant 1 : i32
        %sub3A_225 = arith.subi %add3A_223, %sub3A_224 : i32
        %dma_start3A_226 = arith.constant 0 : i32
        %dma_start3A_227 = arith.constant 0 : i32
        %dma_start3A_228 = tpu.memref_slice %arg2[%sub3A_225, %add3A, %dma_start3A_226, %dma_start3A_227] : memref<64x32x32x768xf32, #tpu.memory_space<hbm>> -> memref<1x1x32x768xf32, #tpu.memory_space<hbm>>
        %dma_start3A_229 = tpu.memref_squeeze %dma_start3A_228 : memref<1x1x32x768xf32, #tpu.memory_space<hbm>> -> memref<32x768xf32, #tpu.memory_space<hbm>>
        %dma_start3A_230 = arith.constant 0 : i32
        %dma_start3A_231 = arith.constant 0 : i32
        %dma_start3A_232 = tpu.memref_slice %arg2[%sub3A_225, %add3A, %dma_start3A_230, %dma_start3A_231] : memref<64x32x32x768xf32, #tpu.memory_space<hbm>> -> memref<1x1x32x768xf32, #tpu.memory_space<hbm>>
        %dma_start3A_233 = tpu.memref_squeeze %dma_start3A_232 : memref<1x1x32x768xf32, #tpu.memory_space<hbm>> -> memref<32x768xf32, #tpu.memory_space<hbm>>
        tpu.enqueue_dma source(%dma_start3A_233 : memref<32x768xf32, #tpu.memory_space<hbm>>) target(%arg10 : memref<32x768xf32, #tpu.memory_space<vmem>>) target_semaphore(%arg14 : memref<!tpu.dma_semaphore, #tpu.memory_space<semaphore_mem>>)
      } else {
      }
    }
    %scan3A_46 = arith.constant 16 : i32
    %dma_wait3A = arith.constant 63 : i32
    %dma_wait3A_47 = arith.constant 0 : i32
    %dma_wait3A_48 = arith.constant 0 : i32
    %dma_wait3A_49 = tpu.memref_slice %arg5[%dma_wait3A, %add3A, %dma_wait3A_47, %dma_wait3A_48] : memref<64x32x32x768xf32, #tpu.memory_space<hbm>> -> memref<1x1x32x768xf32, #tpu.memory_space<hbm>>
    %dma_wait3A_50 = tpu.memref_squeeze %dma_wait3A_49 : memref<1x1x32x768xf32, #tpu.memory_space<hbm>> -> memref<32x768xf32, #tpu.memory_space<hbm>>
    %dma_wait3A_51 = arith.constant 0 : i32
    %dma_wait3A_52 = arith.constant 0 : i32
    %dma_wait3A_53 = tpu.memref_slice %arg5[%dma_wait3A, %add3A, %dma_wait3A_51, %dma_wait3A_52] : memref<64x32x32x768xf32, #tpu.memory_space<hbm>> -> memref<1x1x32x768xf32, #tpu.memory_space<hbm>>
    %dma_wait3A_54 = tpu.memref_squeeze %dma_wait3A_53 : memref<1x1x32x768xf32, #tpu.memory_space<hbm>> -> memref<32x768xf32, #tpu.memory_space<hbm>>
    tpu.wait_dma2 semaphore(%arg19 : memref<!tpu.dma_semaphore, #tpu.memory_space<semaphore_mem>>) src(%arg11 : memref<32x768xf32, #tpu.memory_space<vmem>>) dst(%dma_wait3A_54 : memref<32x768xf32, #tpu.memory_space<hbm>>)
    return
  }
}

</mosaic_0001>

<sc_bundles>
// kernel: kernel.3.cloned.1.call-start
scs
__scs_entry_jumppad:
0x0: {  	(pc) =	sbr.rel $0x88, $3  }
0x1: {  	(tag) =	ssettag $0x0;
	lr =	simm.s32 $0x1  }
0x2: {  	[smem:$0x3F9E] =	sst lr;
	_ =	strace $0xD0000000  }
0x3: {  	_ = 	snop  }
0x4: {  	_ = 	snop  }
0x5: {  	_ = 	snop  }
0x6: {  	_ = 	snop  }
0x7: {  	_ = 	snop  }
__scs_overlays_trampoline_lowered:
0x8: {  	[smem:$0x3FAD] =	sst s0  }
0x9: {  	[smem:$0x3FAE] =	sst s1  }
0xa: {  	[smem:$0x3FAF] =	sst s2  }
0xb: {  	[smem:$0x3FB0] =	sst s3  }
0xc: {  	[smem:$0x3FB1] =	sst s4  }
0xd: {  	[smem:$0x3FB2] =	sst s5  }
0xe: {  	[smem:$0x3FB3] =	sst s6  }
0xf: {  	[smem:$0x3FB4] =	sst s7  }
0x10: {  	[smem:$0x3FB5] =	sst s8  }
0x11: {  	[smem:$0x3FB6] =	sst s9;
	s0 =	simm.s32 @!p0 $0x0  }
0x12: {  	s1 =	sld [smem:$0x3F9C];
	s0 =	simm.s32 @p0 $0x1  }
0x13: {  	[smem:$0x3FB7] =	sst s0;
	s0 =	simm.s32 @!p1 $0x0  }
0x14: {  	s2 =	sld [smem:$0x3F9B];
	s0 =	simm.s32 @p1 $0x1  }
0x15: {  	[smem:$0x3FB8] =	sst s0;
	s0 =	simm.s32 @!p2 $0x0  }
0x16: {  	s3 =	sld [smem:$0x3FDB];
	s0 =	simm.s32 @p2 $0x1  }
0x17: {  	s4 =	simm.s32 $0x1BF5;
	[smem:$0x3FBA] =	sst s0  }
0x18: {  	s0 =	sld [smem:$0x3F9D];
	_ =	swait.ge [sflag:s4], $0x0  }
0x19: {  	s7 =	sld [smem:$0x3F9E]  }
0x1a: {  	s8 =	sadd.s32 $0xFFFFE003, lr  }
0x1b: {  	s9 =	sadd.s32 $0xFFFFFEF7, lr;
	s5 =	simm.s32 $0xFFFFFFFF;
	p2 =	slt.u32 s8, $0xFFFFF086  }
0x1c: {  	p1 =	slt.u32 s9, $0xF7A;
	s5 =	simm.s32 @!p2 $0x0  }
0x1d: {  	s5 =	simm.s32 @p1 $0x1;
	p0 =	seq.s32 s7, s2  }
0x1e: {  	s7 =	smul.u32 @!p0 $0xF7A, s2;
	p2 =	seq.s32 @!p0 s5, $0x0  }
0x1f: {  	s9 =	smul.u32 $0xF7A, s1;
	s8 =	simm.s32 @!p0 $0x1BF5;
	p2 =	por !p2, p0  }
0x20: {  	[sflag:s8] =	ssyncset.s32 @!p0 $0xFFFFF086;
	s6 =	sadd.s32 @!p0 s3, s7;
	s7 =	simm.s32 @!p0 $0x108  }
0x21: {  	s3 =	sadd.s32 s3, s9;
	s6 =	sadd.s32 @!p0 $0x88, s6;
	s7 =	simm.s32 @p2 $0x1082  }
0x22: {  	[simem:s7], [sflag:s8] =	dma.local @!p0 [hbm:s6], $0xF7A  }
0x23: {  	s9 =	sor.u32 $0xD0000000, s2;
	s6 =	simm.s32 $0x108;
	_ =	swait.ge @!p0 [sflag:s8], $0x0  }
0x24: {  	s3 =	sadd.s32 $0x88, s3;
	s6 =	simm.s32 @!p1 $0x1082;
	[sflag:s4] =	ssyncset.s32 $0xFFFFF086  }
0x25: {  	[simem:s6], [sflag:s4] =	dma.local [hbm:s3], $0xF7A  }
0x26: {  	[smem:$0x3F9E] =	sst s1;
	(tag) =	ssettag s2;
	_ =	strace s9  }
0x27: {  	s1 =	sld [smem:$0x3FAE]  }
0x28: {  	s2 =	sld [smem:$0x3FAF]  }
0x29: {  	s4 =	sld [smem:$0x3FB1]  }
0x2a: {  	p0 =	seq.s32 s5, $0x0;
	s5 =	sld [smem:$0x3FB2]  }
0x2b: {  	s6 =	sld [smem:$0x3FB3]  }
0x2c: {  	s7 =	sld [smem:$0x3FB4]  }
0x2d: {  	s3 =	simm.s32 $0x108;
	s8 =	sld [smem:$0x3FB5]  }
0x2e: {  	s3 =	simm.s32 @!p0 $0x1082;
	s9 =	sld [smem:$0x3FB6]  }
0x2f: {  	lr =	sadd.s32 s0, s3;
	s0 =	sld [smem:$0x3FAD]  }
0x30: {  	s3 =	sld [smem:$0x3FB0]  }
0x31: {  	[smem:$0x3FB9] =	sst s10  }
0x32: {  	s10 =	sld [smem:$0x3FB7];
	_ =	sdelay $0x3  }
0x33: {  	p0 =	seq.s32 s10, $0x1;
	s10 =	sld [smem:$0x3FB9];
	_ =	sdelay $0x3  }
0x34: {  	[smem:$0x3FB9] =	sst s10  }
0x35: {  	s10 =	sld [smem:$0x3FB8];
	_ =	sdelay $0x3  }
0x36: {  	p1 =	seq.s32 s10, $0x1;
	s10 =	sld [smem:$0x3FB9];
	_ =	sdelay $0x3  }
0x37: {  	[smem:$0x3FB9] =	sst s10  }
0x38: {  	s10 =	sld [smem:$0x3FBA]  }
0x39: {  	_ = 	snop;
	(pc) =	sbr.ind lr, $3  }
0x3a: {  	_ = 	snop  }
0x3b: {  	_ = 	snop  }
0x3c: {  	p2 =	seq.s32 s10, $0x1;
	s10 =	sld [smem:$0x3FB9]  }
0x3d: {  	_ =	shalt  }
0x3e: {  	_ =	shalt  }
0x3f: {  	_ =	shalt  }
0x40: {  	_ =	shalt  }
0x41: {  	_ =	shalt  }
0x42: {  	_ =	shalt  }
0x43: {  	_ =	shalt  }
0x44: {  	_ =	shalt  }
0x45: {  	_ =	shalt  }
0x46: {  	_ =	shalt  }
0x47: {  	_ =	shalt  }
0x48: {  	_ =	shalt  }
0x49: {  	_ =	shalt  }
0x4a: {  	_ =	shalt  }
0x4b: {  	_ =	shalt  }
0x4c: {  	_ =	shalt  }
0x4d: {  	_ =	shalt  }
0x4e: {  	_ =	shalt  }
0x4f: {  	_ =	shalt  }
0x50: {  	_ =	shalt  }
0x51: {  	_ =	shalt  }
0x52: {  	_ =	shalt  }
0x53: {  	_ =	shalt  }
0x54: {  	_ =	shalt  }
0x55: {  	_ =	shalt  }
0x56: {  	_ =	shalt  }
0x57: {  	_ =	shalt  }
0x58: {  	_ =	shalt  }
0x59: {  	_ =	shalt  }
0x5a: {  	_ =	shalt  }
0x5b: {  	_ =	shalt  }
0x5c: {  	_ =	shalt  }
0x5d: {  	_ =	shalt  }
0x5e: {  	_ =	shalt  }
0x5f: {  	_ =	shalt  }
0x60: {  	_ =	shalt  }
0x61: {  	_ =	shalt  }
0x62: {  	_ =	shalt  }
0x63: {  	_ =	shalt  }
0x64: {  	_ =	shalt  }
0x65: {  	_ =	shalt  }
0x66: {  	_ =	shalt  }
0x67: {  	_ =	shalt  }
0x68: {  	_ =	shalt  }
0x69: {  	_ =	shalt  }
0x6a: {  	_ =	shalt  }
0x6b: {  	_ =	shalt  }
0x6c: {  	_ =	shalt  }
0x6d: {  	_ =	shalt  }
0x6e: {  	_ =	shalt  }
0x6f: {  	_ =	shalt  }
0x70: {  	_ =	shalt  }
0x71: {  	_ =	shalt  }
0x72: {  	_ =	shalt  }
0x73: {  	_ =	shalt  }
0x74: {  	_ =	shalt  }
0x75: {  	_ =	shalt  }
0x76: {  	_ =	shalt  }
0x77: {  	_ =	shalt  }
0x78: {  	_ =	shalt  }
0x79: {  	_ =	shalt  }
0x7a: {  	_ =	shalt  }
0x7b: {  	_ =	shalt  }
0x7c: {  	_ =	shalt  }
0x7d: {  	_ =	shalt  }
0x7e: {  	_ =	shalt  }
0x7f: {  	_ =	shalt  }
0x80: {  	_ =	shalt  }
0x81: {  	_ =	shalt  }
0x82: {  	_ =	shalt  }
0x83: {  	_ =	shalt  }
0x84: {  	_ =	shalt  }
0x85: {  	_ =	shalt  }
0x86: {  	_ =	shalt  }
0x87: {  	_ =	shalt  }
.Lfunc_end0:
.L_simem_size_0:
called_computation_lowered:
.L_overlay_start_0:
0x88: {  	s2 =	sld [smem:$0x3FD9]  }
0x89: {  	s3 =	sld [smem:$0x3FFE];
	_ =	sdelay $0x1  }
0x8a: {  	s1 =	srdreg.scid  }
0x8b: {  	s0 =	sand.u32 $0x1, s1  }
0x8c: {  	s18 =	sshll.u32 s0, $0xA;
	s2 =	sadd.s32 s3, s2  }
0x8d: {  	s2 =	sadd.s32 s2, s18  }
0x8e: {  	[smem:$0x3FC5] =	sst s2  }
0x8f: {  	_ = 	snop  }
0x90: {  	s2 =	sld [smem:$0x3FC9]  }
0x91: {  	s19 =	sld [smem:$0x3FC8]  }
0x92: {  	s4 =	sld [smem:$0x3FC7]  }
0x93: {  	s5 =	sld [smem:$0x3FD0];
	(tm) =	ssettm $0x1  }
0x94: {  	s6 =	sld [smem:$0x3FFB];
	_ =	sdelay $0x3  }
0x95: {  	_ =	strace s6  }
0x96: {  	s6 =	sld [smem:$0x3FFC];
	_ =	sdelay $0x3  }
0x97: {  	_ =	strace s6  }
0x98: {  	s6 =	sld [smem:$0x3FFD];
	_ =	sdelay $0x3  }
0x99: {  	_ =	strace s6  }
0x9a: {  	_ =	strace $0x8FFFFFFF  }
0x9b: {  	s20 =	sld [smem:$0x3FDB];
	_ =	sdelay $0x1  }
0x9c: {  	s7 =	simm.s32 $_scs_section_size  }
0x9d: {  	s8 =	simm.s32 $_size__tile_overlayer_lowered;
	s9 =	simm.s32 $_tile_overlayer_lowered  }
0x9e: {  	s23 =	simm.s32 $0x1BFF;
	s22 =	sshll.u32 s9, $0x1;
	s6 =	sadd.s32 s7, s20  }
0x9f: {  	s10 =	simm.s32 $0x0;
	s21 =	sshll.u32 s8, $0x1;
	s8 =	sadd.s32 s22, s6  }
0xa0: {  	[timem:s10], [sflag:s23] =	dma.local [hbm:s8], s21  }
0xa1: {  	_ =	swait.ge [sflag:s23], s21  }
0xa2: {  	s7 =	ssub.s32 $0x0, s21;
	[sflag:s23] =	ssyncset.done $0x0  }
0xa3: {  	[sflag:s23] =	ssyncadd.s32 s7;
	_ =	sdelay $0x1  }
0xa4: {  	s24 =	simm.s32 $0x1B8B  }
0xa5: {  	_ =	swait.ge [sflag:s24], $0x1  }
0xa6: {  	[sflag:s24] =	ssyncset.done $0x0  }
0xa7: {  	s25 =	simm.s32 $0x1B8E;
	[sflag:s24] =	ssyncadd.s32 $0xFFFFFFFF  }
0xa8: {  	s26 =	simm.s32 $execute0_lowered;
	[smem:$0x3FD2] =	sst s25  }
0xa9: {  	s7 =	sshll.u32 s26, $0x1;
	_ =	strace $0x80000046;
	[dreg:$0x1] =	wrdreg $0xFFFFFFFF  }
0xaa: {  	s28 =	simm.s32 $_size_execute0_lowered;
	s6 =	sadd.s32 s6, s7;
	[dreg:$0x0] =	wrdreg $0x0  }
0xab: {  	s7 =	sshll.u32 s28, $0x1;
	[dreg:$0x2] =	wrdreg s6  }
0xac: {  	[dreg:$0x3] =	wrdreg s7  }
0xad: {  	[dreg:$0x4] =	wrdreg $0xC0  }
0xae: {  	_ =	task [dreg:s10], $0x5FFFF  }
0xaf: {  	[dreg:$0x1] =	wrdreg $0xFFFFFFFF  }
0xb0: {  	[dreg:$0x0] =	wrdreg $0x60  }
0xb1: {  	[dreg:$0x2] =	wrdreg s2  }
0xb2: {  	[dreg:$0x3] =	wrdreg s19  }
0xb3: {  	[dreg:$0x4] =	wrdreg s4  }
0xb4: {  	[dreg:$0x5] =	wrdreg s5  }
0xb5: {  	[dreg:$0x6] =	wrdreg $0x9  }
0xb6: {  	_ =	task.clear_ibuf [dreg:s10], $0x7FFFF;
	_ =	strace $0x90000046  }
0xb7: {  	s29 =	simm.s32 $0x9;
	_ =	strace $0x80000048  }
0xb8: {  	_ =	swait.ge [sflag:s29], $0x1  }
0xb9: {  	[sflag:s29] =	ssyncadd.s32 $0xFFFFFFFF  }
0xba: {  	_ =	strace $0x90000048  }
0xbb: {  	_ =	sfence  }
0xbc: {  	s30 =	sld [smem:$0x0];
	_ =	sdelay $0x2  }
0xbd: {  	s31 =	sshll.u32 s1, $0xD;
	s1 =	sshrl.u32 s1, $0x2  }
0xbe: {  	s3 =	sand.u32 $0x4000, s31;
	s1 =	sadd.s32 s1, s30  }
0xbf: {  	s0 =	sor.u32 s3, s0;
	s1 =	sshll.u32 s1, $0x11  }
0xc0: {  	s0 =	sor.u32 s1, s0  }
0xc1: {  	s0 =	sadd.s32 $0x8F2B, s0  }
0xc2: {  	[sflag:s0] =	ssyncadd.remote.s32 $0x1  }
0xc3: {  	_ =	sfence.sel $0xFFFF  }
0xc4: {  	[dreg:$0x0] =	wrdreg $0xFFFFFFFF;
	(pc) =	sbr.abs _section_cstart, $3  }
0xc5: {  	[dreg:$0x1] =	wrdreg $0xFFFFFFFF  }
0xc6: {  	_ =	task.clear_ibuf [dreg:s10], $0x2FFFF;
	_ =	strace $0x9FFFFFFF  }
0xc7: {  	(tm) =	ssettm $0x7FFFFFFF  }
tec
execute0_lowered:
.L_overlay_start_1:
0x0: {  	(tag) =	ssettag $0x1  }
0x1: {  	s1 =	rddreg [dreg:$0x0]  }
0x2: {  	s0 =	rddreg [dreg:$0x1]  }
0x3: {  	s4 =	rddreg [dreg:$0x3];
	s2 =	srdreg.scid  }
0x4: {  	s8 =	stileid.u32;
	s5 =	simm.s32 $0x0;
	s18 =	simm.s32 $0x6300  }
0x5: {  	s19 =	simm.s32 $0xC300;
	s28 =	simm.s32 $0x2;
	s29 =	simm.s32 $0x5  }
0x6: {  	s30 =	simm.s32 $0x3;
	s31 =	simm.s32 $0x6;
	s2 =	sand.u32 $0x1, s2  }
0x7: {  	s3 =	sshll.u32 s8, $0x1;
	[smem:$0x7FF] =	sst s5;
	s21 =	sshrl.u32 s8, $0x2  }
0x8: {  	s7 =	ssub.s32 $0x2, s2;
	s2 =	sor.u32 s2, s3;
	s10 =	smul.u32 $0x1800, s21  }
0x9: {  	_ =	strace $0x80000047;
	s20 =	sshrl.u32 s7, $0x1;
	s6 =	smul.u32 $0x6000, s2  }
0xa: {  	s21 =	simm.s32 $0x18300;
	s2 =	sshll.u32 s2, $0x7;
	s3 =	ssub.s32 s7, s20  }
0xb: {  	s2 =	sand.u32 $0x380, s2;
	s20 =	simm.s32 $0x12300;
	s22 =	sshrl.u32 s6, $0x3  }
0xc: {  	s8 =	sadd.s32 $0xC0000, s6;
	s9 =	sadd.s32 $0x180000, s6;
	s2 =	sor.u32 s10, s2  }
0xd: {  	s14 =	sor.u32 $0x300000, s6;
	s15 =	sadd.s32 $0x3C0000, s6;
	s16 =	sadd.s32 $0x480000, s6  }
0xe: {  	s26 =	smax.u32 s3, $0x1;
	s23 =	sadd.s32 s1, s22;
	s11 =	sshrl.u32 s8, $0x3  }
0xf: {  	s25 =	sshrl.u32 s9, $0x3;
	s2 =	sshrl.u32 s2, $0x3;
	[dreg:$0xa] =	wrdreg s26  }
.Ltmp0:
0x10: {  	s24 =	sadd.s32 s1, s11;
	[dreg:$0x5] =	wrdreg s23;
	(pc) =	sbr.rel .LBB2_1-.Ltmp0, $4  }
0x11: {  	s26 =	simm.s32 $0x1;
	s10 =	sadd.s32 s1, s25;
	[dreg:$0x6] =	wrdreg s24  }
0x12: {  	s22 =	simm.s32 $0x0;
	s7 =	sadd.s32 $0x48000, s23;
	[dreg:$0x7] =	wrdreg s10  }
0x13: {  	s0 =	sadd.s32 s0, s2;
	s23 =	simm.s32 $0x9;
	[dreg:$0x8] =	wrdreg s7  }
0x14: {  	s2 =	simm.s32 $0x7;
	[dreg:$0x9] =	wrdreg s0;
	s0 =	simm.s32 $0x4  }
.LBB2_14:
0x15: {  	s7 =	simm.s32 $0x8  }
0x16: {  	_ =	swait.ge [sflag:s7], $0x6000  }
0x17: {  	s22 =	sadd.s32 $0x1, s22;
	s3 =	rddreg [dreg:$0xa]  }
0x18: {  	p0 =	sne.s32 s22, s3  }
.Ltmp1:
0x19: {  	_ = 	snop;
	(pc) =	sbr.rel @!p0 .LBB2_15-.Ltmp1, $3  }
0x1a: {  	_ =	sdelay $0x1  }
0x1b: {  	[sflag:s7] =	ssyncset.done $0x0  }
0x1c: {  	[sflag:s7] =	ssyncadd.s32 $0xFFFFA000  }
.LBB2_1:
0x1d: {  	s3 =	rddreg [dreg:$0x5]  }
0x1e: {  	[tilespmem:s18], [sflag:$0x1] =	stream.linear.gather [hbm4b:s3+s5], $0x6000, $0x38;
	[tilespmem:$0x1E300] =	vst v63  }
0x1f: {  	s7 =	rddreg [dreg:$0x6]  }
0x20: {  	[tilespmem:s19], [sflag:$0x2] =	stream.linear.gather [hbm4b:s7+s5], $0x6000, $0x38;
	[tilespmem:$0x1E300] =	vst v63  }
0x21: {  	s10 =	rddreg [dreg:$0x7]  }
0x22: {  	[tilespmem:s20], [sflag:$0x3] =	stream.linear.gather [hbm4b:s10+s5], $0x6000, $0x38;
	[tilespmem:$0x1E300] =	vst v63  }
0x23: {  	s11 =	rddreg [dreg:$0x8]  }
0x24: {  	[tilespmem:s21], [sflag:$0x4] =	stream.linear.gather [hbm4b:s11+s5], $0x6000, $0x38;
	[tilespmem:$0x1E300] =	vst v63  }
0x25: {  	s12 =	rddreg [dreg:$0x2];
	s7 =	simm.s32 $0x300  }
0x26: {  	[tilespmem:s7], [sflag:$0x9] =	stream.linear.gather [hbm4b:s12+s5], $0x6000, $0x38;
	[tilespmem:$0x1E300] =	vst v63  }
0x27: {  	_ =	swait.ge [sflag:s23], $0x6000  }
0x28: {  	s17 =	simm.s32 $0x80;
	s24 =	simm.s32 $0x0;
	[sflag:s23] =	ssyncset.done $0x0  }
0x29: {  	s10 =	simm.s32 $0x400;
	s13 =	rddreg [dreg:$0x9];
	[sflag:s23] =	ssyncadd.s32 $0xFFFFA000  }
0x2a: {  	[tilespmem:s5], [sflag:$0x9] =	stream.strided.gather [hbm4b:s13+s17], $0x300, s10, s17, $0x38;
	[tilespmem:$0x1E300] =	vst v63  }
0x2b: {  	s10 =	smul.u32 $0x6000, s24  }
0x2c: {  	_ =	swait.ge [sflag:s23], $0x300  }
0x2d: {  	s11 =	sand.u32 $0x380, s5;
	[sflag:s23] =	ssyncset.done $0x0;
	s10 =	sshra.s32 s10, $0x2  }
0x2e: {  	[sflag:s23] =	ssyncadd.s32 $0xFFFFFD00;
	s10 =	sor.u32 s11, s10  }
0x2f: {  	v0 =	vld [tilespmem:s10+$0x300]  }
0x30: {  	v1 =	vld [tilespmem:$0x0];
	_ =	sdelay $0x4  }
0x31: {  	v0 =	vadd.f32 v1, v0;
	_ =	sdelay $0x1  }
0x32: {  	[tilespmem:s10+$0x300] =	vst v0;
	v0 =	vld [tilespmem:s10+$0x310]  }
0x33: {  	v1 =	vld [tilespmem:$0x10];
	_ =	sdelay $0x4  }
0x34: {  	v0 =	vadd.f32 v1, v0;
	_ =	sdelay $0x1  }
0x35: {  	[tilespmem:s10+$0x310] =	vst v0;
	v0 =	vld [tilespmem:s10+$0x320]  }
0x36: {  	v1 =	vld [tilespmem:$0x20];
	_ =	sdelay $0x4  }
0x37: {  	v0 =	vadd.f32 v1, v0;
	_ =	sdelay $0x1  }
0x38: {  	[tilespmem:s10+$0x320] =	vst v0;
	v0 =	vld [tilespmem:s10+$0x330]  }
0x39: {  	v1 =	vld [tilespmem:$0x30];
	_ =	sdelay $0x4  }
0x3a: {  	v0 =	vadd.f32 v1, v0;
	_ =	sdelay $0x1  }
0x3b: {  	[tilespmem:s10+$0x330] =	vst v0;
	v0 =	vld [tilespmem:s10+$0x340]  }
0x3c: {  	v1 =	vld [tilespmem:$0x40];
	_ =	sdelay $0x4  }
0x3d: {  	v0 =	vadd.f32 v1, v0;
	_ =	sdelay $0x1  }
0x3e: {  	[tilespmem:s10+$0x340] =	vst v0;
	v0 =	vld [tilespmem:s10+$0x350]  }
0x3f: {  	v1 =	vld [tilespmem:$0x50];
	_ =	sdelay $0x4  }
0x40: {  	v0 =	vadd.f32 v1, v0;
	_ =	sdelay $0x1  }
0x41: {  	[tilespmem:s10+$0x350] =	vst v0;
	v0 =	vld [tilespmem:s10+$0x360]  }
0x42: {  	v1 =	vld [tilespmem:$0x60];
	_ =	sdelay $0x4  }
0x43: {  	v0 =	vadd.f32 v1, v0;
	_ =	sdelay $0x1  }
0x44: {  	[tilespmem:s10+$0x360] =	vst v0;
	v0 =	vld [tilespmem:s10+$0x370]  }
0x45: {  	v1 =	vld [tilespmem:$0x70];
	_ =	sdelay $0x4  }
0x46: {  	v0 =	vadd.f32 v1, v0;
	_ =	sdelay $0x1  }
0x47: {  	[tilespmem:s10+$0x370] =	vst v0;
	v0 =	vld [tilespmem:s10+$0x700]  }
0x48: {  	v1 =	vld [tilespmem:$0x80];
	_ =	sdelay $0x4  }
0x49: {  	v0 =	vadd.f32 v1, v0;
	_ =	sdelay $0x1  }
0x4a: {  	[tilespmem:s10+$0x700] =	vst v0;
	v0 =	vld [tilespmem:s10+$0x710]  }
0x4b: {  	v1 =	vld [tilespmem:$0x90];
	_ =	sdelay $0x4  }
0x4c: {  	v0 =	vadd.f32 v1, v0;
	_ =	sdelay $0x1  }
0x4d: {  	[tilespmem:s10+$0x710] =	vst v0;
	v0 =	vld [tilespmem:s10+$0x720]  }
0x4e: {  	v1 =	vld [tilespmem:$0xA0];
	_ =	sdelay $0x4  }
0x4f: {  	v0 =	vadd.f32 v1, v0;
	_ =	sdelay $0x1  }
0x50: {  	[tilespmem:s10+$0x720] =	vst v0;
	v0 =	vld [tilespmem:s10+$0x730]  }
0x51: {  	v1 =	vld [tilespmem:$0xB0];
	_ =	sdelay $0x4  }
0x52: {  	v0 =	vadd.f32 v1, v0;
	_ =	sdelay $0x1  }
0x53: {  	[tilespmem:s10+$0x730] =	vst v0;
	v0 =	vld [tilespmem:s10+$0x740]  }
0x54: {  	v1 =	vld [tilespmem:$0xC0];
	_ =	sdelay $0x4  }
0x55: {  	v0 =	vadd.f32 v1, v0;
	_ =	sdelay $0x1  }
0x56: {  	[tilespmem:s10+$0x740] =	vst v0;
	v0 =	vld [tilespmem:s10+$0x750]  }
0x57: {  	v1 =	vld [tilespmem:$0xD0];
	_ =	sdelay $0x4  }
0x58: {  	v0 =	vadd.f32 v1, v0;
	_ =	sdelay $0x1  }
0x59: {  	[tilespmem:s10+$0x750] =	vst v0;
	v0 =	vld [tilespmem:s10+$0x760]  }
0x5a: {  	v1 =	vld [tilespmem:$0xE0];
	_ =	sdelay $0x4  }
0x5b: {  	v0 =	vadd.f32 v1, v0;
	_ =	sdelay $0x1  }
0x5c: {  	[tilespmem:s10+$0x760] =	vst v0;
	v0 =	vld [tilespmem:s10+$0x770]  }
0x5d: {  	v1 =	vld [tilespmem:$0xF0];
	_ =	sdelay $0x4  }
0x5e: {  	v0 =	vadd.f32 v1, v0;
	_ =	sdelay $0x1  }
0x5f: {  	[tilespmem:s10+$0x770] =	vst v0;
	v0 =	vld [tilespmem:s10+$0xB00]  }
0x60: {  	v1 =	vld [tilespmem:$0x100];
	_ =	sdelay $0x4  }
0x61: {  	v0 =	vadd.f32 v1, v0;
	_ =	sdelay $0x1  }
0x62: {  	[tilespmem:s10+$0xB00] =	vst v0;
	v0 =	vld [tilespmem:s10+$0xB10]  }
0x63: {  	v1 =	vld [tilespmem:$0x110];
	_ =	sdelay $0x4  }
0x64: {  	v0 =	vadd.f32 v1, v0;
	_ =	sdelay $0x1  }
0x65: {  	[tilespmem:s10+$0xB10] =	vst v0;
	v0 =	vld [tilespmem:s10+$0xB20]  }
0x66: {  	v1 =	vld [tilespmem:$0x120];
	_ =	sdelay $0x4  }
0x67: {  	v0 =	vadd.f32 v1, v0;
	_ =	sdelay $0x1  }
0x68: {  	[tilespmem:s10+$0xB20] =	vst v0;
	v0 =	vld [tilespmem:s10+$0xB30]  }
0x69: {  	v1 =	vld [tilespmem:$0x130];
	_ =	sdelay $0x4  }
0x6a: {  	v0 =	vadd.f32 v1, v0;
	_ =	sdelay $0x1  }
0x6b: {  	[tilespmem:s10+$0xB30] =	vst v0;
	v0 =	vld [tilespmem:s10+$0xB40]  }
0x6c: {  	v1 =	vld [tilespmem:$0x140];
	_ =	sdelay $0x4  }
0x6d: {  	v0 =	vadd.f32 v1, v0;
	_ =	sdelay $0x1  }
0x6e: {  	[tilespmem:s10+$0xB40] =	vst v0;
	v0 =	vld [tilespmem:s10+$0xB50]  }
0x6f: {  	v1 =	vld [tilespmem:$0x150];
	_ =	sdelay $0x4  }
0x70: {  	v0 =	vadd.f32 v1, v0;
	_ =	sdelay $0x1  }
0x71: {  	[tilespmem:s10+$0xB50] =	vst v0;
	v0 =	vld [tilespmem:s10+$0xB60]  }
0x72: {  	v1 =	vld [tilespmem:$0x160];
	_ =	sdelay $0x4  }
0x73: {  	v0 =	vadd.f32 v1, v0;
	_ =	sdelay $0x1  }
0x74: {  	[tilespmem:s10+$0xB60] =	vst v0;
	v0 =	vld [tilespmem:s10+$0xB70]  }
0x75: {  	v1 =	vld [tilespmem:$0x170];
	_ =	sdelay $0x4  }
0x76: {  	v0 =	vadd.f32 v1, v0;
	_ =	sdelay $0x1  }
0x77: {  	[tilespmem:s10+$0xB70] =	vst v0;
	v0 =	vld [tilespmem:s10+$0xF00]  }
0x78: {  	v1 =	vld [tilespmem:$0x180];
	_ =	sdelay $0x4  }
0x79: {  	v0 =	vadd.f32 v1, v0;
	_ =	sdelay $0x1  }
0x7a: {  	[tilespmem:s10+$0xF00] =	vst v0;
	v0 =	vld [tilespmem:s10+$0xF10]  }
0x7b: {  	v1 =	vld [tilespmem:$0x190];
	_ =	sdelay $0x4  }
0x7c: {  	v0 =	vadd.f32 v1, v0;
	_ =	sdelay $0x1  }
0x7d: {  	[tilespmem:s10+$0xF10] =	vst v0;
	v0 =	vld [tilespmem:s10+$0xF20]  }
0x7e: {  	v1 =	vld [tilespmem:$0x1A0];
	_ =	sdelay $0x4  }
0x7f: {  	v0 =	vadd.f32 v1, v0;
	_ =	sdelay $0x1  }
0x80: {  	[tilespmem:s10+$0xF20] =	vst v0;
	v0 =	vld [tilespmem:s10+$0xF30]  }
0x81: {  	v1 =	vld [tilespmem:$0x1B0];
	_ =	sdelay $0x4  }
0x82: {  	v0 =	vadd.f32 v1, v0;
	_ =	sdelay $0x1  }
0x83: {  	[tilespmem:s10+$0xF30] =	vst v0;
	v0 =	vld [tilespmem:s10+$0xF40]  }
0x84: {  	v1 =	vld [tilespmem:$0x1C0];
	_ =	sdelay $0x4  }
0x85: {  	v0 =	vadd.f32 v1, v0;
	_ =	sdelay $0x1  }
0x86: {  	[tilespmem:s10+$0xF40] =	vst v0;
	v0 =	vld [tilespmem:s10+$0xF50]  }
0x87: {  	v1 =	vld [tilespmem:$0x1D0];
	_ =	sdelay $0x4  }
0x88: {  	v0 =	vadd.f32 v1, v0;
	_ =	sdelay $0x1  }
0x89: {  	[tilespmem:s10+$0xF50] =	vst v0;
	v0 =	vld [tilespmem:s10+$0xF60]  }
0x8a: {  	v1 =	vld [tilespmem:$0x1E0];
	_ =	sdelay $0x4  }
0x8b: {  	v0 =	vadd.f32 v1, v0;
	_ =	sdelay $0x1  }
0x8c: {  	[tilespmem:s10+$0xF60] =	vst v0;
	v0 =	vld [tilespmem:s10+$0xF70]  }
0x8d: {  	v1 =	vld [tilespmem:$0x1F0];
	_ =	sdelay $0x4  }
0x8e: {  	v0 =	vadd.f32 v1, v0;
	_ =	sdelay $0x1  }
0x8f: {  	[tilespmem:s10+$0xF70] =	vst v0;
	v0 =	vld [tilespmem:s10+$0x1300]  }
0x90: {  	v1 =	vld [tilespmem:$0x200];
	_ =	sdelay $0x4  }
0x91: {  	v0 =	vadd.f32 v1, v0;
	_ =	sdelay $0x1  }
0x92: {  	[tilespmem:s10+$0x1300] =	vst v0;
	v0 =	vld [tilespmem:s10+$0x1310]  }
0x93: {  	v1 =	vld [tilespmem:$0x210];
	_ =	sdelay $0x4  }
0x94: {  	v0 =	vadd.f32 v1, v0;
	_ =	sdelay $0x1  }
0x95: {  	[tilespmem:s10+$0x1310] =	vst v0;
	v0 =	vld [tilespmem:s10+$0x1320]  }
0x96: {  	v1 =	vld [tilespmem:$0x220];
	_ =	sdelay $0x4  }
0x97: {  	v0 =	vadd.f32 v1, v0;
	_ =	sdelay $0x1  }
0x98: {  	[tilespmem:s10+$0x1320] =	vst v0;
	v0 =	vld [tilespmem:s10+$0x1330]  }
0x99: {  	v1 =	vld [tilespmem:$0x230];
	_ =	sdelay $0x4  }
0x9a: {  	v0 =	vadd.f32 v1, v0;
	_ =	sdelay $0x1  }
0x9b: {  	[tilespmem:s10+$0x1330] =	vst v0;
	v0 =	vld [tilespmem:s10+$0x1340]  }
0x9c: {  	v1 =	vld [tilespmem:$0x240];
	_ =	sdelay $0x4  }
0x9d: {  	v0 =	vadd.f32 v1, v0;
	_ =	sdelay $0x1  }
0x9e: {  	[tilespmem:s10+$0x1340] =	vst v0;
	v0 =	vld [tilespmem:s10+$0x1350]  }
0x9f: {  	v1 =	vld [tilespmem:$0x250];
	_ =	sdelay $0x4  }
0xa0: {  	v0 =	vadd.f32 v1, v0;
	_ =	sdelay $0x1  }
0xa1: {  	[tilespmem:s10+$0x1350] =	vst v0;
	v0 =	vld [tilespmem:s10+$0x1360]  }
0xa2: {  	v1 =	vld [tilespmem:$0x260];
	_ =	sdelay $0x4  }
0xa3: {  	v0 =	vadd.f32 v1, v0;
	_ =	sdelay $0x1  }
0xa4: {  	[tilespmem:s10+$0x1360] =	vst v0;
	v0 =	vld [tilespmem:s10+$0x1370]  }
0xa5: {  	v1 =	vld [tilespmem:$0x270];
	_ =	sdelay $0x4  }
0xa6: {  	v0 =	vadd.f32 v1, v0;
	_ =	sdelay $0x1  }
0xa7: {  	[tilespmem:s10+$0x1370] =	vst v0;
	v0 =	vld [tilespmem:s10+$0x1700]  }
0xa8: {  	v1 =	vld [tilespmem:$0x280];
	_ =	sdelay $0x4  }
0xa9: {  	v0 =	vadd.f32 v1, v0;
	_ =	sdelay $0x1  }
0xaa: {  	[tilespmem:s10+$0x1700] =	vst v0;
	v0 =	vld [tilespmem:s10+$0x1710]  }
0xab: {  	v1 =	vld [tilespmem:$0x290];
	_ =	sdelay $0x4  }
0xac: {  	v0 =	vadd.f32 v1, v0;
	_ =	sdelay $0x1  }
0xad: {  	[tilespmem:s10+$0x1710] =	vst v0;
	v0 =	vld [tilespmem:s10+$0x1720]  }
0xae: {  	v1 =	vld [tilespmem:$0x2A0];
	_ =	sdelay $0x4  }
0xaf: {  	v0 =	vadd.f32 v1, v0;
	_ =	sdelay $0x1  }
0xb0: {  	[tilespmem:s10+$0x1720] =	vst v0;
	v0 =	vld [tilespmem:s10+$0x1730]  }
0xb1: {  	v1 =	vld [tilespmem:$0x2B0];
	_ =	sdelay $0x4  }
0xb2: {  	v0 =	vadd.f32 v1, v0;
	_ =	sdelay $0x1  }
0xb3: {  	[tilespmem:s10+$0x1730] =	vst v0;
	v0 =	vld [tilespmem:s10+$0x1740]  }
0xb4: {  	v1 =	vld [tilespmem:$0x2C0];
	_ =	sdelay $0x4  }
0xb5: {  	v0 =	vadd.f32 v1, v0;
	_ =	sdelay $0x1  }
0xb6: {  	[tilespmem:s10+$0x1740] =	vst v0;
	v0 =	vld [tilespmem:s10+$0x1750]  }
0xb7: {  	v1 =	vld [tilespmem:$0x2D0];
	_ =	sdelay $0x4  }
0xb8: {  	v0 =	vadd.f32 v1, v0;
	_ =	sdelay $0x1  }
0xb9: {  	[tilespmem:s10+$0x1750] =	vst v0;
	v0 =	vld [tilespmem:s10+$0x1760]  }
0xba: {  	v1 =	vld [tilespmem:$0x2E0];
	_ =	sdelay $0x4  }
0xbb: {  	v0 =	vadd.f32 v1, v0;
	_ =	sdelay $0x1  }
0xbc: {  	[tilespmem:s10+$0x1760] =	vst v0;
	v0 =	vld [tilespmem:s10+$0x1770]  }
0xbd: {  	v1 =	vld [tilespmem:$0x2F0];
	_ =	sdelay $0x1  }
0xbe: {  	s25 =	simm.s32 $0x0  }
0xbf: {  	s12 =	smul.u32 $0x6000, s25;
	s24 =	simm.s32 $0x2;
	s11 =	simm.s32 $0x0  }
.LBB2_2:
0xc0: {  	p0 =	sne.s32 s24, $0x1F;
	s11 =	sadd.s32 $0x80, s11  }
0xc1: {  	s13 =	sand.u32 $0x380, s11;
	s12 =	sshra.s32 s12, $0x2;
	v0 =	vadd.f32 v1, v0  }
0xc2: {  	s12 =	sor.u32 s13, s12  }
0xc3: {  	v1 =	vld [tilespmem:s12+$0x300];
	[tilespmem:s10+$0x1770] =	vst v0;
	s10 =	smov.u32 s12  }
0xc4: {  	v0 =	vld [tilespmem:$0x0];
	_ =	sdelay $0x4  }
0xc5: {  	v0 =	vadd.f32 v0, v1;
	_ =	sdelay $0x1  }
0xc6: {  	[tilespmem:s10+$0x300] =	vst v0;
	v0 =	vld [tilespmem:s10+$0x310]  }
0xc7: {  	v1 =	vld [tilespmem:$0x10];
	_ =	sdelay $0x4  }
0xc8: {  	v0 =	vadd.f32 v1, v0;
	_ =	sdelay $0x1  }
0xc9: {  	[tilespmem:s10+$0x310] =	vst v0;
	v0 =	vld [tilespmem:s10+$0x320]  }
0xca: {  	v1 =	vld [tilespmem:$0x20];
	_ =	sdelay $0x4  }
0xcb: {  	v0 =	vadd.f32 v1, v0;
	_ =	sdelay $0x1  }
0xcc: {  	[tilespmem:s10+$0x320] =	vst v0;
	v0 =	vld [tilespmem:s10+$0x330]  }
0xcd: {  	v1 =	vld [tilespmem:$0x30];
	_ =	sdelay $0x4  }
0xce: {  	v0 =	vadd.f32 v1, v0;
	_ =	sdelay $0x1  }
0xcf: {  	[tilespmem:s10+$0x330] =	vst v0;
	v0 =	vld [tilespmem:s10+$0x340]  }
0xd0: {  	v1 =	vld [tilespmem:$0x40];
	_ =	sdelay $0x4  }
0xd1: {  	v0 =	vadd.f32 v1, v0;
	_ =	sdelay $0x1  }
0xd2: {  	[tilespmem:s10+$0x340] =	vst v0;
	v0 =	vld [tilespmem:s10+$0x350]  }
0xd3: {  	v1 =	vld [tilespmem:$0x50];
	_ =	sdelay $0x4  }
0xd4: {  	v0 =	vadd.f32 v1, v0;
	_ =	sdelay $0x1  }
0xd5: {  	[tilespmem:s10+$0x350] =	vst v0;
	v0 =	vld [tilespmem:s10+$0x360]  }
0xd6: {  	v1 =	vld [tilespmem:$0x60];
	_ =	sdelay $0x4  }
0xd7: {  	v0 =	vadd.f32 v1, v0;
	_ =	sdelay $0x1  }
0xd8: {  	[tilespmem:s10+$0x360] =	vst v0;
	v0 =	vld [tilespmem:s10+$0x370]  }
0xd9: {  	v1 =	vld [tilespmem:$0x70];
	_ =	sdelay $0x4  }
0xda: {  	v0 =	vadd.f32 v1, v0;
	_ =	sdelay $0x1  }
0xdb: {  	[tilespmem:s10+$0x370] =	vst v0;
	v0 =	vld [tilespmem:s10+$0x700]  }
0xdc: {  	v1 =	vld [tilespmem:$0x80];
	_ =	sdelay $0x4  }
0xdd: {  	v0 =	vadd.f32 v1, v0;
	_ =	sdelay $0x1  }
0xde: {  	[tilespmem:s10+$0x700] =	vst v0;
	v0 =	vld [tilespmem:s10+$0x710]  }
0xdf: {  	v1 =	vld [tilespmem:$0x90];
	_ =	sdelay $0x4  }
0xe0: {  	v0 =	vadd.f32 v1, v0;
	_ =	sdelay $0x1  }
0xe1: {  	[tilespmem:s10+$0x710] =	vst v0;
	v0 =	vld [tilespmem:s10+$0x720]  }
0xe2: {  	v1 =	vld [tilespmem:$0xA0];
	_ =	sdelay $0x4  }
0xe3: {  	v0 =	vadd.f32 v1, v0;
	_ =	sdelay $0x1  }
0xe4: {  	[tilespmem:s10+$0x720] =	vst v0;
	v0 =	vld [tilespmem:s10+$0x730]  }
0xe5: {  	v1 =	vld [tilespmem:$0xB0];
	_ =	sdelay $0x4  }
0xe6: {  	v0 =	vadd.f32 v1, v0;
	_ =	sdelay $0x1  }
0xe7: {  	[tilespmem:s10+$0x730] =	vst v0;
	v0 =	vld [tilespmem:s10+$0x740]  }
0xe8: {  	v1 =	vld [tilespmem:$0xC0];
	_ =	sdelay $0x4  }
0xe9: {  	v0 =	vadd.f32 v1, v0;
	_ =	sdelay $0x1  }
0xea: {  	[tilespmem:s10+$0x740] =	vst v0;
	v0 =	vld [tilespmem:s10+$0x750]  }
0xeb: {  	v1 =	vld [tilespmem:$0xD0];
	_ =	sdelay $0x4  }
0xec: {  	v0 =	vadd.f32 v1, v0;
	_ =	sdelay $0x1  }
0xed: {  	[tilespmem:s10+$0x750] =	vst v0;
	v0 =	vld [tilespmem:s10+$0x760]  }
0xee: {  	v1 =	vld [tilespmem:$0xE0];
	_ =	sdelay $0x4  }
0xef: {  	v0 =	vadd.f32 v1, v0;
	_ =	sdelay $0x1  }
0xf0: {  	[tilespmem:s10+$0x760] =	vst v0;
	v0 =	vld [tilespmem:s10+$0x770]  }
0xf1: {  	v1 =	vld [tilespmem:$0xF0];
	_ =	sdelay $0x4  }
0xf2: {  	v0 =	vadd.f32 v1, v0;
	_ =	sdelay $0x1  }
0xf3: {  	[tilespmem:s10+$0x770] =	vst v0;
	v0 =	vld [tilespmem:s10+$0xB00]  }
0xf4: {  	v1 =	vld [tilespmem:$0x100];
	_ =	sdelay $0x4  }
0xf5: {  	v0 =	vadd.f32 v1, v0;
	_ =	sdelay $0x1  }
0xf6: {  	[tilespmem:s10+$0xB00] =	vst v0;
	v0 =	vld [tilespmem:s10+$0xB10]  }
0xf7: {  	v1 =	vld [tilespmem:$0x110];
	_ =	sdelay $0x4  }
0xf8: {  	v0 =	vadd.f32 v1, v0;
	_ =	sdelay $0x1  }
0xf9: {  	[tilespmem:s10+$0xB10] =	vst v0;
	v0 =	vld [tilespmem:s10+$0xB20]  }
0xfa: {  	v1 =	vld [tilespmem:$0x120];
	_ =	sdelay $0x4  }
0xfb: {  	v0 =	vadd.f32 v1, v0;
	_ =	sdelay $0x1  }
0xfc: {  	[tilespmem:s10+$0xB20] =	vst v0;
	v0 =	vld [tilespmem:s10+$0xB30]  }
0xfd: {  	v1 =	vld [tilespmem:$0x130];
	_ =	sdelay $0x4  }
0xfe: {  	v0 =	vadd.f32 v1, v0;
	_ =	sdelay $0x1  }
0xff: {  	[tilespmem:s10+$0xB30] =	vst v0;
	v0 =	vld [tilespmem:s10+$0xB40]  }
0x100: {  	v1 =	vld [tilespmem:$0x140];
	_ =	sdelay $0x4  }
0x101: {  	v0 =	vadd.f32 v1, v0;
	_ =	sdelay $0x1  }
0x102: {  	[tilespmem:s10+$0xB40] =	vst v0;
	v0 =	vld [tilespmem:s10+$0xB50]  }
0x103: {  	v1 =	vld [tilespmem:$0x150];
	_ =	sdelay $0x4  }
0x104: {  	v0 =	vadd.f32 v1, v0;
	_ =	sdelay $0x1  }
0x105: {  	[tilespmem:s10+$0xB50] =	vst v0;
	v0 =	vld [tilespmem:s10+$0xB60]  }
0x106: {  	v1 =	vld [tilespmem:$0x160];
	_ =	sdelay $0x4  }
0x107: {  	v0 =	vadd.f32 v1, v0;
	_ =	sdelay $0x1  }
0x108: {  	[tilespmem:s10+$0xB60] =	vst v0;
	v0 =	vld [tilespmem:s10+$0xB70]  }
0x109: {  	v1 =	vld [tilespmem:$0x170];
	_ =	sdelay $0x4  }
0x10a: {  	v0 =	vadd.f32 v1, v0;
	_ =	sdelay $0x1  }
0x10b: {  	[tilespmem:s10+$0xB70] =	vst v0;
	v0 =	vld [tilespmem:s10+$0xF00]  }
0x10c: {  	v1 =	vld [tilespmem:$0x180];
	_ =	sdelay $0x4  }
0x10d: {  	v0 =	vadd.f32 v1, v0;
	_ =	sdelay $0x1  }
0x10e: {  	[tilespmem:s10+$0xF00] =	vst v0;
	v0 =	vld [tilespmem:s10+$0xF10]  }
0x10f: {  	v1 =	vld [tilespmem:$0x190];
	_ =	sdelay $0x4  }
0x110: {  	v0 =	vadd.f32 v1, v0;
	_ =	sdelay $0x1  }
0x111: {  	[tilespmem:s10+$0xF10] =	vst v0;
	v0 =	vld [tilespmem:s10+$0xF20]  }
0x112: {  	v1 =	vld [tilespmem:$0x1A0];
	_ =	sdelay $0x4  }
0x113: {  	v0 =	vadd.f32 v1, v0;
	_ =	sdelay $0x1  }
0x114: {  	[tilespmem:s10+$0xF20] =	vst v0;
	v0 =	vld [tilespmem:s10+$0xF30]  }
0x115: {  	v1 =	vld [tilespmem:$0x1B0];
	_ =	sdelay $0x4  }
0x116: {  	v0 =	vadd.f32 v1, v0;
	_ =	sdelay $0x1  }
0x117: {  	[tilespmem:s10+$0xF30] =	vst v0;
	v0 =	vld [tilespmem:s10+$0xF40]  }
0x118: {  	v1 =	vld [tilespmem:$0x1C0];
	_ =	sdelay $0x4  }
0x119: {  	v0 =	vadd.f32 v1, v0;
	_ =	sdelay $0x1  }
0x11a: {  	[tilespmem:s10+$0xF40] =	vst v0;
	v0 =	vld [tilespmem:s10+$0xF50]  }
0x11b: {  	v1 =	vld [tilespmem:$0x1D0];
	_ =	sdelay $0x4  }
0x11c: {  	v0 =	vadd.f32 v1, v0;
	_ =	sdelay $0x1  }
0x11d: {  	[tilespmem:s10+$0xF50] =	vst v0;
	v0 =	vld [tilespmem:s10+$0xF60]  }
0x11e: {  	v1 =	vld [tilespmem:$0x1E0];
	_ =	sdelay $0x4  }
0x11f: {  	v0 =	vadd.f32 v1, v0;
	_ =	sdelay $0x1  }
0x120: {  	[tilespmem:s10+$0xF60] =	vst v0;
	v0 =	vld [tilespmem:s10+$0xF70]  }
0x121: {  	v1 =	vld [tilespmem:$0x1F0];
	_ =	sdelay $0x4  }
0x122: {  	v0 =	vadd.f32 v1, v0;
	_ =	sdelay $0x1  }
0x123: {  	[tilespmem:s10+$0xF70] =	vst v0;
	v0 =	vld [tilespmem:s10+$0x1300]  }
0x124: {  	v1 =	vld [tilespmem:$0x200];
	_ =	sdelay $0x4  }
0x125: {  	v0 =	vadd.f32 v1, v0;
	_ =	sdelay $0x1  }
0x126: {  	[tilespmem:s10+$0x1300] =	vst v0;
	v0 =	vld [tilespmem:s10+$0x1310]  }
0x127: {  	v1 =	vld [tilespmem:$0x210];
	_ =	sdelay $0x4  }
0x128: {  	v0 =	vadd.f32 v1, v0;
	_ =	sdelay $0x1  }
0x129: {  	[tilespmem:s10+$0x1310] =	vst v0;
	v0 =	vld [tilespmem:s10+$0x1320]  }
0x12a: {  	v1 =	vld [tilespmem:$0x220];
	_ =	sdelay $0x4  }
0x12b: {  	v0 =	vadd.f32 v1, v0;
	_ =	sdelay $0x1  }
0x12c: {  	[tilespmem:s10+$0x1320] =	vst v0;
	v0 =	vld [tilespmem:s10+$0x1330]  }
0x12d: {  	v1 =	vld [tilespmem:$0x230];
	_ =	sdelay $0x4  }
0x12e: {  	v0 =	vadd.f32 v1, v0;
	_ =	sdelay $0x1  }
0x12f: {  	[tilespmem:s10+$0x1330] =	vst v0;
	v0 =	vld [tilespmem:s10+$0x1340]  }
0x130: {  	v1 =	vld [tilespmem:$0x240];
	_ =	sdelay $0x4  }
0x131: {  	v0 =	vadd.f32 v1, v0;
	_ =	sdelay $0x1  }
0x132: {  	[tilespmem:s10+$0x1340] =	vst v0;
	v0 =	vld [tilespmem:s10+$0x1350]  }
0x133: {  	v1 =	vld [tilespmem:$0x250];
	_ =	sdelay $0x4  }
0x134: {  	v0 =	vadd.f32 v1, v0;
	_ =	sdelay $0x1  }
0x135: {  	[tilespmem:s10+$0x1350] =	vst v0;
	v0 =	vld [tilespmem:s10+$0x1360]  }
0x136: {  	v1 =	vld [tilespmem:$0x260];
	_ =	sdelay $0x4  }
0x137: {  	v0 =	vadd.f32 v1, v0;
	_ =	sdelay $0x1  }
0x138: {  	[tilespmem:s10+$0x1360] =	vst v0;
	v0 =	vld [tilespmem:s10+$0x1370]  }
0x139: {  	v1 =	vld [tilespmem:$0x270];
	_ =	sdelay $0x4  }
0x13a: {  	v0 =	vadd.f32 v1, v0;
	_ =	sdelay $0x1  }
0x13b: {  	[tilespmem:s10+$0x1370] =	vst v0;
	v0 =	vld [tilespmem:s10+$0x1700]  }
0x13c: {  	v1 =	vld [tilespmem:$0x280];
	_ =	sdelay $0x4  }
0x13d: {  	v0 =	vadd.f32 v1, v0;
	_ =	sdelay $0x1  }
0x13e: {  	[tilespmem:s10+$0x1700] =	vst v0;
	v0 =	vld [tilespmem:s10+$0x1710]  }
0x13f: {  	v1 =	vld [tilespmem:$0x290];
	_ =	sdelay $0x4  }
0x140: {  	v0 =	vadd.f32 v1, v0;
	_ =	sdelay $0x1  }
0x141: {  	[tilespmem:s10+$0x1710] =	vst v0;
	v0 =	vld [tilespmem:s10+$0x1720]  }
0x142: {  	v1 =	vld [tilespmem:$0x2A0];
	_ =	sdelay $0x4  }
0x143: {  	v0 =	vadd.f32 v1, v0;
	_ =	sdelay $0x1  }
0x144: {  	[tilespmem:s10+$0x1720] =	vst v0;
	v0 =	vld [tilespmem:s10+$0x1730]  }
0x145: {  	v1 =	vld [tilespmem:$0x2B0];
	_ =	sdelay $0x4  }
0x146: {  	v0 =	vadd.f32 v1, v0;
	_ =	sdelay $0x1  }
0x147: {  	[tilespmem:s10+$0x1730] =	vst v0;
	v0 =	vld [tilespmem:s10+$0x1740]  }
0x148: {  	v1 =	vld [tilespmem:$0x2C0];
	_ =	sdelay $0x4  }
0x149: {  	v0 =	vadd.f32 v1, v0;
	_ =	sdelay $0x1  }
0x14a: {  	[tilespmem:s10+$0x1740] =	vst v0;
	v0 =	vld [tilespmem:s10+$0x1750]  }
0x14b: {  	v1 =	vld [tilespmem:$0x2D0];
	_ =	sdelay $0x4  }
0x14c: {  	v0 =	vadd.f32 v1, v0;
	_ =	sdelay $0x1  }
0x14d: {  	[tilespmem:s10+$0x1750] =	vst v0;
	v0 =	vld [tilespmem:s10+$0x1760]  }
0x14e: {  	v1 =	vld [tilespmem:$0x2E0];
	_ =	sdelay $0x4  }
0x14f: {  	v0 =	vadd.f32 v1, v0;
	_ =	sdelay $0x1  }
.Ltmp2:
0x150: {  	[tilespmem:s10+$0x1760] =	vst v0;
	v0 =	vld [tilespmem:s10+$0x1770];
	(pc) =	sbr.rel @p0 .LBB2_2-.Ltmp2, $3  }
0x151: {  	v1 =	vld [tilespmem:$0x2F0];
	_ =	sdelay $0x1  }
0x152: {  	s12 =	sshrl.u32 s24, $0x3  }
0x153: {  	s24 =	sadd.s32 $0x1, s24;
	s12 =	smul.u32 $0x6000, s12  }
0x154: {  	s11 =	sadd.s32 $0x80, s11  }
0x155: {  	s11 =	sand.u32 $0x380, s11;
	s12 =	sshra.s32 s12, $0x2;
	v0 =	vadd.f32 v1, v0  }
0x156: {  	s11 =	sor.u32 s11, s12  }
0x157: {  	v29 =	vld [tilespmem:s11+$0x300];
	[tilespmem:s10+$0x1770] =	vst v0  }
0x158: {  	v0 =	vld [tilespmem:$0x0];
	_ =	sdelay $0x4  }
0x159: {  	v0 =	vadd.f32 v0, v29;
	_ =	sdelay $0x1  }
0x15a: {  	v30 =	vld [tilespmem:s11+$0x310];
	[tilespmem:s11+$0x300] =	vst v0  }
0x15b: {  	v31 =	vld [tilespmem:$0x10];
	_ =	sdelay $0x4  }
0x15c: {  	v0 =	vadd.f32 v31, v30;
	_ =	sdelay $0x1  }
0x15d: {  	v32 =	vld [tilespmem:s11+$0x320];
	[tilespmem:s11+$0x310] =	vst v0  }
0x15e: {  	v33 =	vld [tilespmem:$0x20];
	_ =	sdelay $0x4  }
0x15f: {  	v0 =	vadd.f32 v33, v32;
	_ =	sdelay $0x1  }
0x160: {  	v34 =	vld [tilespmem:s11+$0x330];
	[tilespmem:s11+$0x320] =	vst v0  }
0x161: {  	v35 =	vld [tilespmem:$0x30];
	_ =	sdelay $0x4  }
0x162: {  	v0 =	vadd.f32 v35, v34;
	_ =	sdelay $0x1  }
0x163: {  	v36 =	vld [tilespmem:s11+$0x340];
	[tilespmem:s11+$0x330] =	vst v0  }
0x164: {  	v37 =	vld [tilespmem:$0x40];
	_ =	sdelay $0x4  }
0x165: {  	v0 =	vadd.f32 v37, v36;
	_ =	sdelay $0x1  }
0x166: {  	v38 =	vld [tilespmem:s11+$0x350];
	[tilespmem:s11+$0x340] =	vst v0  }
0x167: {  	v39 =	vld [tilespmem:$0x50];
	_ =	sdelay $0x4  }
0x168: {  	v0 =	vadd.f32 v39, v38;
	_ =	sdelay $0x1  }
0x169: {  	v40 =	vld [tilespmem:s11+$0x360];
	[tilespmem:s11+$0x350] =	vst v0  }
0x16a: {  	v41 =	vld [tilespmem:$0x60];
	_ =	sdelay $0x4  }
0x16b: {  	v0 =	vadd.f32 v41, v40;
	_ =	sdelay $0x1  }
0x16c: {  	v42 =	vld [tilespmem:s11+$0x370];
	[tilespmem:s11+$0x360] =	vst v0  }
0x16d: {  	v43 =	vld [tilespmem:$0x70];
	_ =	sdelay $0x4  }
0x16e: {  	v0 =	vadd.f32 v43, v42;
	_ =	sdelay $0x1  }
0x16f: {  	v44 =	vld [tilespmem:s11+$0x700];
	[tilespmem:s11+$0x370] =	vst v0  }
0x170: {  	v45 =	vld [tilespmem:$0x80];
	_ =	sdelay $0x4  }
0x171: {  	v0 =	vadd.f32 v45, v44;
	_ =	sdelay $0x1  }
0x172: {  	v46 =	vld [tilespmem:s11+$0x710];
	[tilespmem:s11+$0x700] =	vst v0  }
0x173: {  	v47 =	vld [tilespmem:$0x90];
	_ =	sdelay $0x4  }
0x174: {  	v0 =	vadd.f32 v47, v46;
	_ =	sdelay $0x1  }
0x175: {  	v48 =	vld [tilespmem:s11+$0x720];
	[tilespmem:s11+$0x710] =	vst v0  }
0x176: {  	v49 =	vld [tilespmem:$0xA0];
	_ =	sdelay $0x4  }
0x177: {  	v0 =	vadd.f32 v49, v48;
	_ =	sdelay $0x1  }
0x178: {  	v50 =	vld [tilespmem:s11+$0x730];
	[tilespmem:s11+$0x720] =	vst v0  }
0x179: {  	v51 =	vld [tilespmem:$0xB0];
	_ =	sdelay $0x4  }
0x17a: {  	v0 =	vadd.f32 v51, v50;
	_ =	sdelay $0x1  }
0x17b: {  	v52 =	vld [tilespmem:s11+$0x740];
	[tilespmem:s11+$0x730] =	vst v0  }
0x17c: {  	v53 =	vld [tilespmem:$0xC0];
	_ =	sdelay $0x4  }
0x17d: {  	v0 =	vadd.f32 v53, v52;
	_ =	sdelay $0x1  }
0x17e: {  	v54 =	vld [tilespmem:s11+$0x750];
	[tilespmem:s11+$0x740] =	vst v0  }
0x17f: {  	v55 =	vld [tilespmem:$0xD0];
	_ =	sdelay $0x4  }
0x180: {  	v0 =	vadd.f32 v55, v54;
	_ =	sdelay $0x1  }
0x181: {  	v56 =	vld [tilespmem:s11+$0x760];
	[tilespmem:s11+$0x750] =	vst v0  }
0x182: {  	v57 =	vld [tilespmem:$0xE0];
	_ =	sdelay $0x4  }
0x183: {  	v0 =	vadd.f32 v57, v56;
	_ =	sdelay $0x1  }
0x184: {  	v58 =	vld [tilespmem:s11+$0x770];
	[tilespmem:s11+$0x760] =	vst v0  }
0x185: {  	v59 =	vld [tilespmem:$0xF0];
	_ =	sdelay $0x4  }
0x186: {  	v0 =	vadd.f32 v59, v58;
	_ =	sdelay $0x1  }
0x187: {  	v60 =	vld [tilespmem:s11+$0xB00];
	[tilespmem:s11+$0x770] =	vst v0  }
0x188: {  	v61 =	vld [tilespmem:$0x100];
	_ =	sdelay $0x4  }
0x189: {  	v0 =	vadd.f32 v61, v60;
	_ =	sdelay $0x1  }
0x18a: {  	v62 =	vld [tilespmem:s11+$0xB10];
	[tilespmem:s11+$0xB00] =	vst v0  }
0x18b: {  	v63 =	vld [tilespmem:$0x110];
	_ =	sdelay $0x4  }
0x18c: {  	v0 =	vadd.f32 v63, v62;
	_ =	sdelay $0x1  }
0x18d: {  	v4 =	vld [tilespmem:s11+$0xB20];
	[tilespmem:s11+$0xB10] =	vst v0  }
0x18e: {  	v5 =	vld [tilespmem:$0x120];
	_ =	sdelay $0x4  }
0x18f: {  	v0 =	vadd.f32 v5, v4;
	_ =	sdelay $0x1  }
0x190: {  	v6 =	vld [tilespmem:s11+$0xB30];
	[tilespmem:s11+$0xB20] =	vst v0  }
0x191: {  	v7 =	vld [tilespmem:$0x130];
	_ =	sdelay $0x4  }
0x192: {  	v0 =	vadd.f32 v7, v6;
	_ =	sdelay $0x1  }
0x193: {  	v8 =	vld [tilespmem:s11+$0xB40];
	[tilespmem:s11+$0xB30] =	vst v0  }
0x194: {  	v9 =	vld [tilespmem:$0x140];
	_ =	sdelay $0x4  }
0x195: {  	v0 =	vadd.f32 v9, v8;
	_ =	sdelay $0x1  }
0x196: {  	v10 =	vld [tilespmem:s11+$0xB50];
	[tilespmem:s11+$0xB40] =	vst v0  }
0x197: {  	v11 =	vld [tilespmem:$0x150];
	_ =	sdelay $0x4  }
0x198: {  	v0 =	vadd.f32 v11, v10;
	_ =	sdelay $0x1  }
0x199: {  	v12 =	vld [tilespmem:s11+$0xB60];
	[tilespmem:s11+$0xB50] =	vst v0  }
0x19a: {  	v13 =	vld [tilespmem:$0x160];
	_ =	sdelay $0x4  }
0x19b: {  	v0 =	vadd.f32 v13, v12;
	_ =	sdelay $0x1  }
0x19c: {  	v14 =	vld [tilespmem:s11+$0xB70];
	[tilespmem:s11+$0xB60] =	vst v0  }
0x19d: {  	v15 =	vld [tilespmem:$0x170];
	_ =	sdelay $0x4  }
0x19e: {  	v0 =	vadd.f32 v15, v14;
	_ =	sdelay $0x1  }
0x19f: {  	v16 =	vld [tilespmem:s11+$0xF00];
	[tilespmem:s11+$0xB70] =	vst v0  }
0x1a0: {  	v17 =	vld [tilespmem:$0x180];
	_ =	sdelay $0x4  }
0x1a1: {  	v0 =	vadd.f32 v17, v16;
	_ =	sdelay $0x1  }
0x1a2: {  	v18 =	vld [tilespmem:s11+$0xF10];
	[tilespmem:s11+$0xF00] =	vst v0  }
0x1a3: {  	v19 =	vld [tilespmem:$0x190];
	_ =	sdelay $0x4  }
0x1a4: {  	v0 =	vadd.f32 v19, v18;
	_ =	sdelay $0x1  }
0x1a5: {  	v20 =	vld [tilespmem:s11+$0xF20];
	[tilespmem:s11+$0xF10] =	vst v0  }
0x1a6: {  	v21 =	vld [tilespmem:$0x1A0];
	_ =	sdelay $0x4  }
0x1a7: {  	v0 =	vadd.f32 v21, v20;
	_ =	sdelay $0x1  }
0x1a8: {  	v22 =	vld [tilespmem:s11+$0xF30];
	[tilespmem:s11+$0xF20] =	vst v0  }
0x1a9: {  	v23 =	vld [tilespmem:$0x1B0];
	_ =	sdelay $0x4  }
0x1aa: {  	v0 =	vadd.f32 v23, v22;
	_ =	sdelay $0x1  }
0x1ab: {  	v24 =	vld [tilespmem:s11+$0xF40];
	[tilespmem:s11+$0xF30] =	vst v0  }
0x1ac: {  	v25 =	vld [tilespmem:$0x1C0];
	_ =	sdelay $0x4  }
0x1ad: {  	v0 =	vadd.f32 v25, v24;
	_ =	sdelay $0x1  }
0x1ae: {  	v26 =	vld [tilespmem:s11+$0xF50];
	[tilespmem:s11+$0xF40] =	vst v0  }
0x1af: {  	v27 =	vld [tilespmem:$0x1D0];
	_ =	sdelay $0x4  }
0x1b0: {  	v0 =	vadd.f32 v27, v26;
	_ =	sdelay $0x1  }
0x1b1: {  	v28 =	vld [tilespmem:s11+$0xF60];
	[tilespmem:s11+$0xF50] =	vst v0  }
0x1b2: {  	v29 =	vld [tilespmem:$0x1E0];
	_ =	sdelay $0x4  }
0x1b3: {  	v0 =	vadd.f32 v29, v28;
	_ =	sdelay $0x1  }
0x1b4: {  	v30 =	vld [tilespmem:s11+$0xF70];
	[tilespmem:s11+$0xF60] =	vst v0  }
0x1b5: {  	v31 =	vld [tilespmem:$0x1F0];
	_ =	sdelay $0x4  }
0x1b6: {  	v0 =	vadd.f32 v31, v30;
	_ =	sdelay $0x1  }
0x1b7: {  	v32 =	vld [tilespmem:s11+$0x1300];
	[tilespmem:s11+$0xF70] =	vst v0  }
0x1b8: {  	v33 =	vld [tilespmem:$0x200];
	_ =	sdelay $0x4  }
0x1b9: {  	v0 =	vadd.f32 v33, v32;
	_ =	sdelay $0x1  }
0x1ba: {  	v34 =	vld [tilespmem:s11+$0x1310];
	[tilespmem:s11+$0x1300] =	vst v0  }
0x1bb: {  	v35 =	vld [tilespmem:$0x210];
	_ =	sdelay $0x4  }
0x1bc: {  	v0 =	vadd.f32 v35, v34;
	_ =	sdelay $0x1  }
0x1bd: {  	v36 =	vld [tilespmem:s11+$0x1320];
	[tilespmem:s11+$0x1310] =	vst v0  }
0x1be: {  	v37 =	vld [tilespmem:$0x220];
	_ =	sdelay $0x4  }
0x1bf: {  	v0 =	vadd.f32 v37, v36;
	_ =	sdelay $0x1  }
0x1c0: {  	v38 =	vld [tilespmem:s11+$0x1330];
	[tilespmem:s11+$0x1320] =	vst v0  }
0x1c1: {  	v39 =	vld [tilespmem:$0x230];
	_ =	sdelay $0x4  }
0x1c2: {  	v0 =	vadd.f32 v39, v38;
	_ =	sdelay $0x1  }
0x1c3: {  	v40 =	vld [tilespmem:s11+$0x1340];
	[tilespmem:s11+$0x1330] =	vst v0  }
0x1c4: {  	v41 =	vld [tilespmem:$0x240];
	_ =	sdelay $0x4  }
0x1c5: {  	v0 =	vadd.f32 v41, v40;
	_ =	sdelay $0x1  }
0x1c6: {  	v42 =	vld [tilespmem:s11+$0x1350];
	[tilespmem:s11+$0x1340] =	vst v0  }
0x1c7: {  	v43 =	vld [tilespmem:$0x250];
	_ =	sdelay $0x4  }
0x1c8: {  	v0 =	vadd.f32 v43, v42;
	_ =	sdelay $0x1  }
0x1c9: {  	v44 =	vld [tilespmem:s11+$0x1360];
	[tilespmem:s11+$0x1350] =	vst v0  }
0x1ca: {  	v45 =	vld [tilespmem:$0x260];
	_ =	sdelay $0x4  }
0x1cb: {  	v0 =	vadd.f32 v45, v44;
	_ =	sdelay $0x1  }
0x1cc: {  	v46 =	vld [tilespmem:s11+$0x1370];
	[tilespmem:s11+$0x1360] =	vst v0  }
0x1cd: {  	v47 =	vld [tilespmem:$0x270];
	_ =	sdelay $0x4  }
0x1ce: {  	v0 =	vadd.f32 v47, v46;
	_ =	sdelay $0x1  }
0x1cf: {  	v48 =	vld [tilespmem:s11+$0x1700];
	[tilespmem:s11+$0x1370] =	vst v0  }
0x1d0: {  	v49 =	vld [tilespmem:$0x280];
	_ =	sdelay $0x4  }
0x1d1: {  	v0 =	vadd.f32 v49, v48;
	_ =	sdelay $0x1  }
0x1d2: {  	v50 =	vld [tilespmem:s11+$0x1710];
	[tilespmem:s11+$0x1700] =	vst v0  }
0x1d3: {  	v51 =	vld [tilespmem:$0x290];
	_ =	sdelay $0x4  }
0x1d4: {  	v0 =	vadd.f32 v51, v50;
	_ =	sdelay $0x1  }
0x1d5: {  	v52 =	vld [tilespmem:s11+$0x1720];
	[tilespmem:s11+$0x1710] =	vst v0  }
0x1d6: {  	v53 =	vld [tilespmem:$0x2A0];
	_ =	sdelay $0x4  }
0x1d7: {  	v0 =	vadd.f32 v53, v52;
	_ =	sdelay $0x1  }
0x1d8: {  	v54 =	vld [tilespmem:s11+$0x1730];
	[tilespmem:s11+$0x1720] =	vst v0  }
0x1d9: {  	v55 =	vld [tilespmem:$0x2B0];
	_ =	sdelay $0x4  }
0x1da: {  	v0 =	vadd.f32 v55, v54;
	_ =	sdelay $0x1  }
0x1db: {  	v56 =	vld [tilespmem:s11+$0x1740];
	[tilespmem:s11+$0x1730] =	vst v0  }
0x1dc: {  	v57 =	vld [tilespmem:$0x2C0];
	_ =	sdelay $0x4  }
0x1dd: {  	v0 =	vadd.f32 v57, v56;
	_ =	sdelay $0x1  }
0x1de: {  	v58 =	vld [tilespmem:s11+$0x1750];
	[tilespmem:s11+$0x1740] =	vst v0  }
0x1df: {  	v59 =	vld [tilespmem:$0x2D0];
	_ =	sdelay $0x4  }
0x1e0: {  	v0 =	vadd.f32 v59, v58;
	_ =	sdelay $0x1  }
0x1e1: {  	v60 =	vld [tilespmem:s11+$0x1760];
	[tilespmem:s11+$0x1750] =	vst v0  }
0x1e2: {  	v61 =	vld [tilespmem:$0x2E0];
	_ =	sdelay $0x4  }
0x1e3: {  	v0 =	vadd.f32 v61, v60;
	_ =	sdelay $0x1  }
0x1e4: {  	v62 =	vld [tilespmem:s11+$0x1770];
	[tilespmem:s11+$0x1760] =	vst v0  }
0x1e5: {  	v63 =	vld [tilespmem:$0x2F0];
	_ =	sdelay $0x4  }
0x1e6: {  	v0 =	vadd.f32 v63, v62;
	_ =	sdelay $0x1  }
0x1e7: {  	s24 =	simm.s32 $0x0;
	s25 =	simm.s32 $0x0;
	[tilespmem:s11+$0x1770] =	vst v0  }
.LBB2_4:
0x1e8: {  	s10 =	simm.s32 $0x0  }
0x1e9: {  	_ =	swait.ge [sflag:s26], $0x6000;
	s10 =	smul.u32 $0x1800, s10  }
0x1ea: {  	s11 =	sand.u32 $0x380, s24;
	[sflag:s26] =	ssyncset.done $0x0  }
0x1eb: {  	[sflag:s26] =	ssyncadd.s32 $0xFFFFA000;
	s11 =	sor.u32 s11, s10  }
0x1ec: {  	v9 =	vld [tilespmem:s11+$0x300]  }
0x1ed: {  	v10 =	vld [tilespmem:s11+$0x310]  }
0x1ee: {  	v11 =	vld [tilespmem:s11+$0x320]  }
0x1ef: {  	v12 =	vld [tilespmem:s11+$0x330]  }
0x1f0: {  	v13 =	vld [tilespmem:s11+$0x340]  }
0x1f1: {  	v14 =	vld [tilespmem:s11+$0x350]  }
0x1f2: {  	v15 =	vld [tilespmem:s11+$0x360]  }
0x1f3: {  	v16 =	vld [tilespmem:s11+$0x370]  }
0x1f4: {  	v17 =	vld [tilespmem:s11+$0x700]  }
0x1f5: {  	v18 =	vld [tilespmem:s11+$0x710]  }
0x1f6: {  	v19 =	vld [tilespmem:s11+$0x720]  }
0x1f7: {  	v20 =	vld [tilespmem:s11+$0x730]  }
0x1f8: {  	v21 =	vld [tilespmem:s11+$0x740]  }
0x1f9: {  	v22 =	vld [tilespmem:s11+$0x750]  }
0x1fa: {  	v23 =	vld [tilespmem:s11+$0x760]  }
0x1fb: {  	v24 =	vld [tilespmem:s11+$0x770]  }
0x1fc: {  	v25 =	vld [tilespmem:s11+$0xB00]  }
0x1fd: {  	v26 =	vld [tilespmem:s11+$0xB10]  }
0x1fe: {  	v27 =	vld [tilespmem:s11+$0xB20]  }
0x1ff: {  	v28 =	vld [tilespmem:s11+$0xB30]  }
0x200: {  	v29 =	vld [tilespmem:s11+$0xB40]  }
0x201: {  	v30 =	vld [tilespmem:s11+$0xB50]  }
0x202: {  	v31 =	vld [tilespmem:s11+$0xB60]  }
0x203: {  	v32 =	vld [tilespmem:s11+$0xB70]  }
0x204: {  	v33 =	vld [tilespmem:s11+$0xF00]  }
0x205: {  	v34 =	vld [tilespmem:s11+$0xF10]  }
0x206: {  	v35 =	vld [tilespmem:s11+$0xF20]  }
0x207: {  	v36 =	vld [tilespmem:s11+$0xF30]  }
0x208: {  	v37 =	vld [tilespmem:s11+$0xF40]  }
0x209: {  	v38 =	vld [tilespmem:s11+$0xF50]  }
0x20a: {  	v39 =	vld [tilespmem:s11+$0xF60]  }
0x20b: {  	v40 =	vld [tilespmem:s11+$0xF70]  }
0x20c: {  	v41 =	vld [tilespmem:s11+$0x1300]  }
0x20d: {  	v42 =	vld [tilespmem:s11+$0x1310]  }
0x20e: {  	v43 =	vld [tilespmem:s11+$0x1320]  }
0x20f: {  	v44 =	vld [tilespmem:s11+$0x1330]  }
0x210: {  	v45 =	vld [tilespmem:s11+$0x1340]  }
0x211: {  	v46 =	vld [tilespmem:s11+$0x1350]  }
0x212: {  	v47 =	vld [tilespmem:s11+$0x1360]  }
0x213: {  	v8 =	vld [tilespmem:s11+$0x1370]  }
0x214: {  	v7 =	vld [tilespmem:s11+$0x1700]  }
0x215: {  	v6 =	vld [tilespmem:s11+$0x1710]  }
0x216: {  	v5 =	vld [tilespmem:s11+$0x1720]  }
0x217: {  	v4 =	vld [tilespmem:s11+$0x1730]  }
0x218: {  	v3 =	vld [tilespmem:s11+$0x1740]  }
0x219: {  	v48 =	vld [tilespmem:s11+$0x6300]  }
0x21a: {  	v49 =	vld [tilespmem:s11+$0x6310]  }
0x21b: {  	v50 =	vld [tilespmem:s11+$0x6320]  }
0x21c: {  	v51 =	vld [tilespmem:s11+$0x6330]  }
0x21d: {  	v52 =	vld [tilespmem:s11+$0x6340]  }
0x21e: {  	v62 =	vld [tilespmem:s11+$0x6350];
	v9 =	vadd.f32 v9, v48  }
0x21f: {  	v63 =	vld [tilespmem:s11+$0x6360];
	v10 =	vadd.f32 v10, v49  }
0x220: {  	[tilespmem:s11+$0x6300] =	vst v9;
	v9 =	vadd.f32 v11, v50;
	v11 =	vld [tilespmem:s11+$0x6370]  }
0x221: {  	[tilespmem:s11+$0x6310] =	vst v10;
	v10 =	vadd.f32 v12, v51;
	v12 =	vld [tilespmem:s11+$0x6700]  }
0x222: {  	[tilespmem:s11+$0x6320] =	vst v9;
	v9 =	vadd.f32 v13, v52;
	v13 =	vld [tilespmem:s11+$0x6710]  }
0x223: {  	[tilespmem:s11+$0x6330] =	vst v10;
	v10 =	vadd.f32 v14, v62;
	v14 =	vld [tilespmem:s11+$0x6720]  }
0x224: {  	v2 =	vld [tilespmem:s11+$0x1750]  }
0x225: {  	[tilespmem:s11+$0x6340] =	vst v9;
	v9 =	vadd.f32 v15, v63;
	v15 =	vld [tilespmem:s11+$0x6770]  }
0x226: {  	[tilespmem:s11+$0x6350] =	vst v10;
	v10 =	vadd.f32 v16, v11;
	v11 =	vld [tilespmem:s11+$0x6730]  }
0x227: {  	[tilespmem:s11+$0x6360] =	vst v9;
	v9 =	vadd.f32 v17, v12;
	v12 =	vld [tilespmem:s11+$0x6740]  }
0x228: {  	[tilespmem:s11+$0x6370] =	vst v10;
	v10 =	vadd.f32 v18, v13;
	v13 =	vadd.f32 v19, v14;
	v14 =	vld [tilespmem:s11+$0x6760]  }
0x229: {  	[tilespmem:s11+$0x6700] =	vst v9;
	v9 =	vld [tilespmem:s11+$0x6750]  }
0x22a: {  	[tilespmem:s11+$0x6710] =	vst v10;
	v10 =	vld [tilespmem:s11+$0x6B00];
	v15 =	vadd.f32 v24, v15  }
0x22b: {  	[tilespmem:s11+$0x6720] =	vst v13;
	v13 =	vld [tilespmem:s11+$0x6B10];
	v11 =	vadd.f32 v20, v11  }
0x22c: {  	v1 =	vld [tilespmem:s11+$0x1760];
	v12 =	vadd.f32 v21, v12;
	[tilespmem:s11+$0x6770] =	vst v15  }
0x22d: {  	[tilespmem:s11+$0x6730] =	vst v11;
	v11 =	vld [tilespmem:s11+$0x6B20];
	v14 =	vadd.f32 v23, v14  }
0x22e: {  	v9 =	vadd.f32 v22, v9;
	[tilespmem:s11+$0x6740] =	vst v12;
	v12 =	vld [tilespmem:s11+$0x6B30]  }
0x22f: {  	v15 =	vld [tilespmem:s11+$0x6B70];
	[tilespmem:s11+$0x6760] =	vst v14;
	v10 =	vadd.f32 v25, v10  }
0x230: {  	v13 =	vadd.f32 v26, v13;
	[tilespmem:s11+$0x6750] =	vst v9;
	v9 =	vld [tilespmem:s11+$0x6B40]  }
0x231: {  	v14 =	vld [tilespmem:s11+$0x6B50];
	[tilespmem:s11+$0x6B00] =	vst v10  }
0x232: {  	[tilespmem:s11+$0x6B10] =	vst v13;
	v13 =	vld [tilespmem:s11+$0x6B60];
	v10 =	vadd.f32 v27, v11  }
0x233: {  	v11 =	vld [tilespmem:s11+$0x6F00];
	v12 =	vadd.f32 v28, v12  }
0x234: {  	[tilespmem:s11+$0x6B20] =	vst v10;
	v10 =	vld [tilespmem:s11+$0x6F10]  }
0x235: {  	v9 =	vadd.f32 v29, v9;
	[tilespmem:s11+$0x6B30] =	vst v12;
	v12 =	vld [tilespmem:s11+$0x6F20]  }
0x236: {  	v0 =	vld [tilespmem:s11+$0x1770];
	v14 =	vadd.f32 v30, v14  }
0x237: {  	v13 =	vadd.f32 v31, v13;
	[tilespmem:s11+$0x6B40] =	vst v9;
	v9 =	vld [tilespmem:s11+$0x6F30]  }
0x238: {  	[tilespmem:s11+$0x6B50] =	vst v14;
	v14 =	vld [tilespmem:s11+$0x6F40];
	v11 =	vadd.f32 v33, v11  }
0x239: {  	v15 =	vadd.f32 v32, v15;
	[tilespmem:s11+$0x6B60] =	vst v13;
	v13 =	vld [tilespmem:s11+$0x6F50]  }
0x23a: {  	v10 =	vadd.f32 v34, v10;
	[tilespmem:s11+$0x6F00] =	vst v11;
	v11 =	vadd.f32 v35, v12;
	v12 =	vld [tilespmem:s11+$0x6F60]  }
0x23b: {  	[tilespmem:s11+$0x6B70] =	vst v15;
	v15 =	vld [tilespmem:s11+$0x6F70]  }
0x23c: {  	[tilespmem:s11+$0x6F10] =	vst v10;
	v10 =	vld [tilespmem:s11+$0x7300];
	v9 =	vadd.f32 v36, v9  }
0x23d: {  	v14 =	vadd.f32 v37, v14;
	[tilespmem:s11+$0x6F20] =	vst v11;
	v11 =	vld [tilespmem:s11+$0x7310]  }
0x23e: {  	v13 =	vadd.f32 v38, v13;
	[tilespmem:s11+$0x6F30] =	vst v9;
	v9 =	vld [tilespmem:s11+$0x7320]  }
0x23f: {  	[tilespmem:s11+$0x6F40] =	vst v14;
	v14 =	vld [tilespmem:s11+$0x7330];
	v12 =	vadd.f32 v39, v12  }
0x240: {  	v16 =	vld [tilespmem:s11+$0x7340];
	[tilespmem:s11+$0x6F50] =	vst v13;
	v13 =	vadd.f32 v40, v15  }
0x241: {  	v15 =	vld [tilespmem:s11+$0x7350];
	v10 =	vadd.f32 v41, v10;
	[tilespmem:s11+$0x6F60] =	vst v12  }
0x242: {  	v17 =	vld [tilespmem:s11+$0x7360];
	[tilespmem:s11+$0x6F70] =	vst v13;
	v11 =	vadd.f32 v42, v11  }
0x243: {  	v13 =	vld [tilespmem:s11+$0x7370];
	[tilespmem:s11+$0x7300] =	vst v10;
	v9 =	vadd.f32 v43, v9  }
0x244: {  	v12 =	vld [tilespmem:s11+$0x7700];
	v10 =	vadd.f32 v44, v14;
	[tilespmem:s11+$0x7310] =	vst v11  }
0x245: {  	v11 =	vld [tilespmem:s11+$0x7710];
	[tilespmem:s11+$0x7320] =	vst v9;
	v9 =	vadd.f32 v45, v16  }
0x246: {  	[tilespmem:s11+$0x7330] =	vst v10;
	v10 =	vld [tilespmem:s11+$0x7720];
	v15 =	vadd.f32 v46, v15  }
0x247: {  	s12 =	simm.s32 $0x0;
	s10 =	simm.s32 $0x1;
	v14 =	vadd.f32 v47, v17;
	[tilespmem:s11+$0x7340] =	vst v9;
	v9 =	vld [tilespmem:s11+$0x7730]  }
.LBB2_5:
0x248: {  	s13 =	sshrl.u32 s10, $0x3;
	p0 =	sne.s32 s10, $0x1F;
	[tilespmem:s11+$0x7350] =	vst v15;
	v8 =	vadd.f32 v8, v13;
	v13 =	vld [tilespmem:s11+$0x7740]  }
0x249: {  	s12 =	sadd.s32 $0x80, s12;
	s13 =	smul.u32 $0x1800, s13;
	[tilespmem:s11+$0x7360] =	vst v14;
	v7 =	vadd.f32 v7, v12;
	v12 =	vld [tilespmem:s11+$0x7750]  }
0x24a: {  	s17 =	sand.u32 $0x380, s12;
	[tilespmem:s11+$0x7370] =	vst v8;
	v6 =	vadd.f32 v6, v11;
	v8 =	vld [tilespmem:s11+$0x7760]  }
0x24b: {  	s13 =	sor.u32 s17, s13;
	[tilespmem:s11+$0x7700] =	vst v7;
	v5 =	vadd.f32 v5, v10;
	v7 =	vld [tilespmem:s11+$0x7770]  }
0x24c: {  	v36 =	vld [tilespmem:s13+$0x300];
	[tilespmem:s11+$0x7710] =	vst v6;
	v4 =	vadd.f32 v4, v9  }
0x24d: {  	v37 =	vld [tilespmem:s13+$0x310];
	[tilespmem:s11+$0x7720] =	vst v5;
	v3 =	vadd.f32 v3, v13  }
0x24e: {  	v38 =	vld [tilespmem:s13+$0x320];
	[tilespmem:s11+$0x7730] =	vst v4;
	v2 =	vadd.f32 v2, v12  }
0x24f: {  	v39 =	vld [tilespmem:s13+$0x330];
	[tilespmem:s11+$0x7740] =	vst v3;
	v1 =	vadd.f32 v1, v8  }
0x250: {  	v40 =	vld [tilespmem:s13+$0x340];
	[tilespmem:s11+$0x7750] =	vst v2;
	v0 =	vadd.f32 v0, v7  }
0x251: {  	v41 =	vld [tilespmem:s13+$0x350];
	[tilespmem:s11+$0x7760] =	vst v1  }
0x252: {  	v42 =	vld [tilespmem:s13+$0x360];
	[tilespmem:s11+$0x7770] =	vst v0;
	s11 =	smov.u32 s13  }
0x253: {  	v43 =	vld [tilespmem:s11+$0x370]  }
0x254: {  	v44 =	vld [tilespmem:s11+$0x700]  }
0x255: {  	v45 =	vld [tilespmem:s11+$0x710]  }
0x256: {  	v46 =	vld [tilespmem:s11+$0x720]  }
0x257: {  	v47 =	vld [tilespmem:s11+$0x730]  }
0x258: {  	v35 =	vld [tilespmem:s11+$0x740]  }
0x259: {  	v34 =	vld [tilespmem:s11+$0x750]  }
0x25a: {  	v33 =	vld [tilespmem:s11+$0x760]  }
0x25b: {  	v32 =	vld [tilespmem:s11+$0x770]  }
0x25c: {  	v31 =	vld [tilespmem:s11+$0xB00]  }
0x25d: {  	v30 =	vld [tilespmem:s11+$0xB10]  }
0x25e: {  	v29 =	vld [tilespmem:s11+$0xB20]  }
0x25f: {  	v28 =	vld [tilespmem:s11+$0xB30]  }
0x260: {  	v27 =	vld [tilespmem:s11+$0xB40]  }
0x261: {  	v26 =	vld [tilespmem:s11+$0xB50]  }
0x262: {  	v25 =	vld [tilespmem:s11+$0xB60]  }
0x263: {  	v24 =	vld [tilespmem:s11+$0xB70]  }
0x264: {  	v23 =	vld [tilespmem:s11+$0xF00]  }
0x265: {  	v22 =	vld [tilespmem:s11+$0xF10]  }
0x266: {  	v21 =	vld [tilespmem:s11+$0xF20]  }
0x267: {  	v20 =	vld [tilespmem:s11+$0xF30]  }
0x268: {  	v19 =	vld [tilespmem:s11+$0xF40]  }
0x269: {  	v18 =	vld [tilespmem:s11+$0xF50]  }
0x26a: {  	v17 =	vld [tilespmem:s11+$0xF60]  }
0x26b: {  	v16 =	vld [tilespmem:s11+$0xF70]  }
0x26c: {  	v15 =	vld [tilespmem:s11+$0x1300]  }
0x26d: {  	v14 =	vld [tilespmem:s11+$0x1310]  }
0x26e: {  	v13 =	vld [tilespmem:s11+$0x1320]  }
0x26f: {  	v12 =	vld [tilespmem:s11+$0x1330]  }
0x270: {  	v11 =	vld [tilespmem:s11+$0x1340]  }
0x271: {  	v10 =	vld [tilespmem:s11+$0x1350]  }
0x272: {  	v9 =	vld [tilespmem:s11+$0x1360]  }
0x273: {  	v8 =	vld [tilespmem:s11+$0x1370]  }
0x274: {  	v7 =	vld [tilespmem:s11+$0x1700]  }
0x275: {  	v6 =	vld [tilespmem:s11+$0x1710]  }
0x276: {  	v5 =	vld [tilespmem:s11+$0x1720]  }
0x277: {  	v4 =	vld [tilespmem:s11+$0x1730]  }
0x278: {  	v3 =	vld [tilespmem:s11+$0x1740]  }
0x279: {  	v2 =	vld [tilespmem:s11+$0x1750]  }
0x27a: {  	v1 =	vld [tilespmem:s11+$0x1760]  }
0x27b: {  	v0 =	vld [tilespmem:s11+$0x1770]  }
0x27c: {  	v48 =	vld [tilespmem:s11+$0x6300]  }
0x27d: {  	v49 =	vld [tilespmem:s11+$0x6310]  }
0x27e: {  	v50 =	vld [tilespmem:s11+$0x6320]  }
0x27f: {  	v51 =	vld [tilespmem:s11+$0x6330]  }
0x280: {  	v52 =	vld [tilespmem:s11+$0x6340]  }
0x281: {  	v36 =	vadd.f32 v36, v48;
	v48 =	vld [tilespmem:s11+$0x6350]  }
0x282: {  	v37 =	vadd.f32 v37, v49;
	v49 =	vld [tilespmem:s11+$0x6360]  }
0x283: {  	[tilespmem:s11+$0x6300] =	vst v36;
	v36 =	vadd.f32 v38, v50;
	v38 =	vld [tilespmem:s11+$0x6370]  }
0x284: {  	[tilespmem:s11+$0x6310] =	vst v37;
	v37 =	vadd.f32 v39, v51;
	v39 =	vld [tilespmem:s11+$0x6700]  }
0x285: {  	[tilespmem:s11+$0x6320] =	vst v36;
	v36 =	vadd.f32 v40, v52;
	v40 =	vld [tilespmem:s11+$0x6710]  }
0x286: {  	[tilespmem:s11+$0x6330] =	vst v37;
	v37 =	vadd.f32 v41, v48;
	v41 =	vld [tilespmem:s11+$0x6720]  }
0x287: {  	[tilespmem:s11+$0x6340] =	vst v36;
	v36 =	vadd.f32 v42, v49;
	v42 =	vld [tilespmem:s11+$0x6730]  }
0x288: {  	[tilespmem:s11+$0x6350] =	vst v37;
	v37 =	vadd.f32 v43, v38;
	v38 =	vld [tilespmem:s11+$0x6740]  }
0x289: {  	[tilespmem:s11+$0x6360] =	vst v36;
	v36 =	vadd.f32 v44, v39;
	v39 =	vld [tilespmem:s11+$0x6750]  }
0x28a: {  	[tilespmem:s11+$0x6370] =	vst v37;
	v37 =	vadd.f32 v45, v40;
	v40 =	vld [tilespmem:s11+$0x6760]  }
0x28b: {  	[tilespmem:s11+$0x6700] =	vst v36;
	v36 =	vadd.f32 v46, v41;
	v41 =	vld [tilespmem:s11+$0x6770]  }
0x28c: {  	[tilespmem:s11+$0x6710] =	vst v37;
	v37 =	vadd.f32 v47, v42;
	v42 =	vld [tilespmem:s11+$0x6B00]  }
0x28d: {  	[tilespmem:s11+$0x6720] =	vst v36;
	v35 =	vadd.f32 v35, v38;
	v36 =	vld [tilespmem:s11+$0x6B10]  }
0x28e: {  	[tilespmem:s11+$0x6730] =	vst v37;
	v34 =	vadd.f32 v34, v39;
	v37 =	vld [tilespmem:s11+$0x6B20]  }
0x28f: {  	[tilespmem:s11+$0x6740] =	vst v35;
	v33 =	vadd.f32 v33, v40;
	v35 =	vld [tilespmem:s11+$0x6B30]  }
0x290: {  	[tilespmem:s11+$0x6750] =	vst v34;
	v32 =	vadd.f32 v32, v41;
	v34 =	vld [tilespmem:s11+$0x6B40]  }
0x291: {  	[tilespmem:s11+$0x6760] =	vst v33;
	v31 =	vadd.f32 v31, v42;
	v33 =	vld [tilespmem:s11+$0x6B50]  }
0x292: {  	[tilespmem:s11+$0x6770] =	vst v32;
	v30 =	vadd.f32 v30, v36;
	v32 =	vld [tilespmem:s11+$0x6B60]  }
0x293: {  	[tilespmem:s11+$0x6B00] =	vst v31;
	v29 =	vadd.f32 v29, v37;
	v31 =	vld [tilespmem:s11+$0x6B70]  }
0x294: {  	[tilespmem:s11+$0x6B10] =	vst v30;
	v28 =	vadd.f32 v28, v35;
	v30 =	vld [tilespmem:s11+$0x6F00]  }
0x295: {  	[tilespmem:s11+$0x6B20] =	vst v29;
	v27 =	vadd.f32 v27, v34;
	v29 =	vld [tilespmem:s11+$0x6F10]  }
0x296: {  	[tilespmem:s11+$0x6B30] =	vst v28;
	v26 =	vadd.f32 v26, v33;
	v28 =	vld [tilespmem:s11+$0x6F20]  }
0x297: {  	[tilespmem:s11+$0x6B40] =	vst v27;
	v25 =	vadd.f32 v25, v32;
	v27 =	vld [tilespmem:s11+$0x6F30]  }
0x298: {  	[tilespmem:s11+$0x6B50] =	vst v26;
	v24 =	vadd.f32 v24, v31;
	v26 =	vld [tilespmem:s11+$0x6F40]  }
0x299: {  	[tilespmem:s11+$0x6B60] =	vst v25;
	v23 =	vadd.f32 v23, v30;
	v25 =	vld [tilespmem:s11+$0x6F50]  }
0x29a: {  	[tilespmem:s11+$0x6B70] =	vst v24;
	v22 =	vadd.f32 v22, v29;
	v24 =	vld [tilespmem:s11+$0x6F60]  }
0x29b: {  	[tilespmem:s11+$0x6F00] =	vst v23;
	v21 =	vadd.f32 v21, v28;
	v23 =	vld [tilespmem:s11+$0x6F70]  }
0x29c: {  	[tilespmem:s11+$0x6F10] =	vst v22;
	v20 =	vadd.f32 v20, v27;
	v22 =	vld [tilespmem:s11+$0x7300]  }
0x29d: {  	[tilespmem:s11+$0x6F20] =	vst v21;
	v19 =	vadd.f32 v19, v26;
	v21 =	vld [tilespmem:s11+$0x7310]  }
0x29e: {  	[tilespmem:s11+$0x6F30] =	vst v20;
	v18 =	vadd.f32 v18, v25;
	v20 =	vld [tilespmem:s11+$0x7320]  }
0x29f: {  	[tilespmem:s11+$0x6F40] =	vst v19;
	v17 =	vadd.f32 v17, v24;
	v19 =	vld [tilespmem:s11+$0x7330]  }
0x2a0: {  	[tilespmem:s11+$0x6F50] =	vst v18;
	v16 =	vadd.f32 v16, v23;
	v18 =	vld [tilespmem:s11+$0x7340]  }
0x2a1: {  	[tilespmem:s11+$0x6F60] =	vst v17;
	v15 =	vadd.f32 v15, v22;
	v17 =	vld [tilespmem:s11+$0x7350]  }
0x2a2: {  	[tilespmem:s11+$0x6F70] =	vst v16;
	v14 =	vadd.f32 v14, v21;
	v16 =	vld [tilespmem:s11+$0x7360]  }
.Ltmp3:
0x2a3: {  	[tilespmem:s11+$0x7300] =	vst v15;
	v15 =	vadd.f32 v13, v20;
	v13 =	vld [tilespmem:s11+$0x7370];
	(pc) =	sbr.rel @p0 .LBB2_5-.Ltmp3, $4  }
0x2a4: {  	[tilespmem:s11+$0x7310] =	vst v14;
	v14 =	vadd.f32 v12, v19;
	v12 =	vld [tilespmem:s11+$0x7700]  }
0x2a5: {  	[tilespmem:s11+$0x7320] =	vst v15;
	v18 =	vadd.f32 v11, v18;
	v11 =	vld [tilespmem:s11+$0x7710]  }
0x2a6: {  	[tilespmem:s11+$0x7330] =	vst v14;
	v15 =	vadd.f32 v10, v17;
	v10 =	vld [tilespmem:s11+$0x7720]  }
0x2a7: {  	s10 =	sadd.s32 $0x1, s10;
	[tilespmem:s11+$0x7340] =	vst v18;
	v14 =	vadd.f32 v9, v16;
	v9 =	vld [tilespmem:s11+$0x7730]  }
0x2a8: {  	[tilespmem:s11+$0x7350] =	vst v15;
	v15 =	vld [tilespmem:s11+$0x7740];
	v8 =	vadd.f32 v8, v13  }
0x2a9: {  	v13 =	vld [tilespmem:s11+$0x7750];
	[tilespmem:s11+$0x7360] =	vst v14;
	v7 =	vadd.f32 v7, v12  }
0x2aa: {  	[tilespmem:s11+$0x7370] =	vst v8;
	v6 =	vadd.f32 v6, v11;
	v8 =	vld [tilespmem:s11+$0x7760]  }
0x2ab: {  	[tilespmem:s11+$0x7700] =	vst v7;
	v5 =	vadd.f32 v5, v10;
	v7 =	vld [tilespmem:s11+$0x7770]  }
0x2ac: {  	[tilespmem:s11+$0x7710] =	vst v6;
	v4 =	vadd.f32 v4, v9  }
0x2ad: {  	[tilespmem:s11+$0x7720] =	vst v5;
	v3 =	vadd.f32 v3, v15  }
0x2ae: {  	s10 =	smul.u32 $0x300000, s25;
	v2 =	vadd.f32 v2, v13;
	[tilespmem:s11+$0x7730] =	vst v4  }
0x2af: {  	[tilespmem:s11+$0x7740] =	vst v3;
	v1 =	vadd.f32 v1, v8  }
0x2b0: {  	s12 =	sor.u32 s6, s10;
	[tilespmem:s11+$0x7750] =	vst v2;
	v0 =	vadd.f32 v0, v7  }
0x2b1: {  	p0 =	seq.s32 s25, $0x0;
	s12 =	sshrl.u32 s12, $0x3;
	[tilespmem:s11+$0x7760] =	vst v1  }
0x2b2: {  	s17 =	sadd.s32 s4, s12;
	s12 =	simm.s32 @!p0 $0x8;
	[tilespmem:s11+$0x7770] =	vst v0  }
0x2b3: {  	[hbm4b:s17+s5] =	stream.linear.scatter [tilespmem:s18], [sflag:$0x5], $0x6000, $0x38;
	[tilespmem:$0x1E300] =	vst v63  }
0x2b4: {  	s11 =	sadd.s32 @!p0 $0x240000, s10;
	_ =	swait.ge @!p0 [sflag:s12], $0x6000  }
0x2b5: {  	s13 =	sadd.s32 @!p0 s6, s11;
	[sflag:s12] =	ssyncset.done @!p0 $0x0  }
0x2b6: {  	s3 =	simm.s32 $0x0;
	[sflag:s12] =	ssyncadd.s32 @!p0 $0xFFFFA000;
	s12 =	sshrl.u32 @!p0 s13, $0x3  }
0x2b7: {  	s17 =	simm.s32 @!p0 $0x18300;
	s13 =	simm.s32 @!p0 $0x0;
	s12 =	sadd.s32 @!p0 s1, s12  }
0x2b8: {  	[tilespmem:s17], [sflag:$0x4] =	stream.linear.gather @!p0 [hbm4b:s12+s13], $0x6000, $0x38;
	[tilespmem:$0x1E300] =	vst v63  }
0x2b9: {  	s13 =	simm.s32 $0x0;
	s12 =	smul.u32 $0x1800, s3;
	_ =	swait.ge [sflag:s28], $0x6000  }
0x2ba: {  	s7 =	sand.u32 $0x380, s13;
	[sflag:s28] =	ssyncset.done $0x0  }
0x2bb: {  	s12 =	sor.u32 s7, s12;
	[sflag:s28] =	ssyncadd.s32 $0xFFFFA000  }
0x2bc: {  	v11 =	vld [tilespmem:s12+$0x300]  }
0x2bd: {  	v12 =	vld [tilespmem:s12+$0x310]  }
0x2be: {  	v13 =	vld [tilespmem:s12+$0x320]  }
0x2bf: {  	v14 =	vld [tilespmem:s12+$0x330]  }
0x2c0: {  	v15 =	vld [tilespmem:s12+$0x340]  }
0x2c1: {  	v16 =	vld [tilespmem:s12+$0x350]  }
0x2c2: {  	v17 =	vld [tilespmem:s12+$0x360]  }
0x2c3: {  	v18 =	vld [tilespmem:s12+$0x370]  }
0x2c4: {  	v19 =	vld [tilespmem:s12+$0x700]  }
0x2c5: {  	v20 =	vld [tilespmem:s12+$0x710]  }
0x2c6: {  	v21 =	vld [tilespmem:s12+$0x720]  }
0x2c7: {  	v22 =	vld [tilespmem:s12+$0x730]  }
0x2c8: {  	v23 =	vld [tilespmem:s12+$0x740]  }
0x2c9: {  	v24 =	vld [tilespmem:s12+$0x750]  }
0x2ca: {  	v25 =	vld [tilespmem:s12+$0x760]  }
0x2cb: {  	v26 =	vld [tilespmem:s12+$0x770]  }
0x2cc: {  	v27 =	vld [tilespmem:s12+$0xB00]  }
0x2cd: {  	v28 =	vld [tilespmem:s12+$0xB10]  }
0x2ce: {  	v29 =	vld [tilespmem:s12+$0xB20]  }
0x2cf: {  	v30 =	vld [tilespmem:s12+$0xB30]  }
0x2d0: {  	v31 =	vld [tilespmem:s12+$0xB40]  }
0x2d1: {  	v32 =	vld [tilespmem:s12+$0xB50]  }
0x2d2: {  	v33 =	vld [tilespmem:s12+$0xB60]  }
0x2d3: {  	v34 =	vld [tilespmem:s12+$0xB70]  }
0x2d4: {  	v35 =	vld [tilespmem:s12+$0xF00]  }
0x2d5: {  	v36 =	vld [tilespmem:s12+$0xF10]  }
0x2d6: {  	v37 =	vld [tilespmem:s12+$0xF20]  }
0x2d7: {  	v38 =	vld [tilespmem:s12+$0xF30]  }
0x2d8: {  	v39 =	vld [tilespmem:s12+$0xF40]  }
0x2d9: {  	v40 =	vld [tilespmem:s12+$0xF50]  }
0x2da: {  	v41 =	vld [tilespmem:s12+$0xF60]  }
0x2db: {  	v42 =	vld [tilespmem:s12+$0xF70]  }
0x2dc: {  	v43 =	vld [tilespmem:s12+$0x1300]  }
0x2dd: {  	v44 =	vld [tilespmem:s12+$0x1310]  }
0x2de: {  	v45 =	vld [tilespmem:s12+$0x1320]  }
0x2df: {  	v46 =	vld [tilespmem:s12+$0x1330]  }
0x2e0: {  	v47 =	vld [tilespmem:s12+$0x1340]  }
0x2e1: {  	v9 =	vld [tilespmem:s12+$0x1350]  }
0x2e2: {  	v10 =	vld [tilespmem:s12+$0x1360]  }
0x2e3: {  	v8 =	vld [tilespmem:s12+$0x1370]  }
0x2e4: {  	v7 =	vld [tilespmem:s12+$0x1700]  }
0x2e5: {  	v6 =	vld [tilespmem:s12+$0x1710]  }
0x2e6: {  	v5 =	vld [tilespmem:s12+$0x1720]  }
0x2e7: {  	v4 =	vld [tilespmem:s12+$0x1730]  }
0x2e8: {  	v3 =	vld [tilespmem:s12+$0x1740]  }
0x2e9: {  	v48 =	vld [tilespmem:s12+$0xC300]  }
0x2ea: {  	v49 =	vld [tilespmem:s12+$0xC310]  }
0x2eb: {  	v50 =	vld [tilespmem:s12+$0xC320]  }
0x2ec: {  	v51 =	vld [tilespmem:s12+$0xC330]  }
0x2ed: {  	v52 =	vld [tilespmem:s12+$0xC340]  }
0x2ee: {  	v61 =	vld [tilespmem:s12+$0xC350];
	v11 =	vadd.f32 v11, v48  }
0x2ef: {  	v62 =	vld [tilespmem:s12+$0xC360];
	v12 =	vadd.f32 v12, v49  }
0x2f0: {  	[tilespmem:s12+$0xC300] =	vst v11;
	v11 =	vadd.f32 v13, v50;
	v13 =	vld [tilespmem:s12+$0xC370]  }
0x2f1: {  	[tilespmem:s12+$0xC310] =	vst v12;
	v12 =	vadd.f32 v14, v51;
	v14 =	vld [tilespmem:s12+$0xC700]  }
0x2f2: {  	[tilespmem:s12+$0xC320] =	vst v11;
	v11 =	vadd.f32 v15, v52;
	v15 =	vld [tilespmem:s12+$0xC710]  }
0x2f3: {  	[tilespmem:s12+$0xC330] =	vst v12;
	v12 =	vadd.f32 v16, v61;
	v16 =	vld [tilespmem:s12+$0xC720]  }
0x2f4: {  	v2 =	vld [tilespmem:s12+$0x1750];
	[tilespmem:s12+$0xC340] =	vst v11;
	v11 =	vadd.f32 v17, v62  }
0x2f5: {  	[tilespmem:s12+$0xC350] =	vst v12;
	v17 =	vld [tilespmem:s12+$0xC770];
	v12 =	vadd.f32 v18, v13  }
0x2f6: {  	v13 =	vld [tilespmem:s12+$0xC730];
	[tilespmem:s12+$0xC360] =	vst v11;
	v11 =	vadd.f32 v19, v14  }
0x2f7: {  	v14 =	vld [tilespmem:s12+$0xC740];
	[tilespmem:s12+$0xC370] =	vst v12  }
0x2f8: {  	v12 =	vadd.f32 v20, v15;
	v15 =	vadd.f32 v21, v16;
	[tilespmem:s12+$0xC700] =	vst v11;
	v11 =	vld [tilespmem:s12+$0xC750]  }
0x2f9: {  	v16 =	vld [tilespmem:s12+$0xC760]  }
0x2fa: {  	[tilespmem:s12+$0xC720] =	vst v15;
	v15 =	vld [tilespmem:s12+$0xCB10];
	v17 =	vadd.f32 v26, v17  }
0x2fb: {  	[tilespmem:s12+$0xC710] =	vst v12;
	v12 =	vld [tilespmem:s12+$0xCB00];
	v13 =	vadd.f32 v22, v13  }
0x2fc: {  	v1 =	vld [tilespmem:s12+$0x1760];
	v14 =	vadd.f32 v23, v14;
	[tilespmem:s12+$0xC770] =	vst v17  }
0x2fd: {  	[tilespmem:s12+$0xC730] =	vst v13;
	v13 =	vld [tilespmem:s12+$0xCB20];
	v11 =	vadd.f32 v24, v11  }
0x2fe: {  	v16 =	vadd.f32 v25, v16;
	[tilespmem:s12+$0xC740] =	vst v14;
	v14 =	vld [tilespmem:s12+$0xCB30]  }
0x2ff: {  	v15 =	vadd.f32 v28, v15;
	[tilespmem:s12+$0xC750] =	vst v11;
	v11 =	vld [tilespmem:s12+$0xCB40]  }
0x300: {  	[tilespmem:s12+$0xC760] =	vst v16;
	v12 =	vadd.f32 v27, v12;
	v16 =	vld [tilespmem:s12+$0xCB50]  }
0x301: {  	[tilespmem:s12+$0xCB10] =	vst v15;
	v15 =	vld [tilespmem:s12+$0xCB60]  }
0x302: {  	v17 =	vld [tilespmem:s12+$0xCB70];
	[tilespmem:s12+$0xCB00] =	vst v12;
	v12 =	vadd.f32 v29, v13  }
0x303: {  	v13 =	vld [tilespmem:s12+$0xCF00];
	v14 =	vadd.f32 v30, v14  }
0x304: {  	[tilespmem:s12+$0xCB20] =	vst v12;
	v12 =	vld [tilespmem:s12+$0xCF10];
	v11 =	vadd.f32 v31, v11  }
0x305: {  	v16 =	vadd.f32 v32, v16;
	[tilespmem:s12+$0xCB30] =	vst v14;
	v14 =	vld [tilespmem:s12+$0xCF20]  }
0x306: {  	v15 =	vadd.f32 v33, v15;
	[tilespmem:s12+$0xCB40] =	vst v11;
	v11 =	vld [tilespmem:s12+$0xCF30]  }
0x307: {  	v17 =	vadd.f32 v34, v17;
	[tilespmem:s12+$0xCB50] =	vst v16;
	v16 =	vld [tilespmem:s12+$0xCF40]  }
0x308: {  	v13 =	vadd.f32 v35, v13;
	[tilespmem:s12+$0xCB60] =	vst v15;
	v15 =	vld [tilespmem:s12+$0xCF50]  }
0x309: {  	[tilespmem:s12+$0xCB70] =	vst v17;
	v17 =	vld [tilespmem:s12+$0xCF70];
	v12 =	vadd.f32 v36, v12  }
0x30a: {  	[tilespmem:s12+$0xCF00] =	vst v13;
	v13 =	vadd.f32 v37, v14;
	v14 =	vld [tilespmem:s12+$0xCF60]  }
0x30b: {  	[tilespmem:s12+$0xCF10] =	vst v12;
	v12 =	vld [tilespmem:s12+$0xD300];
	v11 =	vadd.f32 v38, v11  }
0x30c: {  	v16 =	vadd.f32 v39, v16;
	[tilespmem:s12+$0xCF20] =	vst v13;
	v13 =	vld [tilespmem:s12+$0xD310]  }
0x30d: {  	v15 =	vadd.f32 v40, v15;
	[tilespmem:s12+$0xCF30] =	vst v11;
	v11 =	vld [tilespmem:s12+$0xD320]  }
0x30e: {  	v17 =	vadd.f32 v42, v17;
	[tilespmem:s12+$0xCF40] =	vst v16;
	v16 =	vld [tilespmem:s12+$0xD330]  }
0x30f: {  	v14 =	vadd.f32 v41, v14;
	[tilespmem:s12+$0xCF50] =	vst v15;
	v15 =	vld [tilespmem:s12+$0xD340]  }
0x310: {  	v0 =	vld [tilespmem:s12+$0x1770];
	[tilespmem:s12+$0xCF70] =	vst v17;
	v12 =	vadd.f32 v43, v12  }
0x311: {  	v63 =	vld [tilespmem:s12+$0xD350];
	[tilespmem:s12+$0xCF60] =	vst v14;
	v13 =	vadd.f32 v44, v13  }
0x312: {  	v17 =	vld [tilespmem:s12+$0xD360];
	[tilespmem:s12+$0xD300] =	vst v12;
	v11 =	vadd.f32 v45, v11  }
0x313: {  	v14 =	vld [tilespmem:s12+$0xD370];
	[tilespmem:s12+$0xD310] =	vst v13;
	v13 =	vadd.f32 v46, v16  }
0x314: {  	v12 =	vld [tilespmem:s12+$0xD700];
	v15 =	vadd.f32 v47, v15;
	[tilespmem:s12+$0xD320] =	vst v11  }
0x315: {  	v11 =	vld [tilespmem:s12+$0xD710];
	[tilespmem:s12+$0xD330] =	vst v13  }
0x316: {  	v13 =	vld [tilespmem:s12+$0xD720];
	[tilespmem:s12+$0xD340] =	vst v15;
	v15 =	vadd.f32 v9, v63  }
0x317: {  	s11 =	simm.s32 @p0 $0x240000;
	s17 =	simm.s32 $0x1;
	v10 =	vadd.f32 v10, v17;
	v9 =	vld [tilespmem:s12+$0xD730]  }
.LBB2_7:
0x318: {  	s7 =	sshrl.u32 s17, $0x3;
	p0 =	sne.s32 s17, $0x1F;
	[tilespmem:s12+$0xD350] =	vst v15;
	v8 =	vadd.f32 v8, v14;
	v14 =	vld [tilespmem:s12+$0xD740]  }
0x319: {  	s13 =	sadd.s32 $0x80, s13;
	s7 =	smul.u32 $0x1800, s7;
	[tilespmem:s12+$0xD360] =	vst v10;
	v7 =	vadd.f32 v7, v12;
	v10 =	vld [tilespmem:s12+$0xD750]  }
0x31a: {  	s3 =	sand.u32 $0x380, s13;
	[tilespmem:s12+$0xD370] =	vst v8;
	v6 =	vadd.f32 v6, v11;
	v8 =	vld [tilespmem:s12+$0xD760]  }
0x31b: {  	s3 =	sor.u32 s3, s7;
	[tilespmem:s12+$0xD700] =	vst v7;
	v5 =	vadd.f32 v5, v13;
	v7 =	vld [tilespmem:s12+$0xD770]  }
0x31c: {  	v36 =	vld [tilespmem:s3+$0x300];
	[tilespmem:s12+$0xD710] =	vst v6;
	v4 =	vadd.f32 v4, v9  }
0x31d: {  	v37 =	vld [tilespmem:s3+$0x310];
	[tilespmem:s12+$0xD720] =	vst v5;
	v3 =	vadd.f32 v3, v14  }
0x31e: {  	v38 =	vld [tilespmem:s3+$0x320];
	[tilespmem:s12+$0xD730] =	vst v4;
	v2 =	vadd.f32 v2, v10  }
0x31f: {  	v39 =	vld [tilespmem:s3+$0x330];
	[tilespmem:s12+$0xD740] =	vst v3;
	v1 =	vadd.f32 v1, v8  }
0x320: {  	v40 =	vld [tilespmem:s3+$0x340];
	[tilespmem:s12+$0xD750] =	vst v2;
	v0 =	vadd.f32 v0, v7  }
0x321: {  	v41 =	vld [tilespmem:s3+$0x350];
	[tilespmem:s12+$0xD760] =	vst v1  }
0x322: {  	v42 =	vld [tilespmem:s3+$0x360];
	[tilespmem:s12+$0xD770] =	vst v0;
	s12 =	smov.u32 s3  }
0x323: {  	v43 =	vld [tilespmem:s12+$0x370]  }
0x324: {  	v44 =	vld [tilespmem:s12+$0x700]  }
0x325: {  	v45 =	vld [tilespmem:s12+$0x710]  }
0x326: {  	v46 =	vld [tilespmem:s12+$0x720]  }
0x327: {  	v47 =	vld [tilespmem:s12+$0x730]  }
0x328: {  	v35 =	vld [tilespmem:s12+$0x740]  }
0x329: {  	v34 =	vld [tilespmem:s12+$0x750]  }
0x32a: {  	v33 =	vld [tilespmem:s12+$0x760]  }
0x32b: {  	v32 =	vld [tilespmem:s12+$0x770]  }
0x32c: {  	v31 =	vld [tilespmem:s12+$0xB00]  }
0x32d: {  	v30 =	vld [tilespmem:s12+$0xB10]  }
0x32e: {  	v29 =	vld [tilespmem:s12+$0xB20]  }
0x32f: {  	v28 =	vld [tilespmem:s12+$0xB30]  }
0x330: {  	v27 =	vld [tilespmem:s12+$0xB40]  }
0x331: {  	v26 =	vld [tilespmem:s12+$0xB50]  }
0x332: {  	v25 =	vld [tilespmem:s12+$0xB60]  }
0x333: {  	v24 =	vld [tilespmem:s12+$0xB70]  }
0x334: {  	v23 =	vld [tilespmem:s12+$0xF00]  }
0x335: {  	v22 =	vld [tilespmem:s12+$0xF10]  }
0x336: {  	v21 =	vld [tilespmem:s12+$0xF20]  }
0x337: {  	v20 =	vld [tilespmem:s12+$0xF30]  }
0x338: {  	v19 =	vld [tilespmem:s12+$0xF40]  }
0x339: {  	v18 =	vld [tilespmem:s12+$0xF50]  }
0x33a: {  	v17 =	vld [tilespmem:s12+$0xF60]  }
0x33b: {  	v16 =	vld [tilespmem:s12+$0xF70]  }
0x33c: {  	v15 =	vld [tilespmem:s12+$0x1300]  }
0x33d: {  	v14 =	vld [tilespmem:s12+$0x1310]  }
0x33e: {  	v13 =	vld [tilespmem:s12+$0x1320]  }
0x33f: {  	v12 =	vld [tilespmem:s12+$0x1330]  }
0x340: {  	v11 =	vld [tilespmem:s12+$0x1340]  }
0x341: {  	v10 =	vld [tilespmem:s12+$0x1350]  }
0x342: {  	v9 =	vld [tilespmem:s12+$0x1360]  }
0x343: {  	v8 =	vld [tilespmem:s12+$0x1370]  }
0x344: {  	v7 =	vld [tilespmem:s12+$0x1700]  }
0x345: {  	v6 =	vld [tilespmem:s12+$0x1710]  }
0x346: {  	v5 =	vld [tilespmem:s12+$0x1720]  }
0x347: {  	v4 =	vld [tilespmem:s12+$0x1730]  }
0x348: {  	v3 =	vld [tilespmem:s12+$0x1740]  }
0x349: {  	v2 =	vld [tilespmem:s12+$0x1750]  }
0x34a: {  	v1 =	vld [tilespmem:s12+$0x1760]  }
0x34b: {  	v0 =	vld [tilespmem:s12+$0x1770]  }
0x34c: {  	v48 =	vld [tilespmem:s12+$0xC300]  }
0x34d: {  	v49 =	vld [tilespmem:s12+$0xC310]  }
0x34e: {  	v50 =	vld [tilespmem:s12+$0xC320]  }
0x34f: {  	v51 =	vld [tilespmem:s12+$0xC330]  }
0x350: {  	v52 =	vld [tilespmem:s12+$0xC340]  }
0x351: {  	v36 =	vadd.f32 v36, v48;
	v48 =	vld [tilespmem:s12+$0xC350]  }
0x352: {  	v37 =	vadd.f32 v37, v49;
	v49 =	vld [tilespmem:s12+$0xC360]  }
0x353: {  	[tilespmem:s12+$0xC300] =	vst v36;
	v36 =	vadd.f32 v38, v50;
	v38 =	vld [tilespmem:s12+$0xC370]  }
0x354: {  	[tilespmem:s12+$0xC310] =	vst v37;
	v37 =	vadd.f32 v39, v51;
	v39 =	vld [tilespmem:s12+$0xC700]  }
0x355: {  	[tilespmem:s12+$0xC320] =	vst v36;
	v36 =	vadd.f32 v40, v52;
	v40 =	vld [tilespmem:s12+$0xC710]  }
0x356: {  	[tilespmem:s12+$0xC330] =	vst v37;
	v37 =	vadd.f32 v41, v48;
	v41 =	vld [tilespmem:s12+$0xC720]  }
0x357: {  	[tilespmem:s12+$0xC340] =	vst v36;
	v36 =	vadd.f32 v42, v49;
	v42 =	vld [tilespmem:s12+$0xC730]  }
0x358: {  	[tilespmem:s12+$0xC350] =	vst v37;
	v37 =	vadd.f32 v43, v38;
	v38 =	vld [tilespmem:s12+$0xC740]  }
0x359: {  	[tilespmem:s12+$0xC360] =	vst v36;
	v36 =	vadd.f32 v44, v39;
	v39 =	vld [tilespmem:s12+$0xC750]  }
0x35a: {  	[tilespmem:s12+$0xC370] =	vst v37;
	v37 =	vadd.f32 v45, v40;
	v40 =	vld [tilespmem:s12+$0xC760]  }
0x35b: {  	[tilespmem:s12+$0xC700] =	vst v36;
	v36 =	vadd.f32 v46, v41;
	v41 =	vld [tilespmem:s12+$0xC770]  }
0x35c: {  	[tilespmem:s12+$0xC710] =	vst v37;
	v37 =	vadd.f32 v47, v42;
	v42 =	vld [tilespmem:s12+$0xCB00]  }
0x35d: {  	[tilespmem:s12+$0xC720] =	vst v36;
	v35 =	vadd.f32 v35, v38;
	v36 =	vld [tilespmem:s12+$0xCB10]  }
0x35e: {  	[tilespmem:s12+$0xC730] =	vst v37;
	v34 =	vadd.f32 v34, v39;
	v37 =	vld [tilespmem:s12+$0xCB20]  }
0x35f: {  	[tilespmem:s12+$0xC740] =	vst v35;
	v33 =	vadd.f32 v33, v40;
	v35 =	vld [tilespmem:s12+$0xCB30]  }
0x360: {  	[tilespmem:s12+$0xC750] =	vst v34;
	v32 =	vadd.f32 v32, v41;
	v34 =	vld [tilespmem:s12+$0xCB40]  }
0x361: {  	[tilespmem:s12+$0xC760] =	vst v33;
	v31 =	vadd.f32 v31, v42;
	v33 =	vld [tilespmem:s12+$0xCB50]  }
0x362: {  	[tilespmem:s12+$0xC770] =	vst v32;
	v30 =	vadd.f32 v30, v36;
	v32 =	vld [tilespmem:s12+$0xCB60]  }
0x363: {  	[tilespmem:s12+$0xCB00] =	vst v31;
	v29 =	vadd.f32 v29, v37;
	v31 =	vld [tilespmem:s12+$0xCB70]  }
0x364: {  	[tilespmem:s12+$0xCB10] =	vst v30;
	v28 =	vadd.f32 v28, v35;
	v30 =	vld [tilespmem:s12+$0xCF00]  }
0x365: {  	[tilespmem:s12+$0xCB20] =	vst v29;
	v27 =	vadd.f32 v27, v34;
	v29 =	vld [tilespmem:s12+$0xCF10]  }
0x366: {  	[tilespmem:s12+$0xCB30] =	vst v28;
	v26 =	vadd.f32 v26, v33;
	v28 =	vld [tilespmem:s12+$0xCF20]  }
0x367: {  	[tilespmem:s12+$0xCB40] =	vst v27;
	v25 =	vadd.f32 v25, v32;
	v27 =	vld [tilespmem:s12+$0xCF30]  }
0x368: {  	[tilespmem:s12+$0xCB50] =	vst v26;
	v24 =	vadd.f32 v24, v31;
	v26 =	vld [tilespmem:s12+$0xCF40]  }
0x369: {  	[tilespmem:s12+$0xCB60] =	vst v25;
	v23 =	vadd.f32 v23, v30;
	v25 =	vld [tilespmem:s12+$0xCF50]  }
0x36a: {  	[tilespmem:s12+$0xCB70] =	vst v24;
	v22 =	vadd.f32 v22, v29;
	v24 =	vld [tilespmem:s12+$0xCF60]  }
0x36b: {  	[tilespmem:s12+$0xCF00] =	vst v23;
	v21 =	vadd.f32 v21, v28;
	v23 =	vld [tilespmem:s12+$0xCF70]  }
0x36c: {  	[tilespmem:s12+$0xCF10] =	vst v22;
	v20 =	vadd.f32 v20, v27;
	v22 =	vld [tilespmem:s12+$0xD300]  }
0x36d: {  	[tilespmem:s12+$0xCF20] =	vst v21;
	v19 =	vadd.f32 v19, v26;
	v21 =	vld [tilespmem:s12+$0xD310]  }
0x36e: {  	[tilespmem:s12+$0xCF30] =	vst v20;
	v18 =	vadd.f32 v18, v25;
	v20 =	vld [tilespmem:s12+$0xD320]  }
0x36f: {  	[tilespmem:s12+$0xCF40] =	vst v19;
	v17 =	vadd.f32 v17, v24;
	v19 =	vld [tilespmem:s12+$0xD330]  }
0x370: {  	[tilespmem:s12+$0xCF50] =	vst v18;
	v16 =	vadd.f32 v16, v23;
	v18 =	vld [tilespmem:s12+$0xD340]  }
0x371: {  	[tilespmem:s12+$0xCF60] =	vst v17;
	v15 =	vadd.f32 v15, v22;
	v17 =	vld [tilespmem:s12+$0xD350]  }
0x372: {  	[tilespmem:s12+$0xCF70] =	vst v16;
	v16 =	vadd.f32 v14, v21;
	v21 =	vld [tilespmem:s12+$0xD360]  }
.Ltmp4:
0x373: {  	[tilespmem:s12+$0xD300] =	vst v15;
	v13 =	vadd.f32 v13, v20;
	v14 =	vld [tilespmem:s12+$0xD370];
	(pc) =	sbr.rel @p0 .LBB2_7-.Ltmp4, $4  }
0x374: {  	[tilespmem:s12+$0xD310] =	vst v16;
	v15 =	vadd.f32 v12, v19;
	v12 =	vld [tilespmem:s12+$0xD700]  }
0x375: {  	[tilespmem:s12+$0xD320] =	vst v13;
	v16 =	vadd.f32 v11, v18;
	v11 =	vld [tilespmem:s12+$0xD710]  }
0x376: {  	[tilespmem:s12+$0xD330] =	vst v15;
	v15 =	vadd.f32 v10, v17;
	v13 =	vld [tilespmem:s12+$0xD720]  }
0x377: {  	s17 =	sadd.s32 $0x1, s17;
	[tilespmem:s12+$0xD340] =	vst v16;
	v10 =	vadd.f32 v9, v21;
	v9 =	vld [tilespmem:s12+$0xD730]  }
0x378: {  	[tilespmem:s12+$0xD350] =	vst v15;
	v15 =	vld [tilespmem:s12+$0xD740];
	v8 =	vadd.f32 v8, v14  }
0x379: {  	[tilespmem:s12+$0xD360] =	vst v10;
	v10 =	vld [tilespmem:s12+$0xD750];
	v7 =	vadd.f32 v7, v12  }
0x37a: {  	[tilespmem:s12+$0xD370] =	vst v8;
	v6 =	vadd.f32 v6, v11;
	v8 =	vld [tilespmem:s12+$0xD760]  }
0x37b: {  	[tilespmem:s12+$0xD700] =	vst v7;
	v5 =	vadd.f32 v5, v13;
	v7 =	vld [tilespmem:s12+$0xD770]  }
0x37c: {  	[tilespmem:s12+$0xD710] =	vst v6;
	v4 =	vadd.f32 v4, v9  }
0x37d: {  	[tilespmem:s12+$0xD720] =	vst v5;
	v3 =	vadd.f32 v3, v15  }
0x37e: {  	[tilespmem:s12+$0xD730] =	vst v4;
	v2 =	vadd.f32 v2, v10  }
0x37f: {  	[tilespmem:s12+$0xD740] =	vst v3;
	v1 =	vadd.f32 v1, v8  }
0x380: {  	s3 =	sadd.s32 s10, s8;
	[tilespmem:s12+$0xD750] =	vst v2;
	v0 =	vadd.f32 v0, v7  }
0x381: {  	s3 =	sshrl.u32 s3, $0x3;
	[tilespmem:s12+$0xD760] =	vst v1  }
0x382: {  	p0 =	seq.s32 s25, $0xF;
	s3 =	sadd.s32 s4, s3;
	[tilespmem:s12+$0xD770] =	vst v0  }
0x383: {  	[hbm4b:s3+s5] =	stream.linear.scatter [tilespmem:s19], [sflag:$0x6], $0x6000, $0x38;
	[tilespmem:$0x1E300] =	vst v63  }
0x384: {  	s3 =	sadd.s32 @!p0 s14, s10;
	_ =	swait.ge [sflag:s29], $0x6000  }
0x385: {  	s7 =	simm.s32 @!p0 $0x0;
	s3 =	sshrl.u32 @!p0 s3, $0x3;
	[sflag:s29] =	ssyncset.done $0x0  }
0x386: {  	s12 =	simm.s32 @!p0 $0x6300;
	s3 =	sadd.s32 @!p0 s1, s3;
	[sflag:s29] =	ssyncadd.s32 $0xFFFFA000  }
0x387: {  	[tilespmem:s12], [sflag:$0x1] =	stream.linear.gather @!p0 [hbm4b:s3+s7], $0x6000, $0x38;
	[tilespmem:$0x1E300] =	vst v63  }
0x388: {  	s12 =	simm.s32 $0x0  }
0x389: {  	s13 =	simm.s32 $0x0;
	_ =	swait.ge [sflag:s30], $0x6000;
	s3 =	smul.u32 $0x1800, s12  }
0x38a: {  	s17 =	sand.u32 $0x380, s13;
	[sflag:s30] =	ssyncset.done $0x0  }
0x38b: {  	[sflag:s30] =	ssyncadd.s32 $0xFFFFA000;
	s12 =	sor.u32 s17, s3  }
0x38c: {  	v9 =	vld [tilespmem:s12+$0x300]  }
0x38d: {  	v10 =	vld [tilespmem:s12+$0x310]  }
0x38e: {  	v11 =	vld [tilespmem:s12+$0x320]  }
0x38f: {  	v12 =	vld [tilespmem:s12+$0x330]  }
0x390: {  	v13 =	vld [tilespmem:s12+$0x340]  }
0x391: {  	v14 =	vld [tilespmem:s12+$0x350]  }
0x392: {  	v15 =	vld [tilespmem:s12+$0x360]  }
0x393: {  	v16 =	vld [tilespmem:s12+$0x370]  }
0x394: {  	v17 =	vld [tilespmem:s12+$0x700]  }
0x395: {  	v18 =	vld [tilespmem:s12+$0x710]  }
0x396: {  	v19 =	vld [tilespmem:s12+$0x720]  }
0x397: {  	v20 =	vld [tilespmem:s12+$0x730]  }
0x398: {  	v21 =	vld [tilespmem:s12+$0x740]  }
0x399: {  	v22 =	vld [tilespmem:s12+$0x750]  }
0x39a: {  	v23 =	vld [tilespmem:s12+$0x760]  }
0x39b: {  	v24 =	vld [tilespmem:s12+$0x770]  }
0x39c: {  	v25 =	vld [tilespmem:s12+$0xB00]  }
0x39d: {  	v26 =	vld [tilespmem:s12+$0xB10]  }
0x39e: {  	v27 =	vld [tilespmem:s12+$0xB20]  }
0x39f: {  	v28 =	vld [tilespmem:s12+$0xB30]  }
0x3a0: {  	v29 =	vld [tilespmem:s12+$0xB40]  }
0x3a1: {  	v30 =	vld [tilespmem:s12+$0xB50]  }
0x3a2: {  	v31 =	vld [tilespmem:s12+$0xB60]  }
0x3a3: {  	v32 =	vld [tilespmem:s12+$0xB70]  }
0x3a4: {  	v33 =	vld [tilespmem:s12+$0xF00]  }
0x3a5: {  	v34 =	vld [tilespmem:s12+$0xF10]  }
0x3a6: {  	v35 =	vld [tilespmem:s12+$0xF20]  }
0x3a7: {  	v36 =	vld [tilespmem:s12+$0xF30]  }
0x3a8: {  	v37 =	vld [tilespmem:s12+$0xF40]  }
0x3a9: {  	v38 =	vld [tilespmem:s12+$0xF50]  }
0x3aa: {  	v39 =	vld [tilespmem:s12+$0xF60]  }
0x3ab: {  	v40 =	vld [tilespmem:s12+$0xF70]  }
0x3ac: {  	v41 =	vld [tilespmem:s12+$0x1300]  }
0x3ad: {  	v42 =	vld [tilespmem:s12+$0x1310]  }
0x3ae: {  	v43 =	vld [tilespmem:s12+$0x1320]  }
0x3af: {  	v44 =	vld [tilespmem:s12+$0x1330]  }
0x3b0: {  	v45 =	vld [tilespmem:s12+$0x1340]  }
0x3b1: {  	v46 =	vld [tilespmem:s12+$0x1350]  }
0x3b2: {  	v47 =	vld [tilespmem:s12+$0x1360]  }
0x3b3: {  	v8 =	vld [tilespmem:s12+$0x1370]  }
0x3b4: {  	v7 =	vld [tilespmem:s12+$0x1700]  }
0x3b5: {  	v6 =	vld [tilespmem:s12+$0x1710]  }
0x3b6: {  	v5 =	vld [tilespmem:s12+$0x1720]  }
0x3b7: {  	v4 =	vld [tilespmem:s12+$0x1730]  }
0x3b8: {  	v3 =	vld [tilespmem:s12+$0x1740]  }
0x3b9: {  	v48 =	vld [tilespmem:s12+$0x12300]  }
0x3ba: {  	v49 =	vld [tilespmem:s12+$0x12310]  }
0x3bb: {  	v50 =	vld [tilespmem:s12+$0x12320]  }
0x3bc: {  	v51 =	vld [tilespmem:s12+$0x12330]  }
0x3bd: {  	v52 =	vld [tilespmem:s12+$0x12340]  }
0x3be: {  	v62 =	vld [tilespmem:s12+$0x12350];
	v9 =	vadd.f32 v9, v48  }
0x3bf: {  	v63 =	vld [tilespmem:s12+$0x12360];
	v10 =	vadd.f32 v10, v49  }
0x3c0: {  	[tilespmem:s12+$0x12300] =	vst v9;
	v9 =	vadd.f32 v11, v50;
	v11 =	vld [tilespmem:s12+$0x12370]  }
0x3c1: {  	[tilespmem:s12+$0x12310] =	vst v10;
	v10 =	vadd.f32 v12, v51;
	v12 =	vld [tilespmem:s12+$0x12700]  }
0x3c2: {  	[tilespmem:s12+$0x12320] =	vst v9;
	v9 =	vadd.f32 v13, v52;
	v13 =	vld [tilespmem:s12+$0x12710]  }
0x3c3: {  	[tilespmem:s12+$0x12330] =	vst v10;
	v10 =	vadd.f32 v14, v62;
	v14 =	vld [tilespmem:s12+$0x12720]  }
0x3c4: {  	v2 =	vld [tilespmem:s12+$0x1750]  }
0x3c5: {  	[tilespmem:s12+$0x12340] =	vst v9;
	v9 =	vadd.f32 v15, v63;
	v15 =	vld [tilespmem:s12+$0x12770]  }
0x3c6: {  	[tilespmem:s12+$0x12350] =	vst v10;
	v10 =	vadd.f32 v16, v11;
	v11 =	vld [tilespmem:s12+$0x12730]  }
0x3c7: {  	[tilespmem:s12+$0x12360] =	vst v9;
	v9 =	vadd.f32 v17, v12;
	v12 =	vld [tilespmem:s12+$0x12740]  }
0x3c8: {  	[tilespmem:s12+$0x12370] =	vst v10;
	v10 =	vadd.f32 v18, v13;
	v13 =	vadd.f32 v19, v14;
	v14 =	vld [tilespmem:s12+$0x12760]  }
0x3c9: {  	[tilespmem:s12+$0x12700] =	vst v9;
	v9 =	vld [tilespmem:s12+$0x12750]  }
0x3ca: {  	[tilespmem:s12+$0x12710] =	vst v10;
	v10 =	vld [tilespmem:s12+$0x12B00];
	v15 =	vadd.f32 v24, v15  }
0x3cb: {  	[tilespmem:s12+$0x12720] =	vst v13;
	v13 =	vld [tilespmem:s12+$0x12B10];
	v11 =	vadd.f32 v20, v11  }
0x3cc: {  	v1 =	vld [tilespmem:s12+$0x1760];
	v12 =	vadd.f32 v21, v12;
	[tilespmem:s12+$0x12770] =	vst v15  }
0x3cd: {  	[tilespmem:s12+$0x12730] =	vst v11;
	v11 =	vld [tilespmem:s12+$0x12B20];
	v14 =	vadd.f32 v23, v14  }
0x3ce: {  	v9 =	vadd.f32 v22, v9;
	[tilespmem:s12+$0x12740] =	vst v12;
	v12 =	vld [tilespmem:s12+$0x12B30]  }
0x3cf: {  	v15 =	vld [tilespmem:s12+$0x12B70];
	[tilespmem:s12+$0x12760] =	vst v14;
	v10 =	vadd.f32 v25, v10  }
0x3d0: {  	v13 =	vadd.f32 v26, v13;
	[tilespmem:s12+$0x12750] =	vst v9;
	v9 =	vld [tilespmem:s12+$0x12B40]  }
0x3d1: {  	v14 =	vld [tilespmem:s12+$0x12B50];
	[tilespmem:s12+$0x12B00] =	vst v10  }
0x3d2: {  	[tilespmem:s12+$0x12B10] =	vst v13;
	v13 =	vld [tilespmem:s12+$0x12B60];
	v10 =	vadd.f32 v27, v11  }
0x3d3: {  	v11 =	vld [tilespmem:s12+$0x12F00];
	v12 =	vadd.f32 v28, v12  }
0x3d4: {  	[tilespmem:s12+$0x12B20] =	vst v10;
	v10 =	vld [tilespmem:s12+$0x12F10]  }
0x3d5: {  	v9 =	vadd.f32 v29, v9;
	[tilespmem:s12+$0x12B30] =	vst v12;
	v12 =	vld [tilespmem:s12+$0x12F20]  }
0x3d6: {  	v0 =	vld [tilespmem:s12+$0x1770];
	v14 =	vadd.f32 v30, v14  }
0x3d7: {  	v13 =	vadd.f32 v31, v13;
	[tilespmem:s12+$0x12B40] =	vst v9;
	v9 =	vld [tilespmem:s12+$0x12F30]  }
0x3d8: {  	[tilespmem:s12+$0x12B50] =	vst v14;
	v14 =	vld [tilespmem:s12+$0x12F40];
	v11 =	vadd.f32 v33, v11  }
0x3d9: {  	v15 =	vadd.f32 v32, v15;
	[tilespmem:s12+$0x12B60] =	vst v13;
	v13 =	vld [tilespmem:s12+$0x12F50]  }
0x3da: {  	v10 =	vadd.f32 v34, v10;
	[tilespmem:s12+$0x12F00] =	vst v11;
	v11 =	vadd.f32 v35, v12;
	v12 =	vld [tilespmem:s12+$0x12F60]  }
0x3db: {  	[tilespmem:s12+$0x12B70] =	vst v15;
	v15 =	vld [tilespmem:s12+$0x12F70]  }
0x3dc: {  	[tilespmem:s12+$0x12F10] =	vst v10;
	v10 =	vld [tilespmem:s12+$0x13300];
	v9 =	vadd.f32 v36, v9  }
0x3dd: {  	v14 =	vadd.f32 v37, v14;
	[tilespmem:s12+$0x12F20] =	vst v11;
	v11 =	vld [tilespmem:s12+$0x13310]  }
0x3de: {  	v13 =	vadd.f32 v38, v13;
	[tilespmem:s12+$0x12F30] =	vst v9;
	v9 =	vld [tilespmem:s12+$0x13320]  }
0x3df: {  	[tilespmem:s12+$0x12F40] =	vst v14;
	v14 =	vld [tilespmem:s12+$0x13330];
	v12 =	vadd.f32 v39, v12  }
0x3e0: {  	v16 =	vld [tilespmem:s12+$0x13340];
	[tilespmem:s12+$0x12F50] =	vst v13;
	v13 =	vadd.f32 v40, v15  }
0x3e1: {  	v15 =	vld [tilespmem:s12+$0x13350];
	v10 =	vadd.f32 v41, v10;
	[tilespmem:s12+$0x12F60] =	vst v12  }
0x3e2: {  	v17 =	vld [tilespmem:s12+$0x13360];
	[tilespmem:s12+$0x12F70] =	vst v13;
	v11 =	vadd.f32 v42, v11  }
0x3e3: {  	v13 =	vld [tilespmem:s12+$0x13370];
	[tilespmem:s12+$0x13300] =	vst v10;
	v9 =	vadd.f32 v43, v9  }
0x3e4: {  	v12 =	vld [tilespmem:s12+$0x13700];
	v10 =	vadd.f32 v44, v14;
	[tilespmem:s12+$0x13310] =	vst v11  }
0x3e5: {  	v11 =	vld [tilespmem:s12+$0x13710];
	[tilespmem:s12+$0x13320] =	vst v9;
	v9 =	vadd.f32 v45, v16  }
0x3e6: {  	[tilespmem:s12+$0x13330] =	vst v10;
	v10 =	vld [tilespmem:s12+$0x13720];
	v15 =	vadd.f32 v46, v15  }
0x3e7: {  	s17 =	simm.s32 $0x1;
	v14 =	vadd.f32 v47, v17;
	[tilespmem:s12+$0x13340] =	vst v9;
	v9 =	vld [tilespmem:s12+$0x13730]  }
.LBB2_9:
0x3e8: {  	s3 =	sshrl.u32 s17, $0x3;
	p1 =	sne.s32 s17, $0x1F;
	[tilespmem:s12+$0x13350] =	vst v15;
	v8 =	vadd.f32 v8, v13;
	v13 =	vld [tilespmem:s12+$0x13740]  }
0x3e9: {  	s13 =	sadd.s32 $0x80, s13;
	s3 =	smul.u32 $0x1800, s3;
	[tilespmem:s12+$0x13360] =	vst v14;
	v7 =	vadd.f32 v7, v12;
	v12 =	vld [tilespmem:s12+$0x13750]  }
0x3ea: {  	s7 =	sand.u32 $0x380, s13;
	[tilespmem:s12+$0x13370] =	vst v8;
	v6 =	vadd.f32 v6, v11;
	v8 =	vld [tilespmem:s12+$0x13760]  }
0x3eb: {  	s3 =	sor.u32 s7, s3;
	[tilespmem:s12+$0x13700] =	vst v7;
	v5 =	vadd.f32 v5, v10;
	v7 =	vld [tilespmem:s12+$0x13770]  }
0x3ec: {  	v36 =	vld [tilespmem:s3+$0x300];
	[tilespmem:s12+$0x13710] =	vst v6;
	v4 =	vadd.f32 v4, v9  }
0x3ed: {  	v37 =	vld [tilespmem:s3+$0x310];
	[tilespmem:s12+$0x13720] =	vst v5;
	v3 =	vadd.f32 v3, v13  }
0x3ee: {  	v38 =	vld [tilespmem:s3+$0x320];
	[tilespmem:s12+$0x13730] =	vst v4;
	v2 =	vadd.f32 v2, v12  }
0x3ef: {  	v39 =	vld [tilespmem:s3+$0x330];
	[tilespmem:s12+$0x13740] =	vst v3;
	v1 =	vadd.f32 v1, v8  }
0x3f0: {  	v40 =	vld [tilespmem:s3+$0x340];
	[tilespmem:s12+$0x13750] =	vst v2;
	v0 =	vadd.f32 v0, v7  }
0x3f1: {  	v41 =	vld [tilespmem:s3+$0x350];
	[tilespmem:s12+$0x13760] =	vst v1  }
0x3f2: {  	v42 =	vld [tilespmem:s3+$0x360];
	[tilespmem:s12+$0x13770] =	vst v0;
	s12 =	smov.u32 s3  }
0x3f3: {  	v43 =	vld [tilespmem:s12+$0x370]  }
0x3f4: {  	v44 =	vld [tilespmem:s12+$0x700]  }
0x3f5: {  	v45 =	vld [tilespmem:s12+$0x710]  }
0x3f6: {  	v46 =	vld [tilespmem:s12+$0x720]  }
0x3f7: {  	v47 =	vld [tilespmem:s12+$0x730]  }
0x3f8: {  	v35 =	vld [tilespmem:s12+$0x740]  }
0x3f9: {  	v34 =	vld [tilespmem:s12+$0x750]  }
0x3fa: {  	v33 =	vld [tilespmem:s12+$0x760]  }
0x3fb: {  	v32 =	vld [tilespmem:s12+$0x770]  }
0x3fc: {  	v31 =	vld [tilespmem:s12+$0xB00]  }
0x3fd: {  	v30 =	vld [tilespmem:s12+$0xB10]  }
0x3fe: {  	v29 =	vld [tilespmem:s12+$0xB20]  }
0x3ff: {  	v28 =	vld [tilespmem:s12+$0xB30]  }
0x400: {  	v27 =	vld [tilespmem:s12+$0xB40]  }
0x401: {  	v26 =	vld [tilespmem:s12+$0xB50]  }
0x402: {  	v25 =	vld [tilespmem:s12+$0xB60]  }
0x403: {  	v24 =	vld [tilespmem:s12+$0xB70]  }
0x404: {  	v23 =	vld [tilespmem:s12+$0xF00]  }
0x405: {  	v22 =	vld [tilespmem:s12+$0xF10]  }
0x406: {  	v21 =	vld [tilespmem:s12+$0xF20]  }
0x407: {  	v20 =	vld [tilespmem:s12+$0xF30]  }
0x408: {  	v19 =	vld [tilespmem:s12+$0xF40]  }
0x409: {  	v18 =	vld [tilespmem:s12+$0xF50]  }
0x40a: {  	v17 =	vld [tilespmem:s12+$0xF60]  }
0x40b: {  	v16 =	vld [tilespmem:s12+$0xF70]  }
0x40c: {  	v15 =	vld [tilespmem:s12+$0x1300]  }
0x40d: {  	v14 =	vld [tilespmem:s12+$0x1310]  }
0x40e: {  	v13 =	vld [tilespmem:s12+$0x1320]  }
0x40f: {  	v12 =	vld [tilespmem:s12+$0x1330]  }
0x410: {  	v11 =	vld [tilespmem:s12+$0x1340]  }
0x411: {  	v10 =	vld [tilespmem:s12+$0x1350]  }
0x412: {  	v9 =	vld [tilespmem:s12+$0x1360]  }
0x413: {  	v8 =	vld [tilespmem:s12+$0x1370]  }
0x414: {  	v7 =	vld [tilespmem:s12+$0x1700]  }
0x415: {  	v6 =	vld [tilespmem:s12+$0x1710]  }
0x416: {  	v5 =	vld [tilespmem:s12+$0x1720]  }
0x417: {  	v4 =	vld [tilespmem:s12+$0x1730]  }
0x418: {  	v3 =	vld [tilespmem:s12+$0x1740]  }
0x419: {  	v2 =	vld [tilespmem:s12+$0x1750]  }
0x41a: {  	v1 =	vld [tilespmem:s12+$0x1760]  }
0x41b: {  	v0 =	vld [tilespmem:s12+$0x1770]  }
0x41c: {  	v48 =	vld [tilespmem:s12+$0x12300]  }
0x41d: {  	v49 =	vld [tilespmem:s12+$0x12310]  }
0x41e: {  	v50 =	vld [tilespmem:s12+$0x12320]  }
0x41f: {  	v51 =	vld [tilespmem:s12+$0x12330]  }
0x420: {  	v52 =	vld [tilespmem:s12+$0x12340]  }
0x421: {  	v36 =	vadd.f32 v36, v48;
	v48 =	vld [tilespmem:s12+$0x12350]  }
0x422: {  	v37 =	vadd.f32 v37, v49;
	v49 =	vld [tilespmem:s12+$0x12360]  }
0x423: {  	[tilespmem:s12+$0x12300] =	vst v36;
	v36 =	vadd.f32 v38, v50;
	v38 =	vld [tilespmem:s12+$0x12370]  }
0x424: {  	[tilespmem:s12+$0x12310] =	vst v37;
	v37 =	vadd.f32 v39, v51;
	v39 =	vld [tilespmem:s12+$0x12700]  }
0x425: {  	[tilespmem:s12+$0x12320] =	vst v36;
	v36 =	vadd.f32 v40, v52;
	v40 =	vld [tilespmem:s12+$0x12710]  }
0x426: {  	[tilespmem:s12+$0x12330] =	vst v37;
	v37 =	vadd.f32 v41, v48;
	v41 =	vld [tilespmem:s12+$0x12720]  }
0x427: {  	[tilespmem:s12+$0x12340] =	vst v36;
	v36 =	vadd.f32 v42, v49;
	v42 =	vld [tilespmem:s12+$0x12730]  }
0x428: {  	[tilespmem:s12+$0x12350] =	vst v37;
	v37 =	vadd.f32 v43, v38;
	v38 =	vld [tilespmem:s12+$0x12740]  }
0x429: {  	[tilespmem:s12+$0x12360] =	vst v36;
	v36 =	vadd.f32 v44, v39;
	v39 =	vld [tilespmem:s12+$0x12750]  }
0x42a: {  	[tilespmem:s12+$0x12370] =	vst v37;
	v37 =	vadd.f32 v45, v40;
	v40 =	vld [tilespmem:s12+$0x12760]  }
0x42b: {  	[tilespmem:s12+$0x12700] =	vst v36;
	v36 =	vadd.f32 v46, v41;
	v41 =	vld [tilespmem:s12+$0x12770]  }
0x42c: {  	[tilespmem:s12+$0x12710] =	vst v37;
	v37 =	vadd.f32 v47, v42;
	v42 =	vld [tilespmem:s12+$0x12B00]  }
0x42d: {  	[tilespmem:s12+$0x12720] =	vst v36;
	v35 =	vadd.f32 v35, v38;
	v36 =	vld [tilespmem:s12+$0x12B10]  }
0x42e: {  	[tilespmem:s12+$0x12730] =	vst v37;
	v34 =	vadd.f32 v34, v39;
	v37 =	vld [tilespmem:s12+$0x12B20]  }
0x42f: {  	[tilespmem:s12+$0x12740] =	vst v35;
	v33 =	vadd.f32 v33, v40;
	v35 =	vld [tilespmem:s12+$0x12B30]  }
0x430: {  	[tilespmem:s12+$0x12750] =	vst v34;
	v32 =	vadd.f32 v32, v41;
	v34 =	vld [tilespmem:s12+$0x12B40]  }
0x431: {  	[tilespmem:s12+$0x12760] =	vst v33;
	v31 =	vadd.f32 v31, v42;
	v33 =	vld [tilespmem:s12+$0x12B50]  }
0x432: {  	[tilespmem:s12+$0x12770] =	vst v32;
	v30 =	vadd.f32 v30, v36;
	v32 =	vld [tilespmem:s12+$0x12B60]  }
0x433: {  	[tilespmem:s12+$0x12B00] =	vst v31;
	v29 =	vadd.f32 v29, v37;
	v31 =	vld [tilespmem:s12+$0x12B70]  }
0x434: {  	[tilespmem:s12+$0x12B10] =	vst v30;
	v28 =	vadd.f32 v28, v35;
	v30 =	vld [tilespmem:s12+$0x12F00]  }
0x435: {  	[tilespmem:s12+$0x12B20] =	vst v29;
	v27 =	vadd.f32 v27, v34;
	v29 =	vld [tilespmem:s12+$0x12F10]  }
0x436: {  	[tilespmem:s12+$0x12B30] =	vst v28;
	v26 =	vadd.f32 v26, v33;
	v28 =	vld [tilespmem:s12+$0x12F20]  }
0x437: {  	[tilespmem:s12+$0x12B40] =	vst v27;
	v25 =	vadd.f32 v25, v32;
	v27 =	vld [tilespmem:s12+$0x12F30]  }
0x438: {  	[tilespmem:s12+$0x12B50] =	vst v26;
	v24 =	vadd.f32 v24, v31;
	v26 =	vld [tilespmem:s12+$0x12F40]  }
0x439: {  	[tilespmem:s12+$0x12B60] =	vst v25;
	v23 =	vadd.f32 v23, v30;
	v25 =	vld [tilespmem:s12+$0x12F50]  }
0x43a: {  	[tilespmem:s12+$0x12B70] =	vst v24;
	v22 =	vadd.f32 v22, v29;
	v24 =	vld [tilespmem:s12+$0x12F60]  }
0x43b: {  	[tilespmem:s12+$0x12F00] =	vst v23;
	v21 =	vadd.f32 v21, v28;
	v23 =	vld [tilespmem:s12+$0x12F70]  }
0x43c: {  	[tilespmem:s12+$0x12F10] =	vst v22;
	v20 =	vadd.f32 v20, v27;
	v22 =	vld [tilespmem:s12+$0x13300]  }
0x43d: {  	[tilespmem:s12+$0x12F20] =	vst v21;
	v19 =	vadd.f32 v19, v26;
	v21 =	vld [tilespmem:s12+$0x13310]  }
0x43e: {  	[tilespmem:s12+$0x12F30] =	vst v20;
	v18 =	vadd.f32 v18, v25;
	v20 =	vld [tilespmem:s12+$0x13320]  }
0x43f: {  	[tilespmem:s12+$0x12F40] =	vst v19;
	v17 =	vadd.f32 v17, v24;
	v19 =	vld [tilespmem:s12+$0x13330]  }
0x440: {  	[tilespmem:s12+$0x12F50] =	vst v18;
	v16 =	vadd.f32 v16, v23;
	v18 =	vld [tilespmem:s12+$0x13340]  }
0x441: {  	[tilespmem:s12+$0x12F60] =	vst v17;
	v15 =	vadd.f32 v15, v22;
	v17 =	vld [tilespmem:s12+$0x13350]  }
0x442: {  	[tilespmem:s12+$0x12F70] =	vst v16;
	v14 =	vadd.f32 v14, v21;
	v16 =	vld [tilespmem:s12+$0x13360]  }
.Ltmp5:
0x443: {  	[tilespmem:s12+$0x13300] =	vst v15;
	v15 =	vadd.f32 v13, v20;
	v13 =	vld [tilespmem:s12+$0x13370];
	(pc) =	sbr.rel @p1 .LBB2_9-.Ltmp5, $4  }
0x444: {  	[tilespmem:s12+$0x13310] =	vst v14;
	v14 =	vadd.f32 v12, v19;
	v12 =	vld [tilespmem:s12+$0x13700]  }
0x445: {  	[tilespmem:s12+$0x13320] =	vst v15;
	v18 =	vadd.f32 v11, v18;
	v11 =	vld [tilespmem:s12+$0x13710]  }
0x446: {  	[tilespmem:s12+$0x13330] =	vst v14;
	v15 =	vadd.f32 v10, v17;
	v10 =	vld [tilespmem:s12+$0x13720]  }
0x447: {  	s17 =	sadd.s32 $0x1, s17;
	[tilespmem:s12+$0x13340] =	vst v18;
	v14 =	vadd.f32 v9, v16;
	v9 =	vld [tilespmem:s12+$0x13730]  }
0x448: {  	[tilespmem:s12+$0x13350] =	vst v15;
	v15 =	vld [tilespmem:s12+$0x13740];
	v8 =	vadd.f32 v8, v13  }
0x449: {  	v13 =	vld [tilespmem:s12+$0x13750];
	[tilespmem:s12+$0x13360] =	vst v14;
	v7 =	vadd.f32 v7, v12  }
0x44a: {  	[tilespmem:s12+$0x13370] =	vst v8;
	v6 =	vadd.f32 v6, v11;
	v8 =	vld [tilespmem:s12+$0x13760]  }
0x44b: {  	[tilespmem:s12+$0x13700] =	vst v7;
	v5 =	vadd.f32 v5, v10;
	v7 =	vld [tilespmem:s12+$0x13770]  }
0x44c: {  	[tilespmem:s12+$0x13710] =	vst v6;
	v4 =	vadd.f32 v4, v9  }
0x44d: {  	[tilespmem:s12+$0x13720] =	vst v5;
	v3 =	vadd.f32 v3, v15  }
0x44e: {  	v2 =	vadd.f32 v2, v13;
	[tilespmem:s12+$0x13730] =	vst v4  }
0x44f: {  	[tilespmem:s12+$0x13740] =	vst v3;
	v1 =	vadd.f32 v1, v8  }
0x450: {  	s3 =	sadd.s32 s10, s9;
	[tilespmem:s12+$0x13750] =	vst v2;
	v0 =	vadd.f32 v0, v7  }
0x451: {  	s3 =	sshrl.u32 s3, $0x3;
	[tilespmem:s12+$0x13760] =	vst v1  }
0x452: {  	s3 =	sadd.s32 s4, s3;
	[tilespmem:s12+$0x13770] =	vst v0  }
0x453: {  	[hbm4b:s3+s5] =	stream.linear.scatter [tilespmem:s20], [sflag:$0x7], $0x6000, $0x38;
	[tilespmem:$0x1E300] =	vst v63  }
0x454: {  	s3 =	sadd.s32 @!p0 s10, s15;
	_ =	swait.ge [sflag:s31], $0x6000  }
0x455: {  	s7 =	simm.s32 @!p0 $0x0;
	s3 =	sshrl.u32 @!p0 s3, $0x3;
	[sflag:s31] =	ssyncset.done $0x0  }
0x456: {  	s12 =	simm.s32 @!p0 $0xC300;
	s3 =	sadd.s32 @!p0 s1, s3;
	[sflag:s31] =	ssyncadd.s32 $0xFFFFA000  }
0x457: {  	[tilespmem:s12], [sflag:$0x2] =	stream.linear.gather @!p0 [hbm4b:s3+s7], $0x6000, $0x38;
	[tilespmem:$0x1E300] =	vst v63  }
0x458: {  	s12 =	simm.s32 $0x0  }
0x459: {  	s13 =	simm.s32 $0x0;
	_ =	swait.ge [sflag:s0], $0x6000;
	s3 =	smul.u32 $0x1800, s12  }
0x45a: {  	s17 =	sand.u32 $0x380, s13;
	[sflag:s0] =	ssyncset.done $0x0  }
0x45b: {  	[sflag:s0] =	ssyncadd.s32 $0xFFFFA000;
	s12 =	sor.u32 s17, s3  }
0x45c: {  	v9 =	vld [tilespmem:s12+$0x300]  }
0x45d: {  	v10 =	vld [tilespmem:s12+$0x310]  }
0x45e: {  	v11 =	vld [tilespmem:s12+$0x320]  }
0x45f: {  	v12 =	vld [tilespmem:s12+$0x330]  }
0x460: {  	v13 =	vld [tilespmem:s12+$0x340]  }
0x461: {  	v14 =	vld [tilespmem:s12+$0x350]  }
0x462: {  	v15 =	vld [tilespmem:s12+$0x360]  }
0x463: {  	v16 =	vld [tilespmem:s12+$0x370]  }
0x464: {  	v17 =	vld [tilespmem:s12+$0x700]  }
0x465: {  	v18 =	vld [tilespmem:s12+$0x710]  }
0x466: {  	v19 =	vld [tilespmem:s12+$0x720]  }
0x467: {  	v20 =	vld [tilespmem:s12+$0x730]  }
0x468: {  	v21 =	vld [tilespmem:s12+$0x740]  }
0x469: {  	v22 =	vld [tilespmem:s12+$0x750]  }
0x46a: {  	v23 =	vld [tilespmem:s12+$0x760]  }
0x46b: {  	v24 =	vld [tilespmem:s12+$0x770]  }
0x46c: {  	v25 =	vld [tilespmem:s12+$0xB00]  }
0x46d: {  	v26 =	vld [tilespmem:s12+$0xB10]  }
0x46e: {  	v27 =	vld [tilespmem:s12+$0xB20]  }
0x46f: {  	v28 =	vld [tilespmem:s12+$0xB30]  }
0x470: {  	v29 =	vld [tilespmem:s12+$0xB40]  }
0x471: {  	v30 =	vld [tilespmem:s12+$0xB50]  }
0x472: {  	v31 =	vld [tilespmem:s12+$0xB60]  }
0x473: {  	v32 =	vld [tilespmem:s12+$0xB70]  }
0x474: {  	v33 =	vld [tilespmem:s12+$0xF00]  }
0x475: {  	v34 =	vld [tilespmem:s12+$0xF10]  }
0x476: {  	v35 =	vld [tilespmem:s12+$0xF20]  }
0x477: {  	v36 =	vld [tilespmem:s12+$0xF30]  }
0x478: {  	v37 =	vld [tilespmem:s12+$0xF40]  }
0x479: {  	v38 =	vld [tilespmem:s12+$0xF50]  }
0x47a: {  	v39 =	vld [tilespmem:s12+$0xF60]  }
0x47b: {  	v40 =	vld [tilespmem:s12+$0xF70]  }
0x47c: {  	v41 =	vld [tilespmem:s12+$0x1300]  }
0x47d: {  	v42 =	vld [tilespmem:s12+$0x1310]  }
0x47e: {  	v43 =	vld [tilespmem:s12+$0x1320]  }
0x47f: {  	v44 =	vld [tilespmem:s12+$0x1330]  }
0x480: {  	v45 =	vld [tilespmem:s12+$0x1340]  }
0x481: {  	v46 =	vld [tilespmem:s12+$0x1350]  }
0x482: {  	v47 =	vld [tilespmem:s12+$0x1360]  }
0x483: {  	v8 =	vld [tilespmem:s12+$0x1370]  }
0x484: {  	v7 =	vld [tilespmem:s12+$0x1700]  }
0x485: {  	v6 =	vld [tilespmem:s12+$0x1710]  }
0x486: {  	v5 =	vld [tilespmem:s12+$0x1720]  }
0x487: {  	v4 =	vld [tilespmem:s12+$0x1730]  }
0x488: {  	v3 =	vld [tilespmem:s12+$0x1740]  }
0x489: {  	v48 =	vld [tilespmem:s12+$0x18300]  }
0x48a: {  	v49 =	vld [tilespmem:s12+$0x18310]  }
0x48b: {  	v50 =	vld [tilespmem:s12+$0x18320]  }
0x48c: {  	v51 =	vld [tilespmem:s12+$0x18330]  }
0x48d: {  	v52 =	vld [tilespmem:s12+$0x18340]  }
0x48e: {  	v62 =	vld [tilespmem:s12+$0x18350];
	v9 =	vadd.f32 v9, v48  }
0x48f: {  	v63 =	vld [tilespmem:s12+$0x18360];
	v10 =	vadd.f32 v10, v49  }
0x490: {  	[tilespmem:s12+$0x18300] =	vst v9;
	v9 =	vadd.f32 v11, v50;
	v11 =	vld [tilespmem:s12+$0x18370]  }
0x491: {  	[tilespmem:s12+$0x18310] =	vst v10;
	v10 =	vadd.f32 v12, v51;
	v12 =	vld [tilespmem:s12+$0x18700]  }
0x492: {  	[tilespmem:s12+$0x18320] =	vst v9;
	v9 =	vadd.f32 v13, v52;
	v13 =	vld [tilespmem:s12+$0x18710]  }
0x493: {  	[tilespmem:s12+$0x18330] =	vst v10;
	v10 =	vadd.f32 v14, v62;
	v14 =	vld [tilespmem:s12+$0x18720]  }
0x494: {  	v2 =	vld [tilespmem:s12+$0x1750]  }
0x495: {  	[tilespmem:s12+$0x18340] =	vst v9;
	v9 =	vadd.f32 v15, v63;
	v15 =	vld [tilespmem:s12+$0x18770]  }
0x496: {  	[tilespmem:s12+$0x18350] =	vst v10;
	v10 =	vadd.f32 v16, v11;
	v11 =	vld [tilespmem:s12+$0x18730]  }
0x497: {  	[tilespmem:s12+$0x18360] =	vst v9;
	v9 =	vadd.f32 v17, v12;
	v12 =	vld [tilespmem:s12+$0x18740]  }
0x498: {  	[tilespmem:s12+$0x18370] =	vst v10;
	v10 =	vadd.f32 v18, v13;
	v13 =	vadd.f32 v19, v14;
	v14 =	vld [tilespmem:s12+$0x18760]  }
0x499: {  	[tilespmem:s12+$0x18700] =	vst v9;
	v9 =	vld [tilespmem:s12+$0x18750]  }
0x49a: {  	[tilespmem:s12+$0x18710] =	vst v10;
	v10 =	vld [tilespmem:s12+$0x18B00];
	v15 =	vadd.f32 v24, v15  }
0x49b: {  	[tilespmem:s12+$0x18720] =	vst v13;
	v13 =	vld [tilespmem:s12+$0x18B10];
	v11 =	vadd.f32 v20, v11  }
0x49c: {  	v1 =	vld [tilespmem:s12+$0x1760];
	v12 =	vadd.f32 v21, v12;
	[tilespmem:s12+$0x18770] =	vst v15  }
0x49d: {  	[tilespmem:s12+$0x18730] =	vst v11;
	v11 =	vld [tilespmem:s12+$0x18B20];
	v14 =	vadd.f32 v23, v14  }
0x49e: {  	v9 =	vadd.f32 v22, v9;
	[tilespmem:s12+$0x18740] =	vst v12;
	v12 =	vld [tilespmem:s12+$0x18B30]  }
0x49f: {  	v15 =	vld [tilespmem:s12+$0x18B70];
	[tilespmem:s12+$0x18760] =	vst v14;
	v10 =	vadd.f32 v25, v10  }
0x4a0: {  	v13 =	vadd.f32 v26, v13;
	[tilespmem:s12+$0x18750] =	vst v9;
	v9 =	vld [tilespmem:s12+$0x18B40]  }
0x4a1: {  	v14 =	vld [tilespmem:s12+$0x18B50];
	[tilespmem:s12+$0x18B00] =	vst v10  }
0x4a2: {  	[tilespmem:s12+$0x18B10] =	vst v13;
	v13 =	vld [tilespmem:s12+$0x18B60];
	v10 =	vadd.f32 v27, v11  }
0x4a3: {  	v11 =	vld [tilespmem:s12+$0x18F00];
	v12 =	vadd.f32 v28, v12  }
0x4a4: {  	[tilespmem:s12+$0x18B20] =	vst v10;
	v10 =	vld [tilespmem:s12+$0x18F10]  }
0x4a5: {  	v9 =	vadd.f32 v29, v9;
	[tilespmem:s12+$0x18B30] =	vst v12;
	v12 =	vld [tilespmem:s12+$0x18F20]  }
0x4a6: {  	v0 =	vld [tilespmem:s12+$0x1770];
	v14 =	vadd.f32 v30, v14  }
0x4a7: {  	v13 =	vadd.f32 v31, v13;
	[tilespmem:s12+$0x18B40] =	vst v9;
	v9 =	vld [tilespmem:s12+$0x18F30]  }
0x4a8: {  	[tilespmem:s12+$0x18B50] =	vst v14;
	v14 =	vld [tilespmem:s12+$0x18F40];
	v11 =	vadd.f32 v33, v11  }
0x4a9: {  	v15 =	vadd.f32 v32, v15;
	[tilespmem:s12+$0x18B60] =	vst v13;
	v13 =	vld [tilespmem:s12+$0x18F50]  }
0x4aa: {  	v10 =	vadd.f32 v34, v10;
	[tilespmem:s12+$0x18F00] =	vst v11;
	v11 =	vadd.f32 v35, v12;
	v12 =	vld [tilespmem:s12+$0x18F60]  }
0x4ab: {  	[tilespmem:s12+$0x18B70] =	vst v15;
	v15 =	vld [tilespmem:s12+$0x18F70]  }
0x4ac: {  	[tilespmem:s12+$0x18F10] =	vst v10;
	v10 =	vld [tilespmem:s12+$0x19300];
	v9 =	vadd.f32 v36, v9  }
0x4ad: {  	v14 =	vadd.f32 v37, v14;
	[tilespmem:s12+$0x18F20] =	vst v11;
	v11 =	vld [tilespmem:s12+$0x19310]  }
0x4ae: {  	v13 =	vadd.f32 v38, v13;
	[tilespmem:s12+$0x18F30] =	vst v9;
	v9 =	vld [tilespmem:s12+$0x19320]  }
0x4af: {  	[tilespmem:s12+$0x18F40] =	vst v14;
	v14 =	vld [tilespmem:s12+$0x19330];
	v12 =	vadd.f32 v39, v12  }
0x4b0: {  	v16 =	vld [tilespmem:s12+$0x19340];
	[tilespmem:s12+$0x18F50] =	vst v13;
	v13 =	vadd.f32 v40, v15  }
0x4b1: {  	v15 =	vld [tilespmem:s12+$0x19350];
	v10 =	vadd.f32 v41, v10;
	[tilespmem:s12+$0x18F60] =	vst v12  }
0x4b2: {  	v17 =	vld [tilespmem:s12+$0x19360];
	[tilespmem:s12+$0x18F70] =	vst v13;
	v11 =	vadd.f32 v42, v11  }
0x4b3: {  	v13 =	vld [tilespmem:s12+$0x19370];
	[tilespmem:s12+$0x19300] =	vst v10;
	v9 =	vadd.f32 v43, v9  }
0x4b4: {  	v12 =	vld [tilespmem:s12+$0x19700];
	v10 =	vadd.f32 v44, v14;
	[tilespmem:s12+$0x19310] =	vst v11  }
0x4b5: {  	v11 =	vld [tilespmem:s12+$0x19710];
	[tilespmem:s12+$0x19320] =	vst v9;
	v9 =	vadd.f32 v45, v16  }
0x4b6: {  	[tilespmem:s12+$0x19330] =	vst v10;
	v10 =	vld [tilespmem:s12+$0x19720];
	v15 =	vadd.f32 v46, v15  }
0x4b7: {  	s17 =	simm.s32 $0x1;
	v14 =	vadd.f32 v47, v17;
	[tilespmem:s12+$0x19340] =	vst v9;
	v9 =	vld [tilespmem:s12+$0x19730]  }
.LBB2_11:
0x4b8: {  	s3 =	sshrl.u32 s17, $0x3;
	p1 =	sne.s32 s17, $0x1F;
	[tilespmem:s12+$0x19350] =	vst v15;
	v8 =	vadd.f32 v8, v13;
	v13 =	vld [tilespmem:s12+$0x19740]  }
0x4b9: {  	s13 =	sadd.s32 $0x80, s13;
	s3 =	smul.u32 $0x1800, s3;
	[tilespmem:s12+$0x19360] =	vst v14;
	v7 =	vadd.f32 v7, v12;
	v12 =	vld [tilespmem:s12+$0x19750]  }
0x4ba: {  	s7 =	sand.u32 $0x380, s13;
	[tilespmem:s12+$0x19370] =	vst v8;
	v6 =	vadd.f32 v6, v11;
	v8 =	vld [tilespmem:s12+$0x19760]  }
0x4bb: {  	s3 =	sor.u32 s7, s3;
	[tilespmem:s12+$0x19700] =	vst v7;
	v5 =	vadd.f32 v5, v10;
	v7 =	vld [tilespmem:s12+$0x19770]  }
0x4bc: {  	v36 =	vld [tilespmem:s3+$0x300];
	[tilespmem:s12+$0x19710] =	vst v6;
	v4 =	vadd.f32 v4, v9  }
0x4bd: {  	v37 =	vld [tilespmem:s3+$0x310];
	[tilespmem:s12+$0x19720] =	vst v5;
	v3 =	vadd.f32 v3, v13  }
0x4be: {  	v38 =	vld [tilespmem:s3+$0x320];
	[tilespmem:s12+$0x19730] =	vst v4;
	v2 =	vadd.f32 v2, v12  }
0x4bf: {  	v39 =	vld [tilespmem:s3+$0x330];
	[tilespmem:s12+$0x19740] =	vst v3;
	v1 =	vadd.f32 v1, v8  }
0x4c0: {  	v40 =	vld [tilespmem:s3+$0x340];
	[tilespmem:s12+$0x19750] =	vst v2;
	v0 =	vadd.f32 v0, v7  }
0x4c1: {  	v41 =	vld [tilespmem:s3+$0x350];
	[tilespmem:s12+$0x19760] =	vst v1  }
0x4c2: {  	v42 =	vld [tilespmem:s3+$0x360];
	[tilespmem:s12+$0x19770] =	vst v0;
	s12 =	smov.u32 s3  }
0x4c3: {  	v43 =	vld [tilespmem:s12+$0x370]  }
0x4c4: {  	v44 =	vld [tilespmem:s12+$0x700]  }
0x4c5: {  	v45 =	vld [tilespmem:s12+$0x710]  }
0x4c6: {  	v46 =	vld [tilespmem:s12+$0x720]  }
0x4c7: {  	v47 =	vld [tilespmem:s12+$0x730]  }
0x4c8: {  	v35 =	vld [tilespmem:s12+$0x740]  }
0x4c9: {  	v34 =	vld [tilespmem:s12+$0x750]  }
0x4ca: {  	v33 =	vld [tilespmem:s12+$0x760]  }
0x4cb: {  	v32 =	vld [tilespmem:s12+$0x770]  }
0x4cc: {  	v31 =	vld [tilespmem:s12+$0xB00]  }
0x4cd: {  	v30 =	vld [tilespmem:s12+$0xB10]  }
0x4ce: {  	v29 =	vld [tilespmem:s12+$0xB20]  }
0x4cf: {  	v28 =	vld [tilespmem:s12+$0xB30]  }
0x4d0: {  	v27 =	vld [tilespmem:s12+$0xB40]  }
0x4d1: {  	v26 =	vld [tilespmem:s12+$0xB50]  }
0x4d2: {  	v25 =	vld [tilespmem:s12+$0xB60]  }
0x4d3: {  	v24 =	vld [tilespmem:s12+$0xB70]  }
0x4d4: {  	v23 =	vld [tilespmem:s12+$0xF00]  }
0x4d5: {  	v22 =	vld [tilespmem:s12+$0xF10]  }
0x4d6: {  	v21 =	vld [tilespmem:s12+$0xF20]  }
0x4d7: {  	v20 =	vld [tilespmem:s12+$0xF30]  }
0x4d8: {  	v19 =	vld [tilespmem:s12+$0xF40]  }
0x4d9: {  	v18 =	vld [tilespmem:s12+$0xF50]  }
0x4da: {  	v17 =	vld [tilespmem:s12+$0xF60]  }
0x4db: {  	v16 =	vld [tilespmem:s12+$0xF70]  }
0x4dc: {  	v15 =	vld [tilespmem:s12+$0x1300]  }
0x4dd: {  	v14 =	vld [tilespmem:s12+$0x1310]  }
0x4de: {  	v13 =	vld [tilespmem:s12+$0x1320]  }
0x4df: {  	v12 =	vld [tilespmem:s12+$0x1330]  }
0x4e0: {  	v11 =	vld [tilespmem:s12+$0x1340]  }
0x4e1: {  	v10 =	vld [tilespmem:s12+$0x1350]  }
0x4e2: {  	v9 =	vld [tilespmem:s12+$0x1360]  }
0x4e3: {  	v8 =	vld [tilespmem:s12+$0x1370]  }
0x4e4: {  	v7 =	vld [tilespmem:s12+$0x1700]  }
0x4e5: {  	v6 =	vld [tilespmem:s12+$0x1710]  }
0x4e6: {  	v5 =	vld [tilespmem:s12+$0x1720]  }
0x4e7: {  	v4 =	vld [tilespmem:s12+$0x1730]  }
0x4e8: {  	v3 =	vld [tilespmem:s12+$0x1740]  }
0x4e9: {  	v2 =	vld [tilespmem:s12+$0x1750]  }
0x4ea: {  	v1 =	vld [tilespmem:s12+$0x1760]  }
0x4eb: {  	v0 =	vld [tilespmem:s12+$0x1770]  }
0x4ec: {  	v48 =	vld [tilespmem:s12+$0x18300]  }
0x4ed: {  	v49 =	vld [tilespmem:s12+$0x18310]  }
0x4ee: {  	v50 =	vld [tilespmem:s12+$0x18320]  }
0x4ef: {  	v51 =	vld [tilespmem:s12+$0x18330]  }
0x4f0: {  	v52 =	vld [tilespmem:s12+$0x18340]  }
0x4f1: {  	v36 =	vadd.f32 v36, v48;
	v48 =	vld [tilespmem:s12+$0x18350]  }
0x4f2: {  	v37 =	vadd.f32 v37, v49;
	v49 =	vld [tilespmem:s12+$0x18360]  }
0x4f3: {  	[tilespmem:s12+$0x18300] =	vst v36;
	v36 =	vadd.f32 v38, v50;
	v38 =	vld [tilespmem:s12+$0x18370]  }
0x4f4: {  	[tilespmem:s12+$0x18310] =	vst v37;
	v37 =	vadd.f32 v39, v51;
	v39 =	vld [tilespmem:s12+$0x18700]  }
0x4f5: {  	[tilespmem:s12+$0x18320] =	vst v36;
	v36 =	vadd.f32 v40, v52;
	v40 =	vld [tilespmem:s12+$0x18710]  }
0x4f6: {  	[tilespmem:s12+$0x18330] =	vst v37;
	v37 =	vadd.f32 v41, v48;
	v41 =	vld [tilespmem:s12+$0x18720]  }
0x4f7: {  	[tilespmem:s12+$0x18340] =	vst v36;
	v36 =	vadd.f32 v42, v49;
	v42 =	vld [tilespmem:s12+$0x18730]  }
0x4f8: {  	[tilespmem:s12+$0x18350] =	vst v37;
	v37 =	vadd.f32 v43, v38;
	v38 =	vld [tilespmem:s12+$0x18740]  }
0x4f9: {  	[tilespmem:s12+$0x18360] =	vst v36;
	v36 =	vadd.f32 v44, v39;
	v39 =	vld [tilespmem:s12+$0x18750]  }
0x4fa: {  	[tilespmem:s12+$0x18370] =	vst v37;
	v37 =	vadd.f32 v45, v40;
	v40 =	vld [tilespmem:s12+$0x18760]  }
0x4fb: {  	[tilespmem:s12+$0x18700] =	vst v36;
	v36 =	vadd.f32 v46, v41;
	v41 =	vld [tilespmem:s12+$0x18770]  }
0x4fc: {  	[tilespmem:s12+$0x18710] =	vst v37;
	v37 =	vadd.f32 v47, v42;
	v42 =	vld [tilespmem:s12+$0x18B00]  }
0x4fd: {  	[tilespmem:s12+$0x18720] =	vst v36;
	v35 =	vadd.f32 v35, v38;
	v36 =	vld [tilespmem:s12+$0x18B10]  }
0x4fe: {  	[tilespmem:s12+$0x18730] =	vst v37;
	v34 =	vadd.f32 v34, v39;
	v37 =	vld [tilespmem:s12+$0x18B20]  }
0x4ff: {  	[tilespmem:s12+$0x18740] =	vst v35;
	v33 =	vadd.f32 v33, v40;
	v35 =	vld [tilespmem:s12+$0x18B30]  }
0x500: {  	[tilespmem:s12+$0x18750] =	vst v34;
	v32 =	vadd.f32 v32, v41;
	v34 =	vld [tilespmem:s12+$0x18B40]  }
0x501: {  	[tilespmem:s12+$0x18760] =	vst v33;
	v31 =	vadd.f32 v31, v42;
	v33 =	vld [tilespmem:s12+$0x18B50]  }
0x502: {  	[tilespmem:s12+$0x18770] =	vst v32;
	v30 =	vadd.f32 v30, v36;
	v32 =	vld [tilespmem:s12+$0x18B60]  }
0x503: {  	[tilespmem:s12+$0x18B00] =	vst v31;
	v29 =	vadd.f32 v29, v37;
	v31 =	vld [tilespmem:s12+$0x18B70]  }
0x504: {  	[tilespmem:s12+$0x18B10] =	vst v30;
	v28 =	vadd.f32 v28, v35;
	v30 =	vld [tilespmem:s12+$0x18F00]  }
0x505: {  	[tilespmem:s12+$0x18B20] =	vst v29;
	v27 =	vadd.f32 v27, v34;
	v29 =	vld [tilespmem:s12+$0x18F10]  }
0x506: {  	[tilespmem:s12+$0x18B30] =	vst v28;
	v26 =	vadd.f32 v26, v33;
	v28 =	vld [tilespmem:s12+$0x18F20]  }
0x507: {  	[tilespmem:s12+$0x18B40] =	vst v27;
	v25 =	vadd.f32 v25, v32;
	v27 =	vld [tilespmem:s12+$0x18F30]  }
0x508: {  	[tilespmem:s12+$0x18B50] =	vst v26;
	v24 =	vadd.f32 v24, v31;
	v26 =	vld [tilespmem:s12+$0x18F40]  }
0x509: {  	[tilespmem:s12+$0x18B60] =	vst v25;
	v23 =	vadd.f32 v23, v30;
	v25 =	vld [tilespmem:s12+$0x18F50]  }
0x50a: {  	[tilespmem:s12+$0x18B70] =	vst v24;
	v22 =	vadd.f32 v22, v29;
	v24 =	vld [tilespmem:s12+$0x18F60]  }
0x50b: {  	[tilespmem:s12+$0x18F00] =	vst v23;
	v21 =	vadd.f32 v21, v28;
	v23 =	vld [tilespmem:s12+$0x18F70]  }
0x50c: {  	[tilespmem:s12+$0x18F10] =	vst v22;
	v20 =	vadd.f32 v20, v27;
	v22 =	vld [tilespmem:s12+$0x19300]  }
0x50d: {  	[tilespmem:s12+$0x18F20] =	vst v21;
	v19 =	vadd.f32 v19, v26;
	v21 =	vld [tilespmem:s12+$0x19310]  }
0x50e: {  	[tilespmem:s12+$0x18F30] =	vst v20;
	v18 =	vadd.f32 v18, v25;
	v20 =	vld [tilespmem:s12+$0x19320]  }
0x50f: {  	[tilespmem:s12+$0x18F40] =	vst v19;
	v17 =	vadd.f32 v17, v24;
	v19 =	vld [tilespmem:s12+$0x19330]  }
0x510: {  	[tilespmem:s12+$0x18F50] =	vst v18;
	v16 =	vadd.f32 v16, v23;
	v18 =	vld [tilespmem:s12+$0x19340]  }
0x511: {  	[tilespmem:s12+$0x18F60] =	vst v17;
	v15 =	vadd.f32 v15, v22;
	v17 =	vld [tilespmem:s12+$0x19350]  }
0x512: {  	[tilespmem:s12+$0x18F70] =	vst v16;
	v14 =	vadd.f32 v14, v21;
	v16 =	vld [tilespmem:s12+$0x19360]  }
.Ltmp6:
0x513: {  	[tilespmem:s12+$0x19300] =	vst v15;
	v15 =	vadd.f32 v13, v20;
	v13 =	vld [tilespmem:s12+$0x19370];
	(pc) =	sbr.rel @p1 .LBB2_11-.Ltmp6, $4  }
0x514: {  	[tilespmem:s12+$0x19310] =	vst v14;
	v14 =	vadd.f32 v12, v19;
	v12 =	vld [tilespmem:s12+$0x19700]  }
0x515: {  	[tilespmem:s12+$0x19320] =	vst v15;
	v18 =	vadd.f32 v11, v18;
	v11 =	vld [tilespmem:s12+$0x19710]  }
0x516: {  	[tilespmem:s12+$0x19330] =	vst v14;
	v15 =	vadd.f32 v10, v17;
	v10 =	vld [tilespmem:s12+$0x19720]  }
0x517: {  	s17 =	sadd.s32 $0x1, s17;
	[tilespmem:s12+$0x19340] =	vst v18;
	v14 =	vadd.f32 v9, v16;
	v9 =	vld [tilespmem:s12+$0x19730]  }
0x518: {  	[tilespmem:s12+$0x19350] =	vst v15;
	v60 =	vld [tilespmem:s12+$0x19740];
	v8 =	vadd.f32 v8, v13  }
0x519: {  	v61 =	vld [tilespmem:s12+$0x19750];
	[tilespmem:s12+$0x19360] =	vst v14;
	v7 =	vadd.f32 v7, v12  }
0x51a: {  	v62 =	vld [tilespmem:s12+$0x19760];
	[tilespmem:s12+$0x19370] =	vst v8;
	v6 =	vadd.f32 v6, v11  }
0x51b: {  	v63 =	vld [tilespmem:s12+$0x19770];
	[tilespmem:s12+$0x19700] =	vst v7;
	v5 =	vadd.f32 v5, v10  }
0x51c: {  	[tilespmem:s12+$0x19710] =	vst v6;
	v4 =	vadd.f32 v4, v9  }
0x51d: {  	[tilespmem:s12+$0x19720] =	vst v5;
	v3 =	vadd.f32 v3, v60  }
0x51e: {  	v2 =	vadd.f32 v2, v61;
	[tilespmem:s12+$0x19730] =	vst v4  }
0x51f: {  	v1 =	vadd.f32 v1, v62;
	[tilespmem:s12+$0x19740] =	vst v3  }
0x520: {  	s3 =	sadd.s32 s6, s11;
	v0 =	vadd.f32 v0, v63;
	[tilespmem:s12+$0x19750] =	vst v2  }
0x521: {  	s3 =	sshrl.u32 s3, $0x3;
	[tilespmem:s12+$0x19760] =	vst v1  }
.Ltmp7:
0x522: {  	s3 =	sadd.s32 s4, s3;
	[tilespmem:s12+$0x19770] =	vst v0;
	(pc) =	sbr.rel @p0 .LBB2_14-.Ltmp7, $4  }
0x523: {  	[hbm4b:s3+s5] =	stream.linear.scatter [tilespmem:s21], [sflag:$0x8], $0x6000, $0x38;
	[tilespmem:$0x1E300] =	vst v63  }
0x524: {  	_ =	swait.ge [sflag:s2], $0x6000  }
0x525: {  	[sflag:s2] =	ssyncset.done $0x0  }
0x526: {  	[sflag:s2] =	ssyncadd.s32 $0xFFFFA000  }
.Ltmp8:
0x527: {  	(pc) =	sbr.rel .LBB2_4-.Ltmp8, $4  }
0x528: {  	s3 =	sadd.s32 s10, s16  }
0x529: {  	s3 =	sshrl.u32 s3, $0x3  }
0x52a: {  	s25 =	sadd.s32 $0x1, s25;
	s3 =	sadd.s32 s1, s3  }
0x52b: {  	[tilespmem:s20], [sflag:$0x3] =	stream.linear.gather [hbm4b:s3+s5], $0x6000, $0x38;
	[tilespmem:$0x1E300] =	vst v63  }
.LBB2_15:
0x52c: {  	_ =	sfence.sel $0x180000  }
0x52d: {  	[bflag:$0x0] =	sbarrier.arrive $0xFFFF  }
0x52e: {  	_ =	strace $0x90000047  }
0x52f: {  	s0 =	stileid.u32;
	[bflag:$0x2] =	sbarrier.arrive $0xFFFF  }
0x530: {  	p0 =	sne.s32 s0, $0x0;
	s0 =	rddreg [dreg:$0x4]  }
0x531: {  	s0 =	sadd.s32 @!p0 $0x100000, s0  }
0x532: {  	[sflag:s0] =	ssyncadd.tile.s32 @!p0 $0x1;
	_ =	shalt  }
.Lfunc_end2:
_tile_overlayer_lowered:
.L_overlay_start_2:
0x533: {  	(tag) =	ssettag $0x2  }
0x534: {  	s0 =	rddreg [dreg:$0x0];
	s2 =	stileid.u32  }
0x535: {  	s1 =	rddreg [dreg:$0x1];
	p0 =	sne.s32 s2, $0x0  }
0x536: {  	s3 =	rddreg [dreg:$0x2];
	[bflag:$0x3] =	sbarrier.arrive $0xFFFF;
	s2 =	simm.s32 @!p0 $0x1C09  }
0x537: {  	[timem:s3], [sflag:s2] =	dma.local @!p0 [hbm:s0], s1  }
0x538: {  	s0 =	simm.s32 @!p0 $0x9  }
0x539: {  	_ =	swait.ge @!p0 [sflag:s0], s1  }
0x53a: {  	s1 =	ssub.s32 @!p0 $0x0, s1;
	[sflag:s0] =	ssyncset.done @!p0 $0x0  }
0x53b: {  	[sflag:s0] =	ssyncadd.s32 @!p0 s1  }
0x53c: {  	[bflag:$0x3] =	sbarrier.arrive $0xFFFF  }
0x53d: {  	_ =	shalt  }

</sc_bundles>
